<compile_context>
chip_gen: v7x
topology: tpu7x:2x2x1
jax: 0.10.2.dev20260603
libtpu: 0.0.44.dev20260713+nightly
codegen_flags: <defaults>
</compile_context>

<pallas_src>
import functools

import jax
import jax.numpy as jnp
from jax import lax
from jax.experimental import pallas as pl
from jax.experimental.pallas import tpu as pltpu
from jax.experimental.pallas import tpu_sc as plsc

VOCAB = 50304
DIM = 768
NEMB = 6
BATCH = 4
SEQ = 2048

NW = 32
ROWS = BATCH * SEQ
RPW = ROWS // NW
CHUNK = 64
NCHUNK = RPW // CHUNK
NSTEPS = NEMB * NCHUNK
NBUF = 2

_mesh = plsc.VectorSubcoreMesh(core_axis_name="c", subcore_axis_name="s")


@functools.partial(
    pl.kernel,
    mesh=_mesh,
    out_type=[jax.ShapeDtypeStruct((ROWS, DIM), jnp.float32)
              for _ in range(2 * NEMB)],
    scratch_types=(
        [pltpu.VMEM((NEMB, RPW), jnp.int32)]
        + [pltpu.VMEM((CHUNK, DIM), jnp.float32)] * NBUF
        + [pltpu.SemaphoreType.DMA] * (2 * NBUF)
    ),
)
def _gather6(idx_hbm, tab_hbm,
             o0, o1, o2, o3, o4, o5, o6, o7, o8, o9, o10, o11,
             idx_v, *rest):
    outs = (o0, o1, o2, o3, o4, o5, o6, o7, o8, o9, o10, o11)
    bufs = rest[:NBUF]
    gsems = rest[NBUF:2 * NBUF]
    wsems = rest[2 * NBUF:]
    wid = lax.axis_index("s") * 2 + lax.axis_index("c")
    base = wid * RPW
    pltpu.sync_copy(idx_hbm.at[wid], idx_v)

    def gather(step):
        t, ch = divmod(step, NCHUNK)
        b = step % NBUF
        return pltpu.async_copy(
            tab_hbm.at[idx_v.at[t, pl.ds(ch * CHUNK, CHUNK)]],
            bufs[b], gsems[b])

    def write(step):
        t, ch = divmod(step, NCHUNK)
        b = step % NBUF
        dst = pl.ds(base + ch * CHUNK, CHUNK)
        w1_ = pltpu.async_copy(bufs[b], outs[t].at[dst], wsems[b])
        w2_ = pltpu.async_copy(bufs[b], outs[11 - t].at[dst], wsems[b])
        return (w1_, w2_)

    writes = [None] * NSTEPS
    gathers = [None] * NSTEPS
    for s in range(min(NBUF - 1, NSTEPS)):
        gathers[s] = gather(s)
    for s in range(NSTEPS):
        gathers[s].wait()
        writes[s] = write(s)
        nxt = s + NBUF - 1
        if nxt < NSTEPS:
            if s >= 1:
                for w in writes[s - 1]:
                    w.wait()
            gathers[nxt] = gather(nxt)
    for s in range(max(0, NSTEPS - NBUF), NSTEPS):
        for w in writes[s]:
            w.wait()


def kernel(inputs, tables):
    flat = inputs.reshape(-1).astype(jnp.int32)
    offs = (jnp.arange(NEMB, dtype=jnp.int32) * VOCAB)[:, None]
    idx_all = (flat[None, :] + offs).reshape(NEMB, NW, RPW).transpose(1, 0, 2)
    tab = tables.reshape(NEMB * VOCAB, DIM)
    outs = _gather6(idx_all, tab)
    return tuple(o.reshape(BATCH, SEQ, DIM) for o in outs)

# --- scband reference (transcript-rebuilt; emitter-appended) ---
"""Pipeline reference for scband-value-embedding-75239237091805 (READ-ONLY COPY).

The authoritative reference and input builder live on the scoring server;
editing this copy changes nothing except your own understanding.
"""

import jax, jax.numpy as jnp
import numpy as np

VOCAB = 50304
DIM = 768
NEMB = 6
BATCH = 4
SEQ = 2048

def setup_inputs(seed: int = 0) -> dict:
    key = jax.random.key(seed)
    k1, k2 = jax.random.split(key)
    inputs = jax.random.randint(k1, (BATCH, SEQ), 0, VOCAB, dtype=jnp.int64 if jax.config.jax_enable_x64 else jnp.int32)
    # 6 independent embedding tables, stacked for convenience: [6, VOCAB, DIM]
    tables = jax.random.normal(k2, (NEMB, VOCAB, DIM), dtype=jnp.float32) * 0.02
    return {"inputs": inputs, "tables": tables}

def reference(inputs, tables):
    # ve = [emb(inputs) for emb in self.embed]
    ve = [jnp.take(tables[i], inputs, axis=0) for i in range(NEMB)]
    # ve += reversed(ve)  -> list of 12 tensors (6 forward + same 6 reversed)
    ve = ve + ve[::-1]
    return tuple(ve)

if __name__ == "__main__":
    import jax
    _d = setup_inputs()
    print(jax.jit(kernel)(*tuple(_d.values())))

</pallas_src>

<mosaic_0001>
#map = affine_map<(d0, d1) -> (0, 0, 0)>
#map1 = affine_map<(d0, d1) -> (0, 0)>
module attributes {stable_mosaic.version = 14 : i64} {
  func.func @_gather6(%arg0: i32, %arg1: i32, %arg2: memref<32x6x256xi32, #tpu.memory_space<hbm>>, %arg3: memref<301824x768xf32, #tpu.memory_space<hbm>>, %arg4: memref<8192x768xf32, #tpu.memory_space<hbm>>, %arg5: memref<8192x768xf32, #tpu.memory_space<hbm>>, %arg6: memref<8192x768xf32, #tpu.memory_space<hbm>>, %arg7: memref<8192x768xf32, #tpu.memory_space<hbm>>, %arg8: memref<8192x768xf32, #tpu.memory_space<hbm>>, %arg9: memref<8192x768xf32, #tpu.memory_space<hbm>>, %arg10: memref<8192x768xf32, #tpu.memory_space<hbm>>, %arg11: memref<8192x768xf32, #tpu.memory_space<hbm>>, %arg12: memref<8192x768xf32, #tpu.memory_space<hbm>>, %arg13: memref<8192x768xf32, #tpu.memory_space<hbm>>, %arg14: memref<8192x768xf32, #tpu.memory_space<hbm>>, %arg15: memref<8192x768xf32, #tpu.memory_space<hbm>>, %arg16: memref<6x256xi32, #tpu.memory_space<vmem>>, %arg17: memref<64x768xf32, #tpu.memory_space<vmem>>, %arg18: memref<64x768xf32, #tpu.memory_space<vmem>>, %arg19: memref<!tpu.dma_semaphore, #tpu.memory_space<semaphore_mem>>, %arg20: memref<!tpu.dma_semaphore, #tpu.memory_space<semaphore_mem>>, %arg21: memref<!tpu.dma_semaphore, #tpu.memory_space<semaphore_mem>>, %arg22: memref<!tpu.dma_semaphore, #tpu.memory_space<semaphore_mem>>) attributes {dimension_semantics = [#tpu.dimension_semantics<core_parallel>, #tpu.dimension_semantics<subcore_parallel>], iteration_bounds = array<i64: 2, 16>, scalar_prefetch = 0 : i64, scratch_operands = 7 : i64, tpu.core_type = #tpu.core_type<sc_vector_subcore>, window_params = [{transform_indices = #map}, {transform_indices = #map1}, {transform_indices = #map1}, {transform_indices = #map1}, {transform_indices = #map1}, {transform_indices = #map1}, {transform_indices = #map1}, {transform_indices = #map1}, {transform_indices = #map1}, {transform_indices = #map1}, {transform_indices = #map1}, {transform_indices = #map1}, {transform_indices = #map1}, {transform_indices = #map1}]} {
    %mul3A = arith.constant 2 : i32
    %mul3A_0 = arith.muli %arg1, %mul3A : i32
    %add3A = arith.addi %mul3A_0, %arg0 : i32
    %mul3A_1 = arith.constant 256 : i32
    %mul3A_2 = arith.muli %add3A, %mul3A_1 : i32
    "tpu.region"() ({
      %run_scoped3A = tpu.sem_alloc : memref<!tpu.dma_semaphore, #tpu.memory_space<semaphore_mem>>
      %dma_start3A_769 = arith.constant 0 : i32
      %dma_start3A_770 = arith.constant 0 : i32
      %dma_start3A_771 = tpu.memref_slice %arg2[%add3A, %dma_start3A_769, %dma_start3A_770] : memref<32x6x256xi32, #tpu.memory_space<hbm>> -> memref<1x6x256xi32, #tpu.memory_space<hbm>>
      %dma_start3A_772 = tpu.memref_squeeze %dma_start3A_771 : memref<1x6x256xi32, #tpu.memory_space<hbm>> -> memref<6x256xi32, #tpu.memory_space<hbm>>
      %dma_start3A_773 = arith.constant 0 : i32
      %dma_start3A_774 = arith.constant 0 : i32
      %dma_start3A_775 = tpu.memref_slice %arg2[%add3A, %dma_start3A_773, %dma_start3A_774] : memref<32x6x256xi32, #tpu.memory_space<hbm>> -> memref<1x6x256xi32, #tpu.memory_space<hbm>>
      %dma_start3A_776 = tpu.memref_squeeze %dma_start3A_775 : memref<1x6x256xi32, #tpu.memory_space<hbm>> -> memref<6x256xi32, #tpu.memory_space<hbm>>
      tpu.enqueue_dma source(%dma_start3A_776 : memref<6x256xi32, #tpu.memory_space<hbm>>) target(%arg16 : memref<6x256xi32, #tpu.memory_space<vmem>>) target_semaphore(%run_scoped3A : memref<!tpu.dma_semaphore, #tpu.memory_space<semaphore_mem>>)
      %dma_wait3A_777 = arith.constant 0 : i32
      %dma_wait3A_778 = arith.constant 0 : i32
      %dma_wait3A_779 = tpu.memref_slice %arg2[%add3A, %dma_wait3A_777, %dma_wait3A_778] : memref<32x6x256xi32, #tpu.memory_space<hbm>> -> memref<1x6x256xi32, #tpu.memory_space<hbm>>
      %dma_wait3A_780 = tpu.memref_squeeze %dma_wait3A_779 : memref<1x6x256xi32, #tpu.memory_space<hbm>> -> memref<6x256xi32, #tpu.memory_space<hbm>>
      %dma_wait3A_781 = arith.constant 0 : i32
      %dma_wait3A_782 = arith.constant 0 : i32
      %dma_wait3A_783 = tpu.memref_slice %arg2[%add3A, %dma_wait3A_781, %dma_wait3A_782] : memref<32x6x256xi32, #tpu.memory_space<hbm>> -> memref<1x6x256xi32, #tpu.memory_space<hbm>>
      %dma_wait3A_784 = tpu.memref_squeeze %dma_wait3A_783 : memref<1x6x256xi32, #tpu.memory_space<hbm>> -> memref<6x256xi32, #tpu.memory_space<hbm>>
      tpu.wait_dma2 semaphore(%run_scoped3A : memref<!tpu.dma_semaphore, #tpu.memory_space<semaphore_mem>>) src(%dma_wait3A_784 : memref<6x256xi32, #tpu.memory_space<hbm>>) dst(%arg16 : memref<6x256xi32, #tpu.memory_space<vmem>>)
      tpu.yield
    }) : () -> ()
    %dma_start3A = arith.constant 0 : i32
    %dma_start3A_3 = arith.constant 0 : i32
    %dma_start3A_4 = tpu.memref_slice %arg16[%dma_start3A, %dma_start3A_3] : memref<6x256xi32, #tpu.memory_space<vmem>> -> memref<1x64xi32, #tpu.memory_space<vmem>>
    %dma_start3A_5 = tpu.memref_squeeze %dma_start3A_4 : memref<1x64xi32, #tpu.memory_space<vmem>> -> memref<64xi32, #tpu.memory_space<vmem>>
    %dma_start3A_6 = arith.constant 0 : i32
    %dma_start3A_7 = arith.constant 0 : i32
    %dma_start3A_8 = tpu.memref_slice %arg3[%dma_start3A_6, %dma_start3A_7] : memref<301824x768xf32, #tpu.memory_space<hbm>> -> memref<301824x768xf32, #tpu.memory_space<hbm>>
    tpu.enqueue_indirect_dma source(%dma_start3A_8 : memref<301824x768xf32, #tpu.memory_space<hbm>>) target(%arg17 : memref<64x768xf32, #tpu.memory_space<vmem>>) offsets(%dma_start3A_5 : memref<64xi32, #tpu.memory_space<vmem>>) semaphore(%arg19 : memref<!tpu.dma_semaphore, #tpu.memory_space<semaphore_mem>>)
    %dma_wait3A = arith.constant 0 : i32
    %dma_wait3A_9 = arith.constant 0 : i32
    %dma_wait3A_10 = tpu.memref_slice %arg16[%dma_wait3A, %dma_wait3A_9] : memref<6x256xi32, #tpu.memory_space<vmem>> -> memref<1x64xi32, #tpu.memory_space<vmem>>
    %dma_wait3A_11 = tpu.memref_squeeze %dma_wait3A_10 : memref<1x64xi32, #tpu.memory_space<vmem>> -> memref<64xi32, #tpu.memory_space<vmem>>
    %dma_wait3A_12 = arith.constant 0 : i32
    %dma_wait3A_13 = arith.constant 0 : i32
    %dma_wait3A_14 = tpu.memref_slice %arg3[%dma_wait3A_12, %dma_wait3A_13] : memref<301824x768xf32, #tpu.memory_space<hbm>> -> memref<301824x768xf32, #tpu.memory_space<hbm>>
    tpu.wait_indirect_dma semaphore(%arg19 : memref<!tpu.dma_semaphore, #tpu.memory_space<semaphore_mem>>) src(%dma_wait3A_14 : memref<301824x768xf32, #tpu.memory_space<hbm>>) dst(%arg17 : memref<64x768xf32, #tpu.memory_space<vmem>>)
    %add3A_15 = arith.constant 0 : i32
    %add3A_16 = arith.addi %mul3A_2, %add3A_15 : i32
    %dma_start3A_17 = arith.constant 0 : i32
    %dma_start3A_18 = tpu.memref_slice %arg4[%add3A_16, %dma_start3A_17] : memref<8192x768xf32, #tpu.memory_space<hbm>> -> memref<64x768xf32, #tpu.memory_space<hbm>>
    %dma_start3A_19 = arith.constant 0 : i32
    %dma_start3A_20 = tpu.memref_slice %arg4[%add3A_16, %dma_start3A_19] : memref<8192x768xf32, #tpu.memory_space<hbm>> -> memref<64x768xf32, #tpu.memory_space<hbm>>
    tpu.enqueue_dma source(%arg17 : memref<64x768xf32, #tpu.memory_space<vmem>>) target(%dma_start3A_20 : memref<64x768xf32, #tpu.memory_space<hbm>>) target_semaphore(%arg21 : memref<!tpu.dma_semaphore, #tpu.memory_space<semaphore_mem>>)
    %dma_start3A_21 = arith.constant 0 : i32
    %dma_start3A_22 = tpu.memref_slice %arg15[%add3A_16, %dma_start3A_21] : memref<8192x768xf32, #tpu.memory_space<hbm>> -> memref<64x768xf32, #tpu.memory_space<hbm>>
    %dma_start3A_23 = arith.constant 0 : i32
    %dma_start3A_24 = tpu.memref_slice %arg15[%add3A_16, %dma_start3A_23] : memref<8192x768xf32, #tpu.memory_space<hbm>> -> memref<64x768xf32, #tpu.memory_space<hbm>>
    tpu.enqueue_dma source(%arg17 : memref<64x768xf32, #tpu.memory_space<vmem>>) target(%dma_start3A_24 : memref<64x768xf32, #tpu.memory_space<hbm>>) target_semaphore(%arg21 : memref<!tpu.dma_semaphore, #tpu.memory_space<semaphore_mem>>)
    %dma_start3A_25 = arith.constant 0 : i32
    %dma_start3A_26 = arith.constant 64 : i32
    %dma_start3A_27 = tpu.memref_slice %arg16[%dma_start3A_25, %dma_start3A_26] : memref<6x256xi32, #tpu.memory_space<vmem>> -> memref<1x64xi32, #tpu.memory_space<vmem>>
    %dma_start3A_28 = tpu.memref_squeeze %dma_start3A_27 : memref<1x64xi32, #tpu.memory_space<vmem>> -> memref<64xi32, #tpu.memory_space<vmem>>
    %dma_start3A_29 = arith.constant 0 : i32
    %dma_start3A_30 = arith.constant 0 : i32
    %dma_start3A_31 = tpu.memref_slice %arg3[%dma_start3A_29, %dma_start3A_30] : memref<301824x768xf32, #tpu.memory_space<hbm>> -> memref<301824x768xf32, #tpu.memory_space<hbm>>
    tpu.enqueue_indirect_dma source(%dma_start3A_31 : memref<301824x768xf32, #tpu.memory_space<hbm>>) target(%arg18 : memref<64x768xf32, #tpu.memory_space<vmem>>) offsets(%dma_start3A_28 : memref<64xi32, #tpu.memory_space<vmem>>) semaphore(%arg20 : memref<!tpu.dma_semaphore, #tpu.memory_space<semaphore_mem>>)
    %dma_wait3A_32 = arith.constant 0 : i32
    %dma_wait3A_33 = arith.constant 64 : i32
    %dma_wait3A_34 = tpu.memref_slice %arg16[%dma_wait3A_32, %dma_wait3A_33] : memref<6x256xi32, #tpu.memory_space<vmem>> -> memref<1x64xi32, #tpu.memory_space<vmem>>
    %dma_wait3A_35 = tpu.memref_squeeze %dma_wait3A_34 : memref<1x64xi32, #tpu.memory_space<vmem>> -> memref<64xi32, #tpu.memory_space<vmem>>
    %dma_wait3A_36 = arith.constant 0 : i32
    %dma_wait3A_37 = arith.constant 0 : i32
    %dma_wait3A_38 = tpu.memref_slice %arg3[%dma_wait3A_36, %dma_wait3A_37] : memref<301824x768xf32, #tpu.memory_space<hbm>> -> memref<301824x768xf32, #tpu.memory_space<hbm>>
    tpu.wait_indirect_dma semaphore(%arg20 : memref<!tpu.dma_semaphore, #tpu.memory_space<semaphore_mem>>) src(%dma_wait3A_38 : memref<301824x768xf32, #tpu.memory_space<hbm>>) dst(%arg18 : memref<64x768xf32, #tpu.memory_space<vmem>>)
    %add3A_39 = arith.constant 64 : i32
    %add3A_40 = arith.addi %mul3A_2, %add3A_39 : i32
    %dma_start3A_41 = arith.constant 0 : i32
    %dma_start3A_42 = tpu.memref_slice %arg4[%add3A_40, %dma_start3A_41] : memref<8192x768xf32, #tpu.memory_space<hbm>> -> memref<64x768xf32, #tpu.memory_space<hbm>>
    %dma_start3A_43 = arith.constant 0 : i32
    %dma_start3A_44 = tpu.memref_slice %arg4[%add3A_40, %dma_start3A_43] : memref<8192x768xf32, #tpu.memory_space<hbm>> -> memref<64x768xf32, #tpu.memory_space<hbm>>
    tpu.enqueue_dma source(%arg18 : memref<64x768xf32, #tpu.memory_space<vmem>>) target(%dma_start3A_44 : memref<64x768xf32, #tpu.memory_space<hbm>>) target_semaphore(%arg22 : memref<!tpu.dma_semaphore, #tpu.memory_space<semaphore_mem>>)
    %dma_start3A_45 = arith.constant 0 : i32
    %dma_start3A_46 = tpu.memref_slice %arg15[%add3A_40, %dma_start3A_45] : memref<8192x768xf32, #tpu.memory_space<hbm>> -> memref<64x768xf32, #tpu.memory_space<hbm>>
    %dma_start3A_47 = arith.constant 0 : i32
    %dma_start3A_48 = tpu.memref_slice %arg15[%add3A_40, %dma_start3A_47] : memref<8192x768xf32, #tpu.memory_space<hbm>> -> memref<64x768xf32, #tpu.memory_space<hbm>>
    tpu.enqueue_dma source(%arg18 : memref<64x768xf32, #tpu.memory_space<vmem>>) target(%dma_start3A_48 : memref<64x768xf32, #tpu.memory_space<hbm>>) target_semaphore(%arg22 : memref<!tpu.dma_semaphore, #tpu.memory_space<semaphore_mem>>)
    %dma_wait3A_49 = arith.constant 0 : i32
    %dma_wait3A_50 = tpu.memref_slice %arg4[%add3A_16, %dma_wait3A_49] : memref<8192x768xf32, #tpu.memory_space<hbm>> -> memref<64x768xf32, #tpu.memory_space<hbm>>
    %dma_wait3A_51 = arith.constant 0 : i32
    %dma_wait3A_52 = tpu.memref_slice %arg4[%add3A_16, %dma_wait3A_51] : memref<8192x768xf32, #tpu.memory_space<hbm>> -> memref<64x768xf32, #tpu.memory_space<hbm>>
    tpu.wait_dma2 semaphore(%arg21 : memref<!tpu.dma_semaphore, #tpu.memory_space<semaphore_mem>>) src(%arg17 : memref<64x768xf32, #tpu.memory_space<vmem>>) dst(%dma_wait3A_52 : memref<64x768xf32, #tpu.memory_space<hbm>>)
    %dma_wait3A_53 = arith.constant 0 : i32
    %dma_wait3A_54 = tpu.memref_slice %arg15[%add3A_16, %dma_wait3A_53] : memref<8192x768xf32, #tpu.memory_space<hbm>> -> memref<64x768xf32, #tpu.memory_space<hbm>>
    %dma_wait3A_55 = arith.constant 0 : i32
    %dma_wait3A_56 = tpu.memref_slice %arg15[%add3A_16, %dma_wait3A_55] : memref<8192x768xf32, #tpu.memory_space<hbm>> -> memref<64x768xf32, #tpu.memory_space<hbm>>
    tpu.wait_dma2 semaphore(%arg21 : memref<!tpu.dma_semaphore, #tpu.memory_space<semaphore_mem>>) src(%arg17 : memref<64x768xf32, #tpu.memory_space<vmem>>) dst(%dma_wait3A_56 : memref<64x768xf32, #tpu.memory_space<hbm>>)
    %dma_start3A_57 = arith.constant 0 : i32
    %dma_start3A_58 = arith.constant 128 : i32
    %dma_start3A_59 = tpu.memref_slice %arg16[%dma_start3A_57, %dma_start3A_58] : memref<6x256xi32, #tpu.memory_space<vmem>> -> memref<1x64xi32, #tpu.memory_space<vmem>>
    %dma_start3A_60 = tpu.memref_squeeze %dma_start3A_59 : memref<1x64xi32, #tpu.memory_space<vmem>> -> memref<64xi32, #tpu.memory_space<vmem>>
    %dma_start3A_61 = arith.constant 0 : i32
    %dma_start3A_62 = arith.constant 0 : i32
    %dma_start3A_63 = tpu.memref_slice %arg3[%dma_start3A_61, %dma_start3A_62] : memref<301824x768xf32, #tpu.memory_space<hbm>> -> memref<301824x768xf32, #tpu.memory_space<hbm>>
    tpu.enqueue_indirect_dma source(%dma_start3A_63 : memref<301824x768xf32, #tpu.memory_space<hbm>>) target(%arg17 : memref<64x768xf32, #tpu.memory_space<vmem>>) offsets(%dma_start3A_60 : memref<64xi32, #tpu.memory_space<vmem>>) semaphore(%arg19 : memref<!tpu.dma_semaphore, #tpu.memory_space<semaphore_mem>>)
    %dma_wait3A_64 = arith.constant 0 : i32
    %dma_wait3A_65 = arith.constant 128 : i32
    %dma_wait3A_66 = tpu.memref_slice %arg16[%dma_wait3A_64, %dma_wait3A_65] : memref<6x256xi32, #tpu.memory_space<vmem>> -> memref<1x64xi32, #tpu.memory_space<vmem>>
    %dma_wait3A_67 = tpu.memref_squeeze %dma_wait3A_66 : memref<1x64xi32, #tpu.memory_space<vmem>> -> memref<64xi32, #tpu.memory_space<vmem>>
    %dma_wait3A_68 = arith.constant 0 : i32
    %dma_wait3A_69 = arith.constant 0 : i32
    %dma_wait3A_70 = tpu.memref_slice %arg3[%dma_wait3A_68, %dma_wait3A_69] : memref<301824x768xf32, #tpu.memory_space<hbm>> -> memref<301824x768xf32, #tpu.memory_space<hbm>>
    tpu.wait_indirect_dma semaphore(%arg19 : memref<!tpu.dma_semaphore, #tpu.memory_space<semaphore_mem>>) src(%dma_wait3A_70 : memref<301824x768xf32, #tpu.memory_space<hbm>>) dst(%arg17 : memref<64x768xf32, #tpu.memory_space<vmem>>)
    %add3A_71 = arith.constant 128 : i32
    %add3A_72 = arith.addi %mul3A_2, %add3A_71 : i32
    %dma_start3A_73 = arith.constant 0 : i32
    %dma_start3A_74 = tpu.memref_slice %arg4[%add3A_72, %dma_start3A_73] : memref<8192x768xf32, #tpu.memory_space<hbm>> -> memref<64x768xf32, #tpu.memory_space<hbm>>
    %dma_start3A_75 = arith.constant 0 : i32
    %dma_start3A_76 = tpu.memref_slice %arg4[%add3A_72, %dma_start3A_75] : memref<8192x768xf32, #tpu.memory_space<hbm>> -> memref<64x768xf32, #tpu.memory_space<hbm>>
    tpu.enqueue_dma source(%arg17 : memref<64x768xf32, #tpu.memory_space<vmem>>) target(%dma_start3A_76 : memref<64x768xf32, #tpu.memory_space<hbm>>) target_semaphore(%arg21 : memref<!tpu.dma_semaphore, #tpu.memory_space<semaphore_mem>>)
    %dma_start3A_77 = arith.constant 0 : i32
    %dma_start3A_78 = tpu.memref_slice %arg15[%add3A_72, %dma_start3A_77] : memref<8192x768xf32, #tpu.memory_space<hbm>> -> memref<64x768xf32, #tpu.memory_space<hbm>>
    %dma_start3A_79 = arith.constant 0 : i32
    %dma_start3A_80 = tpu.memref_slice %arg15[%add3A_72, %dma_start3A_79] : memref<8192x768xf32, #tpu.memory_space<hbm>> -> memref<64x768xf32, #tpu.memory_space<hbm>>
    tpu.enqueue_dma source(%arg17 : memref<64x768xf32, #tpu.memory_space<vmem>>) target(%dma_start3A_80 : memref<64x768xf32, #tpu.memory_space<hbm>>) target_semaphore(%arg21 : memref<!tpu.dma_semaphore, #tpu.memory_space<semaphore_mem>>)
    %dma_wait3A_81 = arith.constant 0 : i32
    %dma_wait3A_82 = tpu.memref_slice %arg4[%add3A_40, %dma_wait3A_81] : memref<8192x768xf32, #tpu.memory_space<hbm>> -> memref<64x768xf32, #tpu.memory_space<hbm>>
    %dma_wait3A_83 = arith.constant 0 : i32
    %dma_wait3A_84 = tpu.memref_slice %arg4[%add3A_40, %dma_wait3A_83] : memref<8192x768xf32, #tpu.memory_space<hbm>> -> memref<64x768xf32, #tpu.memory_space<hbm>>
    tpu.wait_dma2 semaphore(%arg22 : memref<!tpu.dma_semaphore, #tpu.memory_space<semaphore_mem>>) src(%arg18 : memref<64x768xf32, #tpu.memory_space<vmem>>) dst(%dma_wait3A_84 : memref<64x768xf32, #tpu.memory_space<hbm>>)
    %dma_wait3A_85 = arith.constant 0 : i32
    %dma_wait3A_86 = tpu.memref_slice %arg15[%add3A_40, %dma_wait3A_85] : memref<8192x768xf32, #tpu.memory_space<hbm>> -> memref<64x768xf32, #tpu.memory_space<hbm>>
    %dma_wait3A_87 = arith.constant 0 : i32
    %dma_wait3A_88 = tpu.memref_slice %arg15[%add3A_40, %dma_wait3A_87] : memref<8192x768xf32, #tpu.memory_space<hbm>> -> memref<64x768xf32, #tpu.memory_space<hbm>>
    tpu.wait_dma2 semaphore(%arg22 : memref<!tpu.dma_semaphore, #tpu.memory_space<semaphore_mem>>) src(%arg18 : memref<64x768xf32, #tpu.memory_space<vmem>>) dst(%dma_wait3A_88 : memref<64x768xf32, #tpu.memory_space<hbm>>)
    %dma_start3A_89 = arith.constant 0 : i32
    %dma_start3A_90 = arith.constant 192 : i32
    %dma_start3A_91 = tpu.memref_slice %arg16[%dma_start3A_89, %dma_start3A_90] : memref<6x256xi32, #tpu.memory_space<vmem>> -> memref<1x64xi32, #tpu.memory_space<vmem>>
    %dma_start3A_92 = tpu.memref_squeeze %dma_start3A_91 : memref<1x64xi32, #tpu.memory_space<vmem>> -> memref<64xi32, #tpu.memory_space<vmem>>
    %dma_start3A_93 = arith.constant 0 : i32
    %dma_start3A_94 = arith.constant 0 : i32
    %dma_start3A_95 = tpu.memref_slice %arg3[%dma_start3A_93, %dma_start3A_94] : memref<301824x768xf32, #tpu.memory_space<hbm>> -> memref<301824x768xf32, #tpu.memory_space<hbm>>
    tpu.enqueue_indirect_dma source(%dma_start3A_95 : memref<301824x768xf32, #tpu.memory_space<hbm>>) target(%arg18 : memref<64x768xf32, #tpu.memory_space<vmem>>) offsets(%dma_start3A_92 : memref<64xi32, #tpu.memory_space<vmem>>) semaphore(%arg20 : memref<!tpu.dma_semaphore, #tpu.memory_space<semaphore_mem>>)
    %dma_wait3A_96 = arith.constant 0 : i32
    %dma_wait3A_97 = arith.constant 192 : i32
    %dma_wait3A_98 = tpu.memref_slice %arg16[%dma_wait3A_96, %dma_wait3A_97] : memref<6x256xi32, #tpu.memory_space<vmem>> -> memref<1x64xi32, #tpu.memory_space<vmem>>
    %dma_wait3A_99 = tpu.memref_squeeze %dma_wait3A_98 : memref<1x64xi32, #tpu.memory_space<vmem>> -> memref<64xi32, #tpu.memory_space<vmem>>
    %dma_wait3A_100 = arith.constant 0 : i32
    %dma_wait3A_101 = arith.constant 0 : i32
    %dma_wait3A_102 = tpu.memref_slice %arg3[%dma_wait3A_100, %dma_wait3A_101] : memref<301824x768xf32, #tpu.memory_space<hbm>> -> memref<301824x768xf32, #tpu.memory_space<hbm>>
    tpu.wait_indirect_dma semaphore(%arg20 : memref<!tpu.dma_semaphore, #tpu.memory_space<semaphore_mem>>) src(%dma_wait3A_102 : memref<301824x768xf32, #tpu.memory_space<hbm>>) dst(%arg18 : memref<64x768xf32, #tpu.memory_space<vmem>>)
    %add3A_103 = arith.constant 192 : i32
    %add3A_104 = arith.addi %mul3A_2, %add3A_103 : i32
    %dma_start3A_105 = arith.constant 0 : i32
    %dma_start3A_106 = tpu.memref_slice %arg4[%add3A_104, %dma_start3A_105] : memref<8192x768xf32, #tpu.memory_space<hbm>> -> memref<64x768xf32, #tpu.memory_space<hbm>>
    %dma_start3A_107 = arith.constant 0 : i32
    %dma_start3A_108 = tpu.memref_slice %arg4[%add3A_104, %dma_start3A_107] : memref<8192x768xf32, #tpu.memory_space<hbm>> -> memref<64x768xf32, #tpu.memory_space<hbm>>
    tpu.enqueue_dma source(%arg18 : memref<64x768xf32, #tpu.memory_space<vmem>>) target(%dma_start3A_108 : memref<64x768xf32, #tpu.memory_space<hbm>>) target_semaphore(%arg22 : memref<!tpu.dma_semaphore, #tpu.memory_space<semaphore_mem>>)
    %dma_start3A_109 = arith.constant 0 : i32
    %dma_start3A_110 = tpu.memref_slice %arg15[%add3A_104, %dma_start3A_109] : memref<8192x768xf32, #tpu.memory_space<hbm>> -> memref<64x768xf32, #tpu.memory_space<hbm>>
    %dma_start3A_111 = arith.constant 0 : i32
    %dma_start3A_112 = tpu.memref_slice %arg15[%add3A_104, %dma_start3A_111] : memref<8192x768xf32, #tpu.memory_space<hbm>> -> memref<64x768xf32, #tpu.memory_space<hbm>>
    tpu.enqueue_dma source(%arg18 : memref<64x768xf32, #tpu.memory_space<vmem>>) target(%dma_start3A_112 : memref<64x768xf32, #tpu.memory_space<hbm>>) target_semaphore(%arg22 : memref<!tpu.dma_semaphore, #tpu.memory_space<semaphore_mem>>)
    %dma_wait3A_113 = arith.constant 0 : i32
    %dma_wait3A_114 = tpu.memref_slice %arg4[%add3A_72, %dma_wait3A_113] : memref<8192x768xf32, #tpu.memory_space<hbm>> -> memref<64x768xf32, #tpu.memory_space<hbm>>
    %dma_wait3A_115 = arith.constant 0 : i32
    %dma_wait3A_116 = tpu.memref_slice %arg4[%add3A_72, %dma_wait3A_115] : memref<8192x768xf32, #tpu.memory_space<hbm>> -> memref<64x768xf32, #tpu.memory_space<hbm>>
    tpu.wait_dma2 semaphore(%arg21 : memref<!tpu.dma_semaphore, #tpu.memory_space<semaphore_mem>>) src(%arg17 : memref<64x768xf32, #tpu.memory_space<vmem>>) dst(%dma_wait3A_116 : memref<64x768xf32, #tpu.memory_space<hbm>>)
    %dma_wait3A_117 = arith.constant 0 : i32
    %dma_wait3A_118 = tpu.memref_slice %arg15[%add3A_72, %dma_wait3A_117] : memref<8192x768xf32, #tpu.memory_space<hbm>> -> memref<64x768xf32, #tpu.memory_space<hbm>>
    %dma_wait3A_119 = arith.constant 0 : i32
    %dma_wait3A_120 = tpu.memref_slice %arg15[%add3A_72, %dma_wait3A_119] : memref<8192x768xf32, #tpu.memory_space<hbm>> -> memref<64x768xf32, #tpu.memory_space<hbm>>
    tpu.wait_dma2 semaphore(%arg21 : memref<!tpu.dma_semaphore, #tpu.memory_space<semaphore_mem>>) src(%arg17 : memref<64x768xf32, #tpu.memory_space<vmem>>) dst(%dma_wait3A_120 : memref<64x768xf32, #tpu.memory_space<hbm>>)
    %dma_start3A_121 = arith.constant 1 : i32
    %dma_start3A_122 = arith.constant 0 : i32
    %dma_start3A_123 = tpu.memref_slice %arg16[%dma_start3A_121, %dma_start3A_122] : memref<6x256xi32, #tpu.memory_space<vmem>> -> memref<1x64xi32, #tpu.memory_space<vmem>>
    %dma_start3A_124 = tpu.memref_squeeze %dma_start3A_123 : memref<1x64xi32, #tpu.memory_space<vmem>> -> memref<64xi32, #tpu.memory_space<vmem>>
    %dma_start3A_125 = arith.constant 0 : i32
    %dma_start3A_126 = arith.constant 0 : i32
    %dma_start3A_127 = tpu.memref_slice %arg3[%dma_start3A_125, %dma_start3A_126] : memref<301824x768xf32, #tpu.memory_space<hbm>> -> memref<301824x768xf32, #tpu.memory_space<hbm>>
    tpu.enqueue_indirect_dma source(%dma_start3A_127 : memref<301824x768xf32, #tpu.memory_space<hbm>>) target(%arg17 : memref<64x768xf32, #tpu.memory_space<vmem>>) offsets(%dma_start3A_124 : memref<64xi32, #tpu.memory_space<vmem>>) semaphore(%arg19 : memref<!tpu.dma_semaphore, #tpu.memory_space<semaphore_mem>>)
    %dma_wait3A_128 = arith.constant 1 : i32
    %dma_wait3A_129 = arith.constant 0 : i32
    %dma_wait3A_130 = tpu.memref_slice %arg16[%dma_wait3A_128, %dma_wait3A_129] : memref<6x256xi32, #tpu.memory_space<vmem>> -> memref<1x64xi32, #tpu.memory_space<vmem>>
    %dma_wait3A_131 = tpu.memref_squeeze %dma_wait3A_130 : memref<1x64xi32, #tpu.memory_space<vmem>> -> memref<64xi32, #tpu.memory_space<vmem>>
    %dma_wait3A_132 = arith.constant 0 : i32
    %dma_wait3A_133 = arith.constant 0 : i32
    %dma_wait3A_134 = tpu.memref_slice %arg3[%dma_wait3A_132, %dma_wait3A_133] : memref<301824x768xf32, #tpu.memory_space<hbm>> -> memref<301824x768xf32, #tpu.memory_space<hbm>>
    tpu.wait_indirect_dma semaphore(%arg19 : memref<!tpu.dma_semaphore, #tpu.memory_space<semaphore_mem>>) src(%dma_wait3A_134 : memref<301824x768xf32, #tpu.memory_space<hbm>>) dst(%arg17 : memref<64x768xf32, #tpu.memory_space<vmem>>)
    %add3A_135 = arith.constant 0 : i32
    %add3A_136 = arith.addi %mul3A_2, %add3A_135 : i32
    %dma_start3A_137 = arith.constant 0 : i32
    %dma_start3A_138 = tpu.memref_slice %arg5[%add3A_136, %dma_start3A_137] : memref<8192x768xf32, #tpu.memory_space<hbm>> -> memref<64x768xf32, #tpu.memory_space<hbm>>
    %dma_start3A_139 = arith.constant 0 : i32
    %dma_start3A_140 = tpu.memref_slice %arg5[%add3A_136, %dma_start3A_139] : memref<8192x768xf32, #tpu.memory_space<hbm>> -> memref<64x768xf32, #tpu.memory_space<hbm>>
    tpu.enqueue_dma source(%arg17 : memref<64x768xf32, #tpu.memory_space<vmem>>) target(%dma_start3A_140 : memref<64x768xf32, #tpu.memory_space<hbm>>) target_semaphore(%arg21 : memref<!tpu.dma_semaphore, #tpu.memory_space<semaphore_mem>>)
    %dma_start3A_141 = arith.constant 0 : i32
    %dma_start3A_142 = tpu.memref_slice %arg14[%add3A_136, %dma_start3A_141] : memref<8192x768xf32, #tpu.memory_space<hbm>> -> memref<64x768xf32, #tpu.memory_space<hbm>>
    %dma_start3A_143 = arith.constant 0 : i32
    %dma_start3A_144 = tpu.memref_slice %arg14[%add3A_136, %dma_start3A_143] : memref<8192x768xf32, #tpu.memory_space<hbm>> -> memref<64x768xf32, #tpu.memory_space<hbm>>
    tpu.enqueue_dma source(%arg17 : memref<64x768xf32, #tpu.memory_space<vmem>>) target(%dma_start3A_144 : memref<64x768xf32, #tpu.memory_space<hbm>>) target_semaphore(%arg21 : memref<!tpu.dma_semaphore, #tpu.memory_space<semaphore_mem>>)
    %dma_wait3A_145 = arith.constant 0 : i32
    %dma_wait3A_146 = tpu.memref_slice %arg4[%add3A_104, %dma_wait3A_145] : memref<8192x768xf32, #tpu.memory_space<hbm>> -> memref<64x768xf32, #tpu.memory_space<hbm>>
    %dma_wait3A_147 = arith.constant 0 : i32
    %dma_wait3A_148 = tpu.memref_slice %arg4[%add3A_104, %dma_wait3A_147] : memref<8192x768xf32, #tpu.memory_space<hbm>> -> memref<64x768xf32, #tpu.memory_space<hbm>>
    tpu.wait_dma2 semaphore(%arg22 : memref<!tpu.dma_semaphore, #tpu.memory_space<semaphore_mem>>) src(%arg18 : memref<64x768xf32, #tpu.memory_space<vmem>>) dst(%dma_wait3A_148 : memref<64x768xf32, #tpu.memory_space<hbm>>)
    %dma_wait3A_149 = arith.constant 0 : i32
    %dma_wait3A_150 = tpu.memref_slice %arg15[%add3A_104, %dma_wait3A_149] : memref<8192x768xf32, #tpu.memory_space<hbm>> -> memref<64x768xf32, #tpu.memory_space<hbm>>
    %dma_wait3A_151 = arith.constant 0 : i32
    %dma_wait3A_152 = tpu.memref_slice %arg15[%add3A_104, %dma_wait3A_151] : memref<8192x768xf32, #tpu.memory_space<hbm>> -> memref<64x768xf32, #tpu.memory_space<hbm>>
    tpu.wait_dma2 semaphore(%arg22 : memref<!tpu.dma_semaphore, #tpu.memory_space<semaphore_mem>>) src(%arg18 : memref<64x768xf32, #tpu.memory_space<vmem>>) dst(%dma_wait3A_152 : memref<64x768xf32, #tpu.memory_space<hbm>>)
    %dma_start3A_153 = arith.constant 1 : i32
    %dma_start3A_154 = arith.constant 64 : i32
    %dma_start3A_155 = tpu.memref_slice %arg16[%dma_start3A_153, %dma_start3A_154] : memref<6x256xi32, #tpu.memory_space<vmem>> -> memref<1x64xi32, #tpu.memory_space<vmem>>
    %dma_start3A_156 = tpu.memref_squeeze %dma_start3A_155 : memref<1x64xi32, #tpu.memory_space<vmem>> -> memref<64xi32, #tpu.memory_space<vmem>>
    %dma_start3A_157 = arith.constant 0 : i32
    %dma_start3A_158 = arith.constant 0 : i32
    %dma_start3A_159 = tpu.memref_slice %arg3[%dma_start3A_157, %dma_start3A_158] : memref<301824x768xf32, #tpu.memory_space<hbm>> -> memref<301824x768xf32, #tpu.memory_space<hbm>>
    tpu.enqueue_indirect_dma source(%dma_start3A_159 : memref<301824x768xf32, #tpu.memory_space<hbm>>) target(%arg18 : memref<64x768xf32, #tpu.memory_space<vmem>>) offsets(%dma_start3A_156 : memref<64xi32, #tpu.memory_space<vmem>>) semaphore(%arg20 : memref<!tpu.dma_semaphore, #tpu.memory_space<semaphore_mem>>)
    %dma_wait3A_160 = arith.constant 1 : i32
    %dma_wait3A_161 = arith.constant 64 : i32
    %dma_wait3A_162 = tpu.memref_slice %arg16[%dma_wait3A_160, %dma_wait3A_161] : memref<6x256xi32, #tpu.memory_space<vmem>> -> memref<1x64xi32, #tpu.memory_space<vmem>>
    %dma_wait3A_163 = tpu.memref_squeeze %dma_wait3A_162 : memref<1x64xi32, #tpu.memory_space<vmem>> -> memref<64xi32, #tpu.memory_space<vmem>>
    %dma_wait3A_164 = arith.constant 0 : i32
    %dma_wait3A_165 = arith.constant 0 : i32
    %dma_wait3A_166 = tpu.memref_slice %arg3[%dma_wait3A_164, %dma_wait3A_165] : memref<301824x768xf32, #tpu.memory_space<hbm>> -> memref<301824x768xf32, #tpu.memory_space<hbm>>
    tpu.wait_indirect_dma semaphore(%arg20 : memref<!tpu.dma_semaphore, #tpu.memory_space<semaphore_mem>>) src(%dma_wait3A_166 : memref<301824x768xf32, #tpu.memory_space<hbm>>) dst(%arg18 : memref<64x768xf32, #tpu.memory_space<vmem>>)
    %add3A_167 = arith.constant 64 : i32
    %add3A_168 = arith.addi %mul3A_2, %add3A_167 : i32
    %dma_start3A_169 = arith.constant 0 : i32
    %dma_start3A_170 = tpu.memref_slice %arg5[%add3A_168, %dma_start3A_169] : memref<8192x768xf32, #tpu.memory_space<hbm>> -> memref<64x768xf32, #tpu.memory_space<hbm>>
    %dma_start3A_171 = arith.constant 0 : i32
    %dma_start3A_172 = tpu.memref_slice %arg5[%add3A_168, %dma_start3A_171] : memref<8192x768xf32, #tpu.memory_space<hbm>> -> memref<64x768xf32, #tpu.memory_space<hbm>>
    tpu.enqueue_dma source(%arg18 : memref<64x768xf32, #tpu.memory_space<vmem>>) target(%dma_start3A_172 : memref<64x768xf32, #tpu.memory_space<hbm>>) target_semaphore(%arg22 : memref<!tpu.dma_semaphore, #tpu.memory_space<semaphore_mem>>)
    %dma_start3A_173 = arith.constant 0 : i32
    %dma_start3A_174 = tpu.memref_slice %arg14[%add3A_168, %dma_start3A_173] : memref<8192x768xf32, #tpu.memory_space<hbm>> -> memref<64x768xf32, #tpu.memory_space<hbm>>
    %dma_start3A_175 = arith.constant 0 : i32
    %dma_start3A_176 = tpu.memref_slice %arg14[%add3A_168, %dma_start3A_175] : memref<8192x768xf32, #tpu.memory_space<hbm>> -> memref<64x768xf32, #tpu.memory_space<hbm>>
    tpu.enqueue_dma source(%arg18 : memref<64x768xf32, #tpu.memory_space<vmem>>) target(%dma_start3A_176 : memref<64x768xf32, #tpu.memory_space<hbm>>) target_semaphore(%arg22 : memref<!tpu.dma_semaphore, #tpu.memory_space<semaphore_mem>>)
    %dma_wait3A_177 = arith.constant 0 : i32
    %dma_wait3A_178 = tpu.memref_slice %arg5[%add3A_136, %dma_wait3A_177] : memref<8192x768xf32, #tpu.memory_space<hbm>> -> memref<64x768xf32, #tpu.memory_space<hbm>>
    %dma_wait3A_179 = arith.constant 0 : i32
    %dma_wait3A_180 = tpu.memref_slice %arg5[%add3A_136, %dma_wait3A_179] : memref<8192x768xf32, #tpu.memory_space<hbm>> -> memref<64x768xf32, #tpu.memory_space<hbm>>
    tpu.wait_dma2 semaphore(%arg21 : memref<!tpu.dma_semaphore, #tpu.memory_space<semaphore_mem>>) src(%arg17 : memref<64x768xf32, #tpu.memory_space<vmem>>) dst(%dma_wait3A_180 : memref<64x768xf32, #tpu.memory_space<hbm>>)
    %dma_wait3A_181 = arith.constant 0 : i32
    %dma_wait3A_182 = tpu.memref_slice %arg14[%add3A_136, %dma_wait3A_181] : memref<8192x768xf32, #tpu.memory_space<hbm>> -> memref<64x768xf32, #tpu.memory_space<hbm>>
    %dma_wait3A_183 = arith.constant 0 : i32
    %dma_wait3A_184 = tpu.memref_slice %arg14[%add3A_136, %dma_wait3A_183] : memref<8192x768xf32, #tpu.memory_space<hbm>> -> memref<64x768xf32, #tpu.memory_space<hbm>>
    tpu.wait_dma2 semaphore(%arg21 : memref<!tpu.dma_semaphore, #tpu.memory_space<semaphore_mem>>) src(%arg17 : memref<64x768xf32, #tpu.memory_space<vmem>>) dst(%dma_wait3A_184 : memref<64x768xf32, #tpu.memory_space<hbm>>)
    %dma_start3A_185 = arith.constant 1 : i32
    %dma_start3A_186 = arith.constant 128 : i32
    %dma_start3A_187 = tpu.memref_slice %arg16[%dma_start3A_185, %dma_start3A_186] : memref<6x256xi32, #tpu.memory_space<vmem>> -> memref<1x64xi32, #tpu.memory_space<vmem>>
    %dma_start3A_188 = tpu.memref_squeeze %dma_start3A_187 : memref<1x64xi32, #tpu.memory_space<vmem>> -> memref<64xi32, #tpu.memory_space<vmem>>
    %dma_start3A_189 = arith.constant 0 : i32
    %dma_start3A_190 = arith.constant 0 : i32
    %dma_start3A_191 = tpu.memref_slice %arg3[%dma_start3A_189, %dma_start3A_190] : memref<301824x768xf32, #tpu.memory_space<hbm>> -> memref<301824x768xf32, #tpu.memory_space<hbm>>
    tpu.enqueue_indirect_dma source(%dma_start3A_191 : memref<301824x768xf32, #tpu.memory_space<hbm>>) target(%arg17 : memref<64x768xf32, #tpu.memory_space<vmem>>) offsets(%dma_start3A_188 : memref<64xi32, #tpu.memory_space<vmem>>) semaphore(%arg19 : memref<!tpu.dma_semaphore, #tpu.memory_space<semaphore_mem>>)
    %dma_wait3A_192 = arith.constant 1 : i32
    %dma_wait3A_193 = arith.constant 128 : i32
    %dma_wait3A_194 = tpu.memref_slice %arg16[%dma_wait3A_192, %dma_wait3A_193] : memref<6x256xi32, #tpu.memory_space<vmem>> -> memref<1x64xi32, #tpu.memory_space<vmem>>
    %dma_wait3A_195 = tpu.memref_squeeze %dma_wait3A_194 : memref<1x64xi32, #tpu.memory_space<vmem>> -> memref<64xi32, #tpu.memory_space<vmem>>
    %dma_wait3A_196 = arith.constant 0 : i32
    %dma_wait3A_197 = arith.constant 0 : i32
    %dma_wait3A_198 = tpu.memref_slice %arg3[%dma_wait3A_196, %dma_wait3A_197] : memref<301824x768xf32, #tpu.memory_space<hbm>> -> memref<301824x768xf32, #tpu.memory_space<hbm>>
    tpu.wait_indirect_dma semaphore(%arg19 : memref<!tpu.dma_semaphore, #tpu.memory_space<semaphore_mem>>) src(%dma_wait3A_198 : memref<301824x768xf32, #tpu.memory_space<hbm>>) dst(%arg17 : memref<64x768xf32, #tpu.memory_space<vmem>>)
    %add3A_199 = arith.constant 128 : i32
    %add3A_200 = arith.addi %mul3A_2, %add3A_199 : i32
    %dma_start3A_201 = arith.constant 0 : i32
    %dma_start3A_202 = tpu.memref_slice %arg5[%add3A_200, %dma_start3A_201] : memref<8192x768xf32, #tpu.memory_space<hbm>> -> memref<64x768xf32, #tpu.memory_space<hbm>>
    %dma_start3A_203 = arith.constant 0 : i32
    %dma_start3A_204 = tpu.memref_slice %arg5[%add3A_200, %dma_start3A_203] : memref<8192x768xf32, #tpu.memory_space<hbm>> -> memref<64x768xf32, #tpu.memory_space<hbm>>
    tpu.enqueue_dma source(%arg17 : memref<64x768xf32, #tpu.memory_space<vmem>>) target(%dma_start3A_204 : memref<64x768xf32, #tpu.memory_space<hbm>>) target_semaphore(%arg21 : memref<!tpu.dma_semaphore, #tpu.memory_space<semaphore_mem>>)
    %dma_start3A_205 = arith.constant 0 : i32
    %dma_start3A_206 = tpu.memref_slice %arg14[%add3A_200, %dma_start3A_205] : memref<8192x768xf32, #tpu.memory_space<hbm>> -> memref<64x768xf32, #tpu.memory_space<hbm>>
    %dma_start3A_207 = arith.constant 0 : i32
    %dma_start3A_208 = tpu.memref_slice %arg14[%add3A_200, %dma_start3A_207] : memref<8192x768xf32, #tpu.memory_space<hbm>> -> memref<64x768xf32, #tpu.memory_space<hbm>>
    tpu.enqueue_dma source(%arg17 : memref<64x768xf32, #tpu.memory_space<vmem>>) target(%dma_start3A_208 : memref<64x768xf32, #tpu.memory_space<hbm>>) target_semaphore(%arg21 : memref<!tpu.dma_semaphore, #tpu.memory_space<semaphore_mem>>)
    %dma_wait3A_209 = arith.constant 0 : i32
    %dma_wait3A_210 = tpu.memref_slice %arg5[%add3A_168, %dma_wait3A_209] : memref<8192x768xf32, #tpu.memory_space<hbm>> -> memref<64x768xf32, #tpu.memory_space<hbm>>
    %dma_wait3A_211 = arith.constant 0 : i32
    %dma_wait3A_212 = tpu.memref_slice %arg5[%add3A_168, %dma_wait3A_211] : memref<8192x768xf32, #tpu.memory_space<hbm>> -> memref<64x768xf32, #tpu.memory_space<hbm>>
    tpu.wait_dma2 semaphore(%arg22 : memref<!tpu.dma_semaphore, #tpu.memory_space<semaphore_mem>>) src(%arg18 : memref<64x768xf32, #tpu.memory_space<vmem>>) dst(%dma_wait3A_212 : memref<64x768xf32, #tpu.memory_space<hbm>>)
    %dma_wait3A_213 = arith.constant 0 : i32
    %dma_wait3A_214 = tpu.memref_slice %arg14[%add3A_168, %dma_wait3A_213] : memref<8192x768xf32, #tpu.memory_space<hbm>> -> memref<64x768xf32, #tpu.memory_space<hbm>>
    %dma_wait3A_215 = arith.constant 0 : i32
    %dma_wait3A_216 = tpu.memref_slice %arg14[%add3A_168, %dma_wait3A_215] : memref<8192x768xf32, #tpu.memory_space<hbm>> -> memref<64x768xf32, #tpu.memory_space<hbm>>
    tpu.wait_dma2 semaphore(%arg22 : memref<!tpu.dma_semaphore, #tpu.memory_space<semaphore_mem>>) src(%arg18 : memref<64x768xf32, #tpu.memory_space<vmem>>) dst(%dma_wait3A_216 : memref<64x768xf32, #tpu.memory_space<hbm>>)
    %dma_start3A_217 = arith.constant 1 : i32
    %dma_start3A_218 = arith.constant 192 : i32
    %dma_start3A_219 = tpu.memref_slice %arg16[%dma_start3A_217, %dma_start3A_218] : memref<6x256xi32, #tpu.memory_space<vmem>> -> memref<1x64xi32, #tpu.memory_space<vmem>>
    %dma_start3A_220 = tpu.memref_squeeze %dma_start3A_219 : memref<1x64xi32, #tpu.memory_space<vmem>> -> memref<64xi32, #tpu.memory_space<vmem>>
    %dma_start3A_221 = arith.constant 0 : i32
    %dma_start3A_222 = arith.constant 0 : i32
    %dma_start3A_223 = tpu.memref_slice %arg3[%dma_start3A_221, %dma_start3A_222] : memref<301824x768xf32, #tpu.memory_space<hbm>> -> memref<301824x768xf32, #tpu.memory_space<hbm>>
    tpu.enqueue_indirect_dma source(%dma_start3A_223 : memref<301824x768xf32, #tpu.memory_space<hbm>>) target(%arg18 : memref<64x768xf32, #tpu.memory_space<vmem>>) offsets(%dma_start3A_220 : memref<64xi32, #tpu.memory_space<vmem>>) semaphore(%arg20 : memref<!tpu.dma_semaphore, #tpu.memory_space<semaphore_mem>>)
    %dma_wait3A_224 = arith.constant 1 : i32
    %dma_wait3A_225 = arith.constant 192 : i32
    %dma_wait3A_226 = tpu.memref_slice %arg16[%dma_wait3A_224, %dma_wait3A_225] : memref<6x256xi32, #tpu.memory_space<vmem>> -> memref<1x64xi32, #tpu.memory_space<vmem>>
    %dma_wait3A_227 = tpu.memref_squeeze %dma_wait3A_226 : memref<1x64xi32, #tpu.memory_space<vmem>> -> memref<64xi32, #tpu.memory_space<vmem>>
    %dma_wait3A_228 = arith.constant 0 : i32
    %dma_wait3A_229 = arith.constant 0 : i32
    %dma_wait3A_230 = tpu.memref_slice %arg3[%dma_wait3A_228, %dma_wait3A_229] : memref<301824x768xf32, #tpu.memory_space<hbm>> -> memref<301824x768xf32, #tpu.memory_space<hbm>>
    tpu.wait_indirect_dma semaphore(%arg20 : memref<!tpu.dma_semaphore, #tpu.memory_space<semaphore_mem>>) src(%dma_wait3A_230 : memref<301824x768xf32, #tpu.memory_space<hbm>>) dst(%arg18 : memref<64x768xf32, #tpu.memory_space<vmem>>)
    %add3A_231 = arith.constant 192 : i32
    %add3A_232 = arith.addi %mul3A_2, %add3A_231 : i32
    %dma_start3A_233 = arith.constant 0 : i32
    %dma_start3A_234 = tpu.memref_slice %arg5[%add3A_232, %dma_start3A_233] : memref<8192x768xf32, #tpu.memory_space<hbm>> -> memref<64x768xf32, #tpu.memory_space<hbm>>
    %dma_start3A_235 = arith.constant 0 : i32
    %dma_start3A_236 = tpu.memref_slice %arg5[%add3A_232, %dma_start3A_235] : memref<8192x768xf32, #tpu.memory_space<hbm>> -> memref<64x768xf32, #tpu.memory_space<hbm>>
    tpu.enqueue_dma source(%arg18 : memref<64x768xf32, #tpu.memory_space<vmem>>) target(%dma_start3A_236 : memref<64x768xf32, #tpu.memory_space<hbm>>) target_semaphore(%arg22 : memref<!tpu.dma_semaphore, #tpu.memory_space<semaphore_mem>>)
    %dma_start3A_237 = arith.constant 0 : i32
    %dma_start3A_238 = tpu.memref_slice %arg14[%add3A_232, %dma_start3A_237] : memref<8192x768xf32, #tpu.memory_space<hbm>> -> memref<64x768xf32, #tpu.memory_space<hbm>>
    %dma_start3A_239 = arith.constant 0 : i32
    %dma_start3A_240 = tpu.memref_slice %arg14[%add3A_232, %dma_start3A_239] : memref<8192x768xf32, #tpu.memory_space<hbm>> -> memref<64x768xf32, #tpu.memory_space<hbm>>
    tpu.enqueue_dma source(%arg18 : memref<64x768xf32, #tpu.memory_space<vmem>>) target(%dma_start3A_240 : memref<64x768xf32, #tpu.memory_space<hbm>>) target_semaphore(%arg22 : memref<!tpu.dma_semaphore, #tpu.memory_space<semaphore_mem>>)
    %dma_wait3A_241 = arith.constant 0 : i32
    %dma_wait3A_242 = tpu.memref_slice %arg5[%add3A_200, %dma_wait3A_241] : memref<8192x768xf32, #tpu.memory_space<hbm>> -> memref<64x768xf32, #tpu.memory_space<hbm>>
    %dma_wait3A_243 = arith.constant 0 : i32
    %dma_wait3A_244 = tpu.memref_slice %arg5[%add3A_200, %dma_wait3A_243] : memref<8192x768xf32, #tpu.memory_space<hbm>> -> memref<64x768xf32, #tpu.memory_space<hbm>>
    tpu.wait_dma2 semaphore(%arg21 : memref<!tpu.dma_semaphore, #tpu.memory_space<semaphore_mem>>) src(%arg17 : memref<64x768xf32, #tpu.memory_space<vmem>>) dst(%dma_wait3A_244 : memref<64x768xf32, #tpu.memory_space<hbm>>)
    %dma_wait3A_245 = arith.constant 0 : i32
    %dma_wait3A_246 = tpu.memref_slice %arg14[%add3A_200, %dma_wait3A_245] : memref<8192x768xf32, #tpu.memory_space<hbm>> -> memref<64x768xf32, #tpu.memory_space<hbm>>
    %dma_wait3A_247 = arith.constant 0 : i32
    %dma_wait3A_248 = tpu.memref_slice %arg14[%add3A_200, %dma_wait3A_247] : memref<8192x768xf32, #tpu.memory_space<hbm>> -> memref<64x768xf32, #tpu.memory_space<hbm>>
    tpu.wait_dma2 semaphore(%arg21 : memref<!tpu.dma_semaphore, #tpu.memory_space<semaphore_mem>>) src(%arg17 : memref<64x768xf32, #tpu.memory_space<vmem>>) dst(%dma_wait3A_248 : memref<64x768xf32, #tpu.memory_space<hbm>>)
    %dma_start3A_249 = arith.constant 2 : i32
    %dma_start3A_250 = arith.constant 0 : i32
    %dma_start3A_251 = tpu.memref_slice %arg16[%dma_start3A_249, %dma_start3A_250] : memref<6x256xi32, #tpu.memory_space<vmem>> -> memref<1x64xi32, #tpu.memory_space<vmem>>
    %dma_start3A_252 = tpu.memref_squeeze %dma_start3A_251 : memref<1x64xi32, #tpu.memory_space<vmem>> -> memref<64xi32, #tpu.memory_space<vmem>>
    %dma_start3A_253 = arith.constant 0 : i32
    %dma_start3A_254 = arith.constant 0 : i32
    %dma_start3A_255 = tpu.memref_slice %arg3[%dma_start3A_253, %dma_start3A_254] : memref<301824x768xf32, #tpu.memory_space<hbm>> -> memref<301824x768xf32, #tpu.memory_space<hbm>>
    tpu.enqueue_indirect_dma source(%dma_start3A_255 : memref<301824x768xf32, #tpu.memory_space<hbm>>) target(%arg17 : memref<64x768xf32, #tpu.memory_space<vmem>>) offsets(%dma_start3A_252 : memref<64xi32, #tpu.memory_space<vmem>>) semaphore(%arg19 : memref<!tpu.dma_semaphore, #tpu.memory_space<semaphore_mem>>)
    %dma_wait3A_256 = arith.constant 2 : i32
    %dma_wait3A_257 = arith.constant 0 : i32
    %dma_wait3A_258 = tpu.memref_slice %arg16[%dma_wait3A_256, %dma_wait3A_257] : memref<6x256xi32, #tpu.memory_space<vmem>> -> memref<1x64xi32, #tpu.memory_space<vmem>>
    %dma_wait3A_259 = tpu.memref_squeeze %dma_wait3A_258 : memref<1x64xi32, #tpu.memory_space<vmem>> -> memref<64xi32, #tpu.memory_space<vmem>>
    %dma_wait3A_260 = arith.constant 0 : i32
    %dma_wait3A_261 = arith.constant 0 : i32
    %dma_wait3A_262 = tpu.memref_slice %arg3[%dma_wait3A_260, %dma_wait3A_261] : memref<301824x768xf32, #tpu.memory_space<hbm>> -> memref<301824x768xf32, #tpu.memory_space<hbm>>
    tpu.wait_indirect_dma semaphore(%arg19 : memref<!tpu.dma_semaphore, #tpu.memory_space<semaphore_mem>>) src(%dma_wait3A_262 : memref<301824x768xf32, #tpu.memory_space<hbm>>) dst(%arg17 : memref<64x768xf32, #tpu.memory_space<vmem>>)
    %add3A_263 = arith.constant 0 : i32
    %add3A_264 = arith.addi %mul3A_2, %add3A_263 : i32
    %dma_start3A_265 = arith.constant 0 : i32
    %dma_start3A_266 = tpu.memref_slice %arg6[%add3A_264, %dma_start3A_265] : memref<8192x768xf32, #tpu.memory_space<hbm>> -> memref<64x768xf32, #tpu.memory_space<hbm>>
    %dma_start3A_267 = arith.constant 0 : i32
    %dma_start3A_268 = tpu.memref_slice %arg6[%add3A_264, %dma_start3A_267] : memref<8192x768xf32, #tpu.memory_space<hbm>> -> memref<64x768xf32, #tpu.memory_space<hbm>>
    tpu.enqueue_dma source(%arg17 : memref<64x768xf32, #tpu.memory_space<vmem>>) target(%dma_start3A_268 : memref<64x768xf32, #tpu.memory_space<hbm>>) target_semaphore(%arg21 : memref<!tpu.dma_semaphore, #tpu.memory_space<semaphore_mem>>)
    %dma_start3A_269 = arith.constant 0 : i32
    %dma_start3A_270 = tpu.memref_slice %arg13[%add3A_264, %dma_start3A_269] : memref<8192x768xf32, #tpu.memory_space<hbm>> -> memref<64x768xf32, #tpu.memory_space<hbm>>
    %dma_start3A_271 = arith.constant 0 : i32
    %dma_start3A_272 = tpu.memref_slice %arg13[%add3A_264, %dma_start3A_271] : memref<8192x768xf32, #tpu.memory_space<hbm>> -> memref<64x768xf32, #tpu.memory_space<hbm>>
    tpu.enqueue_dma source(%arg17 : memref<64x768xf32, #tpu.memory_space<vmem>>) target(%dma_start3A_272 : memref<64x768xf32, #tpu.memory_space<hbm>>) target_semaphore(%arg21 : memref<!tpu.dma_semaphore, #tpu.memory_space<semaphore_mem>>)
    %dma_wait3A_273 = arith.constant 0 : i32
    %dma_wait3A_274 = tpu.memref_slice %arg5[%add3A_232, %dma_wait3A_273] : memref<8192x768xf32, #tpu.memory_space<hbm>> -> memref<64x768xf32, #tpu.memory_space<hbm>>
    %dma_wait3A_275 = arith.constant 0 : i32
    %dma_wait3A_276 = tpu.memref_slice %arg5[%add3A_232, %dma_wait3A_275] : memref<8192x768xf32, #tpu.memory_space<hbm>> -> memref<64x768xf32, #tpu.memory_space<hbm>>
    tpu.wait_dma2 semaphore(%arg22 : memref<!tpu.dma_semaphore, #tpu.memory_space<semaphore_mem>>) src(%arg18 : memref<64x768xf32, #tpu.memory_space<vmem>>) dst(%dma_wait3A_276 : memref<64x768xf32, #tpu.memory_space<hbm>>)
    %dma_wait3A_277 = arith.constant 0 : i32
    %dma_wait3A_278 = tpu.memref_slice %arg14[%add3A_232, %dma_wait3A_277] : memref<8192x768xf32, #tpu.memory_space<hbm>> -> memref<64x768xf32, #tpu.memory_space<hbm>>
    %dma_wait3A_279 = arith.constant 0 : i32
    %dma_wait3A_280 = tpu.memref_slice %arg14[%add3A_232, %dma_wait3A_279] : memref<8192x768xf32, #tpu.memory_space<hbm>> -> memref<64x768xf32, #tpu.memory_space<hbm>>
    tpu.wait_dma2 semaphore(%arg22 : memref<!tpu.dma_semaphore, #tpu.memory_space<semaphore_mem>>) src(%arg18 : memref<64x768xf32, #tpu.memory_space<vmem>>) dst(%dma_wait3A_280 : memref<64x768xf32, #tpu.memory_space<hbm>>)
    %dma_start3A_281 = arith.constant 2 : i32
    %dma_start3A_282 = arith.constant 64 : i32
    %dma_start3A_283 = tpu.memref_slice %arg16[%dma_start3A_281, %dma_start3A_282] : memref<6x256xi32, #tpu.memory_space<vmem>> -> memref<1x64xi32, #tpu.memory_space<vmem>>
    %dma_start3A_284 = tpu.memref_squeeze %dma_start3A_283 : memref<1x64xi32, #tpu.memory_space<vmem>> -> memref<64xi32, #tpu.memory_space<vmem>>
    %dma_start3A_285 = arith.constant 0 : i32
    %dma_start3A_286 = arith.constant 0 : i32
    %dma_start3A_287 = tpu.memref_slice %arg3[%dma_start3A_285, %dma_start3A_286] : memref<301824x768xf32, #tpu.memory_space<hbm>> -> memref<301824x768xf32, #tpu.memory_space<hbm>>
    tpu.enqueue_indirect_dma source(%dma_start3A_287 : memref<301824x768xf32, #tpu.memory_space<hbm>>) target(%arg18 : memref<64x768xf32, #tpu.memory_space<vmem>>) offsets(%dma_start3A_284 : memref<64xi32, #tpu.memory_space<vmem>>) semaphore(%arg20 : memref<!tpu.dma_semaphore, #tpu.memory_space<semaphore_mem>>)
    %dma_wait3A_288 = arith.constant 2 : i32
    %dma_wait3A_289 = arith.constant 64 : i32
    %dma_wait3A_290 = tpu.memref_slice %arg16[%dma_wait3A_288, %dma_wait3A_289] : memref<6x256xi32, #tpu.memory_space<vmem>> -> memref<1x64xi32, #tpu.memory_space<vmem>>
    %dma_wait3A_291 = tpu.memref_squeeze %dma_wait3A_290 : memref<1x64xi32, #tpu.memory_space<vmem>> -> memref<64xi32, #tpu.memory_space<vmem>>
    %dma_wait3A_292 = arith.constant 0 : i32
    %dma_wait3A_293 = arith.constant 0 : i32
    %dma_wait3A_294 = tpu.memref_slice %arg3[%dma_wait3A_292, %dma_wait3A_293] : memref<301824x768xf32, #tpu.memory_space<hbm>> -> memref<301824x768xf32, #tpu.memory_space<hbm>>
    tpu.wait_indirect_dma semaphore(%arg20 : memref<!tpu.dma_semaphore, #tpu.memory_space<semaphore_mem>>) src(%dma_wait3A_294 : memref<301824x768xf32, #tpu.memory_space<hbm>>) dst(%arg18 : memref<64x768xf32, #tpu.memory_space<vmem>>)
    %add3A_295 = arith.constant 64 : i32
    %add3A_296 = arith.addi %mul3A_2, %add3A_295 : i32
    %dma_start3A_297 = arith.constant 0 : i32
    %dma_start3A_298 = tpu.memref_slice %arg6[%add3A_296, %dma_start3A_297] : memref<8192x768xf32, #tpu.memory_space<hbm>> -> memref<64x768xf32, #tpu.memory_space<hbm>>
    %dma_start3A_299 = arith.constant 0 : i32
    %dma_start3A_300 = tpu.memref_slice %arg6[%add3A_296, %dma_start3A_299] : memref<8192x768xf32, #tpu.memory_space<hbm>> -> memref<64x768xf32, #tpu.memory_space<hbm>>
    tpu.enqueue_dma source(%arg18 : memref<64x768xf32, #tpu.memory_space<vmem>>) target(%dma_start3A_300 : memref<64x768xf32, #tpu.memory_space<hbm>>) target_semaphore(%arg22 : memref<!tpu.dma_semaphore, #tpu.memory_space<semaphore_mem>>)
    %dma_start3A_301 = arith.constant 0 : i32
    %dma_start3A_302 = tpu.memref_slice %arg13[%add3A_296, %dma_start3A_301] : memref<8192x768xf32, #tpu.memory_space<hbm>> -> memref<64x768xf32, #tpu.memory_space<hbm>>
    %dma_start3A_303 = arith.constant 0 : i32
    %dma_start3A_304 = tpu.memref_slice %arg13[%add3A_296, %dma_start3A_303] : memref<8192x768xf32, #tpu.memory_space<hbm>> -> memref<64x768xf32, #tpu.memory_space<hbm>>
    tpu.enqueue_dma source(%arg18 : memref<64x768xf32, #tpu.memory_space<vmem>>) target(%dma_start3A_304 : memref<64x768xf32, #tpu.memory_space<hbm>>) target_semaphore(%arg22 : memref<!tpu.dma_semaphore, #tpu.memory_space<semaphore_mem>>)
    %dma_wait3A_305 = arith.constant 0 : i32
    %dma_wait3A_306 = tpu.memref_slice %arg6[%add3A_264, %dma_wait3A_305] : memref<8192x768xf32, #tpu.memory_space<hbm>> -> memref<64x768xf32, #tpu.memory_space<hbm>>
    %dma_wait3A_307 = arith.constant 0 : i32
    %dma_wait3A_308 = tpu.memref_slice %arg6[%add3A_264, %dma_wait3A_307] : memref<8192x768xf32, #tpu.memory_space<hbm>> -> memref<64x768xf32, #tpu.memory_space<hbm>>
    tpu.wait_dma2 semaphore(%arg21 : memref<!tpu.dma_semaphore, #tpu.memory_space<semaphore_mem>>) src(%arg17 : memref<64x768xf32, #tpu.memory_space<vmem>>) dst(%dma_wait3A_308 : memref<64x768xf32, #tpu.memory_space<hbm>>)
    %dma_wait3A_309 = arith.constant 0 : i32
    %dma_wait3A_310 = tpu.memref_slice %arg13[%add3A_264, %dma_wait3A_309] : memref<8192x768xf32, #tpu.memory_space<hbm>> -> memref<64x768xf32, #tpu.memory_space<hbm>>
    %dma_wait3A_311 = arith.constant 0 : i32
    %dma_wait3A_312 = tpu.memref_slice %arg13[%add3A_264, %dma_wait3A_311] : memref<8192x768xf32, #tpu.memory_space<hbm>> -> memref<64x768xf32, #tpu.memory_space<hbm>>
    tpu.wait_dma2 semaphore(%arg21 : memref<!tpu.dma_semaphore, #tpu.memory_space<semaphore_mem>>) src(%arg17 : memref<64x768xf32, #tpu.memory_space<vmem>>) dst(%dma_wait3A_312 : memref<64x768xf32, #tpu.memory_space<hbm>>)
    %dma_start3A_313 = arith.constant 2 : i32
    %dma_start3A_314 = arith.constant 128 : i32
    %dma_start3A_315 = tpu.memref_slice %arg16[%dma_start3A_313, %dma_start3A_314] : memref<6x256xi32, #tpu.memory_space<vmem>> -> memref<1x64xi32, #tpu.memory_space<vmem>>
    %dma_start3A_316 = tpu.memref_squeeze %dma_start3A_315 : memref<1x64xi32, #tpu.memory_space<vmem>> -> memref<64xi32, #tpu.memory_space<vmem>>
    %dma_start3A_317 = arith.constant 0 : i32
    %dma_start3A_318 = arith.constant 0 : i32
    %dma_start3A_319 = tpu.memref_slice %arg3[%dma_start3A_317, %dma_start3A_318] : memref<301824x768xf32, #tpu.memory_space<hbm>> -> memref<301824x768xf32, #tpu.memory_space<hbm>>
    tpu.enqueue_indirect_dma source(%dma_start3A_319 : memref<301824x768xf32, #tpu.memory_space<hbm>>) target(%arg17 : memref<64x768xf32, #tpu.memory_space<vmem>>) offsets(%dma_start3A_316 : memref<64xi32, #tpu.memory_space<vmem>>) semaphore(%arg19 : memref<!tpu.dma_semaphore, #tpu.memory_space<semaphore_mem>>)
    %dma_wait3A_320 = arith.constant 2 : i32
    %dma_wait3A_321 = arith.constant 128 : i32
    %dma_wait3A_322 = tpu.memref_slice %arg16[%dma_wait3A_320, %dma_wait3A_321] : memref<6x256xi32, #tpu.memory_space<vmem>> -> memref<1x64xi32, #tpu.memory_space<vmem>>
    %dma_wait3A_323 = tpu.memref_squeeze %dma_wait3A_322 : memref<1x64xi32, #tpu.memory_space<vmem>> -> memref<64xi32, #tpu.memory_space<vmem>>
    %dma_wait3A_324 = arith.constant 0 : i32
    %dma_wait3A_325 = arith.constant 0 : i32
    %dma_wait3A_326 = tpu.memref_slice %arg3[%dma_wait3A_324, %dma_wait3A_325] : memref<301824x768xf32, #tpu.memory_space<hbm>> -> memref<301824x768xf32, #tpu.memory_space<hbm>>
    tpu.wait_indirect_dma semaphore(%arg19 : memref<!tpu.dma_semaphore, #tpu.memory_space<semaphore_mem>>) src(%dma_wait3A_326 : memref<301824x768xf32, #tpu.memory_space<hbm>>) dst(%arg17 : memref<64x768xf32, #tpu.memory_space<vmem>>)
    %add3A_327 = arith.constant 128 : i32
    %add3A_328 = arith.addi %mul3A_2, %add3A_327 : i32
    %dma_start3A_329 = arith.constant 0 : i32
    %dma_start3A_330 = tpu.memref_slice %arg6[%add3A_328, %dma_start3A_329] : memref<8192x768xf32, #tpu.memory_space<hbm>> -> memref<64x768xf32, #tpu.memory_space<hbm>>
    %dma_start3A_331 = arith.constant 0 : i32
    %dma_start3A_332 = tpu.memref_slice %arg6[%add3A_328, %dma_start3A_331] : memref<8192x768xf32, #tpu.memory_space<hbm>> -> memref<64x768xf32, #tpu.memory_space<hbm>>
    tpu.enqueue_dma source(%arg17 : memref<64x768xf32, #tpu.memory_space<vmem>>) target(%dma_start3A_332 : memref<64x768xf32, #tpu.memory_space<hbm>>) target_semaphore(%arg21 : memref<!tpu.dma_semaphore, #tpu.memory_space<semaphore_mem>>)
    %dma_start3A_333 = arith.constant 0 : i32
    %dma_start3A_334 = tpu.memref_slice %arg13[%add3A_328, %dma_start3A_333] : memref<8192x768xf32, #tpu.memory_space<hbm>> -> memref<64x768xf32, #tpu.memory_space<hbm>>
    %dma_start3A_335 = arith.constant 0 : i32
    %dma_start3A_336 = tpu.memref_slice %arg13[%add3A_328, %dma_start3A_335] : memref<8192x768xf32, #tpu.memory_space<hbm>> -> memref<64x768xf32, #tpu.memory_space<hbm>>
    tpu.enqueue_dma source(%arg17 : memref<64x768xf32, #tpu.memory_space<vmem>>) target(%dma_start3A_336 : memref<64x768xf32, #tpu.memory_space<hbm>>) target_semaphore(%arg21 : memref<!tpu.dma_semaphore, #tpu.memory_space<semaphore_mem>>)
    %dma_wait3A_337 = arith.constant 0 : i32
    %dma_wait3A_338 = tpu.memref_slice %arg6[%add3A_296, %dma_wait3A_337] : memref<8192x768xf32, #tpu.memory_space<hbm>> -> memref<64x768xf32, #tpu.memory_space<hbm>>
    %dma_wait3A_339 = arith.constant 0 : i32
    %dma_wait3A_340 = tpu.memref_slice %arg6[%add3A_296, %dma_wait3A_339] : memref<8192x768xf32, #tpu.memory_space<hbm>> -> memref<64x768xf32, #tpu.memory_space<hbm>>
    tpu.wait_dma2 semaphore(%arg22 : memref<!tpu.dma_semaphore, #tpu.memory_space<semaphore_mem>>) src(%arg18 : memref<64x768xf32, #tpu.memory_space<vmem>>) dst(%dma_wait3A_340 : memref<64x768xf32, #tpu.memory_space<hbm>>)
    %dma_wait3A_341 = arith.constant 0 : i32
    %dma_wait3A_342 = tpu.memref_slice %arg13[%add3A_296, %dma_wait3A_341] : memref<8192x768xf32, #tpu.memory_space<hbm>> -> memref<64x768xf32, #tpu.memory_space<hbm>>
    %dma_wait3A_343 = arith.constant 0 : i32
    %dma_wait3A_344 = tpu.memref_slice %arg13[%add3A_296, %dma_wait3A_343] : memref<8192x768xf32, #tpu.memory_space<hbm>> -> memref<64x768xf32, #tpu.memory_space<hbm>>
    tpu.wait_dma2 semaphore(%arg22 : memref<!tpu.dma_semaphore, #tpu.memory_space<semaphore_mem>>) src(%arg18 : memref<64x768xf32, #tpu.memory_space<vmem>>) dst(%dma_wait3A_344 : memref<64x768xf32, #tpu.memory_space<hbm>>)
    %dma_start3A_345 = arith.constant 2 : i32
    %dma_start3A_346 = arith.constant 192 : i32
    %dma_start3A_347 = tpu.memref_slice %arg16[%dma_start3A_345, %dma_start3A_346] : memref<6x256xi32, #tpu.memory_space<vmem>> -> memref<1x64xi32, #tpu.memory_space<vmem>>
    %dma_start3A_348 = tpu.memref_squeeze %dma_start3A_347 : memref<1x64xi32, #tpu.memory_space<vmem>> -> memref<64xi32, #tpu.memory_space<vmem>>
    %dma_start3A_349 = arith.constant 0 : i32
    %dma_start3A_350 = arith.constant 0 : i32
    %dma_start3A_351 = tpu.memref_slice %arg3[%dma_start3A_349, %dma_start3A_350] : memref<301824x768xf32, #tpu.memory_space<hbm>> -> memref<301824x768xf32, #tpu.memory_space<hbm>>
    tpu.enqueue_indirect_dma source(%dma_start3A_351 : memref<301824x768xf32, #tpu.memory_space<hbm>>) target(%arg18 : memref<64x768xf32, #tpu.memory_space<vmem>>) offsets(%dma_start3A_348 : memref<64xi32, #tpu.memory_space<vmem>>) semaphore(%arg20 : memref<!tpu.dma_semaphore, #tpu.memory_space<semaphore_mem>>)
    %dma_wait3A_352 = arith.constant 2 : i32
    %dma_wait3A_353 = arith.constant 192 : i32
    %dma_wait3A_354 = tpu.memref_slice %arg16[%dma_wait3A_352, %dma_wait3A_353] : memref<6x256xi32, #tpu.memory_space<vmem>> -> memref<1x64xi32, #tpu.memory_space<vmem>>
    %dma_wait3A_355 = tpu.memref_squeeze %dma_wait3A_354 : memref<1x64xi32, #tpu.memory_space<vmem>> -> memref<64xi32, #tpu.memory_space<vmem>>
    %dma_wait3A_356 = arith.constant 0 : i32
    %dma_wait3A_357 = arith.constant 0 : i32
    %dma_wait3A_358 = tpu.memref_slice %arg3[%dma_wait3A_356, %dma_wait3A_357] : memref<301824x768xf32, #tpu.memory_space<hbm>> -> memref<301824x768xf32, #tpu.memory_space<hbm>>
    tpu.wait_indirect_dma semaphore(%arg20 : memref<!tpu.dma_semaphore, #tpu.memory_space<semaphore_mem>>) src(%dma_wait3A_358 : memref<301824x768xf32, #tpu.memory_space<hbm>>) dst(%arg18 : memref<64x768xf32, #tpu.memory_space<vmem>>)
    %add3A_359 = arith.constant 192 : i32
    %add3A_360 = arith.addi %mul3A_2, %add3A_359 : i32
    %dma_start3A_361 = arith.constant 0 : i32
    %dma_start3A_362 = tpu.memref_slice %arg6[%add3A_360, %dma_start3A_361] : memref<8192x768xf32, #tpu.memory_space<hbm>> -> memref<64x768xf32, #tpu.memory_space<hbm>>
    %dma_start3A_363 = arith.constant 0 : i32
    %dma_start3A_364 = tpu.memref_slice %arg6[%add3A_360, %dma_start3A_363] : memref<8192x768xf32, #tpu.memory_space<hbm>> -> memref<64x768xf32, #tpu.memory_space<hbm>>
    tpu.enqueue_dma source(%arg18 : memref<64x768xf32, #tpu.memory_space<vmem>>) target(%dma_start3A_364 : memref<64x768xf32, #tpu.memory_space<hbm>>) target_semaphore(%arg22 : memref<!tpu.dma_semaphore, #tpu.memory_space<semaphore_mem>>)
    %dma_start3A_365 = arith.constant 0 : i32
    %dma_start3A_366 = tpu.memref_slice %arg13[%add3A_360, %dma_start3A_365] : memref<8192x768xf32, #tpu.memory_space<hbm>> -> memref<64x768xf32, #tpu.memory_space<hbm>>
    %dma_start3A_367 = arith.constant 0 : i32
    %dma_start3A_368 = tpu.memref_slice %arg13[%add3A_360, %dma_start3A_367] : memref<8192x768xf32, #tpu.memory_space<hbm>> -> memref<64x768xf32, #tpu.memory_space<hbm>>
    tpu.enqueue_dma source(%arg18 : memref<64x768xf32, #tpu.memory_space<vmem>>) target(%dma_start3A_368 : memref<64x768xf32, #tpu.memory_space<hbm>>) target_semaphore(%arg22 : memref<!tpu.dma_semaphore, #tpu.memory_space<semaphore_mem>>)
    %dma_wait3A_369 = arith.constant 0 : i32
    %dma_wait3A_370 = tpu.memref_slice %arg6[%add3A_328, %dma_wait3A_369] : memref<8192x768xf32, #tpu.memory_space<hbm>> -> memref<64x768xf32, #tpu.memory_space<hbm>>
    %dma_wait3A_371 = arith.constant 0 : i32
    %dma_wait3A_372 = tpu.memref_slice %arg6[%add3A_328, %dma_wait3A_371] : memref<8192x768xf32, #tpu.memory_space<hbm>> -> memref<64x768xf32, #tpu.memory_space<hbm>>
    tpu.wait_dma2 semaphore(%arg21 : memref<!tpu.dma_semaphore, #tpu.memory_space<semaphore_mem>>) src(%arg17 : memref<64x768xf32, #tpu.memory_space<vmem>>) dst(%dma_wait3A_372 : memref<64x768xf32, #tpu.memory_space<hbm>>)
    %dma_wait3A_373 = arith.constant 0 : i32
    %dma_wait3A_374 = tpu.memref_slice %arg13[%add3A_328, %dma_wait3A_373] : memref<8192x768xf32, #tpu.memory_space<hbm>> -> memref<64x768xf32, #tpu.memory_space<hbm>>
    %dma_wait3A_375 = arith.constant 0 : i32
    %dma_wait3A_376 = tpu.memref_slice %arg13[%add3A_328, %dma_wait3A_375] : memref<8192x768xf32, #tpu.memory_space<hbm>> -> memref<64x768xf32, #tpu.memory_space<hbm>>
    tpu.wait_dma2 semaphore(%arg21 : memref<!tpu.dma_semaphore, #tpu.memory_space<semaphore_mem>>) src(%arg17 : memref<64x768xf32, #tpu.memory_space<vmem>>) dst(%dma_wait3A_376 : memref<64x768xf32, #tpu.memory_space<hbm>>)
    %dma_start3A_377 = arith.constant 3 : i32
    %dma_start3A_378 = arith.constant 0 : i32
    %dma_start3A_379 = tpu.memref_slice %arg16[%dma_start3A_377, %dma_start3A_378] : memref<6x256xi32, #tpu.memory_space<vmem>> -> memref<1x64xi32, #tpu.memory_space<vmem>>
    %dma_start3A_380 = tpu.memref_squeeze %dma_start3A_379 : memref<1x64xi32, #tpu.memory_space<vmem>> -> memref<64xi32, #tpu.memory_space<vmem>>
    %dma_start3A_381 = arith.constant 0 : i32
    %dma_start3A_382 = arith.constant 0 : i32
    %dma_start3A_383 = tpu.memref_slice %arg3[%dma_start3A_381, %dma_start3A_382] : memref<301824x768xf32, #tpu.memory_space<hbm>> -> memref<301824x768xf32, #tpu.memory_space<hbm>>
    tpu.enqueue_indirect_dma source(%dma_start3A_383 : memref<301824x768xf32, #tpu.memory_space<hbm>>) target(%arg17 : memref<64x768xf32, #tpu.memory_space<vmem>>) offsets(%dma_start3A_380 : memref<64xi32, #tpu.memory_space<vmem>>) semaphore(%arg19 : memref<!tpu.dma_semaphore, #tpu.memory_space<semaphore_mem>>)
    %dma_wait3A_384 = arith.constant 3 : i32
    %dma_wait3A_385 = arith.constant 0 : i32
    %dma_wait3A_386 = tpu.memref_slice %arg16[%dma_wait3A_384, %dma_wait3A_385] : memref<6x256xi32, #tpu.memory_space<vmem>> -> memref<1x64xi32, #tpu.memory_space<vmem>>
    %dma_wait3A_387 = tpu.memref_squeeze %dma_wait3A_386 : memref<1x64xi32, #tpu.memory_space<vmem>> -> memref<64xi32, #tpu.memory_space<vmem>>
    %dma_wait3A_388 = arith.constant 0 : i32
    %dma_wait3A_389 = arith.constant 0 : i32
    %dma_wait3A_390 = tpu.memref_slice %arg3[%dma_wait3A_388, %dma_wait3A_389] : memref<301824x768xf32, #tpu.memory_space<hbm>> -> memref<301824x768xf32, #tpu.memory_space<hbm>>
    tpu.wait_indirect_dma semaphore(%arg19 : memref<!tpu.dma_semaphore, #tpu.memory_space<semaphore_mem>>) src(%dma_wait3A_390 : memref<301824x768xf32, #tpu.memory_space<hbm>>) dst(%arg17 : memref<64x768xf32, #tpu.memory_space<vmem>>)
    %add3A_391 = arith.constant 0 : i32
    %add3A_392 = arith.addi %mul3A_2, %add3A_391 : i32
    %dma_start3A_393 = arith.constant 0 : i32
    %dma_start3A_394 = tpu.memref_slice %arg7[%add3A_392, %dma_start3A_393] : memref<8192x768xf32, #tpu.memory_space<hbm>> -> memref<64x768xf32, #tpu.memory_space<hbm>>
    %dma_start3A_395 = arith.constant 0 : i32
    %dma_start3A_396 = tpu.memref_slice %arg7[%add3A_392, %dma_start3A_395] : memref<8192x768xf32, #tpu.memory_space<hbm>> -> memref<64x768xf32, #tpu.memory_space<hbm>>
    tpu.enqueue_dma source(%arg17 : memref<64x768xf32, #tpu.memory_space<vmem>>) target(%dma_start3A_396 : memref<64x768xf32, #tpu.memory_space<hbm>>) target_semaphore(%arg21 : memref<!tpu.dma_semaphore, #tpu.memory_space<semaphore_mem>>)
    %dma_start3A_397 = arith.constant 0 : i32
    %dma_start3A_398 = tpu.memref_slice %arg12[%add3A_392, %dma_start3A_397] : memref<8192x768xf32, #tpu.memory_space<hbm>> -> memref<64x768xf32, #tpu.memory_space<hbm>>
    %dma_start3A_399 = arith.constant 0 : i32
    %dma_start3A_400 = tpu.memref_slice %arg12[%add3A_392, %dma_start3A_399] : memref<8192x768xf32, #tpu.memory_space<hbm>> -> memref<64x768xf32, #tpu.memory_space<hbm>>
    tpu.enqueue_dma source(%arg17 : memref<64x768xf32, #tpu.memory_space<vmem>>) target(%dma_start3A_400 : memref<64x768xf32, #tpu.memory_space<hbm>>) target_semaphore(%arg21 : memref<!tpu.dma_semaphore, #tpu.memory_space<semaphore_mem>>)
    %dma_wait3A_401 = arith.constant 0 : i32
    %dma_wait3A_402 = tpu.memref_slice %arg6[%add3A_360, %dma_wait3A_401] : memref<8192x768xf32, #tpu.memory_space<hbm>> -> memref<64x768xf32, #tpu.memory_space<hbm>>
    %dma_wait3A_403 = arith.constant 0 : i32
    %dma_wait3A_404 = tpu.memref_slice %arg6[%add3A_360, %dma_wait3A_403] : memref<8192x768xf32, #tpu.memory_space<hbm>> -> memref<64x768xf32, #tpu.memory_space<hbm>>
    tpu.wait_dma2 semaphore(%arg22 : memref<!tpu.dma_semaphore, #tpu.memory_space<semaphore_mem>>) src(%arg18 : memref<64x768xf32, #tpu.memory_space<vmem>>) dst(%dma_wait3A_404 : memref<64x768xf32, #tpu.memory_space<hbm>>)
    %dma_wait3A_405 = arith.constant 0 : i32
    %dma_wait3A_406 = tpu.memref_slice %arg13[%add3A_360, %dma_wait3A_405] : memref<8192x768xf32, #tpu.memory_space<hbm>> -> memref<64x768xf32, #tpu.memory_space<hbm>>
    %dma_wait3A_407 = arith.constant 0 : i32
    %dma_wait3A_408 = tpu.memref_slice %arg13[%add3A_360, %dma_wait3A_407] : memref<8192x768xf32, #tpu.memory_space<hbm>> -> memref<64x768xf32, #tpu.memory_space<hbm>>
    tpu.wait_dma2 semaphore(%arg22 : memref<!tpu.dma_semaphore, #tpu.memory_space<semaphore_mem>>) src(%arg18 : memref<64x768xf32, #tpu.memory_space<vmem>>) dst(%dma_wait3A_408 : memref<64x768xf32, #tpu.memory_space<hbm>>)
    %dma_start3A_409 = arith.constant 3 : i32
    %dma_start3A_410 = arith.constant 64 : i32
    %dma_start3A_411 = tpu.memref_slice %arg16[%dma_start3A_409, %dma_start3A_410] : memref<6x256xi32, #tpu.memory_space<vmem>> -> memref<1x64xi32, #tpu.memory_space<vmem>>
    %dma_start3A_412 = tpu.memref_squeeze %dma_start3A_411 : memref<1x64xi32, #tpu.memory_space<vmem>> -> memref<64xi32, #tpu.memory_space<vmem>>
    %dma_start3A_413 = arith.constant 0 : i32
    %dma_start3A_414 = arith.constant 0 : i32
    %dma_start3A_415 = tpu.memref_slice %arg3[%dma_start3A_413, %dma_start3A_414] : memref<301824x768xf32, #tpu.memory_space<hbm>> -> memref<301824x768xf32, #tpu.memory_space<hbm>>
    tpu.enqueue_indirect_dma source(%dma_start3A_415 : memref<301824x768xf32, #tpu.memory_space<hbm>>) target(%arg18 : memref<64x768xf32, #tpu.memory_space<vmem>>) offsets(%dma_start3A_412 : memref<64xi32, #tpu.memory_space<vmem>>) semaphore(%arg20 : memref<!tpu.dma_semaphore, #tpu.memory_space<semaphore_mem>>)
    %dma_wait3A_416 = arith.constant 3 : i32
    %dma_wait3A_417 = arith.constant 64 : i32
    %dma_wait3A_418 = tpu.memref_slice %arg16[%dma_wait3A_416, %dma_wait3A_417] : memref<6x256xi32, #tpu.memory_space<vmem>> -> memref<1x64xi32, #tpu.memory_space<vmem>>
    %dma_wait3A_419 = tpu.memref_squeeze %dma_wait3A_418 : memref<1x64xi32, #tpu.memory_space<vmem>> -> memref<64xi32, #tpu.memory_space<vmem>>
    %dma_wait3A_420 = arith.constant 0 : i32
    %dma_wait3A_421 = arith.constant 0 : i32
    %dma_wait3A_422 = tpu.memref_slice %arg3[%dma_wait3A_420, %dma_wait3A_421] : memref<301824x768xf32, #tpu.memory_space<hbm>> -> memref<301824x768xf32, #tpu.memory_space<hbm>>
    tpu.wait_indirect_dma semaphore(%arg20 : memref<!tpu.dma_semaphore, #tpu.memory_space<semaphore_mem>>) src(%dma_wait3A_422 : memref<301824x768xf32, #tpu.memory_space<hbm>>) dst(%arg18 : memref<64x768xf32, #tpu.memory_space<vmem>>)
    %add3A_423 = arith.constant 64 : i32
    %add3A_424 = arith.addi %mul3A_2, %add3A_423 : i32
    %dma_start3A_425 = arith.constant 0 : i32
    %dma_start3A_426 = tpu.memref_slice %arg7[%add3A_424, %dma_start3A_425] : memref<8192x768xf32, #tpu.memory_space<hbm>> -> memref<64x768xf32, #tpu.memory_space<hbm>>
    %dma_start3A_427 = arith.constant 0 : i32
    %dma_start3A_428 = tpu.memref_slice %arg7[%add3A_424, %dma_start3A_427] : memref<8192x768xf32, #tpu.memory_space<hbm>> -> memref<64x768xf32, #tpu.memory_space<hbm>>
    tpu.enqueue_dma source(%arg18 : memref<64x768xf32, #tpu.memory_space<vmem>>) target(%dma_start3A_428 : memref<64x768xf32, #tpu.memory_space<hbm>>) target_semaphore(%arg22 : memref<!tpu.dma_semaphore, #tpu.memory_space<semaphore_mem>>)
    %dma_start3A_429 = arith.constant 0 : i32
    %dma_start3A_430 = tpu.memref_slice %arg12[%add3A_424, %dma_start3A_429] : memref<8192x768xf32, #tpu.memory_space<hbm>> -> memref<64x768xf32, #tpu.memory_space<hbm>>
    %dma_start3A_431 = arith.constant 0 : i32
    %dma_start3A_432 = tpu.memref_slice %arg12[%add3A_424, %dma_start3A_431] : memref<8192x768xf32, #tpu.memory_space<hbm>> -> memref<64x768xf32, #tpu.memory_space<hbm>>
    tpu.enqueue_dma source(%arg18 : memref<64x768xf32, #tpu.memory_space<vmem>>) target(%dma_start3A_432 : memref<64x768xf32, #tpu.memory_space<hbm>>) target_semaphore(%arg22 : memref<!tpu.dma_semaphore, #tpu.memory_space<semaphore_mem>>)
    %dma_wait3A_433 = arith.constant 0 : i32
    %dma_wait3A_434 = tpu.memref_slice %arg7[%add3A_392, %dma_wait3A_433] : memref<8192x768xf32, #tpu.memory_space<hbm>> -> memref<64x768xf32, #tpu.memory_space<hbm>>
    %dma_wait3A_435 = arith.constant 0 : i32
    %dma_wait3A_436 = tpu.memref_slice %arg7[%add3A_392, %dma_wait3A_435] : memref<8192x768xf32, #tpu.memory_space<hbm>> -> memref<64x768xf32, #tpu.memory_space<hbm>>
    tpu.wait_dma2 semaphore(%arg21 : memref<!tpu.dma_semaphore, #tpu.memory_space<semaphore_mem>>) src(%arg17 : memref<64x768xf32, #tpu.memory_space<vmem>>) dst(%dma_wait3A_436 : memref<64x768xf32, #tpu.memory_space<hbm>>)
    %dma_wait3A_437 = arith.constant 0 : i32
    %dma_wait3A_438 = tpu.memref_slice %arg12[%add3A_392, %dma_wait3A_437] : memref<8192x768xf32, #tpu.memory_space<hbm>> -> memref<64x768xf32, #tpu.memory_space<hbm>>
    %dma_wait3A_439 = arith.constant 0 : i32
    %dma_wait3A_440 = tpu.memref_slice %arg12[%add3A_392, %dma_wait3A_439] : memref<8192x768xf32, #tpu.memory_space<hbm>> -> memref<64x768xf32, #tpu.memory_space<hbm>>
    tpu.wait_dma2 semaphore(%arg21 : memref<!tpu.dma_semaphore, #tpu.memory_space<semaphore_mem>>) src(%arg17 : memref<64x768xf32, #tpu.memory_space<vmem>>) dst(%dma_wait3A_440 : memref<64x768xf32, #tpu.memory_space<hbm>>)
    %dma_start3A_441 = arith.constant 3 : i32
    %dma_start3A_442 = arith.constant 128 : i32
    %dma_start3A_443 = tpu.memref_slice %arg16[%dma_start3A_441, %dma_start3A_442] : memref<6x256xi32, #tpu.memory_space<vmem>> -> memref<1x64xi32, #tpu.memory_space<vmem>>
    %dma_start3A_444 = tpu.memref_squeeze %dma_start3A_443 : memref<1x64xi32, #tpu.memory_space<vmem>> -> memref<64xi32, #tpu.memory_space<vmem>>
    %dma_start3A_445 = arith.constant 0 : i32
    %dma_start3A_446 = arith.constant 0 : i32
    %dma_start3A_447 = tpu.memref_slice %arg3[%dma_start3A_445, %dma_start3A_446] : memref<301824x768xf32, #tpu.memory_space<hbm>> -> memref<301824x768xf32, #tpu.memory_space<hbm>>
    tpu.enqueue_indirect_dma source(%dma_start3A_447 : memref<301824x768xf32, #tpu.memory_space<hbm>>) target(%arg17 : memref<64x768xf32, #tpu.memory_space<vmem>>) offsets(%dma_start3A_444 : memref<64xi32, #tpu.memory_space<vmem>>) semaphore(%arg19 : memref<!tpu.dma_semaphore, #tpu.memory_space<semaphore_mem>>)
    %dma_wait3A_448 = arith.constant 3 : i32
    %dma_wait3A_449 = arith.constant 128 : i32
    %dma_wait3A_450 = tpu.memref_slice %arg16[%dma_wait3A_448, %dma_wait3A_449] : memref<6x256xi32, #tpu.memory_space<vmem>> -> memref<1x64xi32, #tpu.memory_space<vmem>>
    %dma_wait3A_451 = tpu.memref_squeeze %dma_wait3A_450 : memref<1x64xi32, #tpu.memory_space<vmem>> -> memref<64xi32, #tpu.memory_space<vmem>>
    %dma_wait3A_452 = arith.constant 0 : i32
    %dma_wait3A_453 = arith.constant 0 : i32
    %dma_wait3A_454 = tpu.memref_slice %arg3[%dma_wait3A_452, %dma_wait3A_453] : memref<301824x768xf32, #tpu.memory_space<hbm>> -> memref<301824x768xf32, #tpu.memory_space<hbm>>
    tpu.wait_indirect_dma semaphore(%arg19 : memref<!tpu.dma_semaphore, #tpu.memory_space<semaphore_mem>>) src(%dma_wait3A_454 : memref<301824x768xf32, #tpu.memory_space<hbm>>) dst(%arg17 : memref<64x768xf32, #tpu.memory_space<vmem>>)
    %add3A_455 = arith.constant 128 : i32
    %add3A_456 = arith.addi %mul3A_2, %add3A_455 : i32
    %dma_start3A_457 = arith.constant 0 : i32
    %dma_start3A_458 = tpu.memref_slice %arg7[%add3A_456, %dma_start3A_457] : memref<8192x768xf32, #tpu.memory_space<hbm>> -> memref<64x768xf32, #tpu.memory_space<hbm>>
    %dma_start3A_459 = arith.constant 0 : i32
    %dma_start3A_460 = tpu.memref_slice %arg7[%add3A_456, %dma_start3A_459] : memref<8192x768xf32, #tpu.memory_space<hbm>> -> memref<64x768xf32, #tpu.memory_space<hbm>>
    tpu.enqueue_dma source(%arg17 : memref<64x768xf32, #tpu.memory_space<vmem>>) target(%dma_start3A_460 : memref<64x768xf32, #tpu.memory_space<hbm>>) target_semaphore(%arg21 : memref<!tpu.dma_semaphore, #tpu.memory_space<semaphore_mem>>)
    %dma_start3A_461 = arith.constant 0 : i32
    %dma_start3A_462 = tpu.memref_slice %arg12[%add3A_456, %dma_start3A_461] : memref<8192x768xf32, #tpu.memory_space<hbm>> -> memref<64x768xf32, #tpu.memory_space<hbm>>
    %dma_start3A_463 = arith.constant 0 : i32
    %dma_start3A_464 = tpu.memref_slice %arg12[%add3A_456, %dma_start3A_463] : memref<8192x768xf32, #tpu.memory_space<hbm>> -> memref<64x768xf32, #tpu.memory_space<hbm>>
    tpu.enqueue_dma source(%arg17 : memref<64x768xf32, #tpu.memory_space<vmem>>) target(%dma_start3A_464 : memref<64x768xf32, #tpu.memory_space<hbm>>) target_semaphore(%arg21 : memref<!tpu.dma_semaphore, #tpu.memory_space<semaphore_mem>>)
    %dma_wait3A_465 = arith.constant 0 : i32
    %dma_wait3A_466 = tpu.memref_slice %arg7[%add3A_424, %dma_wait3A_465] : memref<8192x768xf32, #tpu.memory_space<hbm>> -> memref<64x768xf32, #tpu.memory_space<hbm>>
    %dma_wait3A_467 = arith.constant 0 : i32
    %dma_wait3A_468 = tpu.memref_slice %arg7[%add3A_424, %dma_wait3A_467] : memref<8192x768xf32, #tpu.memory_space<hbm>> -> memref<64x768xf32, #tpu.memory_space<hbm>>
    tpu.wait_dma2 semaphore(%arg22 : memref<!tpu.dma_semaphore, #tpu.memory_space<semaphore_mem>>) src(%arg18 : memref<64x768xf32, #tpu.memory_space<vmem>>) dst(%dma_wait3A_468 : memref<64x768xf32, #tpu.memory_space<hbm>>)
    %dma_wait3A_469 = arith.constant 0 : i32
    %dma_wait3A_470 = tpu.memref_slice %arg12[%add3A_424, %dma_wait3A_469] : memref<8192x768xf32, #tpu.memory_space<hbm>> -> memref<64x768xf32, #tpu.memory_space<hbm>>
    %dma_wait3A_471 = arith.constant 0 : i32
    %dma_wait3A_472 = tpu.memref_slice %arg12[%add3A_424, %dma_wait3A_471] : memref<8192x768xf32, #tpu.memory_space<hbm>> -> memref<64x768xf32, #tpu.memory_space<hbm>>
    tpu.wait_dma2 semaphore(%arg22 : memref<!tpu.dma_semaphore, #tpu.memory_space<semaphore_mem>>) src(%arg18 : memref<64x768xf32, #tpu.memory_space<vmem>>) dst(%dma_wait3A_472 : memref<64x768xf32, #tpu.memory_space<hbm>>)
    %dma_start3A_473 = arith.constant 3 : i32
    %dma_start3A_474 = arith.constant 192 : i32
    %dma_start3A_475 = tpu.memref_slice %arg16[%dma_start3A_473, %dma_start3A_474] : memref<6x256xi32, #tpu.memory_space<vmem>> -> memref<1x64xi32, #tpu.memory_space<vmem>>
    %dma_start3A_476 = tpu.memref_squeeze %dma_start3A_475 : memref<1x64xi32, #tpu.memory_space<vmem>> -> memref<64xi32, #tpu.memory_space<vmem>>
    %dma_start3A_477 = arith.constant 0 : i32
    %dma_start3A_478 = arith.constant 0 : i32
    %dma_start3A_479 = tpu.memref_slice %arg3[%dma_start3A_477, %dma_start3A_478] : memref<301824x768xf32, #tpu.memory_space<hbm>> -> memref<301824x768xf32, #tpu.memory_space<hbm>>
    tpu.enqueue_indirect_dma source(%dma_start3A_479 : memref<301824x768xf32, #tpu.memory_space<hbm>>) target(%arg18 : memref<64x768xf32, #tpu.memory_space<vmem>>) offsets(%dma_start3A_476 : memref<64xi32, #tpu.memory_space<vmem>>) semaphore(%arg20 : memref<!tpu.dma_semaphore, #tpu.memory_space<semaphore_mem>>)
    %dma_wait3A_480 = arith.constant 3 : i32
    %dma_wait3A_481 = arith.constant 192 : i32
    %dma_wait3A_482 = tpu.memref_slice %arg16[%dma_wait3A_480, %dma_wait3A_481] : memref<6x256xi32, #tpu.memory_space<vmem>> -> memref<1x64xi32, #tpu.memory_space<vmem>>
    %dma_wait3A_483 = tpu.memref_squeeze %dma_wait3A_482 : memref<1x64xi32, #tpu.memory_space<vmem>> -> memref<64xi32, #tpu.memory_space<vmem>>
    %dma_wait3A_484 = arith.constant 0 : i32
    %dma_wait3A_485 = arith.constant 0 : i32
    %dma_wait3A_486 = tpu.memref_slice %arg3[%dma_wait3A_484, %dma_wait3A_485] : memref<301824x768xf32, #tpu.memory_space<hbm>> -> memref<301824x768xf32, #tpu.memory_space<hbm>>
    tpu.wait_indirect_dma semaphore(%arg20 : memref<!tpu.dma_semaphore, #tpu.memory_space<semaphore_mem>>) src(%dma_wait3A_486 : memref<301824x768xf32, #tpu.memory_space<hbm>>) dst(%arg18 : memref<64x768xf32, #tpu.memory_space<vmem>>)
    %add3A_487 = arith.constant 192 : i32
    %add3A_488 = arith.addi %mul3A_2, %add3A_487 : i32
    %dma_start3A_489 = arith.constant 0 : i32
    %dma_start3A_490 = tpu.memref_slice %arg7[%add3A_488, %dma_start3A_489] : memref<8192x768xf32, #tpu.memory_space<hbm>> -> memref<64x768xf32, #tpu.memory_space<hbm>>
    %dma_start3A_491 = arith.constant 0 : i32
    %dma_start3A_492 = tpu.memref_slice %arg7[%add3A_488, %dma_start3A_491] : memref<8192x768xf32, #tpu.memory_space<hbm>> -> memref<64x768xf32, #tpu.memory_space<hbm>>
    tpu.enqueue_dma source(%arg18 : memref<64x768xf32, #tpu.memory_space<vmem>>) target(%dma_start3A_492 : memref<64x768xf32, #tpu.memory_space<hbm>>) target_semaphore(%arg22 : memref<!tpu.dma_semaphore, #tpu.memory_space<semaphore_mem>>)
    %dma_start3A_493 = arith.constant 0 : i32
    %dma_start3A_494 = tpu.memref_slice %arg12[%add3A_488, %dma_start3A_493] : memref<8192x768xf32, #tpu.memory_space<hbm>> -> memref<64x768xf32, #tpu.memory_space<hbm>>
    %dma_start3A_495 = arith.constant 0 : i32
    %dma_start3A_496 = tpu.memref_slice %arg12[%add3A_488, %dma_start3A_495] : memref<8192x768xf32, #tpu.memory_space<hbm>> -> memref<64x768xf32, #tpu.memory_space<hbm>>
    tpu.enqueue_dma source(%arg18 : memref<64x768xf32, #tpu.memory_space<vmem>>) target(%dma_start3A_496 : memref<64x768xf32, #tpu.memory_space<hbm>>) target_semaphore(%arg22 : memref<!tpu.dma_semaphore, #tpu.memory_space<semaphore_mem>>)
    %dma_wait3A_497 = arith.constant 0 : i32
    %dma_wait3A_498 = tpu.memref_slice %arg7[%add3A_456, %dma_wait3A_497] : memref<8192x768xf32, #tpu.memory_space<hbm>> -> memref<64x768xf32, #tpu.memory_space<hbm>>
    %dma_wait3A_499 = arith.constant 0 : i32
    %dma_wait3A_500 = tpu.memref_slice %arg7[%add3A_456, %dma_wait3A_499] : memref<8192x768xf32, #tpu.memory_space<hbm>> -> memref<64x768xf32, #tpu.memory_space<hbm>>
    tpu.wait_dma2 semaphore(%arg21 : memref<!tpu.dma_semaphore, #tpu.memory_space<semaphore_mem>>) src(%arg17 : memref<64x768xf32, #tpu.memory_space<vmem>>) dst(%dma_wait3A_500 : memref<64x768xf32, #tpu.memory_space<hbm>>)
    %dma_wait3A_501 = arith.constant 0 : i32
    %dma_wait3A_502 = tpu.memref_slice %arg12[%add3A_456, %dma_wait3A_501] : memref<8192x768xf32, #tpu.memory_space<hbm>> -> memref<64x768xf32, #tpu.memory_space<hbm>>
    %dma_wait3A_503 = arith.constant 0 : i32
    %dma_wait3A_504 = tpu.memref_slice %arg12[%add3A_456, %dma_wait3A_503] : memref<8192x768xf32, #tpu.memory_space<hbm>> -> memref<64x768xf32, #tpu.memory_space<hbm>>
    tpu.wait_dma2 semaphore(%arg21 : memref<!tpu.dma_semaphore, #tpu.memory_space<semaphore_mem>>) src(%arg17 : memref<64x768xf32, #tpu.memory_space<vmem>>) dst(%dma_wait3A_504 : memref<64x768xf32, #tpu.memory_space<hbm>>)
    %dma_start3A_505 = arith.constant 4 : i32
    %dma_start3A_506 = arith.constant 0 : i32
    %dma_start3A_507 = tpu.memref_slice %arg16[%dma_start3A_505, %dma_start3A_506] : memref<6x256xi32, #tpu.memory_space<vmem>> -> memref<1x64xi32, #tpu.memory_space<vmem>>
    %dma_start3A_508 = tpu.memref_squeeze %dma_start3A_507 : memref<1x64xi32, #tpu.memory_space<vmem>> -> memref<64xi32, #tpu.memory_space<vmem>>
    %dma_start3A_509 = arith.constant 0 : i32
    %dma_start3A_510 = arith.constant 0 : i32
    %dma_start3A_511 = tpu.memref_slice %arg3[%dma_start3A_509, %dma_start3A_510] : memref<301824x768xf32, #tpu.memory_space<hbm>> -> memref<301824x768xf32, #tpu.memory_space<hbm>>
    tpu.enqueue_indirect_dma source(%dma_start3A_511 : memref<301824x768xf32, #tpu.memory_space<hbm>>) target(%arg17 : memref<64x768xf32, #tpu.memory_space<vmem>>) offsets(%dma_start3A_508 : memref<64xi32, #tpu.memory_space<vmem>>) semaphore(%arg19 : memref<!tpu.dma_semaphore, #tpu.memory_space<semaphore_mem>>)
    %dma_wait3A_512 = arith.constant 4 : i32
    %dma_wait3A_513 = arith.constant 0 : i32
    %dma_wait3A_514 = tpu.memref_slice %arg16[%dma_wait3A_512, %dma_wait3A_513] : memref<6x256xi32, #tpu.memory_space<vmem>> -> memref<1x64xi32, #tpu.memory_space<vmem>>
    %dma_wait3A_515 = tpu.memref_squeeze %dma_wait3A_514 : memref<1x64xi32, #tpu.memory_space<vmem>> -> memref<64xi32, #tpu.memory_space<vmem>>
    %dma_wait3A_516 = arith.constant 0 : i32
    %dma_wait3A_517 = arith.constant 0 : i32
    %dma_wait3A_518 = tpu.memref_slice %arg3[%dma_wait3A_516, %dma_wait3A_517] : memref<301824x768xf32, #tpu.memory_space<hbm>> -> memref<301824x768xf32, #tpu.memory_space<hbm>>
    tpu.wait_indirect_dma semaphore(%arg19 : memref<!tpu.dma_semaphore, #tpu.memory_space<semaphore_mem>>) src(%dma_wait3A_518 : memref<301824x768xf32, #tpu.memory_space<hbm>>) dst(%arg17 : memref<64x768xf32, #tpu.memory_space<vmem>>)
    %add3A_519 = arith.constant 0 : i32
    %add3A_520 = arith.addi %mul3A_2, %add3A_519 : i32
    %dma_start3A_521 = arith.constant 0 : i32
    %dma_start3A_522 = tpu.memref_slice %arg8[%add3A_520, %dma_start3A_521] : memref<8192x768xf32, #tpu.memory_space<hbm>> -> memref<64x768xf32, #tpu.memory_space<hbm>>
    %dma_start3A_523 = arith.constant 0 : i32
    %dma_start3A_524 = tpu.memref_slice %arg8[%add3A_520, %dma_start3A_523] : memref<8192x768xf32, #tpu.memory_space<hbm>> -> memref<64x768xf32, #tpu.memory_space<hbm>>
    tpu.enqueue_dma source(%arg17 : memref<64x768xf32, #tpu.memory_space<vmem>>) target(%dma_start3A_524 : memref<64x768xf32, #tpu.memory_space<hbm>>) target_semaphore(%arg21 : memref<!tpu.dma_semaphore, #tpu.memory_space<semaphore_mem>>)
    %dma_start3A_525 = arith.constant 0 : i32
    %dma_start3A_526 = tpu.memref_slice %arg11[%add3A_520, %dma_start3A_525] : memref<8192x768xf32, #tpu.memory_space<hbm>> -> memref<64x768xf32, #tpu.memory_space<hbm>>
    %dma_start3A_527 = arith.constant 0 : i32
    %dma_start3A_528 = tpu.memref_slice %arg11[%add3A_520, %dma_start3A_527] : memref<8192x768xf32, #tpu.memory_space<hbm>> -> memref<64x768xf32, #tpu.memory_space<hbm>>
    tpu.enqueue_dma source(%arg17 : memref<64x768xf32, #tpu.memory_space<vmem>>) target(%dma_start3A_528 : memref<64x768xf32, #tpu.memory_space<hbm>>) target_semaphore(%arg21 : memref<!tpu.dma_semaphore, #tpu.memory_space<semaphore_mem>>)
    %dma_wait3A_529 = arith.constant 0 : i32
    %dma_wait3A_530 = tpu.memref_slice %arg7[%add3A_488, %dma_wait3A_529] : memref<8192x768xf32, #tpu.memory_space<hbm>> -> memref<64x768xf32, #tpu.memory_space<hbm>>
    %dma_wait3A_531 = arith.constant 0 : i32
    %dma_wait3A_532 = tpu.memref_slice %arg7[%add3A_488, %dma_wait3A_531] : memref<8192x768xf32, #tpu.memory_space<hbm>> -> memref<64x768xf32, #tpu.memory_space<hbm>>
    tpu.wait_dma2 semaphore(%arg22 : memref<!tpu.dma_semaphore, #tpu.memory_space<semaphore_mem>>) src(%arg18 : memref<64x768xf32, #tpu.memory_space<vmem>>) dst(%dma_wait3A_532 : memref<64x768xf32, #tpu.memory_space<hbm>>)
    %dma_wait3A_533 = arith.constant 0 : i32
    %dma_wait3A_534 = tpu.memref_slice %arg12[%add3A_488, %dma_wait3A_533] : memref<8192x768xf32, #tpu.memory_space<hbm>> -> memref<64x768xf32, #tpu.memory_space<hbm>>
    %dma_wait3A_535 = arith.constant 0 : i32
    %dma_wait3A_536 = tpu.memref_slice %arg12[%add3A_488, %dma_wait3A_535] : memref<8192x768xf32, #tpu.memory_space<hbm>> -> memref<64x768xf32, #tpu.memory_space<hbm>>
    tpu.wait_dma2 semaphore(%arg22 : memref<!tpu.dma_semaphore, #tpu.memory_space<semaphore_mem>>) src(%arg18 : memref<64x768xf32, #tpu.memory_space<vmem>>) dst(%dma_wait3A_536 : memref<64x768xf32, #tpu.memory_space<hbm>>)
    %dma_start3A_537 = arith.constant 4 : i32
    %dma_start3A_538 = arith.constant 64 : i32
    %dma_start3A_539 = tpu.memref_slice %arg16[%dma_start3A_537, %dma_start3A_538] : memref<6x256xi32, #tpu.memory_space<vmem>> -> memref<1x64xi32, #tpu.memory_space<vmem>>
    %dma_start3A_540 = tpu.memref_squeeze %dma_start3A_539 : memref<1x64xi32, #tpu.memory_space<vmem>> -> memref<64xi32, #tpu.memory_space<vmem>>
    %dma_start3A_541 = arith.constant 0 : i32
    %dma_start3A_542 = arith.constant 0 : i32
    %dma_start3A_543 = tpu.memref_slice %arg3[%dma_start3A_541, %dma_start3A_542] : memref<301824x768xf32, #tpu.memory_space<hbm>> -> memref<301824x768xf32, #tpu.memory_space<hbm>>
    tpu.enqueue_indirect_dma source(%dma_start3A_543 : memref<301824x768xf32, #tpu.memory_space<hbm>>) target(%arg18 : memref<64x768xf32, #tpu.memory_space<vmem>>) offsets(%dma_start3A_540 : memref<64xi32, #tpu.memory_space<vmem>>) semaphore(%arg20 : memref<!tpu.dma_semaphore, #tpu.memory_space<semaphore_mem>>)
    %dma_wait3A_544 = arith.constant 4 : i32
    %dma_wait3A_545 = arith.constant 64 : i32
    %dma_wait3A_546 = tpu.memref_slice %arg16[%dma_wait3A_544, %dma_wait3A_545] : memref<6x256xi32, #tpu.memory_space<vmem>> -> memref<1x64xi32, #tpu.memory_space<vmem>>
    %dma_wait3A_547 = tpu.memref_squeeze %dma_wait3A_546 : memref<1x64xi32, #tpu.memory_space<vmem>> -> memref<64xi32, #tpu.memory_space<vmem>>
    %dma_wait3A_548 = arith.constant 0 : i32
    %dma_wait3A_549 = arith.constant 0 : i32
    %dma_wait3A_550 = tpu.memref_slice %arg3[%dma_wait3A_548, %dma_wait3A_549] : memref<301824x768xf32, #tpu.memory_space<hbm>> -> memref<301824x768xf32, #tpu.memory_space<hbm>>
    tpu.wait_indirect_dma semaphore(%arg20 : memref<!tpu.dma_semaphore, #tpu.memory_space<semaphore_mem>>) src(%dma_wait3A_550 : memref<301824x768xf32, #tpu.memory_space<hbm>>) dst(%arg18 : memref<64x768xf32, #tpu.memory_space<vmem>>)
    %add3A_551 = arith.constant 64 : i32
    %add3A_552 = arith.addi %mul3A_2, %add3A_551 : i32
    %dma_start3A_553 = arith.constant 0 : i32
    %dma_start3A_554 = tpu.memref_slice %arg8[%add3A_552, %dma_start3A_553] : memref<8192x768xf32, #tpu.memory_space<hbm>> -> memref<64x768xf32, #tpu.memory_space<hbm>>
    %dma_start3A_555 = arith.constant 0 : i32
    %dma_start3A_556 = tpu.memref_slice %arg8[%add3A_552, %dma_start3A_555] : memref<8192x768xf32, #tpu.memory_space<hbm>> -> memref<64x768xf32, #tpu.memory_space<hbm>>
    tpu.enqueue_dma source(%arg18 : memref<64x768xf32, #tpu.memory_space<vmem>>) target(%dma_start3A_556 : memref<64x768xf32, #tpu.memory_space<hbm>>) target_semaphore(%arg22 : memref<!tpu.dma_semaphore, #tpu.memory_space<semaphore_mem>>)
    %dma_start3A_557 = arith.constant 0 : i32
    %dma_start3A_558 = tpu.memref_slice %arg11[%add3A_552, %dma_start3A_557] : memref<8192x768xf32, #tpu.memory_space<hbm>> -> memref<64x768xf32, #tpu.memory_space<hbm>>
    %dma_start3A_559 = arith.constant 0 : i32
    %dma_start3A_560 = tpu.memref_slice %arg11[%add3A_552, %dma_start3A_559] : memref<8192x768xf32, #tpu.memory_space<hbm>> -> memref<64x768xf32, #tpu.memory_space<hbm>>
    tpu.enqueue_dma source(%arg18 : memref<64x768xf32, #tpu.memory_space<vmem>>) target(%dma_start3A_560 : memref<64x768xf32, #tpu.memory_space<hbm>>) target_semaphore(%arg22 : memref<!tpu.dma_semaphore, #tpu.memory_space<semaphore_mem>>)
    %dma_wait3A_561 = arith.constant 0 : i32
    %dma_wait3A_562 = tpu.memref_slice %arg8[%add3A_520, %dma_wait3A_561] : memref<8192x768xf32, #tpu.memory_space<hbm>> -> memref<64x768xf32, #tpu.memory_space<hbm>>
    %dma_wait3A_563 = arith.constant 0 : i32
    %dma_wait3A_564 = tpu.memref_slice %arg8[%add3A_520, %dma_wait3A_563] : memref<8192x768xf32, #tpu.memory_space<hbm>> -> memref<64x768xf32, #tpu.memory_space<hbm>>
    tpu.wait_dma2 semaphore(%arg21 : memref<!tpu.dma_semaphore, #tpu.memory_space<semaphore_mem>>) src(%arg17 : memref<64x768xf32, #tpu.memory_space<vmem>>) dst(%dma_wait3A_564 : memref<64x768xf32, #tpu.memory_space<hbm>>)
    %dma_wait3A_565 = arith.constant 0 : i32
    %dma_wait3A_566 = tpu.memref_slice %arg11[%add3A_520, %dma_wait3A_565] : memref<8192x768xf32, #tpu.memory_space<hbm>> -> memref<64x768xf32, #tpu.memory_space<hbm>>
    %dma_wait3A_567 = arith.constant 0 : i32
    %dma_wait3A_568 = tpu.memref_slice %arg11[%add3A_520, %dma_wait3A_567] : memref<8192x768xf32, #tpu.memory_space<hbm>> -> memref<64x768xf32, #tpu.memory_space<hbm>>
    tpu.wait_dma2 semaphore(%arg21 : memref<!tpu.dma_semaphore, #tpu.memory_space<semaphore_mem>>) src(%arg17 : memref<64x768xf32, #tpu.memory_space<vmem>>) dst(%dma_wait3A_568 : memref<64x768xf32, #tpu.memory_space<hbm>>)
    %dma_start3A_569 = arith.constant 4 : i32
    %dma_start3A_570 = arith.constant 128 : i32
    %dma_start3A_571 = tpu.memref_slice %arg16[%dma_start3A_569, %dma_start3A_570] : memref<6x256xi32, #tpu.memory_space<vmem>> -> memref<1x64xi32, #tpu.memory_space<vmem>>
    %dma_start3A_572 = tpu.memref_squeeze %dma_start3A_571 : memref<1x64xi32, #tpu.memory_space<vmem>> -> memref<64xi32, #tpu.memory_space<vmem>>
    %dma_start3A_573 = arith.constant 0 : i32
    %dma_start3A_574 = arith.constant 0 : i32
    %dma_start3A_575 = tpu.memref_slice %arg3[%dma_start3A_573, %dma_start3A_574] : memref<301824x768xf32, #tpu.memory_space<hbm>> -> memref<301824x768xf32, #tpu.memory_space<hbm>>
    tpu.enqueue_indirect_dma source(%dma_start3A_575 : memref<301824x768xf32, #tpu.memory_space<hbm>>) target(%arg17 : memref<64x768xf32, #tpu.memory_space<vmem>>) offsets(%dma_start3A_572 : memref<64xi32, #tpu.memory_space<vmem>>) semaphore(%arg19 : memref<!tpu.dma_semaphore, #tpu.memory_space<semaphore_mem>>)
    %dma_wait3A_576 = arith.constant 4 : i32
    %dma_wait3A_577 = arith.constant 128 : i32
    %dma_wait3A_578 = tpu.memref_slice %arg16[%dma_wait3A_576, %dma_wait3A_577] : memref<6x256xi32, #tpu.memory_space<vmem>> -> memref<1x64xi32, #tpu.memory_space<vmem>>
    %dma_wait3A_579 = tpu.memref_squeeze %dma_wait3A_578 : memref<1x64xi32, #tpu.memory_space<vmem>> -> memref<64xi32, #tpu.memory_space<vmem>>
    %dma_wait3A_580 = arith.constant 0 : i32
    %dma_wait3A_581 = arith.constant 0 : i32
    %dma_wait3A_582 = tpu.memref_slice %arg3[%dma_wait3A_580, %dma_wait3A_581] : memref<301824x768xf32, #tpu.memory_space<hbm>> -> memref<301824x768xf32, #tpu.memory_space<hbm>>
    tpu.wait_indirect_dma semaphore(%arg19 : memref<!tpu.dma_semaphore, #tpu.memory_space<semaphore_mem>>) src(%dma_wait3A_582 : memref<301824x768xf32, #tpu.memory_space<hbm>>) dst(%arg17 : memref<64x768xf32, #tpu.memory_space<vmem>>)
    %add3A_583 = arith.constant 128 : i32
    %add3A_584 = arith.addi %mul3A_2, %add3A_583 : i32
    %dma_start3A_585 = arith.constant 0 : i32
    %dma_start3A_586 = tpu.memref_slice %arg8[%add3A_584, %dma_start3A_585] : memref<8192x768xf32, #tpu.memory_space<hbm>> -> memref<64x768xf32, #tpu.memory_space<hbm>>
    %dma_start3A_587 = arith.constant 0 : i32
    %dma_start3A_588 = tpu.memref_slice %arg8[%add3A_584, %dma_start3A_587] : memref<8192x768xf32, #tpu.memory_space<hbm>> -> memref<64x768xf32, #tpu.memory_space<hbm>>
    tpu.enqueue_dma source(%arg17 : memref<64x768xf32, #tpu.memory_space<vmem>>) target(%dma_start3A_588 : memref<64x768xf32, #tpu.memory_space<hbm>>) target_semaphore(%arg21 : memref<!tpu.dma_semaphore, #tpu.memory_space<semaphore_mem>>)
    %dma_start3A_589 = arith.constant 0 : i32
    %dma_start3A_590 = tpu.memref_slice %arg11[%add3A_584, %dma_start3A_589] : memref<8192x768xf32, #tpu.memory_space<hbm>> -> memref<64x768xf32, #tpu.memory_space<hbm>>
    %dma_start3A_591 = arith.constant 0 : i32
    %dma_start3A_592 = tpu.memref_slice %arg11[%add3A_584, %dma_start3A_591] : memref<8192x768xf32, #tpu.memory_space<hbm>> -> memref<64x768xf32, #tpu.memory_space<hbm>>
    tpu.enqueue_dma source(%arg17 : memref<64x768xf32, #tpu.memory_space<vmem>>) target(%dma_start3A_592 : memref<64x768xf32, #tpu.memory_space<hbm>>) target_semaphore(%arg21 : memref<!tpu.dma_semaphore, #tpu.memory_space<semaphore_mem>>)
    %dma_wait3A_593 = arith.constant 0 : i32
    %dma_wait3A_594 = tpu.memref_slice %arg8[%add3A_552, %dma_wait3A_593] : memref<8192x768xf32, #tpu.memory_space<hbm>> -> memref<64x768xf32, #tpu.memory_space<hbm>>
    %dma_wait3A_595 = arith.constant 0 : i32
    %dma_wait3A_596 = tpu.memref_slice %arg8[%add3A_552, %dma_wait3A_595] : memref<8192x768xf32, #tpu.memory_space<hbm>> -> memref<64x768xf32, #tpu.memory_space<hbm>>
    tpu.wait_dma2 semaphore(%arg22 : memref<!tpu.dma_semaphore, #tpu.memory_space<semaphore_mem>>) src(%arg18 : memref<64x768xf32, #tpu.memory_space<vmem>>) dst(%dma_wait3A_596 : memref<64x768xf32, #tpu.memory_space<hbm>>)
    %dma_wait3A_597 = arith.constant 0 : i32
    %dma_wait3A_598 = tpu.memref_slice %arg11[%add3A_552, %dma_wait3A_597] : memref<8192x768xf32, #tpu.memory_space<hbm>> -> memref<64x768xf32, #tpu.memory_space<hbm>>
    %dma_wait3A_599 = arith.constant 0 : i32
    %dma_wait3A_600 = tpu.memref_slice %arg11[%add3A_552, %dma_wait3A_599] : memref<8192x768xf32, #tpu.memory_space<hbm>> -> memref<64x768xf32, #tpu.memory_space<hbm>>
    tpu.wait_dma2 semaphore(%arg22 : memref<!tpu.dma_semaphore, #tpu.memory_space<semaphore_mem>>) src(%arg18 : memref<64x768xf32, #tpu.memory_space<vmem>>) dst(%dma_wait3A_600 : memref<64x768xf32, #tpu.memory_space<hbm>>)
    %dma_start3A_601 = arith.constant 4 : i32
    %dma_start3A_602 = arith.constant 192 : i32
    %dma_start3A_603 = tpu.memref_slice %arg16[%dma_start3A_601, %dma_start3A_602] : memref<6x256xi32, #tpu.memory_space<vmem>> -> memref<1x64xi32, #tpu.memory_space<vmem>>
    %dma_start3A_604 = tpu.memref_squeeze %dma_start3A_603 : memref<1x64xi32, #tpu.memory_space<vmem>> -> memref<64xi32, #tpu.memory_space<vmem>>
    %dma_start3A_605 = arith.constant 0 : i32
    %dma_start3A_606 = arith.constant 0 : i32
    %dma_start3A_607 = tpu.memref_slice %arg3[%dma_start3A_605, %dma_start3A_606] : memref<301824x768xf32, #tpu.memory_space<hbm>> -> memref<301824x768xf32, #tpu.memory_space<hbm>>
    tpu.enqueue_indirect_dma source(%dma_start3A_607 : memref<301824x768xf32, #tpu.memory_space<hbm>>) target(%arg18 : memref<64x768xf32, #tpu.memory_space<vmem>>) offsets(%dma_start3A_604 : memref<64xi32, #tpu.memory_space<vmem>>) semaphore(%arg20 : memref<!tpu.dma_semaphore, #tpu.memory_space<semaphore_mem>>)
    %dma_wait3A_608 = arith.constant 4 : i32
    %dma_wait3A_609 = arith.constant 192 : i32
    %dma_wait3A_610 = tpu.memref_slice %arg16[%dma_wait3A_608, %dma_wait3A_609] : memref<6x256xi32, #tpu.memory_space<vmem>> -> memref<1x64xi32, #tpu.memory_space<vmem>>
    %dma_wait3A_611 = tpu.memref_squeeze %dma_wait3A_610 : memref<1x64xi32, #tpu.memory_space<vmem>> -> memref<64xi32, #tpu.memory_space<vmem>>
    %dma_wait3A_612 = arith.constant 0 : i32
    %dma_wait3A_613 = arith.constant 0 : i32
    %dma_wait3A_614 = tpu.memref_slice %arg3[%dma_wait3A_612, %dma_wait3A_613] : memref<301824x768xf32, #tpu.memory_space<hbm>> -> memref<301824x768xf32, #tpu.memory_space<hbm>>
    tpu.wait_indirect_dma semaphore(%arg20 : memref<!tpu.dma_semaphore, #tpu.memory_space<semaphore_mem>>) src(%dma_wait3A_614 : memref<301824x768xf32, #tpu.memory_space<hbm>>) dst(%arg18 : memref<64x768xf32, #tpu.memory_space<vmem>>)
    %add3A_615 = arith.constant 192 : i32
    %add3A_616 = arith.addi %mul3A_2, %add3A_615 : i32
    %dma_start3A_617 = arith.constant 0 : i32
    %dma_start3A_618 = tpu.memref_slice %arg8[%add3A_616, %dma_start3A_617] : memref<8192x768xf32, #tpu.memory_space<hbm>> -> memref<64x768xf32, #tpu.memory_space<hbm>>
    %dma_start3A_619 = arith.constant 0 : i32
    %dma_start3A_620 = tpu.memref_slice %arg8[%add3A_616, %dma_start3A_619] : memref<8192x768xf32, #tpu.memory_space<hbm>> -> memref<64x768xf32, #tpu.memory_space<hbm>>
    tpu.enqueue_dma source(%arg18 : memref<64x768xf32, #tpu.memory_space<vmem>>) target(%dma_start3A_620 : memref<64x768xf32, #tpu.memory_space<hbm>>) target_semaphore(%arg22 : memref<!tpu.dma_semaphore, #tpu.memory_space<semaphore_mem>>)
    %dma_start3A_621 = arith.constant 0 : i32
    %dma_start3A_622 = tpu.memref_slice %arg11[%add3A_616, %dma_start3A_621] : memref<8192x768xf32, #tpu.memory_space<hbm>> -> memref<64x768xf32, #tpu.memory_space<hbm>>
    %dma_start3A_623 = arith.constant 0 : i32
    %dma_start3A_624 = tpu.memref_slice %arg11[%add3A_616, %dma_start3A_623] : memref<8192x768xf32, #tpu.memory_space<hbm>> -> memref<64x768xf32, #tpu.memory_space<hbm>>
    tpu.enqueue_dma source(%arg18 : memref<64x768xf32, #tpu.memory_space<vmem>>) target(%dma_start3A_624 : memref<64x768xf32, #tpu.memory_space<hbm>>) target_semaphore(%arg22 : memref<!tpu.dma_semaphore, #tpu.memory_space<semaphore_mem>>)
    %dma_wait3A_625 = arith.constant 0 : i32
    %dma_wait3A_626 = tpu.memref_slice %arg8[%add3A_584, %dma_wait3A_625] : memref<8192x768xf32, #tpu.memory_space<hbm>> -> memref<64x768xf32, #tpu.memory_space<hbm>>
    %dma_wait3A_627 = arith.constant 0 : i32
    %dma_wait3A_628 = tpu.memref_slice %arg8[%add3A_584, %dma_wait3A_627] : memref<8192x768xf32, #tpu.memory_space<hbm>> -> memref<64x768xf32, #tpu.memory_space<hbm>>
    tpu.wait_dma2 semaphore(%arg21 : memref<!tpu.dma_semaphore, #tpu.memory_space<semaphore_mem>>) src(%arg17 : memref<64x768xf32, #tpu.memory_space<vmem>>) dst(%dma_wait3A_628 : memref<64x768xf32, #tpu.memory_space<hbm>>)
    %dma_wait3A_629 = arith.constant 0 : i32
    %dma_wait3A_630 = tpu.memref_slice %arg11[%add3A_584, %dma_wait3A_629] : memref<8192x768xf32, #tpu.memory_space<hbm>> -> memref<64x768xf32, #tpu.memory_space<hbm>>
    %dma_wait3A_631 = arith.constant 0 : i32
    %dma_wait3A_632 = tpu.memref_slice %arg11[%add3A_584, %dma_wait3A_631] : memref<8192x768xf32, #tpu.memory_space<hbm>> -> memref<64x768xf32, #tpu.memory_space<hbm>>
    tpu.wait_dma2 semaphore(%arg21 : memref<!tpu.dma_semaphore, #tpu.memory_space<semaphore_mem>>) src(%arg17 : memref<64x768xf32, #tpu.memory_space<vmem>>) dst(%dma_wait3A_632 : memref<64x768xf32, #tpu.memory_space<hbm>>)
    %dma_start3A_633 = arith.constant 5 : i32
    %dma_start3A_634 = arith.constant 0 : i32
    %dma_start3A_635 = tpu.memref_slice %arg16[%dma_start3A_633, %dma_start3A_634] : memref<6x256xi32, #tpu.memory_space<vmem>> -> memref<1x64xi32, #tpu.memory_space<vmem>>
    %dma_start3A_636 = tpu.memref_squeeze %dma_start3A_635 : memref<1x64xi32, #tpu.memory_space<vmem>> -> memref<64xi32, #tpu.memory_space<vmem>>
    %dma_start3A_637 = arith.constant 0 : i32
    %dma_start3A_638 = arith.constant 0 : i32
    %dma_start3A_639 = tpu.memref_slice %arg3[%dma_start3A_637, %dma_start3A_638] : memref<301824x768xf32, #tpu.memory_space<hbm>> -> memref<301824x768xf32, #tpu.memory_space<hbm>>
    tpu.enqueue_indirect_dma source(%dma_start3A_639 : memref<301824x768xf32, #tpu.memory_space<hbm>>) target(%arg17 : memref<64x768xf32, #tpu.memory_space<vmem>>) offsets(%dma_start3A_636 : memref<64xi32, #tpu.memory_space<vmem>>) semaphore(%arg19 : memref<!tpu.dma_semaphore, #tpu.memory_space<semaphore_mem>>)
    %dma_wait3A_640 = arith.constant 5 : i32
    %dma_wait3A_641 = arith.constant 0 : i32
    %dma_wait3A_642 = tpu.memref_slice %arg16[%dma_wait3A_640, %dma_wait3A_641] : memref<6x256xi32, #tpu.memory_space<vmem>> -> memref<1x64xi32, #tpu.memory_space<vmem>>
    %dma_wait3A_643 = tpu.memref_squeeze %dma_wait3A_642 : memref<1x64xi32, #tpu.memory_space<vmem>> -> memref<64xi32, #tpu.memory_space<vmem>>
    %dma_wait3A_644 = arith.constant 0 : i32
    %dma_wait3A_645 = arith.constant 0 : i32
    %dma_wait3A_646 = tpu.memref_slice %arg3[%dma_wait3A_644, %dma_wait3A_645] : memref<301824x768xf32, #tpu.memory_space<hbm>> -> memref<301824x768xf32, #tpu.memory_space<hbm>>
    tpu.wait_indirect_dma semaphore(%arg19 : memref<!tpu.dma_semaphore, #tpu.memory_space<semaphore_mem>>) src(%dma_wait3A_646 : memref<301824x768xf32, #tpu.memory_space<hbm>>) dst(%arg17 : memref<64x768xf32, #tpu.memory_space<vmem>>)
    %add3A_647 = arith.constant 0 : i32
    %add3A_648 = arith.addi %mul3A_2, %add3A_647 : i32
    %dma_start3A_649 = arith.constant 0 : i32
    %dma_start3A_650 = tpu.memref_slice %arg9[%add3A_648, %dma_start3A_649] : memref<8192x768xf32, #tpu.memory_space<hbm>> -> memref<64x768xf32, #tpu.memory_space<hbm>>
    %dma_start3A_651 = arith.constant 0 : i32
    %dma_start3A_652 = tpu.memref_slice %arg9[%add3A_648, %dma_start3A_651] : memref<8192x768xf32, #tpu.memory_space<hbm>> -> memref<64x768xf32, #tpu.memory_space<hbm>>
    tpu.enqueue_dma source(%arg17 : memref<64x768xf32, #tpu.memory_space<vmem>>) target(%dma_start3A_652 : memref<64x768xf32, #tpu.memory_space<hbm>>) target_semaphore(%arg21 : memref<!tpu.dma_semaphore, #tpu.memory_space<semaphore_mem>>)
    %dma_start3A_653 = arith.constant 0 : i32
    %dma_start3A_654 = tpu.memref_slice %arg10[%add3A_648, %dma_start3A_653] : memref<8192x768xf32, #tpu.memory_space<hbm>> -> memref<64x768xf32, #tpu.memory_space<hbm>>
    %dma_start3A_655 = arith.constant 0 : i32
    %dma_start3A_656 = tpu.memref_slice %arg10[%add3A_648, %dma_start3A_655] : memref<8192x768xf32, #tpu.memory_space<hbm>> -> memref<64x768xf32, #tpu.memory_space<hbm>>
    tpu.enqueue_dma source(%arg17 : memref<64x768xf32, #tpu.memory_space<vmem>>) target(%dma_start3A_656 : memref<64x768xf32, #tpu.memory_space<hbm>>) target_semaphore(%arg21 : memref<!tpu.dma_semaphore, #tpu.memory_space<semaphore_mem>>)
    %dma_wait3A_657 = arith.constant 0 : i32
    %dma_wait3A_658 = tpu.memref_slice %arg8[%add3A_616, %dma_wait3A_657] : memref<8192x768xf32, #tpu.memory_space<hbm>> -> memref<64x768xf32, #tpu.memory_space<hbm>>
    %dma_wait3A_659 = arith.constant 0 : i32
    %dma_wait3A_660 = tpu.memref_slice %arg8[%add3A_616, %dma_wait3A_659] : memref<8192x768xf32, #tpu.memory_space<hbm>> -> memref<64x768xf32, #tpu.memory_space<hbm>>
    tpu.wait_dma2 semaphore(%arg22 : memref<!tpu.dma_semaphore, #tpu.memory_space<semaphore_mem>>) src(%arg18 : memref<64x768xf32, #tpu.memory_space<vmem>>) dst(%dma_wait3A_660 : memref<64x768xf32, #tpu.memory_space<hbm>>)
    %dma_wait3A_661 = arith.constant 0 : i32
    %dma_wait3A_662 = tpu.memref_slice %arg11[%add3A_616, %dma_wait3A_661] : memref<8192x768xf32, #tpu.memory_space<hbm>> -> memref<64x768xf32, #tpu.memory_space<hbm>>
    %dma_wait3A_663 = arith.constant 0 : i32
    %dma_wait3A_664 = tpu.memref_slice %arg11[%add3A_616, %dma_wait3A_663] : memref<8192x768xf32, #tpu.memory_space<hbm>> -> memref<64x768xf32, #tpu.memory_space<hbm>>
    tpu.wait_dma2 semaphore(%arg22 : memref<!tpu.dma_semaphore, #tpu.memory_space<semaphore_mem>>) src(%arg18 : memref<64x768xf32, #tpu.memory_space<vmem>>) dst(%dma_wait3A_664 : memref<64x768xf32, #tpu.memory_space<hbm>>)
    %dma_start3A_665 = arith.constant 5 : i32
    %dma_start3A_666 = arith.constant 64 : i32
    %dma_start3A_667 = tpu.memref_slice %arg16[%dma_start3A_665, %dma_start3A_666] : memref<6x256xi32, #tpu.memory_space<vmem>> -> memref<1x64xi32, #tpu.memory_space<vmem>>
    %dma_start3A_668 = tpu.memref_squeeze %dma_start3A_667 : memref<1x64xi32, #tpu.memory_space<vmem>> -> memref<64xi32, #tpu.memory_space<vmem>>
    %dma_start3A_669 = arith.constant 0 : i32
    %dma_start3A_670 = arith.constant 0 : i32
    %dma_start3A_671 = tpu.memref_slice %arg3[%dma_start3A_669, %dma_start3A_670] : memref<301824x768xf32, #tpu.memory_space<hbm>> -> memref<301824x768xf32, #tpu.memory_space<hbm>>
    tpu.enqueue_indirect_dma source(%dma_start3A_671 : memref<301824x768xf32, #tpu.memory_space<hbm>>) target(%arg18 : memref<64x768xf32, #tpu.memory_space<vmem>>) offsets(%dma_start3A_668 : memref<64xi32, #tpu.memory_space<vmem>>) semaphore(%arg20 : memref<!tpu.dma_semaphore, #tpu.memory_space<semaphore_mem>>)
    %dma_wait3A_672 = arith.constant 5 : i32
    %dma_wait3A_673 = arith.constant 64 : i32
    %dma_wait3A_674 = tpu.memref_slice %arg16[%dma_wait3A_672, %dma_wait3A_673] : memref<6x256xi32, #tpu.memory_space<vmem>> -> memref<1x64xi32, #tpu.memory_space<vmem>>
    %dma_wait3A_675 = tpu.memref_squeeze %dma_wait3A_674 : memref<1x64xi32, #tpu.memory_space<vmem>> -> memref<64xi32, #tpu.memory_space<vmem>>
    %dma_wait3A_676 = arith.constant 0 : i32
    %dma_wait3A_677 = arith.constant 0 : i32
    %dma_wait3A_678 = tpu.memref_slice %arg3[%dma_wait3A_676, %dma_wait3A_677] : memref<301824x768xf32, #tpu.memory_space<hbm>> -> memref<301824x768xf32, #tpu.memory_space<hbm>>
    tpu.wait_indirect_dma semaphore(%arg20 : memref<!tpu.dma_semaphore, #tpu.memory_space<semaphore_mem>>) src(%dma_wait3A_678 : memref<301824x768xf32, #tpu.memory_space<hbm>>) dst(%arg18 : memref<64x768xf32, #tpu.memory_space<vmem>>)
    %add3A_679 = arith.constant 64 : i32
    %add3A_680 = arith.addi %mul3A_2, %add3A_679 : i32
    %dma_start3A_681 = arith.constant 0 : i32
    %dma_start3A_682 = tpu.memref_slice %arg9[%add3A_680, %dma_start3A_681] : memref<8192x768xf32, #tpu.memory_space<hbm>> -> memref<64x768xf32, #tpu.memory_space<hbm>>
    %dma_start3A_683 = arith.constant 0 : i32
    %dma_start3A_684 = tpu.memref_slice %arg9[%add3A_680, %dma_start3A_683] : memref<8192x768xf32, #tpu.memory_space<hbm>> -> memref<64x768xf32, #tpu.memory_space<hbm>>
    tpu.enqueue_dma source(%arg18 : memref<64x768xf32, #tpu.memory_space<vmem>>) target(%dma_start3A_684 : memref<64x768xf32, #tpu.memory_space<hbm>>) target_semaphore(%arg22 : memref<!tpu.dma_semaphore, #tpu.memory_space<semaphore_mem>>)
    %dma_start3A_685 = arith.constant 0 : i32
    %dma_start3A_686 = tpu.memref_slice %arg10[%add3A_680, %dma_start3A_685] : memref<8192x768xf32, #tpu.memory_space<hbm>> -> memref<64x768xf32, #tpu.memory_space<hbm>>
    %dma_start3A_687 = arith.constant 0 : i32
    %dma_start3A_688 = tpu.memref_slice %arg10[%add3A_680, %dma_start3A_687] : memref<8192x768xf32, #tpu.memory_space<hbm>> -> memref<64x768xf32, #tpu.memory_space<hbm>>
    tpu.enqueue_dma source(%arg18 : memref<64x768xf32, #tpu.memory_space<vmem>>) target(%dma_start3A_688 : memref<64x768xf32, #tpu.memory_space<hbm>>) target_semaphore(%arg22 : memref<!tpu.dma_semaphore, #tpu.memory_space<semaphore_mem>>)
    %dma_wait3A_689 = arith.constant 0 : i32
    %dma_wait3A_690 = tpu.memref_slice %arg9[%add3A_648, %dma_wait3A_689] : memref<8192x768xf32, #tpu.memory_space<hbm>> -> memref<64x768xf32, #tpu.memory_space<hbm>>
    %dma_wait3A_691 = arith.constant 0 : i32
    %dma_wait3A_692 = tpu.memref_slice %arg9[%add3A_648, %dma_wait3A_691] : memref<8192x768xf32, #tpu.memory_space<hbm>> -> memref<64x768xf32, #tpu.memory_space<hbm>>
    tpu.wait_dma2 semaphore(%arg21 : memref<!tpu.dma_semaphore, #tpu.memory_space<semaphore_mem>>) src(%arg17 : memref<64x768xf32, #tpu.memory_space<vmem>>) dst(%dma_wait3A_692 : memref<64x768xf32, #tpu.memory_space<hbm>>)
    %dma_wait3A_693 = arith.constant 0 : i32
    %dma_wait3A_694 = tpu.memref_slice %arg10[%add3A_648, %dma_wait3A_693] : memref<8192x768xf32, #tpu.memory_space<hbm>> -> memref<64x768xf32, #tpu.memory_space<hbm>>
    %dma_wait3A_695 = arith.constant 0 : i32
    %dma_wait3A_696 = tpu.memref_slice %arg10[%add3A_648, %dma_wait3A_695] : memref<8192x768xf32, #tpu.memory_space<hbm>> -> memref<64x768xf32, #tpu.memory_space<hbm>>
    tpu.wait_dma2 semaphore(%arg21 : memref<!tpu.dma_semaphore, #tpu.memory_space<semaphore_mem>>) src(%arg17 : memref<64x768xf32, #tpu.memory_space<vmem>>) dst(%dma_wait3A_696 : memref<64x768xf32, #tpu.memory_space<hbm>>)
    %dma_start3A_697 = arith.constant 5 : i32
    %dma_start3A_698 = arith.constant 128 : i32
    %dma_start3A_699 = tpu.memref_slice %arg16[%dma_start3A_697, %dma_start3A_698] : memref<6x256xi32, #tpu.memory_space<vmem>> -> memref<1x64xi32, #tpu.memory_space<vmem>>
    %dma_start3A_700 = tpu.memref_squeeze %dma_start3A_699 : memref<1x64xi32, #tpu.memory_space<vmem>> -> memref<64xi32, #tpu.memory_space<vmem>>
    %dma_start3A_701 = arith.constant 0 : i32
    %dma_start3A_702 = arith.constant 0 : i32
    %dma_start3A_703 = tpu.memref_slice %arg3[%dma_start3A_701, %dma_start3A_702] : memref<301824x768xf32, #tpu.memory_space<hbm>> -> memref<301824x768xf32, #tpu.memory_space<hbm>>
    tpu.enqueue_indirect_dma source(%dma_start3A_703 : memref<301824x768xf32, #tpu.memory_space<hbm>>) target(%arg17 : memref<64x768xf32, #tpu.memory_space<vmem>>) offsets(%dma_start3A_700 : memref<64xi32, #tpu.memory_space<vmem>>) semaphore(%arg19 : memref<!tpu.dma_semaphore, #tpu.memory_space<semaphore_mem>>)
    %dma_wait3A_704 = arith.constant 5 : i32
    %dma_wait3A_705 = arith.constant 128 : i32
    %dma_wait3A_706 = tpu.memref_slice %arg16[%dma_wait3A_704, %dma_wait3A_705] : memref<6x256xi32, #tpu.memory_space<vmem>> -> memref<1x64xi32, #tpu.memory_space<vmem>>
    %dma_wait3A_707 = tpu.memref_squeeze %dma_wait3A_706 : memref<1x64xi32, #tpu.memory_space<vmem>> -> memref<64xi32, #tpu.memory_space<vmem>>
    %dma_wait3A_708 = arith.constant 0 : i32
    %dma_wait3A_709 = arith.constant 0 : i32
    %dma_wait3A_710 = tpu.memref_slice %arg3[%dma_wait3A_708, %dma_wait3A_709] : memref<301824x768xf32, #tpu.memory_space<hbm>> -> memref<301824x768xf32, #tpu.memory_space<hbm>>
    tpu.wait_indirect_dma semaphore(%arg19 : memref<!tpu.dma_semaphore, #tpu.memory_space<semaphore_mem>>) src(%dma_wait3A_710 : memref<301824x768xf32, #tpu.memory_space<hbm>>) dst(%arg17 : memref<64x768xf32, #tpu.memory_space<vmem>>)
    %add3A_711 = arith.constant 128 : i32
    %add3A_712 = arith.addi %mul3A_2, %add3A_711 : i32
    %dma_start3A_713 = arith.constant 0 : i32
    %dma_start3A_714 = tpu.memref_slice %arg9[%add3A_712, %dma_start3A_713] : memref<8192x768xf32, #tpu.memory_space<hbm>> -> memref<64x768xf32, #tpu.memory_space<hbm>>
    %dma_start3A_715 = arith.constant 0 : i32
    %dma_start3A_716 = tpu.memref_slice %arg9[%add3A_712, %dma_start3A_715] : memref<8192x768xf32, #tpu.memory_space<hbm>> -> memref<64x768xf32, #tpu.memory_space<hbm>>
    tpu.enqueue_dma source(%arg17 : memref<64x768xf32, #tpu.memory_space<vmem>>) target(%dma_start3A_716 : memref<64x768xf32, #tpu.memory_space<hbm>>) target_semaphore(%arg21 : memref<!tpu.dma_semaphore, #tpu.memory_space<semaphore_mem>>)
    %dma_start3A_717 = arith.constant 0 : i32
    %dma_start3A_718 = tpu.memref_slice %arg10[%add3A_712, %dma_start3A_717] : memref<8192x768xf32, #tpu.memory_space<hbm>> -> memref<64x768xf32, #tpu.memory_space<hbm>>
    %dma_start3A_719 = arith.constant 0 : i32
    %dma_start3A_720 = tpu.memref_slice %arg10[%add3A_712, %dma_start3A_719] : memref<8192x768xf32, #tpu.memory_space<hbm>> -> memref<64x768xf32, #tpu.memory_space<hbm>>
    tpu.enqueue_dma source(%arg17 : memref<64x768xf32, #tpu.memory_space<vmem>>) target(%dma_start3A_720 : memref<64x768xf32, #tpu.memory_space<hbm>>) target_semaphore(%arg21 : memref<!tpu.dma_semaphore, #tpu.memory_space<semaphore_mem>>)
    %dma_wait3A_721 = arith.constant 0 : i32
    %dma_wait3A_722 = tpu.memref_slice %arg9[%add3A_680, %dma_wait3A_721] : memref<8192x768xf32, #tpu.memory_space<hbm>> -> memref<64x768xf32, #tpu.memory_space<hbm>>
    %dma_wait3A_723 = arith.constant 0 : i32
    %dma_wait3A_724 = tpu.memref_slice %arg9[%add3A_680, %dma_wait3A_723] : memref<8192x768xf32, #tpu.memory_space<hbm>> -> memref<64x768xf32, #tpu.memory_space<hbm>>
    tpu.wait_dma2 semaphore(%arg22 : memref<!tpu.dma_semaphore, #tpu.memory_space<semaphore_mem>>) src(%arg18 : memref<64x768xf32, #tpu.memory_space<vmem>>) dst(%dma_wait3A_724 : memref<64x768xf32, #tpu.memory_space<hbm>>)
    %dma_wait3A_725 = arith.constant 0 : i32
    %dma_wait3A_726 = tpu.memref_slice %arg10[%add3A_680, %dma_wait3A_725] : memref<8192x768xf32, #tpu.memory_space<hbm>> -> memref<64x768xf32, #tpu.memory_space<hbm>>
    %dma_wait3A_727 = arith.constant 0 : i32
    %dma_wait3A_728 = tpu.memref_slice %arg10[%add3A_680, %dma_wait3A_727] : memref<8192x768xf32, #tpu.memory_space<hbm>> -> memref<64x768xf32, #tpu.memory_space<hbm>>
    tpu.wait_dma2 semaphore(%arg22 : memref<!tpu.dma_semaphore, #tpu.memory_space<semaphore_mem>>) src(%arg18 : memref<64x768xf32, #tpu.memory_space<vmem>>) dst(%dma_wait3A_728 : memref<64x768xf32, #tpu.memory_space<hbm>>)
    %dma_start3A_729 = arith.constant 5 : i32
    %dma_start3A_730 = arith.constant 192 : i32
    %dma_start3A_731 = tpu.memref_slice %arg16[%dma_start3A_729, %dma_start3A_730] : memref<6x256xi32, #tpu.memory_space<vmem>> -> memref<1x64xi32, #tpu.memory_space<vmem>>
    %dma_start3A_732 = tpu.memref_squeeze %dma_start3A_731 : memref<1x64xi32, #tpu.memory_space<vmem>> -> memref<64xi32, #tpu.memory_space<vmem>>
    %dma_start3A_733 = arith.constant 0 : i32
    %dma_start3A_734 = arith.constant 0 : i32
    %dma_start3A_735 = tpu.memref_slice %arg3[%dma_start3A_733, %dma_start3A_734] : memref<301824x768xf32, #tpu.memory_space<hbm>> -> memref<301824x768xf32, #tpu.memory_space<hbm>>
    tpu.enqueue_indirect_dma source(%dma_start3A_735 : memref<301824x768xf32, #tpu.memory_space<hbm>>) target(%arg18 : memref<64x768xf32, #tpu.memory_space<vmem>>) offsets(%dma_start3A_732 : memref<64xi32, #tpu.memory_space<vmem>>) semaphore(%arg20 : memref<!tpu.dma_semaphore, #tpu.memory_space<semaphore_mem>>)
    %dma_wait3A_736 = arith.constant 5 : i32
    %dma_wait3A_737 = arith.constant 192 : i32
    %dma_wait3A_738 = tpu.memref_slice %arg16[%dma_wait3A_736, %dma_wait3A_737] : memref<6x256xi32, #tpu.memory_space<vmem>> -> memref<1x64xi32, #tpu.memory_space<vmem>>
    %dma_wait3A_739 = tpu.memref_squeeze %dma_wait3A_738 : memref<1x64xi32, #tpu.memory_space<vmem>> -> memref<64xi32, #tpu.memory_space<vmem>>
    %dma_wait3A_740 = arith.constant 0 : i32
    %dma_wait3A_741 = arith.constant 0 : i32
    %dma_wait3A_742 = tpu.memref_slice %arg3[%dma_wait3A_740, %dma_wait3A_741] : memref<301824x768xf32, #tpu.memory_space<hbm>> -> memref<301824x768xf32, #tpu.memory_space<hbm>>
    tpu.wait_indirect_dma semaphore(%arg20 : memref<!tpu.dma_semaphore, #tpu.memory_space<semaphore_mem>>) src(%dma_wait3A_742 : memref<301824x768xf32, #tpu.memory_space<hbm>>) dst(%arg18 : memref<64x768xf32, #tpu.memory_space<vmem>>)
    %add3A_743 = arith.constant 192 : i32
    %add3A_744 = arith.addi %mul3A_2, %add3A_743 : i32
    %dma_start3A_745 = arith.constant 0 : i32
    %dma_start3A_746 = tpu.memref_slice %arg9[%add3A_744, %dma_start3A_745] : memref<8192x768xf32, #tpu.memory_space<hbm>> -> memref<64x768xf32, #tpu.memory_space<hbm>>
    %dma_start3A_747 = arith.constant 0 : i32
    %dma_start3A_748 = tpu.memref_slice %arg9[%add3A_744, %dma_start3A_747] : memref<8192x768xf32, #tpu.memory_space<hbm>> -> memref<64x768xf32, #tpu.memory_space<hbm>>
    tpu.enqueue_dma source(%arg18 : memref<64x768xf32, #tpu.memory_space<vmem>>) target(%dma_start3A_748 : memref<64x768xf32, #tpu.memory_space<hbm>>) target_semaphore(%arg22 : memref<!tpu.dma_semaphore, #tpu.memory_space<semaphore_mem>>)
    %dma_start3A_749 = arith.constant 0 : i32
    %dma_start3A_750 = tpu.memref_slice %arg10[%add3A_744, %dma_start3A_749] : memref<8192x768xf32, #tpu.memory_space<hbm>> -> memref<64x768xf32, #tpu.memory_space<hbm>>
    %dma_start3A_751 = arith.constant 0 : i32
    %dma_start3A_752 = tpu.memref_slice %arg10[%add3A_744, %dma_start3A_751] : memref<8192x768xf32, #tpu.memory_space<hbm>> -> memref<64x768xf32, #tpu.memory_space<hbm>>
    tpu.enqueue_dma source(%arg18 : memref<64x768xf32, #tpu.memory_space<vmem>>) target(%dma_start3A_752 : memref<64x768xf32, #tpu.memory_space<hbm>>) target_semaphore(%arg22 : memref<!tpu.dma_semaphore, #tpu.memory_space<semaphore_mem>>)
    %dma_wait3A_753 = arith.constant 0 : i32
    %dma_wait3A_754 = tpu.memref_slice %arg9[%add3A_712, %dma_wait3A_753] : memref<8192x768xf32, #tpu.memory_space<hbm>> -> memref<64x768xf32, #tpu.memory_space<hbm>>
    %dma_wait3A_755 = arith.constant 0 : i32
    %dma_wait3A_756 = tpu.memref_slice %arg9[%add3A_712, %dma_wait3A_755] : memref<8192x768xf32, #tpu.memory_space<hbm>> -> memref<64x768xf32, #tpu.memory_space<hbm>>
    tpu.wait_dma2 semaphore(%arg21 : memref<!tpu.dma_semaphore, #tpu.memory_space<semaphore_mem>>) src(%arg17 : memref<64x768xf32, #tpu.memory_space<vmem>>) dst(%dma_wait3A_756 : memref<64x768xf32, #tpu.memory_space<hbm>>)
    %dma_wait3A_757 = arith.constant 0 : i32
    %dma_wait3A_758 = tpu.memref_slice %arg10[%add3A_712, %dma_wait3A_757] : memref<8192x768xf32, #tpu.memory_space<hbm>> -> memref<64x768xf32, #tpu.memory_space<hbm>>
    %dma_wait3A_759 = arith.constant 0 : i32
    %dma_wait3A_760 = tpu.memref_slice %arg10[%add3A_712, %dma_wait3A_759] : memref<8192x768xf32, #tpu.memory_space<hbm>> -> memref<64x768xf32, #tpu.memory_space<hbm>>
    tpu.wait_dma2 semaphore(%arg21 : memref<!tpu.dma_semaphore, #tpu.memory_space<semaphore_mem>>) src(%arg17 : memref<64x768xf32, #tpu.memory_space<vmem>>) dst(%dma_wait3A_760 : memref<64x768xf32, #tpu.memory_space<hbm>>)
    %dma_wait3A_761 = arith.constant 0 : i32
    %dma_wait3A_762 = tpu.memref_slice %arg9[%add3A_744, %dma_wait3A_761] : memref<8192x768xf32, #tpu.memory_space<hbm>> -> memref<64x768xf32, #tpu.memory_space<hbm>>
    %dma_wait3A_763 = arith.constant 0 : i32
    %dma_wait3A_764 = tpu.memref_slice %arg9[%add3A_744, %dma_wait3A_763] : memref<8192x768xf32, #tpu.memory_space<hbm>> -> memref<64x768xf32, #tpu.memory_space<hbm>>
    tpu.wait_dma2 semaphore(%arg22 : memref<!tpu.dma_semaphore, #tpu.memory_space<semaphore_mem>>) src(%arg18 : memref<64x768xf32, #tpu.memory_space<vmem>>) dst(%dma_wait3A_764 : memref<64x768xf32, #tpu.memory_space<hbm>>)
    %dma_wait3A_765 = arith.constant 0 : i32
    %dma_wait3A_766 = tpu.memref_slice %arg10[%add3A_744, %dma_wait3A_765] : memref<8192x768xf32, #tpu.memory_space<hbm>> -> memref<64x768xf32, #tpu.memory_space<hbm>>
    %dma_wait3A_767 = arith.constant 0 : i32
    %dma_wait3A_768 = tpu.memref_slice %arg10[%add3A_744, %dma_wait3A_767] : memref<8192x768xf32, #tpu.memory_space<hbm>> -> memref<64x768xf32, #tpu.memory_space<hbm>>
    tpu.wait_dma2 semaphore(%arg22 : memref<!tpu.dma_semaphore, #tpu.memory_space<semaphore_mem>>) src(%arg18 : memref<64x768xf32, #tpu.memory_space<vmem>>) dst(%dma_wait3A_768 : memref<64x768xf32, #tpu.memory_space<hbm>>)
    return
  }
}

</mosaic_0001>

<sc_bundles>
// kernel: kernel.3.cloned.1.call-start
scs
__scs_entry_jumppad:
0x0: {  	(pc) =	sbr.rel $0x88, $3  }
0x1: {  	(tag) =	ssettag $0x0;
	lr =	simm.s32 $0x1  }
0x2: {  	[smem:$0x3F9F] =	sst lr;
	_ =	strace $0xD0000000  }
0x3: {  	_ = 	snop  }
0x4: {  	_ = 	snop  }
0x5: {  	_ = 	snop  }
0x6: {  	_ = 	snop  }
0x7: {  	_ = 	snop  }
__scs_overlays_trampoline_lowered:
0x8: {  	[smem:$0x3FAE] =	sst s0  }
0x9: {  	[smem:$0x3FAF] =	sst s1  }
0xa: {  	[smem:$0x3FB0] =	sst s2  }
0xb: {  	[smem:$0x3FB1] =	sst s3  }
0xc: {  	[smem:$0x3FB2] =	sst s4  }
0xd: {  	[smem:$0x3FB3] =	sst s5  }
0xe: {  	[smem:$0x3FB4] =	sst s6  }
0xf: {  	[smem:$0x3FB5] =	sst s7  }
0x10: {  	[smem:$0x3FB6] =	sst s8  }
0x11: {  	[smem:$0x3FB7] =	sst s9;
	s0 =	simm.s32 @!p0 $0x0  }
0x12: {  	s1 =	sld [smem:$0x3F9D];
	s0 =	simm.s32 @p0 $0x1  }
0x13: {  	[smem:$0x3FB8] =	sst s0;
	s0 =	simm.s32 @!p1 $0x0  }
0x14: {  	s2 =	sld [smem:$0x3F9C];
	s0 =	simm.s32 @p1 $0x1  }
0x15: {  	[smem:$0x3FB9] =	sst s0;
	s0 =	simm.s32 @!p2 $0x0  }
0x16: {  	s3 =	sld [smem:$0x3FDB];
	s0 =	simm.s32 @p2 $0x1  }
0x17: {  	s4 =	simm.s32 $0x1BF5;
	[smem:$0x3FBB] =	sst s0  }
0x18: {  	s0 =	sld [smem:$0x3F9E];
	_ =	swait.ge [sflag:s4], $0x0  }
0x19: {  	s7 =	sld [smem:$0x3F9F]  }
0x1a: {  	s8 =	sadd.s32 $0xFFFFE003, lr  }
0x1b: {  	s9 =	sadd.s32 $0xFFFFFEF7, lr;
	s5 =	simm.s32 $0xFFFFFFFF;
	p2 =	slt.u32 s8, $0xFFFFF086  }
0x1c: {  	p1 =	slt.u32 s9, $0xF7A;
	s5 =	simm.s32 @!p2 $0x0  }
0x1d: {  	s5 =	simm.s32 @p1 $0x1;
	p0 =	seq.s32 s7, s2  }
0x1e: {  	s7 =	smul.u32 @!p0 $0xF7A, s2;
	p2 =	seq.s32 @!p0 s5, $0x0  }
0x1f: {  	s9 =	smul.u32 $0xF7A, s1;
	s8 =	simm.s32 @!p0 $0x1BF5;
	p2 =	por !p2, p0  }
0x20: {  	[sflag:s8] =	ssyncset.s32 @!p0 $0xFFFFF086;
	s6 =	sadd.s32 @!p0 s3, s7;
	s7 =	simm.s32 @!p0 $0x108  }
0x21: {  	s3 =	sadd.s32 s3, s9;
	s6 =	sadd.s32 @!p0 $0x88, s6;
	s7 =	simm.s32 @p2 $0x1082  }
0x22: {  	[simem:s7], [sflag:s8] =	dma.local @!p0 [hbm:s6], $0xF7A  }
0x23: {  	s9 =	sor.u32 $0xD0000000, s2;
	s6 =	simm.s32 $0x108;
	_ =	swait.ge @!p0 [sflag:s8], $0x0  }
0x24: {  	s3 =	sadd.s32 $0x88, s3;
	s6 =	simm.s32 @!p1 $0x1082;
	[sflag:s4] =	ssyncset.s32 $0xFFFFF086  }
0x25: {  	[simem:s6], [sflag:s4] =	dma.local [hbm:s3], $0xF7A  }
0x26: {  	[smem:$0x3F9F] =	sst s1;
	(tag) =	ssettag s2;
	_ =	strace s9  }
0x27: {  	s1 =	sld [smem:$0x3FAF]  }
0x28: {  	s2 =	sld [smem:$0x3FB0]  }
0x29: {  	s4 =	sld [smem:$0x3FB2]  }
0x2a: {  	p0 =	seq.s32 s5, $0x0;
	s5 =	sld [smem:$0x3FB3]  }
0x2b: {  	s6 =	sld [smem:$0x3FB4]  }
0x2c: {  	s7 =	sld [smem:$0x3FB5]  }
0x2d: {  	s3 =	simm.s32 $0x108;
	s8 =	sld [smem:$0x3FB6]  }
0x2e: {  	s3 =	simm.s32 @!p0 $0x1082;
	s9 =	sld [smem:$0x3FB7]  }
0x2f: {  	lr =	sadd.s32 s0, s3;
	s0 =	sld [smem:$0x3FAE]  }
0x30: {  	s3 =	sld [smem:$0x3FB1]  }
0x31: {  	[smem:$0x3FBA] =	sst s10  }
0x32: {  	s10 =	sld [smem:$0x3FB8];
	_ =	sdelay $0x3  }
0x33: {  	p0 =	seq.s32 s10, $0x1;
	s10 =	sld [smem:$0x3FBA];
	_ =	sdelay $0x3  }
0x34: {  	[smem:$0x3FBA] =	sst s10  }
0x35: {  	s10 =	sld [smem:$0x3FB9];
	_ =	sdelay $0x3  }
0x36: {  	p1 =	seq.s32 s10, $0x1;
	s10 =	sld [smem:$0x3FBA];
	_ =	sdelay $0x3  }
0x37: {  	[smem:$0x3FBA] =	sst s10  }
0x38: {  	s10 =	sld [smem:$0x3FBB]  }
0x39: {  	_ = 	snop;
	(pc) =	sbr.ind lr, $3  }
0x3a: {  	_ = 	snop  }
0x3b: {  	_ = 	snop  }
0x3c: {  	p2 =	seq.s32 s10, $0x1;
	s10 =	sld [smem:$0x3FBA]  }
0x3d: {  	_ =	shalt  }
0x3e: {  	_ =	shalt  }
0x3f: {  	_ =	shalt  }
0x40: {  	_ =	shalt  }
0x41: {  	_ =	shalt  }
0x42: {  	_ =	shalt  }
0x43: {  	_ =	shalt  }
0x44: {  	_ =	shalt  }
0x45: {  	_ =	shalt  }
0x46: {  	_ =	shalt  }
0x47: {  	_ =	shalt  }
0x48: {  	_ =	shalt  }
0x49: {  	_ =	shalt  }
0x4a: {  	_ =	shalt  }
0x4b: {  	_ =	shalt  }
0x4c: {  	_ =	shalt  }
0x4d: {  	_ =	shalt  }
0x4e: {  	_ =	shalt  }
0x4f: {  	_ =	shalt  }
0x50: {  	_ =	shalt  }
0x51: {  	_ =	shalt  }
0x52: {  	_ =	shalt  }
0x53: {  	_ =	shalt  }
0x54: {  	_ =	shalt  }
0x55: {  	_ =	shalt  }
0x56: {  	_ =	shalt  }
0x57: {  	_ =	shalt  }
0x58: {  	_ =	shalt  }
0x59: {  	_ =	shalt  }
0x5a: {  	_ =	shalt  }
0x5b: {  	_ =	shalt  }
0x5c: {  	_ =	shalt  }
0x5d: {  	_ =	shalt  }
0x5e: {  	_ =	shalt  }
0x5f: {  	_ =	shalt  }
0x60: {  	_ =	shalt  }
0x61: {  	_ =	shalt  }
0x62: {  	_ =	shalt  }
0x63: {  	_ =	shalt  }
0x64: {  	_ =	shalt  }
0x65: {  	_ =	shalt  }
0x66: {  	_ =	shalt  }
0x67: {  	_ =	shalt  }
0x68: {  	_ =	shalt  }
0x69: {  	_ =	shalt  }
0x6a: {  	_ =	shalt  }
0x6b: {  	_ =	shalt  }
0x6c: {  	_ =	shalt  }
0x6d: {  	_ =	shalt  }
0x6e: {  	_ =	shalt  }
0x6f: {  	_ =	shalt  }
0x70: {  	_ =	shalt  }
0x71: {  	_ =	shalt  }
0x72: {  	_ =	shalt  }
0x73: {  	_ =	shalt  }
0x74: {  	_ =	shalt  }
0x75: {  	_ =	shalt  }
0x76: {  	_ =	shalt  }
0x77: {  	_ =	shalt  }
0x78: {  	_ =	shalt  }
0x79: {  	_ =	shalt  }
0x7a: {  	_ =	shalt  }
0x7b: {  	_ =	shalt  }
0x7c: {  	_ =	shalt  }
0x7d: {  	_ =	shalt  }
0x7e: {  	_ =	shalt  }
0x7f: {  	_ =	shalt  }
0x80: {  	_ =	shalt  }
0x81: {  	_ =	shalt  }
0x82: {  	_ =	shalt  }
0x83: {  	_ =	shalt  }
0x84: {  	_ =	shalt  }
0x85: {  	_ =	shalt  }
0x86: {  	_ =	shalt  }
0x87: {  	_ =	shalt  }
.Lfunc_end0:
.L_simem_size_0:
called_computation_lowered:
.L_overlay_start_0:
0x88: {  	s2 =	sld [smem:$0x3FD9]  }
0x89: {  	s3 =	sld [smem:$0x3FFE];
	_ =	sdelay $0x1  }
0x8a: {  	s1 =	srdreg.scid  }
0x8b: {  	s0 =	sand.u32 $0x1, s1  }
0x8c: {  	s25 =	sshll.u32 s0, $0xA;
	s2 =	sadd.s32 s3, s2  }
0x8d: {  	s2 =	sadd.s32 s2, s25  }
0x8e: {  	[smem:$0x3FC6] =	sst s2  }
0x8f: {  	_ = 	snop  }
0x90: {  	s11 =	sld [smem:$0x3FD0];
	_ =	sdelay $0x2  }
0x91: {  	s14 =	simm.s32 $0xA;
	s12 =	simm.s32 $0x10;
	s2 =	sld [smem:$0x3FC8]  }
0x92: {  	[smem:s12], [sflag:s14] =	dma.local [hbm:s11], $0x1  }
0x93: {  	_ =	swait.eq [sflag:s14], $0x1  }
0x94: {  	s3 =	sld [smem:$0x10]  }
0x95: {  	s4 =	sld [smem:$0x11]  }
0x96: {  	s5 =	sld [smem:$0x12]  }
0x97: {  	s6 =	sld [smem:$0x13]  }
0x98: {  	s7 =	sld [smem:$0x14]  }
0x99: {  	s8 =	sld [smem:$0x15];
	[sflag:s14] =	ssyncset.done $0x0  }
0x9a: {  	s9 =	sld [smem:$0x16];
	[sflag:s14] =	ssyncadd.s32 $0xFFFFFFFF  }
0x9b: {  	s11 =	sadd.s32 $0x1, s11;
	s10 =	sld [smem:$0x17]  }
0x9c: {  	[smem:s12], [sflag:s14] =	dma.local [hbm:s11], $0x1  }
0x9d: {  	_ =	swait.eq [sflag:s14], $0x1  }
0x9e: {  	s11 =	sld [smem:$0x10]  }
0x9f: {  	s12 =	sld [smem:$0x11];
	[sflag:s14] =	ssyncset.done $0x0  }
0xa0: {  	s13 =	sld [smem:$0x12];
	[sflag:s14] =	ssyncadd.s32 $0xFFFFFFFF  }
0xa1: {  	s14 =	sld [smem:$0x13];
	(tm) =	ssettm $0x1  }
0xa2: {  	s15 =	sld [smem:$0x3FFB];
	_ =	sdelay $0x3  }
0xa3: {  	_ =	strace s15  }
0xa4: {  	s15 =	sld [smem:$0x3FFC];
	_ =	sdelay $0x3  }
0xa5: {  	_ =	strace s15  }
0xa6: {  	s15 =	sld [smem:$0x3FFD];
	_ =	sdelay $0x3  }
0xa7: {  	_ =	strace s15  }
0xa8: {  	_ =	strace $0x8FFFFFFF  }
0xa9: {  	s26 =	sld [smem:$0x3FDB];
	_ =	sdelay $0x1  }
0xaa: {  	s16 =	simm.s32 $_scs_section_size  }
0xab: {  	s17 =	simm.s32 $_size__tile_task_arg_handler_lowered;
	s18 =	simm.s32 $_tile_task_arg_handler_lowered  }
0xac: {  	s30 =	simm.s32 $0x1BFF;
	s29 =	sshll.u32 s18, $0x1;
	s16 =	sadd.s32 s16, s26  }
0xad: {  	s19 =	simm.s32 $0x60;
	s28 =	sshll.u32 s17, $0x1;
	s17 =	sadd.s32 s29, s16  }
0xae: {  	[timem:s19], [sflag:s30] =	dma.local [hbm:s17], s28  }
0xaf: {  	_ =	swait.ge [sflag:s30], s28  }
0xb0: {  	s31 =	simm.s32 $_tile_overlayer_lowered;
	s15 =	ssub.s32 $0x0, s28;
	[sflag:s30] =	ssyncset.done $0x0  }
0xb1: {  	s19 =	simm.s32 $_size__tile_overlayer_lowered;
	s17 =	sshll.u32 s31, $0x1;
	[sflag:s30] =	ssyncadd.s32 s15  }
0xb2: {  	s21 =	simm.s32 $0x0;
	s20 =	sshll.u32 s19, $0x1;
	s17 =	sadd.s32 s17, s16  }
0xb3: {  	[timem:s21], [sflag:s30] =	dma.local [hbm:s17], s20  }
0xb4: {  	_ =	swait.ge [sflag:s30], s20  }
0xb5: {  	s22 =	ssub.s32 $0x0, s20;
	[sflag:s30] =	ssyncset.done $0x0  }
0xb6: {  	[sflag:s30] =	ssyncadd.s32 s22;
	_ =	sdelay $0x1  }
0xb7: {  	s23 =	simm.s32 $0x1B8B  }
0xb8: {  	_ =	swait.ge [sflag:s23], $0x1  }
0xb9: {  	[sflag:s23] =	ssyncset.done $0x0  }
0xba: {  	s25 =	simm.s32 $0x1B8E;
	s24 =	sld [smem:$0x3FFE];
	[sflag:s23] =	ssyncadd.s32 $0xFFFFFFFF  }
0xbb: {  	s26 =	simm.s32 $execute0_lowered;
	[smem:$0x3FD2] =	sst s25  }
0xbc: {  	s18 =	sshll.u32 s26, $0x1;
	_ =	strace $0x80000046;
	[dreg:$0x1] =	wrdreg $0xFFFFFFFF  }
0xbd: {  	s16 =	sadd.s32 s16, s18;
	s28 =	simm.s32 $_size_execute0_lowered;
	[dreg:$0x0] =	wrdreg $0x0  }
0xbe: {  	s18 =	sshll.u32 s28, $0x1;
	[dreg:$0x2] =	wrdreg s16  }
0xbf: {  	[dreg:$0x3] =	wrdreg s18  }
0xc0: {  	[dreg:$0x4] =	wrdreg $0xC0  }
0xc1: {  	_ =	task [dreg:s21], $0x5FFFF  }
0xc2: {  	[dreg:$0x1] =	wrdreg $0xFFFFFFFF  }
0xc3: {  	[dreg:$0x0] =	wrdreg $0x30  }
0xc4: {  	[dreg:$0x2] =	wrdreg $0x0  }
0xc5: {  	[dreg:$0x3] =	wrdreg $0x9  }
0xc6: {  	_ =	task [dreg:s21], $0x4FFFF  }
0xc7: {  	[dreg:$0x1] =	wrdreg $0xFFFFFFFF  }
0xc8: {  	[dreg:$0x0] =	wrdreg $0x60  }
0xc9: {  	[dreg:$0x2] =	wrdreg s24  }
0xca: {  	[dreg:$0x3] =	wrdreg s2  }
0xcb: {  	[dreg:$0x4] =	wrdreg s3  }
0xcc: {  	[dreg:$0x5] =	wrdreg s4  }
0xcd: {  	[dreg:$0x6] =	wrdreg s5  }
0xce: {  	[dreg:$0x7] =	wrdreg s6  }
0xcf: {  	[dreg:$0x8] =	wrdreg s7  }
0xd0: {  	[dreg:$0x9] =	wrdreg s8  }
0xd1: {  	[dreg:$0xa] =	wrdreg s9  }
0xd2: {  	[dreg:$0xb] =	wrdreg s10  }
0xd3: {  	[dreg:$0xc] =	wrdreg s11  }
0xd4: {  	[dreg:$0xd] =	wrdreg s12  }
0xd5: {  	[dreg:$0xe] =	wrdreg s13  }
0xd6: {  	[dreg:$0xf] =	wrdreg s14  }
0xd7: {  	_ =	task.clear_ibuf [dreg:s21], $0x10FFFF;
	_ =	strace $0x90000046  }
0xd8: {  	s29 =	simm.s32 $0x9;
	_ =	strace $0x80000048  }
0xd9: {  	_ =	swait.ge [sflag:s29], $0x1  }
0xda: {  	[sflag:s29] =	ssyncadd.s32 $0xFFFFFFFF  }
0xdb: {  	_ =	strace $0x90000048  }
0xdc: {  	_ =	sfence  }
0xdd: {  	s30 =	sld [smem:$0x0];
	_ =	sdelay $0x2  }
0xde: {  	s31 =	sshll.u32 s1, $0xD;
	s1 =	sshrl.u32 s1, $0x2  }
0xdf: {  	s3 =	sand.u32 $0x4000, s31;
	s1 =	sadd.s32 s1, s30  }
0xe0: {  	s0 =	sor.u32 s3, s0;
	s1 =	sshll.u32 s1, $0x11  }
0xe1: {  	s0 =	sor.u32 s1, s0  }
0xe2: {  	s0 =	sadd.s32 $0x8F2B, s0  }
0xe3: {  	[sflag:s0] =	ssyncadd.remote.s32 $0x1  }
0xe4: {  	_ =	sfence.sel $0xFFFF  }
0xe5: {  	[dreg:$0x0] =	wrdreg $0xFFFFFFFF;
	(pc) =	sbr.abs _section_cstart, $3  }
0xe6: {  	[dreg:$0x1] =	wrdreg $0xFFFFFFFF  }
0xe7: {  	_ =	task.clear_ibuf [dreg:s21], $0x2FFFF;
	_ =	strace $0x9FFFFFFF  }
0xe8: {  	(tm) =	ssettm $0x7FFFFFFF  }
0xe9: {  	_ =	shalt  }
tec
_tile_task_arg_handler_lowered:
.L_overlay_start_1:
0x0: {  	(tag) =	ssettag $0x1  }
0x1: {  	s0 =	rddreg [dreg:$0x0]  }
0x2: {  	s1 =	rddreg [dreg:$0x1]  }
0x3: {  	s2 =	rddreg [dreg:$0x2]  }
0x4: {  	s3 =	rddreg [dreg:$0x3]  }
0x5: {  	s4 =	rddreg [dreg:$0x4]  }
0x6: {  	s5 =	rddreg [dreg:$0x5]  }
0x7: {  	s6 =	rddreg [dreg:$0x6]  }
0x8: {  	s7 =	rddreg [dreg:$0x7]  }
0x9: {  	s8 =	rddreg [dreg:$0x8]  }
0xa: {  	s9 =	rddreg [dreg:$0x9]  }
0xb: {  	s10 =	rddreg [dreg:$0xa]  }
0xc: {  	s11 =	rddreg [dreg:$0xb]  }
0xd: {  	s12 =	rddreg [dreg:$0xc]  }
0xe: {  	s13 =	rddreg [dreg:$0xd]  }
0xf: {  	[smem:s0] =	sst s1  }
0x10: {  	[smem:s0+$0x1] =	sst s2  }
0x11: {  	[smem:s0+$0x2] =	sst s3  }
0x12: {  	[smem:s0+$0x3] =	sst s4  }
0x13: {  	[smem:s0+$0x4] =	sst s5  }
0x14: {  	[smem:s0+$0x5] =	sst s6  }
0x15: {  	[smem:s0+$0x6] =	sst s7  }
0x16: {  	[smem:s0+$0x7] =	sst s8  }
0x17: {  	[smem:s0+$0x8] =	sst s9  }
0x18: {  	[smem:s0+$0x9] =	sst s10  }
0x19: {  	[smem:s0+$0xA] =	sst s11  }
0x1a: {  	[smem:s0+$0xB] =	sst s12  }
0x1b: {  	[smem:s0+$0xC] =	sst s13;
	_ =	shalt  }
.Lfunc_end2:
execute0_lowered:
.L_overlay_start_2:
0x1c: {  	(tag) =	ssettag $0x2  }
0x1d: {  	s7 =	rddreg [dreg:$0x0]  }
0x1e: {  	s0 =	rddreg [dreg:$0x1]  }
0x1f: {  	s15 =	rddreg [dreg:$0x2]  }
0x20: {  	s16 =	rddreg [dreg:$0x3]  }
0x21: {  	s13 =	rddreg [dreg:$0x4]  }
0x22: {  	s8 =	rddreg [dreg:$0x5]  }
0x23: {  	s5 =	rddreg [dreg:$0x6]  }
0x24: {  	s2 =	rddreg [dreg:$0x7]  }
0x25: {  	s1 =	rddreg [dreg:$0x8]  }
0x26: {  	s6 =	rddreg [dreg:$0x9]  }
0x27: {  	s12 =	rddreg [dreg:$0xa]  }
0x28: {  	s14 =	rddreg [dreg:$0xb];
	s3 =	srdreg.scid  }
0x29: {  	s9 =	stileid.u32;
	s4 =	sand.u32 $0x1, s3;
	s3 =	simm.s32 $0x0  }
0x2a: {  	s9 =	sshll.u32 s9, $0x1;
	[smem:$0x7FF] =	sst s3  }
0x2b: {  	s9 =	sor.u32 s4, s9;
	s11 =	sld [smem:$0x0]  }
0x2c: {  	s17 =	rddreg [dreg:$0xc];
	s10 =	sshll.u32 s9, $0x8  }
0x2d: {  	s18 =	rddreg [dreg:$0xd];
	s10 =	sadd.s32 s10, s7;
	s7 =	smul.u32 $0x6000, s9  }
0x2e: {  	s10 =	sadd.s32 $0x800, s10;
	[smem:$0x7DE] =	sst s11  }
0x2f: {  	s11 =	sadd.s32 s15, s7;
	_ =	strace $0x80000047;
	[dreg:$0xe] =	wrdreg s10  }
0x30: {  	s20 =	sadd.s32 s18, s7;
	[dreg:$0xf] =	wrdreg s11  }
0x31: {  	s19 =	smul.u32 $0x30000, s9;
	s25 =	sadd.s32 s16, s7;
	[dreg:$0x10] =	wrdreg s20  }
0x32: {  	s9 =	sor.u32 $0x1800, s7;
	s26 =	sadd.s32 s17, s7;
	[dreg:$0x17] =	wrdreg s25  }
0x33: {  	s21 =	sadd.s32 s15, s9;
	[dreg:$0x18] =	wrdreg s26  }
0x34: {  	s22 =	sadd.s32 s18, s9;
	[dreg:$0x11] =	wrdreg s21  }
0x35: {  	s19 =	sshrl.u32 s19, $0x3;
	s28 =	sadd.s32 s16, s9;
	[dreg:$0x12] =	wrdreg s22  }
0x36: {  	s11 =	sadd.s32 $0x3000, s19;
	s29 =	sadd.s32 s17, s9;
	[dreg:$0x19] =	wrdreg s28  }
0x37: {  	s23 =	sadd.s32 s15, s11;
	[dreg:$0x1a] =	wrdreg s29  }
0x38: {  	s10 =	sadd.s32 $0x4800, s19;
	s20 =	sadd.s32 s18, s11;
	[dreg:$0x13] =	wrdreg s23  }
0x39: {  	s15 =	sadd.s32 s15, s10;
	[dreg:$0x14] =	wrdreg s20  }
0x3a: {  	s24 =	sadd.s32 s18, s10;
	[dreg:$0x15] =	wrdreg s15  }
0x3b: {  	s30 =	sadd.s32 s16, s11;
	[dreg:$0x16] =	wrdreg s24  }
0x3c: {  	s31 =	sadd.s32 s17, s11;
	[dreg:$0x1b] =	wrdreg s30  }
0x3d: {  	s18 =	sadd.s32 s16, s10;
	[dreg:$0x1c] =	wrdreg s31  }
0x3e: {  	s19 =	sadd.s32 s17, s10;
	[dreg:$0x1d] =	wrdreg s18  }
0x3f: {  	s21 =	sadd.s32 s14, s7;
	[dreg:$0x1e] =	wrdreg s19  }
0x40: {  	s22 =	sadd.s32 s13, s9;
	[smem:$0x7DF] =	sst s21  }
0x41: {  	s25 =	sadd.s32 s14, s11;
	[smem:$0x7E0] =	sst s22  }
0x42: {  	s26 =	sadd.s32 s14, s10;
	[smem:$0x7E3] =	sst s25  }
0x43: {  	s28 =	sadd.s32 s8, s7;
	[smem:$0x7E5] =	sst s26  }
0x44: {  	s29 =	sadd.s32 s12, s7;
	[smem:$0x7E6] =	sst s28  }
0x45: {  	s16 =	sadd.s32 s12, s10;
	[smem:$0x7E7] =	sst s29  }
0x46: {  	s17 =	sadd.s32 s5, s7;
	[smem:$0x7ED] =	sst s16  }
0x47: {  	s20 =	sadd.s32 s13, s7;
	[smem:$0x7EE] =	sst s17  }
0x48: {  	s23 =	sadd.s32 s14, s9;
	[dreg:$0x1f] =	wrdreg s20  }
0x49: {  	s24 =	sadd.s32 s13, s11;
	[smem:$0x7E1] =	sst s23  }
0x4a: {  	s13 =	sadd.s32 s13, s10;
	[smem:$0x7E2] =	sst s24  }
0x4b: {  	s30 =	sadd.s32 s8, s9;
	[smem:$0x7E4] =	sst s13  }
0x4c: {  	s31 =	sadd.s32 s12, s9;
	[smem:$0x7E8] =	sst s30  }
0x4d: {  	s14 =	sadd.s32 s8, s11;
	[smem:$0x7E9] =	sst s31  }
0x4e: {  	s15 =	sadd.s32 s12, s11;
	[smem:$0x7EA] =	sst s14  }
0x4f: {  	s8 =	sadd.s32 s8, s10;
	[smem:$0x7EB] =	sst s15  }
0x50: {  	s18 =	sadd.s32 s6, s7;
	[smem:$0x7EC] =	sst s8  }
0x51: {  	s19 =	sadd.s32 s5, s9;
	[smem:$0x7EF] =	sst s18  }
0x52: {  	s21 =	sadd.s32 s5, s11;
	[smem:$0x7F0] =	sst s19  }
0x53: {  	s22 =	sadd.s32 s6, s11;
	[smem:$0x7F2] =	sst s21  }
0x54: {  	s5 =	sadd.s32 s5, s10;
	[smem:$0x7F3] =	sst s22  }
0x55: {  	s4 =	ssub.s32 $0x2, s4;
	s25 =	sadd.s32 s1, s7;
	[smem:$0x7F4] =	sst s5  }
0x56: {  	s26 =	sadd.s32 s2, s9;
	s28 =	sadd.s32 s1, s9;
	[smem:$0x7F7] =	sst s25  }
0x57: {  	s29 =	sadd.s32 s2, s11;
	s20 =	sadd.s32 s6, s9;
	[smem:$0x7F8] =	sst s26  }
0x58: {  	s23 =	sadd.s32 s6, s10;
	s24 =	sadd.s32 s2, s7;
	[smem:$0x7F9] =	sst s28  }
0x59: {  	[smem:$0x7FA] =	sst s29;
	s30 =	sadd.s32 s1, s11;
	s31 =	sshrl.u32 s4, $0x1  }
0x5a: {  	s2 =	sadd.s32 s2, s10;
	s1 =	sadd.s32 s1, s10;
	[smem:$0x7F1] =	sst s20  }
0x5b: {  	s5 =	sadd.s32 $0x200, s0;
	s8 =	simm.s32 $0x800;
	[smem:$0x7F5] =	sst s23  }
0x5c: {  	s7 =	simm.s32 $0xC800;
	s9 =	simm.s32 $0x2;
	[smem:$0x7F6] =	sst s24  }
0x5d: {  	v2 =	vlaneseq.u32;
	s10 =	simm.s32 $0x3;
	s11 =	simm.s32 $0x4;
	[smem:$0x7FB] =	sst s30  }
0x5e: {  	vm0 =	vmmov $0xffff;
	v1 =	vshrl.u32 v2, $0x3;
	s6 =	ssub.s32 s4, s31;
	[smem:$0x7FC] =	sst s2;
	s4 =	sadd.s32 $0x100, s0  }
0x5f: {  	v0 =	vand.u32 $0x7, v2;
	v2 =	vor.u32 $0x8, v2;
	v1 =	vmul.u32 $0x8, v1;
	[smem:$0x7FD] =	sst s1;
	s2 =	simm.s32 $0x1;
	s1 =	smax.u32 s6, $0x1  }
.LBB3_1:
0x60: {  	[smem:$0x7DD] =	sst s1  }
0x61: {  	s12 =	rddreg [dreg:$0xe];
	s23 =	simm.s32 $0x5  }
0x62: {  	[tilespmem:s3], [sflag:$0x5] =	stream.linear.gather [hbm4b:s12+s3], $0x800, $0x38;
	[tilespmem:$0x18800] =	vst v63  }
0x63: {  	_ =	swait.ge [sflag:s23], $0x800  }
0x64: {  	[sflag:s23] =	ssyncset.done $0x0  }
0x65: {  	[sflag:s23] =	ssyncadd.s32 $0xFFFFF800  }
0x66: {  	v3 =	vld [tilespmem:$0x0];
	_ =	sdelay $0x4  }
0x67: {  	v4 =	vshrl.u32 v3, $0x3  }
0x68: {  	v4 =	vmul.u32 $0x30, v4  }
0x69: {  	v3 =	vand.u32 $0x7, v3  }
0x6a: {  	v3 =	vor.u32 v3, v4  }
0x6b: {  	v4 =	vperm.xlane v3, v0;
	_ =	sdelay $0x1  }
0x6c: {  	v4 =	vadd.s32 v1, v4;
	_ =	sdelay $0x3  }
0x6d: {  	v3 =	vperm.xlane v3, v2  }
0x6e: {  	[tilespmem:s8], [sflag:$0x1] =	stream.indirect_vreg.gather [hbm4b:s0+s3], $0x80, v4, vm0, $0xb8;
	[tilespmem:$0x18800] =	vst v63  }
0x6f: {  	s24 =	simm.s32 $0x1000;
	v3 =	vadd.s32 v1, v3  }
0x70: {  	[tilespmem:s24], [sflag:$0x1] =	stream.indirect_vreg.gather [hbm4b:s4+s3], $0x80, v4, vm0, $0xb8;
	[tilespmem:$0x18800] =	vst v63  }
0x71: {  	s25 =	simm.s32 $0x1800  }
0x72: {  	[tilespmem:s25], [sflag:$0x1] =	stream.indirect_vreg.gather [hbm4b:s5+s3], $0x80, v4, vm0, $0xb8;
	[tilespmem:$0x18800] =	vst v63  }
0x73: {  	s26 =	simm.s32 $0x2000  }
0x74: {  	[tilespmem:s26], [sflag:$0x1] =	stream.indirect_vreg.gather [hbm4b:s0+s3], $0x80, v3, vm0, $0xb8;
	[tilespmem:$0x18800] =	vst v63  }
0x75: {  	s28 =	simm.s32 $0x2800  }
0x76: {  	[tilespmem:s28], [sflag:$0x1] =	stream.indirect_vreg.gather [hbm4b:s4+s3], $0x80, v3, vm0, $0xb8;
	[tilespmem:$0x18800] =	vst v63  }
0x77: {  	s29 =	simm.s32 $0x3000  }
0x78: {  	[tilespmem:s29], [sflag:$0x1] =	stream.indirect_vreg.gather [hbm4b:s5+s3], $0x80, v3, vm0, $0xb8;
	[tilespmem:$0x18800] =	vst v63  }
0x79: {  	v3 =	vld [tilespmem:$0x10];
	_ =	sdelay $0x4  }
0x7a: {  	v25 =	vshrl.u32 v3, $0x3  }
0x7b: {  	v4 =	vmul.u32 $0x30, v25  }
0x7c: {  	v3 =	vand.u32 $0x7, v3  }
0x7d: {  	v3 =	vor.u32 v3, v4  }
0x7e: {  	v4 =	vperm.xlane v3, v0;
	_ =	sdelay $0x1  }
0x7f: {  	v4 =	vadd.s32 v1, v4;
	_ =	sdelay $0x3  }
0x80: {  	s30 =	simm.s32 $0x3800;
	v3 =	vperm.xlane v3, v2  }
0x81: {  	[tilespmem:s30], [sflag:$0x1] =	stream.indirect_vreg.gather [hbm4b:s0+s3], $0x80, v4, vm0, $0xb8;
	[tilespmem:$0x18800] =	vst v63  }
0x82: {  	s31 =	simm.s32 $0x4000;
	v3 =	vadd.s32 v1, v3  }
0x83: {  	[tilespmem:s31], [sflag:$0x1] =	stream.indirect_vreg.gather [hbm4b:s4+s3], $0x80, v4, vm0, $0xb8;
	[tilespmem:$0x18800] =	vst v63  }
0x84: {  	s6 =	simm.s32 $0x4800  }
0x85: {  	[tilespmem:s6], [sflag:$0x1] =	stream.indirect_vreg.gather [hbm4b:s5+s3], $0x80, v4, vm0, $0xb8;
	[tilespmem:$0x18800] =	vst v63  }
0x86: {  	s12 =	simm.s32 $0x5000  }
0x87: {  	[tilespmem:s12], [sflag:$0x1] =	stream.indirect_vreg.gather [hbm4b:s0+s3], $0x80, v3, vm0, $0xb8;
	[tilespmem:$0x18800] =	vst v63  }
0x88: {  	s13 =	simm.s32 $0x5800  }
0x89: {  	[tilespmem:s13], [sflag:$0x1] =	stream.indirect_vreg.gather [hbm4b:s4+s3], $0x80, v3, vm0, $0xb8;
	[tilespmem:$0x18800] =	vst v63  }
0x8a: {  	s14 =	simm.s32 $0x6000  }
0x8b: {  	[tilespmem:s14], [sflag:$0x1] =	stream.indirect_vreg.gather [hbm4b:s5+s3], $0x80, v3, vm0, $0xb8;
	[tilespmem:$0x18800] =	vst v63  }
0x8c: {  	v3 =	vld [tilespmem:$0x20];
	_ =	sdelay $0x4  }
0x8d: {  	v26 =	vshrl.u32 v3, $0x3  }
0x8e: {  	v4 =	vmul.u32 $0x30, v26  }
0x8f: {  	v3 =	vand.u32 $0x7, v3  }
0x90: {  	v3 =	vor.u32 v3, v4  }
0x91: {  	v4 =	vperm.xlane v3, v0;
	_ =	sdelay $0x1  }
0x92: {  	v4 =	vadd.s32 v1, v4;
	_ =	sdelay $0x3  }
0x93: {  	s15 =	simm.s32 $0x6800;
	v3 =	vperm.xlane v3, v2  }
0x94: {  	[tilespmem:s15], [sflag:$0x1] =	stream.indirect_vreg.gather [hbm4b:s0+s3], $0x80, v4, vm0, $0xb8;
	[tilespmem:$0x18800] =	vst v63  }
0x95: {  	s18 =	simm.s32 $0x7000;
	v3 =	vadd.s32 v1, v3  }
0x96: {  	[tilespmem:s18], [sflag:$0x1] =	stream.indirect_vreg.gather [hbm4b:s4+s3], $0x80, v4, vm0, $0xb8;
	[tilespmem:$0x18800] =	vst v63  }
0x97: {  	s19 =	simm.s32 $0x7800  }
0x98: {  	[tilespmem:s19], [sflag:$0x1] =	stream.indirect_vreg.gather [hbm4b:s5+s3], $0x80, v4, vm0, $0xb8;
	[tilespmem:$0x18800] =	vst v63  }
0x99: {  	s22 =	simm.s32 $0x8000  }
0x9a: {  	[tilespmem:s22], [sflag:$0x1] =	stream.indirect_vreg.gather [hbm4b:s0+s3], $0x80, v3, vm0, $0xb8;
	[tilespmem:$0x18800] =	vst v63  }
0x9b: {  	s23 =	simm.s32 $0x8800  }
0x9c: {  	[tilespmem:s23], [sflag:$0x1] =	stream.indirect_vreg.gather [hbm4b:s4+s3], $0x80, v3, vm0, $0xb8;
	[tilespmem:$0x18800] =	vst v63  }
0x9d: {  	s24 =	simm.s32 $0x9000  }
0x9e: {  	[tilespmem:s24], [sflag:$0x1] =	stream.indirect_vreg.gather [hbm4b:s5+s3], $0x80, v3, vm0, $0xb8;
	[tilespmem:$0x18800] =	vst v63  }
0x9f: {  	v3 =	vld [tilespmem:$0x30];
	_ =	sdelay $0x4  }
0xa0: {  	v27 =	vshrl.u32 v3, $0x3  }
0xa1: {  	v4 =	vmul.u32 $0x30, v27  }
0xa2: {  	v3 =	vand.u32 $0x7, v3  }
0xa3: {  	v3 =	vor.u32 v3, v4  }
0xa4: {  	v4 =	vperm.xlane v3, v0;
	_ =	sdelay $0x1  }
0xa5: {  	v4 =	vadd.s32 v1, v4;
	_ =	sdelay $0x3  }
0xa6: {  	s25 =	simm.s32 $0x9800;
	v3 =	vperm.xlane v3, v2  }
0xa7: {  	[tilespmem:s25], [sflag:$0x1] =	stream.indirect_vreg.gather [hbm4b:s0+s3], $0x80, v4, vm0, $0xb8;
	[tilespmem:$0x18800] =	vst v63  }
0xa8: {  	s26 =	simm.s32 $0xA000;
	v3 =	vadd.s32 v1, v3  }
0xa9: {  	[tilespmem:s26], [sflag:$0x1] =	stream.indirect_vreg.gather [hbm4b:s4+s3], $0x80, v4, vm0, $0xb8;
	[tilespmem:$0x18800] =	vst v63  }
0xaa: {  	s28 =	simm.s32 $0xA800  }
0xab: {  	[tilespmem:s28], [sflag:$0x1] =	stream.indirect_vreg.gather [hbm4b:s5+s3], $0x80, v4, vm0, $0xb8;
	[tilespmem:$0x18800] =	vst v63  }
0xac: {  	s29 =	simm.s32 $0xB000  }
0xad: {  	[tilespmem:s29], [sflag:$0x1] =	stream.indirect_vreg.gather [hbm4b:s0+s3], $0x80, v3, vm0, $0xb8;
	[tilespmem:$0x18800] =	vst v63  }
0xae: {  	s30 =	simm.s32 $0xB800  }
0xaf: {  	[tilespmem:s30], [sflag:$0x1] =	stream.indirect_vreg.gather [hbm4b:s4+s3], $0x80, v3, vm0, $0xb8;
	[tilespmem:$0x18800] =	vst v63  }
0xb0: {  	s31 =	simm.s32 $0xC000  }
0xb1: {  	[tilespmem:s31], [sflag:$0x1] =	stream.indirect_vreg.gather [hbm4b:s5+s3], $0x80, v3, vm0, $0xb8;
	[tilespmem:$0x18800] =	vst v63  }
0xb2: {  	_ =	swait.ge [sflag:s2], $0xC000  }
0xb3: {  	[sflag:s2] =	ssyncset.done $0x0  }
0xb4: {  	s1 =	rddreg [dreg:$0xf];
	[sflag:s2] =	ssyncadd.s32 $0xFFFF4000  }
0xb5: {  	[hbm4b:s1+s3] =	stream.linear.scatter [tilespmem:s8], [sflag:$0x3], $0xC000, $0x38;
	[tilespmem:$0x18800] =	vst v63  }
0xb6: {  	s13 =	rddreg [dreg:$0x10]  }
0xb7: {  	[hbm4b:s13+s3] =	stream.linear.scatter [tilespmem:s8], [sflag:$0x3], $0xC000, $0x38;
	[tilespmem:$0x18800] =	vst v63  }
0xb8: {  	v3 =	vld [tilespmem:$0x40];
	_ =	sdelay $0x4  }
0xb9: {  	v28 =	vshrl.u32 v3, $0x3  }
0xba: {  	v4 =	vmul.u32 $0x30, v28  }
0xbb: {  	v3 =	vand.u32 $0x7, v3  }
0xbc: {  	v3 =	vor.u32 v3, v4  }
0xbd: {  	v4 =	vperm.xlane v3, v0;
	_ =	sdelay $0x1  }
0xbe: {  	v4 =	vadd.s32 v1, v4;
	_ =	sdelay $0x3  }
0xbf: {  	v3 =	vperm.xlane v3, v2  }
0xc0: {  	[tilespmem:s7], [sflag:$0x2] =	stream.indirect_vreg.gather [hbm4b:s0+s3], $0x80, v4, vm0, $0xb8;
	[tilespmem:$0x18800] =	vst v63  }
0xc1: {  	s6 =	simm.s32 $0xD000;
	v3 =	vadd.s32 v1, v3  }
0xc2: {  	[tilespmem:s6], [sflag:$0x2] =	stream.indirect_vreg.gather [hbm4b:s4+s3], $0x80, v4, vm0, $0xb8;
	[tilespmem:$0x18800] =	vst v63  }
0xc3: {  	s13 =	simm.s32 $0xD800  }
0xc4: {  	[tilespmem:s13], [sflag:$0x2] =	stream.indirect_vreg.gather [hbm4b:s5+s3], $0x80, v4, vm0, $0xb8;
	[tilespmem:$0x18800] =	vst v63  }
0xc5: {  	s14 =	simm.s32 $0xE000  }
0xc6: {  	[tilespmem:s14], [sflag:$0x2] =	stream.indirect_vreg.gather [hbm4b:s0+s3], $0x80, v3, vm0, $0xb8;
	[tilespmem:$0x18800] =	vst v63  }
0xc7: {  	s15 =	simm.s32 $0xE800  }
0xc8: {  	[tilespmem:s15], [sflag:$0x2] =	stream.indirect_vreg.gather [hbm4b:s4+s3], $0x80, v3, vm0, $0xb8;
	[tilespmem:$0x18800] =	vst v63  }
0xc9: {  	s18 =	simm.s32 $0xF000  }
0xca: {  	[tilespmem:s18], [sflag:$0x2] =	stream.indirect_vreg.gather [hbm4b:s5+s3], $0x80, v3, vm0, $0xb8;
	[tilespmem:$0x18800] =	vst v63  }
0xcb: {  	v3 =	vld [tilespmem:$0x50];
	_ =	sdelay $0x4  }
0xcc: {  	v29 =	vshrl.u32 v3, $0x3  }
0xcd: {  	v4 =	vmul.u32 $0x30, v29  }
0xce: {  	v3 =	vand.u32 $0x7, v3  }
0xcf: {  	v3 =	vor.u32 v3, v4  }
0xd0: {  	v4 =	vperm.xlane v3, v0;
	_ =	sdelay $0x1  }
0xd1: {  	v4 =	vadd.s32 v1, v4;
	_ =	sdelay $0x3  }
0xd2: {  	s19 =	simm.s32 $0xF800;
	v3 =	vperm.xlane v3, v2  }
0xd3: {  	[tilespmem:s19], [sflag:$0x2] =	stream.indirect_vreg.gather [hbm4b:s0+s3], $0x80, v4, vm0, $0xb8;
	[tilespmem:$0x18800] =	vst v63  }
0xd4: {  	s22 =	simm.s32 $0x10000;
	v3 =	vadd.s32 v1, v3  }
0xd5: {  	[tilespmem:s22], [sflag:$0x2] =	stream.indirect_vreg.gather [hbm4b:s4+s3], $0x80, v4, vm0, $0xb8;
	[tilespmem:$0x18800] =	vst v63  }
0xd6: {  	s23 =	simm.s32 $0x10800  }
0xd7: {  	[tilespmem:s23], [sflag:$0x2] =	stream.indirect_vreg.gather [hbm4b:s5+s3], $0x80, v4, vm0, $0xb8;
	[tilespmem:$0x18800] =	vst v63  }
0xd8: {  	s26 =	simm.s32 $0x11000  }
0xd9: {  	[tilespmem:s26], [sflag:$0x2] =	stream.indirect_vreg.gather [hbm4b:s0+s3], $0x80, v3, vm0, $0xb8;
	[tilespmem:$0x18800] =	vst v63  }
0xda: {  	s28 =	simm.s32 $0x11800  }
0xdb: {  	[tilespmem:s28], [sflag:$0x2] =	stream.indirect_vreg.gather [hbm4b:s4+s3], $0x80, v3, vm0, $0xb8;
	[tilespmem:$0x18800] =	vst v63  }
0xdc: {  	s30 =	simm.s32 $0x12000  }
0xdd: {  	[tilespmem:s30], [sflag:$0x2] =	stream.indirect_vreg.gather [hbm4b:s5+s3], $0x80, v3, vm0, $0xb8;
	[tilespmem:$0x18800] =	vst v63  }
0xde: {  	v3 =	vld [tilespmem:$0x60];
	_ =	sdelay $0x4  }
0xdf: {  	v30 =	vshrl.u32 v3, $0x3  }
0xe0: {  	v4 =	vmul.u32 $0x30, v30  }
0xe1: {  	v3 =	vand.u32 $0x7, v3  }
0xe2: {  	v3 =	vor.u32 v3, v4  }
0xe3: {  	v4 =	vperm.xlane v3, v0;
	_ =	sdelay $0x1  }
0xe4: {  	v4 =	vadd.s32 v1, v4;
	_ =	sdelay $0x3  }
0xe5: {  	s31 =	simm.s32 $0x12800;
	v3 =	vperm.xlane v3, v2  }
0xe6: {  	[tilespmem:s31], [sflag:$0x2] =	stream.indirect_vreg.gather [hbm4b:s0+s3], $0x80, v4, vm0, $0xb8;
	[tilespmem:$0x18800] =	vst v63  }
0xe7: {  	s1 =	simm.s32 $0x13000;
	v3 =	vadd.s32 v1, v3  }
0xe8: {  	[tilespmem:s1], [sflag:$0x2] =	stream.indirect_vreg.gather [hbm4b:s4+s3], $0x80, v4, vm0, $0xb8;
	[tilespmem:$0x18800] =	vst v63  }
0xe9: {  	s6 =	simm.s32 $0x13800  }
0xea: {  	[tilespmem:s6], [sflag:$0x2] =	stream.indirect_vreg.gather [hbm4b:s5+s3], $0x80, v4, vm0, $0xb8;
	[tilespmem:$0x18800] =	vst v63  }
0xeb: {  	s13 =	simm.s32 $0x14000  }
0xec: {  	[tilespmem:s13], [sflag:$0x2] =	stream.indirect_vreg.gather [hbm4b:s0+s3], $0x80, v3, vm0, $0xb8;
	[tilespmem:$0x18800] =	vst v63  }
0xed: {  	s14 =	simm.s32 $0x14800  }
0xee: {  	[tilespmem:s14], [sflag:$0x2] =	stream.indirect_vreg.gather [hbm4b:s4+s3], $0x80, v3, vm0, $0xb8;
	[tilespmem:$0x18800] =	vst v63  }
0xef: {  	s15 =	simm.s32 $0x15000  }
0xf0: {  	[tilespmem:s15], [sflag:$0x2] =	stream.indirect_vreg.gather [hbm4b:s5+s3], $0x80, v3, vm0, $0xb8;
	[tilespmem:$0x18800] =	vst v63  }
0xf1: {  	v3 =	vld [tilespmem:$0x70];
	_ =	sdelay $0x4  }
0xf2: {  	v31 =	vshrl.u32 v3, $0x3  }
0xf3: {  	v4 =	vmul.u32 $0x30, v31  }
0xf4: {  	v3 =	vand.u32 $0x7, v3  }
0xf5: {  	v3 =	vor.u32 v3, v4  }
0xf6: {  	v4 =	vperm.xlane v3, v0;
	_ =	sdelay $0x1  }
0xf7: {  	v4 =	vadd.s32 v1, v4;
	_ =	sdelay $0x3  }
0xf8: {  	s18 =	simm.s32 $0x15800;
	v3 =	vperm.xlane v3, v2  }
0xf9: {  	[tilespmem:s18], [sflag:$0x2] =	stream.indirect_vreg.gather [hbm4b:s0+s3], $0x80, v4, vm0, $0xb8;
	[tilespmem:$0x18800] =	vst v63  }
0xfa: {  	s19 =	simm.s32 $0x16000;
	v3 =	vadd.s32 v1, v3  }
0xfb: {  	[tilespmem:s19], [sflag:$0x2] =	stream.indirect_vreg.gather [hbm4b:s4+s3], $0x80, v4, vm0, $0xb8;
	[tilespmem:$0x18800] =	vst v63  }
0xfc: {  	s22 =	simm.s32 $0x16800  }
0xfd: {  	[tilespmem:s22], [sflag:$0x2] =	stream.indirect_vreg.gather [hbm4b:s5+s3], $0x80, v4, vm0, $0xb8;
	[tilespmem:$0x18800] =	vst v63  }
0xfe: {  	s23 =	simm.s32 $0x17000  }
0xff: {  	[tilespmem:s23], [sflag:$0x2] =	stream.indirect_vreg.gather [hbm4b:s0+s3], $0x80, v3, vm0, $0xb8;
	[tilespmem:$0x18800] =	vst v63  }
0x100: {  	s26 =	simm.s32 $0x17800  }
0x101: {  	[tilespmem:s26], [sflag:$0x2] =	stream.indirect_vreg.gather [hbm4b:s4+s3], $0x80, v3, vm0, $0xb8;
	[tilespmem:$0x18800] =	vst v63  }
0x102: {  	s28 =	simm.s32 $0x18000  }
0x103: {  	[tilespmem:s28], [sflag:$0x2] =	stream.indirect_vreg.gather [hbm4b:s5+s3], $0x80, v3, vm0, $0xb8;
	[tilespmem:$0x18800] =	vst v63  }
0x104: {  	_ =	swait.ge [sflag:s9], $0xC000  }
0x105: {  	[sflag:s9] =	ssyncset.done $0x0  }
0x106: {  	s1 =	rddreg [dreg:$0x11];
	[sflag:s9] =	ssyncadd.s32 $0xFFFF4000  }
0x107: {  	[hbm4b:s1+s3] =	stream.linear.scatter [tilespmem:s7], [sflag:$0x4], $0xC000, $0x38;
	[tilespmem:$0x18800] =	vst v63  }
0x108: {  	s6 =	rddreg [dreg:$0x12]  }
0x109: {  	[hbm4b:s6+s3] =	stream.linear.scatter [tilespmem:s7], [sflag:$0x4], $0xC000, $0x38;
	[tilespmem:$0x18800] =	vst v63  }
0x10a: {  	_ =	swait.ge [sflag:s10], $0xC000  }
0x10b: {  	[sflag:s10] =	ssyncset.done $0x0  }
0x10c: {  	[sflag:s10] =	ssyncadd.s32 $0xFFFF4000  }
0x10d: {  	_ =	swait.ge [sflag:s10], $0xC000  }
0x10e: {  	[sflag:s10] =	ssyncset.done $0x0  }
0x10f: {  	[sflag:s10] =	ssyncadd.s32 $0xFFFF4000  }
0x110: {  	v3 =	vld [tilespmem:$0x400];
	_ =	sdelay $0x4  }
0x111: {  	v32 =	vshrl.u32 v3, $0x3  }
0x112: {  	v4 =	vmul.u32 $0x30, v32  }
0x113: {  	v3 =	vand.u32 $0x7, v3  }
0x114: {  	v3 =	vor.u32 v3, v4  }
0x115: {  	v4 =	vperm.xlane v3, v0;
	_ =	sdelay $0x1  }
0x116: {  	v4 =	vadd.s32 v1, v4;
	_ =	sdelay $0x3  }
0x117: {  	v3 =	vperm.xlane v3, v2  }
0x118: {  	[tilespmem:s8], [sflag:$0x1] =	stream.indirect_vreg.gather [hbm4b:s0+s3], $0x80, v4, vm0, $0xb8;
	[tilespmem:$0x18800] =	vst v63  }
0x119: {  	s1 =	simm.s32 $0x1000;
	v3 =	vadd.s32 v1, v3  }
0x11a: {  	[tilespmem:s1], [sflag:$0x1] =	stream.indirect_vreg.gather [hbm4b:s4+s3], $0x80, v4, vm0, $0xb8;
	[tilespmem:$0x18800] =	vst v63  }
0x11b: {  	s6 =	simm.s32 $0x1800  }
0x11c: {  	[tilespmem:s6], [sflag:$0x1] =	stream.indirect_vreg.gather [hbm4b:s5+s3], $0x80, v4, vm0, $0xb8;
	[tilespmem:$0x18800] =	vst v63  }
0x11d: {  	s14 =	simm.s32 $0x2000  }
0x11e: {  	[tilespmem:s14], [sflag:$0x1] =	stream.indirect_vreg.gather [hbm4b:s0+s3], $0x80, v3, vm0, $0xb8;
	[tilespmem:$0x18800] =	vst v63  }
0x11f: {  	s15 =	simm.s32 $0x2800  }
0x120: {  	[tilespmem:s15], [sflag:$0x1] =	stream.indirect_vreg.gather [hbm4b:s4+s3], $0x80, v3, vm0, $0xb8;
	[tilespmem:$0x18800] =	vst v63  }
0x121: {  	s16 =	simm.s32 $0x3000  }
0x122: {  	[tilespmem:s16], [sflag:$0x1] =	stream.indirect_vreg.gather [hbm4b:s5+s3], $0x80, v3, vm0, $0xb8;
	[tilespmem:$0x18800] =	vst v63  }
0x123: {  	v3 =	vld [tilespmem:$0x410];
	_ =	sdelay $0x4  }
0x124: {  	v33 =	vshrl.u32 v3, $0x3  }
0x125: {  	v4 =	vmul.u32 $0x30, v33  }
0x126: {  	v3 =	vand.u32 $0x7, v3  }
0x127: {  	v3 =	vor.u32 v3, v4  }
0x128: {  	v4 =	vperm.xlane v3, v0;
	_ =	sdelay $0x1  }
0x129: {  	v4 =	vadd.s32 v1, v4;
	_ =	sdelay $0x3  }
0x12a: {  	s17 =	simm.s32 $0x3800;
	v3 =	vperm.xlane v3, v2  }
0x12b: {  	[tilespmem:s17], [sflag:$0x1] =	stream.indirect_vreg.gather [hbm4b:s0+s3], $0x80, v4, vm0, $0xb8;
	[tilespmem:$0x18800] =	vst v63  }
0x12c: {  	s16 =	simm.s32 $0x4000;
	v3 =	vadd.s32 v1, v3  }
0x12d: {  	[tilespmem:s16], [sflag:$0x1] =	stream.indirect_vreg.gather [hbm4b:s4+s3], $0x80, v4, vm0, $0xb8;
	[tilespmem:$0x18800] =	vst v63  }
0x12e: {  	s17 =	simm.s32 $0x4800  }
0x12f: {  	[tilespmem:s17], [sflag:$0x1] =	stream.indirect_vreg.gather [hbm4b:s5+s3], $0x80, v4, vm0, $0xb8;
	[tilespmem:$0x18800] =	vst v63  }
0x130: {  	s18 =	simm.s32 $0x5000  }
0x131: {  	[tilespmem:s18], [sflag:$0x1] =	stream.indirect_vreg.gather [hbm4b:s0+s3], $0x80, v3, vm0, $0xb8;
	[tilespmem:$0x18800] =	vst v63  }
0x132: {  	s19 =	simm.s32 $0x5800  }
0x133: {  	[tilespmem:s19], [sflag:$0x1] =	stream.indirect_vreg.gather [hbm4b:s4+s3], $0x80, v3, vm0, $0xb8;
	[tilespmem:$0x18800] =	vst v63  }
0x134: {  	s20 =	simm.s32 $0x6000  }
0x135: {  	[tilespmem:s20], [sflag:$0x1] =	stream.indirect_vreg.gather [hbm4b:s5+s3], $0x80, v3, vm0, $0xb8;
	[tilespmem:$0x18800] =	vst v63  }
0x136: {  	v3 =	vld [tilespmem:$0x420];
	_ =	sdelay $0x4  }
0x137: {  	v34 =	vshrl.u32 v3, $0x3  }
0x138: {  	v4 =	vmul.u32 $0x30, v34  }
0x139: {  	v3 =	vand.u32 $0x7, v3  }
0x13a: {  	v3 =	vor.u32 v3, v4  }
0x13b: {  	v4 =	vperm.xlane v3, v0;
	_ =	sdelay $0x1  }
0x13c: {  	v4 =	vadd.s32 v1, v4;
	_ =	sdelay $0x3  }
0x13d: {  	s21 =	simm.s32 $0x6800;
	v3 =	vperm.xlane v3, v2  }
0x13e: {  	[tilespmem:s21], [sflag:$0x1] =	stream.indirect_vreg.gather [hbm4b:s0+s3], $0x80, v4, vm0, $0xb8;
	[tilespmem:$0x18800] =	vst v63  }
0x13f: {  	s20 =	simm.s32 $0x7000;
	v3 =	vadd.s32 v1, v3  }
0x140: {  	[tilespmem:s20], [sflag:$0x1] =	stream.indirect_vreg.gather [hbm4b:s4+s3], $0x80, v4, vm0, $0xb8;
	[tilespmem:$0x18800] =	vst v63  }
0x141: {  	s21 =	simm.s32 $0x7800  }
0x142: {  	[tilespmem:s21], [sflag:$0x1] =	stream.indirect_vreg.gather [hbm4b:s5+s3], $0x80, v4, vm0, $0xb8;
	[tilespmem:$0x18800] =	vst v63  }
0x143: {  	s22 =	simm.s32 $0x8000  }
0x144: {  	[tilespmem:s22], [sflag:$0x1] =	stream.indirect_vreg.gather [hbm4b:s0+s3], $0x80, v3, vm0, $0xb8;
	[tilespmem:$0x18800] =	vst v63  }
0x145: {  	s23 =	simm.s32 $0x8800  }
0x146: {  	[tilespmem:s23], [sflag:$0x1] =	stream.indirect_vreg.gather [hbm4b:s4+s3], $0x80, v3, vm0, $0xb8;
	[tilespmem:$0x18800] =	vst v63  }
0x147: {  	s24 =	simm.s32 $0x9000  }
0x148: {  	[tilespmem:s24], [sflag:$0x1] =	stream.indirect_vreg.gather [hbm4b:s5+s3], $0x80, v3, vm0, $0xb8;
	[tilespmem:$0x18800] =	vst v63  }
0x149: {  	v3 =	vld [tilespmem:$0x430];
	_ =	sdelay $0x4  }
0x14a: {  	v35 =	vshrl.u32 v3, $0x3  }
0x14b: {  	v4 =	vmul.u32 $0x30, v35  }
0x14c: {  	v3 =	vand.u32 $0x7, v3  }
0x14d: {  	v3 =	vor.u32 v3, v4  }
0x14e: {  	v4 =	vperm.xlane v3, v0;
	_ =	sdelay $0x1  }
0x14f: {  	v4 =	vadd.s32 v1, v4;
	_ =	sdelay $0x3  }
0x150: {  	s25 =	simm.s32 $0x9800;
	v3 =	vperm.xlane v3, v2  }
0x151: {  	[tilespmem:s25], [sflag:$0x1] =	stream.indirect_vreg.gather [hbm4b:s0+s3], $0x80, v4, vm0, $0xb8;
	[tilespmem:$0x18800] =	vst v63  }
0x152: {  	s24 =	simm.s32 $0xA000;
	v3 =	vadd.s32 v1, v3  }
0x153: {  	[tilespmem:s24], [sflag:$0x1] =	stream.indirect_vreg.gather [hbm4b:s4+s3], $0x80, v4, vm0, $0xb8;
	[tilespmem:$0x18800] =	vst v63  }
0x154: {  	s25 =	simm.s32 $0xA800  }
0x155: {  	[tilespmem:s25], [sflag:$0x1] =	stream.indirect_vreg.gather [hbm4b:s5+s3], $0x80, v4, vm0, $0xb8;
	[tilespmem:$0x18800] =	vst v63  }
0x156: {  	s26 =	simm.s32 $0xB000  }
0x157: {  	[tilespmem:s26], [sflag:$0x1] =	stream.indirect_vreg.gather [hbm4b:s0+s3], $0x80, v3, vm0, $0xb8;
	[tilespmem:$0x18800] =	vst v63  }
0x158: {  	s28 =	simm.s32 $0xB800  }
0x159: {  	[tilespmem:s28], [sflag:$0x1] =	stream.indirect_vreg.gather [hbm4b:s4+s3], $0x80, v3, vm0, $0xb8;
	[tilespmem:$0x18800] =	vst v63  }
0x15a: {  	s29 =	simm.s32 $0xC000  }
0x15b: {  	[tilespmem:s29], [sflag:$0x1] =	stream.indirect_vreg.gather [hbm4b:s5+s3], $0x80, v3, vm0, $0xb8;
	[tilespmem:$0x18800] =	vst v63  }
0x15c: {  	_ =	swait.ge [sflag:s2], $0xC000  }
0x15d: {  	[sflag:s2] =	ssyncset.done $0x0  }
0x15e: {  	s13 =	rddreg [dreg:$0x13];
	[sflag:s2] =	ssyncadd.s32 $0xFFFF4000  }
0x15f: {  	[hbm4b:s13+s3] =	stream.linear.scatter [tilespmem:s8], [sflag:$0x3], $0xC000, $0x38;
	[tilespmem:$0x18800] =	vst v63  }
0x160: {  	s29 =	rddreg [dreg:$0x14]  }
0x161: {  	[hbm4b:s29+s3] =	stream.linear.scatter [tilespmem:s8], [sflag:$0x3], $0xC000, $0x38;
	[tilespmem:$0x18800] =	vst v63  }
0x162: {  	_ =	swait.ge [sflag:s11], $0xC000  }
0x163: {  	[sflag:s11] =	ssyncset.done $0x0  }
0x164: {  	[sflag:s11] =	ssyncadd.s32 $0xFFFF4000  }
0x165: {  	_ =	swait.ge [sflag:s11], $0xC000  }
0x166: {  	[sflag:s11] =	ssyncset.done $0x0  }
0x167: {  	[sflag:s11] =	ssyncadd.s32 $0xFFFF4000  }
0x168: {  	v3 =	vld [tilespmem:$0x440];
	_ =	sdelay $0x4  }
0x169: {  	v36 =	vshrl.u32 v3, $0x3  }
0x16a: {  	v4 =	vmul.u32 $0x30, v36  }
0x16b: {  	v3 =	vand.u32 $0x7, v3  }
0x16c: {  	v3 =	vor.u32 v3, v4  }
0x16d: {  	v4 =	vperm.xlane v3, v0;
	_ =	sdelay $0x1  }
0x16e: {  	v4 =	vadd.s32 v1, v4;
	_ =	sdelay $0x3  }
0x16f: {  	v3 =	vperm.xlane v3, v2  }
0x170: {  	[tilespmem:s7], [sflag:$0x2] =	stream.indirect_vreg.gather [hbm4b:s0+s3], $0x80, v4, vm0, $0xb8;
	[tilespmem:$0x18800] =	vst v63  }
0x171: {  	s29 =	simm.s32 $0xD000;
	v3 =	vadd.s32 v1, v3  }
0x172: {  	[tilespmem:s29], [sflag:$0x2] =	stream.indirect_vreg.gather [hbm4b:s4+s3], $0x80, v4, vm0, $0xb8;
	[tilespmem:$0x18800] =	vst v63  }
0x173: {  	s13 =	simm.s32 $0xD800  }
0x174: {  	[tilespmem:s13], [sflag:$0x2] =	stream.indirect_vreg.gather [hbm4b:s5+s3], $0x80, v4, vm0, $0xb8;
	[tilespmem:$0x18800] =	vst v63  }
0x175: {  	s13 =	simm.s32 $0xE000  }
0x176: {  	[tilespmem:s13], [sflag:$0x2] =	stream.indirect_vreg.gather [hbm4b:s0+s3], $0x80, v3, vm0, $0xb8;
	[tilespmem:$0x18800] =	vst v63  }
0x177: {  	s13 =	simm.s32 $0xE800  }
0x178: {  	[tilespmem:s13], [sflag:$0x2] =	stream.indirect_vreg.gather [hbm4b:s4+s3], $0x80, v3, vm0, $0xb8;
	[tilespmem:$0x18800] =	vst v63  }
0x179: {  	s13 =	simm.s32 $0xF000  }
0x17a: {  	[tilespmem:s13], [sflag:$0x2] =	stream.indirect_vreg.gather [hbm4b:s5+s3], $0x80, v3, vm0, $0xb8;
	[tilespmem:$0x18800] =	vst v63  }
0x17b: {  	v3 =	vld [tilespmem:$0x450];
	_ =	sdelay $0x4  }
0x17c: {  	v37 =	vshrl.u32 v3, $0x3  }
0x17d: {  	v4 =	vmul.u32 $0x30, v37  }
0x17e: {  	v3 =	vand.u32 $0x7, v3  }
0x17f: {  	v3 =	vor.u32 v3, v4  }
0x180: {  	v4 =	vperm.xlane v3, v0;
	_ =	sdelay $0x1  }
0x181: {  	v4 =	vadd.s32 v1, v4;
	_ =	sdelay $0x3  }
0x182: {  	s13 =	simm.s32 $0xF800;
	v3 =	vperm.xlane v3, v2  }
0x183: {  	[tilespmem:s13], [sflag:$0x2] =	stream.indirect_vreg.gather [hbm4b:s0+s3], $0x80, v4, vm0, $0xb8;
	[tilespmem:$0x18800] =	vst v63  }
0x184: {  	v3 =	vadd.s32 v1, v3;
	s13 =	simm.s32 $0x10000  }
0x185: {  	[tilespmem:s13], [sflag:$0x2] =	stream.indirect_vreg.gather [hbm4b:s4+s3], $0x80, v4, vm0, $0xb8;
	[tilespmem:$0x18800] =	vst v63  }
0x186: {  	s13 =	simm.s32 $0x10800  }
0x187: {  	[tilespmem:s13], [sflag:$0x2] =	stream.indirect_vreg.gather [hbm4b:s5+s3], $0x80, v4, vm0, $0xb8;
	[tilespmem:$0x18800] =	vst v63  }
0x188: {  	s13 =	simm.s32 $0x11000  }
0x189: {  	[tilespmem:s13], [sflag:$0x2] =	stream.indirect_vreg.gather [hbm4b:s0+s3], $0x80, v3, vm0, $0xb8;
	[tilespmem:$0x18800] =	vst v63  }
0x18a: {  	s13 =	simm.s32 $0x11800  }
0x18b: {  	[tilespmem:s13], [sflag:$0x2] =	stream.indirect_vreg.gather [hbm4b:s4+s3], $0x80, v3, vm0, $0xb8;
	[tilespmem:$0x18800] =	vst v63  }
0x18c: {  	s13 =	simm.s32 $0x12000  }
0x18d: {  	[tilespmem:s13], [sflag:$0x2] =	stream.indirect_vreg.gather [hbm4b:s5+s3], $0x80, v3, vm0, $0xb8;
	[tilespmem:$0x18800] =	vst v63  }
0x18e: {  	v3 =	vld [tilespmem:$0x460];
	_ =	sdelay $0x4  }
0x18f: {  	v38 =	vshrl.u32 v3, $0x3  }
0x190: {  	v4 =	vmul.u32 $0x30, v38  }
0x191: {  	v3 =	vand.u32 $0x7, v3  }
0x192: {  	v3 =	vor.u32 v3, v4  }
0x193: {  	v4 =	vperm.xlane v3, v0;
	_ =	sdelay $0x1  }
0x194: {  	v4 =	vadd.s32 v1, v4;
	_ =	sdelay $0x3  }
0x195: {  	s30 =	simm.s32 $0x12800;
	v3 =	vperm.xlane v3, v2  }
0x196: {  	[tilespmem:s30], [sflag:$0x2] =	stream.indirect_vreg.gather [hbm4b:s0+s3], $0x80, v4, vm0, $0xb8;
	[tilespmem:$0x18800] =	vst v63  }
0x197: {  	v3 =	vadd.s32 v1, v3;
	s30 =	simm.s32 $0x13000  }
0x198: {  	[tilespmem:s30], [sflag:$0x2] =	stream.indirect_vreg.gather [hbm4b:s4+s3], $0x80, v4, vm0, $0xb8;
	[tilespmem:$0x18800] =	vst v63  }
0x199: {  	s13 =	simm.s32 $0x13800  }
0x19a: {  	[tilespmem:s13], [sflag:$0x2] =	stream.indirect_vreg.gather [hbm4b:s5+s3], $0x80, v4, vm0, $0xb8;
	[tilespmem:$0x18800] =	vst v63  }
0x19b: {  	s13 =	simm.s32 $0x14000  }
0x19c: {  	[tilespmem:s13], [sflag:$0x2] =	stream.indirect_vreg.gather [hbm4b:s0+s3], $0x80, v3, vm0, $0xb8;
	[tilespmem:$0x18800] =	vst v63  }
0x19d: {  	s13 =	simm.s32 $0x14800  }
0x19e: {  	[tilespmem:s13], [sflag:$0x2] =	stream.indirect_vreg.gather [hbm4b:s4+s3], $0x80, v3, vm0, $0xb8;
	[tilespmem:$0x18800] =	vst v63  }
0x19f: {  	s31 =	simm.s32 $0x15000  }
0x1a0: {  	[tilespmem:s31], [sflag:$0x2] =	stream.indirect_vreg.gather [hbm4b:s5+s3], $0x80, v3, vm0, $0xb8;
	[tilespmem:$0x18800] =	vst v63  }
0x1a1: {  	v3 =	vld [tilespmem:$0x470];
	_ =	sdelay $0x4  }
0x1a2: {  	v39 =	vshrl.u32 v3, $0x3  }
0x1a3: {  	v4 =	vmul.u32 $0x30, v39  }
0x1a4: {  	v3 =	vand.u32 $0x7, v3  }
0x1a5: {  	v3 =	vor.u32 v3, v4  }
0x1a6: {  	v4 =	vperm.xlane v3, v0;
	_ =	sdelay $0x1  }
0x1a7: {  	v4 =	vadd.s32 v1, v4;
	_ =	sdelay $0x3  }
0x1a8: {  	s13 =	simm.s32 $0x15800;
	v3 =	vperm.xlane v3, v2  }
0x1a9: {  	[tilespmem:s13], [sflag:$0x2] =	stream.indirect_vreg.gather [hbm4b:s0+s3], $0x80, v4, vm0, $0xb8;
	[tilespmem:$0x18800] =	vst v63  }
0x1aa: {  	s31 =	simm.s32 $0x16000;
	v3 =	vadd.s32 v1, v3  }
0x1ab: {  	[tilespmem:s31], [sflag:$0x2] =	stream.indirect_vreg.gather [hbm4b:s4+s3], $0x80, v4, vm0, $0xb8;
	[tilespmem:$0x18800] =	vst v63  }
0x1ac: {  	s13 =	simm.s32 $0x16800  }
0x1ad: {  	[tilespmem:s13], [sflag:$0x2] =	stream.indirect_vreg.gather [hbm4b:s5+s3], $0x80, v4, vm0, $0xb8;
	[tilespmem:$0x18800] =	vst v63  }
0x1ae: {  	s13 =	simm.s32 $0x17000  }
0x1af: {  	[tilespmem:s13], [sflag:$0x2] =	stream.indirect_vreg.gather [hbm4b:s0+s3], $0x80, v3, vm0, $0xb8;
	[tilespmem:$0x18800] =	vst v63  }
0x1b0: {  	s13 =	simm.s32 $0x17800  }
0x1b1: {  	[tilespmem:s13], [sflag:$0x2] =	stream.indirect_vreg.gather [hbm4b:s4+s3], $0x80, v3, vm0, $0xb8;
	[tilespmem:$0x18800] =	vst v63  }
0x1b2: {  	s13 =	simm.s32 $0x18000  }
0x1b3: {  	[tilespmem:s13], [sflag:$0x2] =	stream.indirect_vreg.gather [hbm4b:s5+s3], $0x80, v3, vm0, $0xb8;
	[tilespmem:$0x18800] =	vst v63  }
0x1b4: {  	_ =	swait.ge [sflag:s9], $0xC000  }
0x1b5: {  	[sflag:s9] =	ssyncset.done $0x0  }
0x1b6: {  	s12 =	rddreg [dreg:$0x15];
	[sflag:s9] =	ssyncadd.s32 $0xFFFF4000  }
0x1b7: {  	[hbm4b:s12+s3] =	stream.linear.scatter [tilespmem:s7], [sflag:$0x4], $0xC000, $0x38;
	[tilespmem:$0x18800] =	vst v63  }
0x1b8: {  	s13 =	rddreg [dreg:$0x16]  }
0x1b9: {  	[hbm4b:s13+s3] =	stream.linear.scatter [tilespmem:s7], [sflag:$0x4], $0xC000, $0x38;
	[tilespmem:$0x18800] =	vst v63  }
0x1ba: {  	_ =	swait.ge [sflag:s10], $0xC000  }
0x1bb: {  	[sflag:s10] =	ssyncset.done $0x0  }
0x1bc: {  	[sflag:s10] =	ssyncadd.s32 $0xFFFF4000  }
0x1bd: {  	_ =	swait.ge [sflag:s10], $0xC000  }
0x1be: {  	[sflag:s10] =	ssyncset.done $0x0  }
0x1bf: {  	[sflag:s10] =	ssyncadd.s32 $0xFFFF4000  }
0x1c0: {  	v3 =	vld [tilespmem:$0x80];
	_ =	sdelay $0x4  }
0x1c1: {  	v40 =	vshrl.u32 v3, $0x3  }
0x1c2: {  	v4 =	vmul.u32 $0x30, v40  }
0x1c3: {  	v3 =	vand.u32 $0x7, v3  }
0x1c4: {  	v3 =	vor.u32 v3, v4  }
0x1c5: {  	v4 =	vperm.xlane v3, v0;
	_ =	sdelay $0x1  }
0x1c6: {  	v4 =	vadd.s32 v1, v4;
	_ =	sdelay $0x3  }
0x1c7: {  	v3 =	vperm.xlane v3, v2  }
0x1c8: {  	[tilespmem:s8], [sflag:$0x1] =	stream.indirect_vreg.gather [hbm4b:s0+s3], $0x80, v4, vm0, $0xb8;
	[tilespmem:$0x18800] =	vst v63  }
0x1c9: {  	v3 =	vadd.s32 v1, v3  }
0x1ca: {  	[tilespmem:s1], [sflag:$0x1] =	stream.indirect_vreg.gather [hbm4b:s4+s3], $0x80, v4, vm0, $0xb8;
	[tilespmem:$0x18800] =	vst v63  }
0x1cb: {  	_ = 	snop  }
0x1cc: {  	[tilespmem:s6], [sflag:$0x1] =	stream.indirect_vreg.gather [hbm4b:s5+s3], $0x80, v4, vm0, $0xb8;
	[tilespmem:$0x18800] =	vst v63  }
0x1cd: {  	_ = 	snop  }
0x1ce: {  	[tilespmem:s14], [sflag:$0x1] =	stream.indirect_vreg.gather [hbm4b:s0+s3], $0x80, v3, vm0, $0xb8;
	[tilespmem:$0x18800] =	vst v63  }
0x1cf: {  	_ = 	snop  }
0x1d0: {  	[tilespmem:s15], [sflag:$0x1] =	stream.indirect_vreg.gather [hbm4b:s4+s3], $0x80, v3, vm0, $0xb8;
	[tilespmem:$0x18800] =	vst v63  }
0x1d1: {  	s12 =	simm.s32 $0x3000  }
0x1d2: {  	[tilespmem:s12], [sflag:$0x1] =	stream.indirect_vreg.gather [hbm4b:s5+s3], $0x80, v3, vm0, $0xb8;
	[tilespmem:$0x18800] =	vst v63  }
0x1d3: {  	v3 =	vld [tilespmem:$0x90];
	_ =	sdelay $0x4  }
0x1d4: {  	v41 =	vshrl.u32 v3, $0x3  }
0x1d5: {  	v4 =	vmul.u32 $0x30, v41  }
0x1d6: {  	v3 =	vand.u32 $0x7, v3  }
0x1d7: {  	v3 =	vor.u32 v3, v4  }
0x1d8: {  	v4 =	vperm.xlane v3, v0;
	_ =	sdelay $0x1  }
0x1d9: {  	v4 =	vadd.s32 v1, v4;
	_ =	sdelay $0x3  }
0x1da: {  	s13 =	simm.s32 $0x3800;
	v3 =	vperm.xlane v3, v2  }
0x1db: {  	[tilespmem:s13], [sflag:$0x1] =	stream.indirect_vreg.gather [hbm4b:s0+s3], $0x80, v4, vm0, $0xb8;
	[tilespmem:$0x18800] =	vst v63  }
0x1dc: {  	v3 =	vadd.s32 v1, v3  }
0x1dd: {  	[tilespmem:s16], [sflag:$0x1] =	stream.indirect_vreg.gather [hbm4b:s4+s3], $0x80, v4, vm0, $0xb8;
	[tilespmem:$0x18800] =	vst v63  }
0x1de: {  	_ = 	snop  }
0x1df: {  	[tilespmem:s17], [sflag:$0x1] =	stream.indirect_vreg.gather [hbm4b:s5+s3], $0x80, v4, vm0, $0xb8;
	[tilespmem:$0x18800] =	vst v63  }
0x1e0: {  	_ = 	snop  }
0x1e1: {  	[tilespmem:s18], [sflag:$0x1] =	stream.indirect_vreg.gather [hbm4b:s0+s3], $0x80, v3, vm0, $0xb8;
	[tilespmem:$0x18800] =	vst v63  }
0x1e2: {  	_ = 	snop  }
0x1e3: {  	[tilespmem:s19], [sflag:$0x1] =	stream.indirect_vreg.gather [hbm4b:s4+s3], $0x80, v3, vm0, $0xb8;
	[tilespmem:$0x18800] =	vst v63  }
0x1e4: {  	s12 =	simm.s32 $0x6000  }
0x1e5: {  	[tilespmem:s12], [sflag:$0x1] =	stream.indirect_vreg.gather [hbm4b:s5+s3], $0x80, v3, vm0, $0xb8;
	[tilespmem:$0x18800] =	vst v63  }
0x1e6: {  	v3 =	vld [tilespmem:$0xA0];
	_ =	sdelay $0x4  }
0x1e7: {  	v42 =	vshrl.u32 v3, $0x3  }
0x1e8: {  	v4 =	vmul.u32 $0x30, v42  }
0x1e9: {  	v3 =	vand.u32 $0x7, v3  }
0x1ea: {  	v3 =	vor.u32 v3, v4  }
0x1eb: {  	v4 =	vperm.xlane v3, v0;
	_ =	sdelay $0x1  }
0x1ec: {  	v4 =	vadd.s32 v1, v4;
	_ =	sdelay $0x3  }
0x1ed: {  	s13 =	simm.s32 $0x6800;
	v3 =	vperm.xlane v3, v2  }
0x1ee: {  	[tilespmem:s13], [sflag:$0x1] =	stream.indirect_vreg.gather [hbm4b:s0+s3], $0x80, v4, vm0, $0xb8;
	[tilespmem:$0x18800] =	vst v63  }
0x1ef: {  	v3 =	vadd.s32 v1, v3  }
0x1f0: {  	[tilespmem:s20], [sflag:$0x1] =	stream.indirect_vreg.gather [hbm4b:s4+s3], $0x80, v4, vm0, $0xb8;
	[tilespmem:$0x18800] =	vst v63  }
0x1f1: {  	_ = 	snop  }
0x1f2: {  	[tilespmem:s21], [sflag:$0x1] =	stream.indirect_vreg.gather [hbm4b:s5+s3], $0x80, v4, vm0, $0xb8;
	[tilespmem:$0x18800] =	vst v63  }
0x1f3: {  	_ = 	snop  }
0x1f4: {  	[tilespmem:s22], [sflag:$0x1] =	stream.indirect_vreg.gather [hbm4b:s0+s3], $0x80, v3, vm0, $0xb8;
	[tilespmem:$0x18800] =	vst v63  }
0x1f5: {  	_ = 	snop  }
0x1f6: {  	[tilespmem:s23], [sflag:$0x1] =	stream.indirect_vreg.gather [hbm4b:s4+s3], $0x80, v3, vm0, $0xb8;
	[tilespmem:$0x18800] =	vst v63  }
0x1f7: {  	s12 =	simm.s32 $0x9000  }
0x1f8: {  	[tilespmem:s12], [sflag:$0x1] =	stream.indirect_vreg.gather [hbm4b:s5+s3], $0x80, v3, vm0, $0xb8;
	[tilespmem:$0x18800] =	vst v63  }
0x1f9: {  	v3 =	vld [tilespmem:$0xB0];
	_ =	sdelay $0x4  }
0x1fa: {  	v43 =	vshrl.u32 v3, $0x3  }
0x1fb: {  	v4 =	vmul.u32 $0x30, v43  }
0x1fc: {  	v3 =	vand.u32 $0x7, v3  }
0x1fd: {  	v3 =	vor.u32 v3, v4  }
0x1fe: {  	v4 =	vperm.xlane v3, v0;
	_ =	sdelay $0x1  }
0x1ff: {  	v4 =	vadd.s32 v1, v4;
	_ =	sdelay $0x3  }
0x200: {  	s13 =	simm.s32 $0x9800;
	v3 =	vperm.xlane v3, v2  }
0x201: {  	[tilespmem:s13], [sflag:$0x1] =	stream.indirect_vreg.gather [hbm4b:s0+s3], $0x80, v4, vm0, $0xb8;
	[tilespmem:$0x18800] =	vst v63  }
0x202: {  	v3 =	vadd.s32 v1, v3  }
0x203: {  	[tilespmem:s24], [sflag:$0x1] =	stream.indirect_vreg.gather [hbm4b:s4+s3], $0x80, v4, vm0, $0xb8;
	[tilespmem:$0x18800] =	vst v63  }
0x204: {  	_ = 	snop  }
0x205: {  	[tilespmem:s25], [sflag:$0x1] =	stream.indirect_vreg.gather [hbm4b:s5+s3], $0x80, v4, vm0, $0xb8;
	[tilespmem:$0x18800] =	vst v63  }
0x206: {  	_ = 	snop  }
0x207: {  	[tilespmem:s26], [sflag:$0x1] =	stream.indirect_vreg.gather [hbm4b:s0+s3], $0x80, v3, vm0, $0xb8;
	[tilespmem:$0x18800] =	vst v63  }
0x208: {  	_ = 	snop  }
0x209: {  	[tilespmem:s28], [sflag:$0x1] =	stream.indirect_vreg.gather [hbm4b:s4+s3], $0x80, v3, vm0, $0xb8;
	[tilespmem:$0x18800] =	vst v63  }
0x20a: {  	s12 =	simm.s32 $0xC000  }
0x20b: {  	[tilespmem:s12], [sflag:$0x1] =	stream.indirect_vreg.gather [hbm4b:s5+s3], $0x80, v3, vm0, $0xb8;
	[tilespmem:$0x18800] =	vst v63  }
0x20c: {  	_ =	swait.ge [sflag:s2], $0xC000  }
0x20d: {  	[sflag:s2] =	ssyncset.done $0x0  }
0x20e: {  	s13 =	rddreg [dreg:$0x17];
	[sflag:s2] =	ssyncadd.s32 $0xFFFF4000  }
0x20f: {  	[hbm4b:s13+s3] =	stream.linear.scatter [tilespmem:s8], [sflag:$0x3], $0xC000, $0x38;
	[tilespmem:$0x18800] =	vst v63  }
0x210: {  	s6 =	rddreg [dreg:$0x18]  }
0x211: {  	[hbm4b:s6+s3] =	stream.linear.scatter [tilespmem:s8], [sflag:$0x3], $0xC000, $0x38;
	[tilespmem:$0x18800] =	vst v63  }
0x212: {  	_ =	swait.ge [sflag:s11], $0xC000  }
0x213: {  	[sflag:s11] =	ssyncset.done $0x0  }
0x214: {  	[sflag:s11] =	ssyncadd.s32 $0xFFFF4000  }
0x215: {  	_ =	swait.ge [sflag:s11], $0xC000  }
0x216: {  	[sflag:s11] =	ssyncset.done $0x0  }
0x217: {  	[sflag:s11] =	ssyncadd.s32 $0xFFFF4000  }
0x218: {  	v3 =	vld [tilespmem:$0xC0];
	_ =	sdelay $0x4  }
0x219: {  	v44 =	vshrl.u32 v3, $0x3  }
0x21a: {  	v4 =	vmul.u32 $0x30, v44  }
0x21b: {  	v3 =	vand.u32 $0x7, v3  }
0x21c: {  	v3 =	vor.u32 v3, v4  }
0x21d: {  	v4 =	vperm.xlane v3, v0;
	_ =	sdelay $0x1  }
0x21e: {  	v4 =	vadd.s32 v1, v4;
	_ =	sdelay $0x3  }
0x21f: {  	v3 =	vperm.xlane v3, v2  }
0x220: {  	[tilespmem:s7], [sflag:$0x2] =	stream.indirect_vreg.gather [hbm4b:s0+s3], $0x80, v4, vm0, $0xb8;
	[tilespmem:$0x18800] =	vst v63  }
0x221: {  	s29 =	simm.s32 $0xD000;
	v3 =	vadd.s32 v1, v3  }
0x222: {  	[tilespmem:s29], [sflag:$0x2] =	stream.indirect_vreg.gather [hbm4b:s4+s3], $0x80, v4, vm0, $0xb8;
	[tilespmem:$0x18800] =	vst v63  }
0x223: {  	s12 =	simm.s32 $0xD800  }
0x224: {  	[tilespmem:s12], [sflag:$0x2] =	stream.indirect_vreg.gather [hbm4b:s5+s3], $0x80, v4, vm0, $0xb8;
	[tilespmem:$0x18800] =	vst v63  }
0x225: {  	s13 =	simm.s32 $0xE000  }
0x226: {  	[tilespmem:s13], [sflag:$0x2] =	stream.indirect_vreg.gather [hbm4b:s0+s3], $0x80, v3, vm0, $0xb8;
	[tilespmem:$0x18800] =	vst v63  }
0x227: {  	s13 =	simm.s32 $0xE800  }
0x228: {  	[tilespmem:s13], [sflag:$0x2] =	stream.indirect_vreg.gather [hbm4b:s4+s3], $0x80, v3, vm0, $0xb8;
	[tilespmem:$0x18800] =	vst v63  }
0x229: {  	s13 =	simm.s32 $0xF000  }
0x22a: {  	[tilespmem:s13], [sflag:$0x2] =	stream.indirect_vreg.gather [hbm4b:s5+s3], $0x80, v3, vm0, $0xb8;
	[tilespmem:$0x18800] =	vst v63  }
0x22b: {  	v3 =	vld [tilespmem:$0xD0];
	_ =	sdelay $0x4  }
0x22c: {  	v45 =	vshrl.u32 v3, $0x3  }
0x22d: {  	v4 =	vmul.u32 $0x30, v45  }
0x22e: {  	v3 =	vand.u32 $0x7, v3  }
0x22f: {  	v3 =	vor.u32 v3, v4  }
0x230: {  	v4 =	vperm.xlane v3, v0;
	_ =	sdelay $0x1  }
0x231: {  	v4 =	vadd.s32 v1, v4;
	_ =	sdelay $0x3  }
0x232: {  	s13 =	simm.s32 $0xF800;
	v3 =	vperm.xlane v3, v2  }
0x233: {  	[tilespmem:s13], [sflag:$0x2] =	stream.indirect_vreg.gather [hbm4b:s0+s3], $0x80, v4, vm0, $0xb8;
	[tilespmem:$0x18800] =	vst v63  }
0x234: {  	v3 =	vadd.s32 v1, v3;
	s13 =	simm.s32 $0x10000  }
0x235: {  	[tilespmem:s13], [sflag:$0x2] =	stream.indirect_vreg.gather [hbm4b:s4+s3], $0x80, v4, vm0, $0xb8;
	[tilespmem:$0x18800] =	vst v63  }
0x236: {  	s13 =	simm.s32 $0x10800  }
0x237: {  	[tilespmem:s13], [sflag:$0x2] =	stream.indirect_vreg.gather [hbm4b:s5+s3], $0x80, v4, vm0, $0xb8;
	[tilespmem:$0x18800] =	vst v63  }
0x238: {  	s13 =	simm.s32 $0x11000  }
0x239: {  	[tilespmem:s13], [sflag:$0x2] =	stream.indirect_vreg.gather [hbm4b:s0+s3], $0x80, v3, vm0, $0xb8;
	[tilespmem:$0x18800] =	vst v63  }
0x23a: {  	s13 =	simm.s32 $0x11800  }
0x23b: {  	[tilespmem:s13], [sflag:$0x2] =	stream.indirect_vreg.gather [hbm4b:s4+s3], $0x80, v3, vm0, $0xb8;
	[tilespmem:$0x18800] =	vst v63  }
0x23c: {  	s13 =	simm.s32 $0x12000  }
0x23d: {  	[tilespmem:s13], [sflag:$0x2] =	stream.indirect_vreg.gather [hbm4b:s5+s3], $0x80, v3, vm0, $0xb8;
	[tilespmem:$0x18800] =	vst v63  }
0x23e: {  	v3 =	vld [tilespmem:$0xE0];
	_ =	sdelay $0x4  }
0x23f: {  	v46 =	vshrl.u32 v3, $0x3  }
0x240: {  	v4 =	vmul.u32 $0x30, v46  }
0x241: {  	v3 =	vand.u32 $0x7, v3  }
0x242: {  	v3 =	vor.u32 v3, v4  }
0x243: {  	v4 =	vperm.xlane v3, v0;
	_ =	sdelay $0x1  }
0x244: {  	v4 =	vadd.s32 v1, v4;
	_ =	sdelay $0x3  }
0x245: {  	s13 =	simm.s32 $0x12800;
	v3 =	vperm.xlane v3, v2  }
0x246: {  	[tilespmem:s13], [sflag:$0x2] =	stream.indirect_vreg.gather [hbm4b:s0+s3], $0x80, v4, vm0, $0xb8;
	[tilespmem:$0x18800] =	vst v63  }
0x247: {  	s30 =	simm.s32 $0x13000;
	v3 =	vadd.s32 v1, v3  }
0x248: {  	[tilespmem:s30], [sflag:$0x2] =	stream.indirect_vreg.gather [hbm4b:s4+s3], $0x80, v4, vm0, $0xb8;
	[tilespmem:$0x18800] =	vst v63  }
0x249: {  	s13 =	simm.s32 $0x13800  }
0x24a: {  	[tilespmem:s13], [sflag:$0x2] =	stream.indirect_vreg.gather [hbm4b:s5+s3], $0x80, v4, vm0, $0xb8;
	[tilespmem:$0x18800] =	vst v63  }
0x24b: {  	s13 =	simm.s32 $0x14000  }
0x24c: {  	[tilespmem:s13], [sflag:$0x2] =	stream.indirect_vreg.gather [hbm4b:s0+s3], $0x80, v3, vm0, $0xb8;
	[tilespmem:$0x18800] =	vst v63  }
0x24d: {  	s13 =	simm.s32 $0x14800  }
0x24e: {  	[tilespmem:s13], [sflag:$0x2] =	stream.indirect_vreg.gather [hbm4b:s4+s3], $0x80, v3, vm0, $0xb8;
	[tilespmem:$0x18800] =	vst v63  }
0x24f: {  	s13 =	simm.s32 $0x15000  }
0x250: {  	[tilespmem:s13], [sflag:$0x2] =	stream.indirect_vreg.gather [hbm4b:s5+s3], $0x80, v3, vm0, $0xb8;
	[tilespmem:$0x18800] =	vst v63  }
0x251: {  	v3 =	vld [tilespmem:$0xF0];
	_ =	sdelay $0x4  }
0x252: {  	v47 =	vshrl.u32 v3, $0x3  }
0x253: {  	v4 =	vmul.u32 $0x30, v47  }
0x254: {  	v3 =	vand.u32 $0x7, v3  }
0x255: {  	v3 =	vor.u32 v3, v4  }
0x256: {  	v4 =	vperm.xlane v3, v0;
	_ =	sdelay $0x1  }
0x257: {  	v4 =	vadd.s32 v1, v4;
	_ =	sdelay $0x3  }
0x258: {  	s13 =	simm.s32 $0x15800;
	v3 =	vperm.xlane v3, v2  }
0x259: {  	[tilespmem:s13], [sflag:$0x2] =	stream.indirect_vreg.gather [hbm4b:s0+s3], $0x80, v4, vm0, $0xb8;
	[tilespmem:$0x18800] =	vst v63  }
0x25a: {  	s31 =	simm.s32 $0x16000;
	v3 =	vadd.s32 v1, v3  }
0x25b: {  	[tilespmem:s31], [sflag:$0x2] =	stream.indirect_vreg.gather [hbm4b:s4+s3], $0x80, v4, vm0, $0xb8;
	[tilespmem:$0x18800] =	vst v63  }
0x25c: {  	s13 =	simm.s32 $0x16800  }
0x25d: {  	[tilespmem:s13], [sflag:$0x2] =	stream.indirect_vreg.gather [hbm4b:s5+s3], $0x80, v4, vm0, $0xb8;
	[tilespmem:$0x18800] =	vst v63  }
0x25e: {  	s13 =	simm.s32 $0x17000  }
0x25f: {  	[tilespmem:s13], [sflag:$0x2] =	stream.indirect_vreg.gather [hbm4b:s0+s3], $0x80, v3, vm0, $0xb8;
	[tilespmem:$0x18800] =	vst v63  }
0x260: {  	s13 =	simm.s32 $0x17800  }
0x261: {  	[tilespmem:s13], [sflag:$0x2] =	stream.indirect_vreg.gather [hbm4b:s4+s3], $0x80, v3, vm0, $0xb8;
	[tilespmem:$0x18800] =	vst v63  }
0x262: {  	s13 =	simm.s32 $0x18000  }
0x263: {  	[tilespmem:s13], [sflag:$0x2] =	stream.indirect_vreg.gather [hbm4b:s5+s3], $0x80, v3, vm0, $0xb8;
	[tilespmem:$0x18800] =	vst v63  }
0x264: {  	_ =	swait.ge [sflag:s9], $0xC000  }
0x265: {  	[sflag:s9] =	ssyncset.done $0x0  }
0x266: {  	s12 =	rddreg [dreg:$0x19];
	[sflag:s9] =	ssyncadd.s32 $0xFFFF4000  }
0x267: {  	[hbm4b:s12+s3] =	stream.linear.scatter [tilespmem:s7], [sflag:$0x4], $0xC000, $0x38;
	[tilespmem:$0x18800] =	vst v63  }
0x268: {  	s13 =	rddreg [dreg:$0x1a]  }
0x269: {  	[hbm4b:s13+s3] =	stream.linear.scatter [tilespmem:s7], [sflag:$0x4], $0xC000, $0x38;
	[tilespmem:$0x18800] =	vst v63  }
0x26a: {  	_ =	swait.ge [sflag:s10], $0xC000  }
0x26b: {  	[sflag:s10] =	ssyncset.done $0x0  }
0x26c: {  	[sflag:s10] =	ssyncadd.s32 $0xFFFF4000  }
0x26d: {  	_ =	swait.ge [sflag:s10], $0xC000  }
0x26e: {  	[sflag:s10] =	ssyncset.done $0x0  }
0x26f: {  	[sflag:s10] =	ssyncadd.s32 $0xFFFF4000  }
0x270: {  	v3 =	vld [tilespmem:$0x480];
	_ =	sdelay $0x4  }
0x271: {  	v48 =	vshrl.u32 v3, $0x3  }
0x272: {  	v4 =	vmul.u32 $0x30, v48  }
0x273: {  	v3 =	vand.u32 $0x7, v3  }
0x274: {  	v3 =	vor.u32 v3, v4  }
0x275: {  	v4 =	vperm.xlane v3, v0;
	_ =	sdelay $0x1  }
0x276: {  	v4 =	vadd.s32 v1, v4;
	_ =	sdelay $0x3  }
0x277: {  	v3 =	vperm.xlane v3, v2  }
0x278: {  	[tilespmem:s8], [sflag:$0x1] =	stream.indirect_vreg.gather [hbm4b:s0+s3], $0x80, v4, vm0, $0xb8;
	[tilespmem:$0x18800] =	vst v63  }
0x279: {  	s13 =	simm.s32 $0x1000;
	v3 =	vadd.s32 v1, v3  }
0x27a: {  	[tilespmem:s13], [sflag:$0x1] =	stream.indirect_vreg.gather [hbm4b:s4+s3], $0x80, v4, vm0, $0xb8;
	[tilespmem:$0x18800] =	vst v63  }
0x27b: {  	s1 =	simm.s32 $0x1800  }
0x27c: {  	[tilespmem:s1], [sflag:$0x1] =	stream.indirect_vreg.gather [hbm4b:s5+s3], $0x80, v4, vm0, $0xb8;
	[tilespmem:$0x18800] =	vst v63  }
0x27d: {  	s14 =	simm.s32 $0x2000  }
0x27e: {  	[tilespmem:s14], [sflag:$0x1] =	stream.indirect_vreg.gather [hbm4b:s0+s3], $0x80, v3, vm0, $0xb8;
	[tilespmem:$0x18800] =	vst v63  }
0x27f: {  	s15 =	simm.s32 $0x2800  }
0x280: {  	[tilespmem:s15], [sflag:$0x1] =	stream.indirect_vreg.gather [hbm4b:s4+s3], $0x80, v3, vm0, $0xb8;
	[tilespmem:$0x18800] =	vst v63  }
0x281: {  	s13 =	simm.s32 $0x3000  }
0x282: {  	[tilespmem:s13], [sflag:$0x1] =	stream.indirect_vreg.gather [hbm4b:s5+s3], $0x80, v3, vm0, $0xb8;
	[tilespmem:$0x18800] =	vst v63  }
0x283: {  	v3 =	vld [tilespmem:$0x490];
	_ =	sdelay $0x4  }
0x284: {  	v49 =	vshrl.u32 v3, $0x3  }
0x285: {  	v4 =	vmul.u32 $0x30, v49  }
0x286: {  	v3 =	vand.u32 $0x7, v3  }
0x287: {  	v3 =	vor.u32 v3, v4  }
0x288: {  	v4 =	vperm.xlane v3, v0;
	_ =	sdelay $0x1  }
0x289: {  	v4 =	vadd.s32 v1, v4;
	_ =	sdelay $0x3  }
0x28a: {  	s13 =	simm.s32 $0x3800;
	v3 =	vperm.xlane v3, v2  }
0x28b: {  	[tilespmem:s13], [sflag:$0x1] =	stream.indirect_vreg.gather [hbm4b:s0+s3], $0x80, v4, vm0, $0xb8;
	[tilespmem:$0x18800] =	vst v63  }
0x28c: {  	s16 =	simm.s32 $0x4000;
	v3 =	vadd.s32 v1, v3  }
0x28d: {  	[tilespmem:s16], [sflag:$0x1] =	stream.indirect_vreg.gather [hbm4b:s4+s3], $0x80, v4, vm0, $0xb8;
	[tilespmem:$0x18800] =	vst v63  }
0x28e: {  	s17 =	simm.s32 $0x4800  }
0x28f: {  	[tilespmem:s17], [sflag:$0x1] =	stream.indirect_vreg.gather [hbm4b:s5+s3], $0x80, v4, vm0, $0xb8;
	[tilespmem:$0x18800] =	vst v63  }
0x290: {  	s18 =	simm.s32 $0x5000  }
0x291: {  	[tilespmem:s18], [sflag:$0x1] =	stream.indirect_vreg.gather [hbm4b:s0+s3], $0x80, v3, vm0, $0xb8;
	[tilespmem:$0x18800] =	vst v63  }
0x292: {  	s19 =	simm.s32 $0x5800  }
0x293: {  	[tilespmem:s19], [sflag:$0x1] =	stream.indirect_vreg.gather [hbm4b:s4+s3], $0x80, v3, vm0, $0xb8;
	[tilespmem:$0x18800] =	vst v63  }
0x294: {  	s13 =	simm.s32 $0x6000  }
0x295: {  	[tilespmem:s13], [sflag:$0x1] =	stream.indirect_vreg.gather [hbm4b:s5+s3], $0x80, v3, vm0, $0xb8;
	[tilespmem:$0x18800] =	vst v63  }
0x296: {  	v3 =	vld [tilespmem:$0x4A0];
	_ =	sdelay $0x4  }
0x297: {  	v50 =	vshrl.u32 v3, $0x3  }
0x298: {  	v4 =	vmul.u32 $0x30, v50  }
0x299: {  	v3 =	vand.u32 $0x7, v3  }
0x29a: {  	v3 =	vor.u32 v3, v4  }
0x29b: {  	v4 =	vperm.xlane v3, v0;
	_ =	sdelay $0x1  }
0x29c: {  	v4 =	vadd.s32 v1, v4;
	_ =	sdelay $0x3  }
0x29d: {  	s13 =	simm.s32 $0x6800;
	v3 =	vperm.xlane v3, v2  }
0x29e: {  	[tilespmem:s13], [sflag:$0x1] =	stream.indirect_vreg.gather [hbm4b:s0+s3], $0x80, v4, vm0, $0xb8;
	[tilespmem:$0x18800] =	vst v63  }
0x29f: {  	s20 =	simm.s32 $0x7000;
	v3 =	vadd.s32 v1, v3  }
0x2a0: {  	[tilespmem:s20], [sflag:$0x1] =	stream.indirect_vreg.gather [hbm4b:s4+s3], $0x80, v4, vm0, $0xb8;
	[tilespmem:$0x18800] =	vst v63  }
0x2a1: {  	s21 =	simm.s32 $0x7800  }
0x2a2: {  	[tilespmem:s21], [sflag:$0x1] =	stream.indirect_vreg.gather [hbm4b:s5+s3], $0x80, v4, vm0, $0xb8;
	[tilespmem:$0x18800] =	vst v63  }
0x2a3: {  	s22 =	simm.s32 $0x8000  }
0x2a4: {  	[tilespmem:s22], [sflag:$0x1] =	stream.indirect_vreg.gather [hbm4b:s0+s3], $0x80, v3, vm0, $0xb8;
	[tilespmem:$0x18800] =	vst v63  }
0x2a5: {  	s23 =	simm.s32 $0x8800  }
0x2a6: {  	[tilespmem:s23], [sflag:$0x1] =	stream.indirect_vreg.gather [hbm4b:s4+s3], $0x80, v3, vm0, $0xb8;
	[tilespmem:$0x18800] =	vst v63  }
0x2a7: {  	s13 =	simm.s32 $0x9000  }
0x2a8: {  	[tilespmem:s13], [sflag:$0x1] =	stream.indirect_vreg.gather [hbm4b:s5+s3], $0x80, v3, vm0, $0xb8;
	[tilespmem:$0x18800] =	vst v63  }
0x2a9: {  	v3 =	vld [tilespmem:$0x4B0];
	_ =	sdelay $0x4  }
0x2aa: {  	v51 =	vshrl.u32 v3, $0x3  }
0x2ab: {  	v4 =	vmul.u32 $0x30, v51  }
0x2ac: {  	v3 =	vand.u32 $0x7, v3  }
0x2ad: {  	v3 =	vor.u32 v3, v4  }
0x2ae: {  	v4 =	vperm.xlane v3, v0;
	_ =	sdelay $0x1  }
0x2af: {  	v4 =	vadd.s32 v1, v4;
	_ =	sdelay $0x3  }
0x2b0: {  	s13 =	simm.s32 $0x9800;
	v3 =	vperm.xlane v3, v2  }
0x2b1: {  	[tilespmem:s13], [sflag:$0x1] =	stream.indirect_vreg.gather [hbm4b:s0+s3], $0x80, v4, vm0, $0xb8;
	[tilespmem:$0x18800] =	vst v63  }
0x2b2: {  	s24 =	simm.s32 $0xA000;
	v3 =	vadd.s32 v1, v3  }
0x2b3: {  	[tilespmem:s24], [sflag:$0x1] =	stream.indirect_vreg.gather [hbm4b:s4+s3], $0x80, v4, vm0, $0xb8;
	[tilespmem:$0x18800] =	vst v63  }
0x2b4: {  	s25 =	simm.s32 $0xA800  }
0x2b5: {  	[tilespmem:s25], [sflag:$0x1] =	stream.indirect_vreg.gather [hbm4b:s5+s3], $0x80, v4, vm0, $0xb8;
	[tilespmem:$0x18800] =	vst v63  }
0x2b6: {  	s26 =	simm.s32 $0xB000  }
0x2b7: {  	[tilespmem:s26], [sflag:$0x1] =	stream.indirect_vreg.gather [hbm4b:s0+s3], $0x80, v3, vm0, $0xb8;
	[tilespmem:$0x18800] =	vst v63  }
0x2b8: {  	s28 =	simm.s32 $0xB800  }
0x2b9: {  	[tilespmem:s28], [sflag:$0x1] =	stream.indirect_vreg.gather [hbm4b:s4+s3], $0x80, v3, vm0, $0xb8;
	[tilespmem:$0x18800] =	vst v63  }
0x2ba: {  	s13 =	simm.s32 $0xC000  }
0x2bb: {  	[tilespmem:s13], [sflag:$0x1] =	stream.indirect_vreg.gather [hbm4b:s5+s3], $0x80, v3, vm0, $0xb8;
	[tilespmem:$0x18800] =	vst v63  }
0x2bc: {  	_ =	swait.ge [sflag:s2], $0xC000  }
0x2bd: {  	[sflag:s2] =	ssyncset.done $0x0  }
0x2be: {  	s12 =	rddreg [dreg:$0x1b];
	[sflag:s2] =	ssyncadd.s32 $0xFFFF4000  }
0x2bf: {  	[hbm4b:s12+s3] =	stream.linear.scatter [tilespmem:s8], [sflag:$0x3], $0xC000, $0x38;
	[tilespmem:$0x18800] =	vst v63  }
0x2c0: {  	s13 =	rddreg [dreg:$0x1c]  }
0x2c1: {  	[hbm4b:s13+s3] =	stream.linear.scatter [tilespmem:s8], [sflag:$0x3], $0xC000, $0x38;
	[tilespmem:$0x18800] =	vst v63  }
0x2c2: {  	_ =	swait.ge [sflag:s11], $0xC000  }
0x2c3: {  	[sflag:s11] =	ssyncset.done $0x0  }
0x2c4: {  	[sflag:s11] =	ssyncadd.s32 $0xFFFF4000  }
0x2c5: {  	_ =	swait.ge [sflag:s11], $0xC000  }
0x2c6: {  	[sflag:s11] =	ssyncset.done $0x0  }
0x2c7: {  	[sflag:s11] =	ssyncadd.s32 $0xFFFF4000  }
0x2c8: {  	v3 =	vld [tilespmem:$0x4C0];
	_ =	sdelay $0x4  }
0x2c9: {  	v52 =	vshrl.u32 v3, $0x3  }
0x2ca: {  	v4 =	vmul.u32 $0x30, v52  }
0x2cb: {  	v3 =	vand.u32 $0x7, v3  }
0x2cc: {  	v3 =	vor.u32 v3, v4  }
0x2cd: {  	v4 =	vperm.xlane v3, v0;
	_ =	sdelay $0x1  }
0x2ce: {  	v4 =	vadd.s32 v1, v4;
	_ =	sdelay $0x3  }
0x2cf: {  	v3 =	vperm.xlane v3, v2  }
0x2d0: {  	[tilespmem:s7], [sflag:$0x2] =	stream.indirect_vreg.gather [hbm4b:s0+s3], $0x80, v4, vm0, $0xb8;
	[tilespmem:$0x18800] =	vst v63  }
0x2d1: {  	s29 =	simm.s32 $0xD000;
	v3 =	vadd.s32 v1, v3  }
0x2d2: {  	[tilespmem:s29], [sflag:$0x2] =	stream.indirect_vreg.gather [hbm4b:s4+s3], $0x80, v4, vm0, $0xb8;
	[tilespmem:$0x18800] =	vst v63  }
0x2d3: {  	s6 =	simm.s32 $0xD800  }
0x2d4: {  	[tilespmem:s6], [sflag:$0x2] =	stream.indirect_vreg.gather [hbm4b:s5+s3], $0x80, v4, vm0, $0xb8;
	[tilespmem:$0x18800] =	vst v63  }
0x2d5: {  	s13 =	simm.s32 $0xE000  }
0x2d6: {  	[tilespmem:s13], [sflag:$0x2] =	stream.indirect_vreg.gather [hbm4b:s0+s3], $0x80, v3, vm0, $0xb8;
	[tilespmem:$0x18800] =	vst v63  }
0x2d7: {  	s13 =	simm.s32 $0xE800  }
0x2d8: {  	[tilespmem:s13], [sflag:$0x2] =	stream.indirect_vreg.gather [hbm4b:s4+s3], $0x80, v3, vm0, $0xb8;
	[tilespmem:$0x18800] =	vst v63  }
0x2d9: {  	s13 =	simm.s32 $0xF000  }
0x2da: {  	[tilespmem:s13], [sflag:$0x2] =	stream.indirect_vreg.gather [hbm4b:s5+s3], $0x80, v3, vm0, $0xb8;
	[tilespmem:$0x18800] =	vst v63  }
0x2db: {  	v3 =	vld [tilespmem:$0x4D0];
	_ =	sdelay $0x4  }
0x2dc: {  	v53 =	vshrl.u32 v3, $0x3  }
0x2dd: {  	v4 =	vmul.u32 $0x30, v53  }
0x2de: {  	v3 =	vand.u32 $0x7, v3  }
0x2df: {  	v3 =	vor.u32 v3, v4  }
0x2e0: {  	v4 =	vperm.xlane v3, v0;
	_ =	sdelay $0x1  }
0x2e1: {  	v4 =	vadd.s32 v1, v4;
	_ =	sdelay $0x3  }
0x2e2: {  	s13 =	simm.s32 $0xF800;
	v3 =	vperm.xlane v3, v2  }
0x2e3: {  	[tilespmem:s13], [sflag:$0x2] =	stream.indirect_vreg.gather [hbm4b:s0+s3], $0x80, v4, vm0, $0xb8;
	[tilespmem:$0x18800] =	vst v63  }
0x2e4: {  	v3 =	vadd.s32 v1, v3;
	s13 =	simm.s32 $0x10000  }
0x2e5: {  	[tilespmem:s13], [sflag:$0x2] =	stream.indirect_vreg.gather [hbm4b:s4+s3], $0x80, v4, vm0, $0xb8;
	[tilespmem:$0x18800] =	vst v63  }
0x2e6: {  	s13 =	simm.s32 $0x10800  }
0x2e7: {  	[tilespmem:s13], [sflag:$0x2] =	stream.indirect_vreg.gather [hbm4b:s5+s3], $0x80, v4, vm0, $0xb8;
	[tilespmem:$0x18800] =	vst v63  }
0x2e8: {  	s13 =	simm.s32 $0x11000  }
0x2e9: {  	[tilespmem:s13], [sflag:$0x2] =	stream.indirect_vreg.gather [hbm4b:s0+s3], $0x80, v3, vm0, $0xb8;
	[tilespmem:$0x18800] =	vst v63  }
0x2ea: {  	s13 =	simm.s32 $0x11800  }
0x2eb: {  	[tilespmem:s13], [sflag:$0x2] =	stream.indirect_vreg.gather [hbm4b:s4+s3], $0x80, v3, vm0, $0xb8;
	[tilespmem:$0x18800] =	vst v63  }
0x2ec: {  	s13 =	simm.s32 $0x12000  }
0x2ed: {  	[tilespmem:s13], [sflag:$0x2] =	stream.indirect_vreg.gather [hbm4b:s5+s3], $0x80, v3, vm0, $0xb8;
	[tilespmem:$0x18800] =	vst v63  }
0x2ee: {  	v3 =	vld [tilespmem:$0x4E0];
	_ =	sdelay $0x4  }
0x2ef: {  	v54 =	vshrl.u32 v3, $0x3  }
0x2f0: {  	v4 =	vmul.u32 $0x30, v54  }
0x2f1: {  	v3 =	vand.u32 $0x7, v3  }
0x2f2: {  	v3 =	vor.u32 v3, v4  }
0x2f3: {  	v4 =	vperm.xlane v3, v0;
	_ =	sdelay $0x1  }
0x2f4: {  	v4 =	vadd.s32 v1, v4;
	_ =	sdelay $0x3  }
0x2f5: {  	s13 =	simm.s32 $0x12800;
	v3 =	vperm.xlane v3, v2  }
0x2f6: {  	[tilespmem:s13], [sflag:$0x2] =	stream.indirect_vreg.gather [hbm4b:s0+s3], $0x80, v4, vm0, $0xb8;
	[tilespmem:$0x18800] =	vst v63  }
0x2f7: {  	s30 =	simm.s32 $0x13000;
	v3 =	vadd.s32 v1, v3  }
0x2f8: {  	[tilespmem:s30], [sflag:$0x2] =	stream.indirect_vreg.gather [hbm4b:s4+s3], $0x80, v4, vm0, $0xb8;
	[tilespmem:$0x18800] =	vst v63  }
0x2f9: {  	s13 =	simm.s32 $0x13800  }
0x2fa: {  	[tilespmem:s13], [sflag:$0x2] =	stream.indirect_vreg.gather [hbm4b:s5+s3], $0x80, v4, vm0, $0xb8;
	[tilespmem:$0x18800] =	vst v63  }
0x2fb: {  	s13 =	simm.s32 $0x14000  }
0x2fc: {  	[tilespmem:s13], [sflag:$0x2] =	stream.indirect_vreg.gather [hbm4b:s0+s3], $0x80, v3, vm0, $0xb8;
	[tilespmem:$0x18800] =	vst v63  }
0x2fd: {  	s13 =	simm.s32 $0x14800  }
0x2fe: {  	[tilespmem:s13], [sflag:$0x2] =	stream.indirect_vreg.gather [hbm4b:s4+s3], $0x80, v3, vm0, $0xb8;
	[tilespmem:$0x18800] =	vst v63  }
0x2ff: {  	s13 =	simm.s32 $0x15000  }
0x300: {  	[tilespmem:s13], [sflag:$0x2] =	stream.indirect_vreg.gather [hbm4b:s5+s3], $0x80, v3, vm0, $0xb8;
	[tilespmem:$0x18800] =	vst v63  }
0x301: {  	v3 =	vld [tilespmem:$0x4F0];
	_ =	sdelay $0x4  }
0x302: {  	v55 =	vshrl.u32 v3, $0x3  }
0x303: {  	v4 =	vmul.u32 $0x30, v55  }
0x304: {  	v3 =	vand.u32 $0x7, v3  }
0x305: {  	v3 =	vor.u32 v3, v4  }
0x306: {  	v4 =	vperm.xlane v3, v0;
	_ =	sdelay $0x1  }
0x307: {  	v4 =	vadd.s32 v1, v4;
	_ =	sdelay $0x3  }
0x308: {  	s13 =	simm.s32 $0x15800;
	v3 =	vperm.xlane v3, v2  }
0x309: {  	[tilespmem:s13], [sflag:$0x2] =	stream.indirect_vreg.gather [hbm4b:s0+s3], $0x80, v4, vm0, $0xb8;
	[tilespmem:$0x18800] =	vst v63  }
0x30a: {  	s31 =	simm.s32 $0x16000;
	v3 =	vadd.s32 v1, v3  }
0x30b: {  	[tilespmem:s31], [sflag:$0x2] =	stream.indirect_vreg.gather [hbm4b:s4+s3], $0x80, v4, vm0, $0xb8;
	[tilespmem:$0x18800] =	vst v63  }
0x30c: {  	s13 =	simm.s32 $0x16800  }
0x30d: {  	[tilespmem:s13], [sflag:$0x2] =	stream.indirect_vreg.gather [hbm4b:s5+s3], $0x80, v4, vm0, $0xb8;
	[tilespmem:$0x18800] =	vst v63  }
0x30e: {  	s13 =	simm.s32 $0x17000  }
0x30f: {  	[tilespmem:s13], [sflag:$0x2] =	stream.indirect_vreg.gather [hbm4b:s0+s3], $0x80, v3, vm0, $0xb8;
	[tilespmem:$0x18800] =	vst v63  }
0x310: {  	s13 =	simm.s32 $0x17800  }
0x311: {  	[tilespmem:s13], [sflag:$0x2] =	stream.indirect_vreg.gather [hbm4b:s4+s3], $0x80, v3, vm0, $0xb8;
	[tilespmem:$0x18800] =	vst v63  }
0x312: {  	s13 =	simm.s32 $0x18000  }
0x313: {  	[tilespmem:s13], [sflag:$0x2] =	stream.indirect_vreg.gather [hbm4b:s5+s3], $0x80, v3, vm0, $0xb8;
	[tilespmem:$0x18800] =	vst v63  }
0x314: {  	_ =	swait.ge [sflag:s9], $0xC000  }
0x315: {  	[sflag:s9] =	ssyncset.done $0x0  }
0x316: {  	s12 =	rddreg [dreg:$0x1d];
	[sflag:s9] =	ssyncadd.s32 $0xFFFF4000  }
0x317: {  	[hbm4b:s12+s3] =	stream.linear.scatter [tilespmem:s7], [sflag:$0x4], $0xC000, $0x38;
	[tilespmem:$0x18800] =	vst v63  }
0x318: {  	s13 =	rddreg [dreg:$0x1e]  }
0x319: {  	[hbm4b:s13+s3] =	stream.linear.scatter [tilespmem:s7], [sflag:$0x4], $0xC000, $0x38;
	[tilespmem:$0x18800] =	vst v63  }
0x31a: {  	_ =	swait.ge [sflag:s10], $0xC000  }
0x31b: {  	[sflag:s10] =	ssyncset.done $0x0  }
0x31c: {  	[sflag:s10] =	ssyncadd.s32 $0xFFFF4000  }
0x31d: {  	_ =	swait.ge [sflag:s10], $0xC000  }
0x31e: {  	[sflag:s10] =	ssyncset.done $0x0  }
0x31f: {  	[sflag:s10] =	ssyncadd.s32 $0xFFFF4000  }
0x320: {  	v3 =	vld [tilespmem:$0x100];
	_ =	sdelay $0x4  }
0x321: {  	v56 =	vshrl.u32 v3, $0x3  }
0x322: {  	v4 =	vmul.u32 $0x30, v56  }
0x323: {  	v3 =	vand.u32 $0x7, v3  }
0x324: {  	v3 =	vor.u32 v3, v4  }
0x325: {  	v4 =	vperm.xlane v3, v0;
	_ =	sdelay $0x1  }
0x326: {  	v4 =	vadd.s32 v1, v4;
	_ =	sdelay $0x3  }
0x327: {  	v3 =	vperm.xlane v3, v2  }
0x328: {  	[tilespmem:s8], [sflag:$0x1] =	stream.indirect_vreg.gather [hbm4b:s0+s3], $0x80, v4, vm0, $0xb8;
	[tilespmem:$0x18800] =	vst v63  }
0x329: {  	s13 =	simm.s32 $0x1000;
	v3 =	vadd.s32 v1, v3  }
0x32a: {  	[tilespmem:s13], [sflag:$0x1] =	stream.indirect_vreg.gather [hbm4b:s4+s3], $0x80, v4, vm0, $0xb8;
	[tilespmem:$0x18800] =	vst v63  }
0x32b: {  	s1 =	simm.s32 $0x1800  }
0x32c: {  	[tilespmem:s1], [sflag:$0x1] =	stream.indirect_vreg.gather [hbm4b:s5+s3], $0x80, v4, vm0, $0xb8;
	[tilespmem:$0x18800] =	vst v63  }
0x32d: {  	s14 =	simm.s32 $0x2000  }
0x32e: {  	[tilespmem:s14], [sflag:$0x1] =	stream.indirect_vreg.gather [hbm4b:s0+s3], $0x80, v3, vm0, $0xb8;
	[tilespmem:$0x18800] =	vst v63  }
0x32f: {  	s15 =	simm.s32 $0x2800  }
0x330: {  	[tilespmem:s15], [sflag:$0x1] =	stream.indirect_vreg.gather [hbm4b:s4+s3], $0x80, v3, vm0, $0xb8;
	[tilespmem:$0x18800] =	vst v63  }
0x331: {  	s13 =	simm.s32 $0x3000  }
0x332: {  	[tilespmem:s13], [sflag:$0x1] =	stream.indirect_vreg.gather [hbm4b:s5+s3], $0x80, v3, vm0, $0xb8;
	[tilespmem:$0x18800] =	vst v63  }
0x333: {  	v3 =	vld [tilespmem:$0x110];
	_ =	sdelay $0x4  }
0x334: {  	v57 =	vshrl.u32 v3, $0x3  }
0x335: {  	v4 =	vmul.u32 $0x30, v57  }
0x336: {  	v3 =	vand.u32 $0x7, v3  }
0x337: {  	v3 =	vor.u32 v3, v4  }
0x338: {  	v4 =	vperm.xlane v3, v0;
	_ =	sdelay $0x1  }
0x339: {  	v4 =	vadd.s32 v1, v4;
	_ =	sdelay $0x3  }
0x33a: {  	s13 =	simm.s32 $0x3800;
	v3 =	vperm.xlane v3, v2  }
0x33b: {  	[tilespmem:s13], [sflag:$0x1] =	stream.indirect_vreg.gather [hbm4b:s0+s3], $0x80, v4, vm0, $0xb8;
	[tilespmem:$0x18800] =	vst v63  }
0x33c: {  	s16 =	simm.s32 $0x4000;
	v3 =	vadd.s32 v1, v3  }
0x33d: {  	[tilespmem:s16], [sflag:$0x1] =	stream.indirect_vreg.gather [hbm4b:s4+s3], $0x80, v4, vm0, $0xb8;
	[tilespmem:$0x18800] =	vst v63  }
0x33e: {  	s17 =	simm.s32 $0x4800  }
0x33f: {  	[tilespmem:s17], [sflag:$0x1] =	stream.indirect_vreg.gather [hbm4b:s5+s3], $0x80, v4, vm0, $0xb8;
	[tilespmem:$0x18800] =	vst v63  }
0x340: {  	s18 =	simm.s32 $0x5000  }
0x341: {  	[tilespmem:s18], [sflag:$0x1] =	stream.indirect_vreg.gather [hbm4b:s0+s3], $0x80, v3, vm0, $0xb8;
	[tilespmem:$0x18800] =	vst v63  }
0x342: {  	s19 =	simm.s32 $0x5800  }
0x343: {  	[tilespmem:s19], [sflag:$0x1] =	stream.indirect_vreg.gather [hbm4b:s4+s3], $0x80, v3, vm0, $0xb8;
	[tilespmem:$0x18800] =	vst v63  }
0x344: {  	s13 =	simm.s32 $0x6000  }
0x345: {  	[tilespmem:s13], [sflag:$0x1] =	stream.indirect_vreg.gather [hbm4b:s5+s3], $0x80, v3, vm0, $0xb8;
	[tilespmem:$0x18800] =	vst v63  }
0x346: {  	v3 =	vld [tilespmem:$0x120];
	_ =	sdelay $0x4  }
0x347: {  	v58 =	vshrl.u32 v3, $0x3  }
0x348: {  	v4 =	vmul.u32 $0x30, v58  }
0x349: {  	v3 =	vand.u32 $0x7, v3  }
0x34a: {  	v3 =	vor.u32 v3, v4  }
0x34b: {  	v4 =	vperm.xlane v3, v0;
	_ =	sdelay $0x1  }
0x34c: {  	v4 =	vadd.s32 v1, v4;
	_ =	sdelay $0x3  }
0x34d: {  	s13 =	simm.s32 $0x6800;
	v3 =	vperm.xlane v3, v2  }
0x34e: {  	[tilespmem:s13], [sflag:$0x1] =	stream.indirect_vreg.gather [hbm4b:s0+s3], $0x80, v4, vm0, $0xb8;
	[tilespmem:$0x18800] =	vst v63  }
0x34f: {  	s20 =	simm.s32 $0x7000;
	v3 =	vadd.s32 v1, v3  }
0x350: {  	[tilespmem:s20], [sflag:$0x1] =	stream.indirect_vreg.gather [hbm4b:s4+s3], $0x80, v4, vm0, $0xb8;
	[tilespmem:$0x18800] =	vst v63  }
0x351: {  	s21 =	simm.s32 $0x7800  }
0x352: {  	[tilespmem:s21], [sflag:$0x1] =	stream.indirect_vreg.gather [hbm4b:s5+s3], $0x80, v4, vm0, $0xb8;
	[tilespmem:$0x18800] =	vst v63  }
0x353: {  	s22 =	simm.s32 $0x8000  }
0x354: {  	[tilespmem:s22], [sflag:$0x1] =	stream.indirect_vreg.gather [hbm4b:s0+s3], $0x80, v3, vm0, $0xb8;
	[tilespmem:$0x18800] =	vst v63  }
0x355: {  	s23 =	simm.s32 $0x8800  }
0x356: {  	[tilespmem:s23], [sflag:$0x1] =	stream.indirect_vreg.gather [hbm4b:s4+s3], $0x80, v3, vm0, $0xb8;
	[tilespmem:$0x18800] =	vst v63  }
0x357: {  	s13 =	simm.s32 $0x9000  }
0x358: {  	[tilespmem:s13], [sflag:$0x1] =	stream.indirect_vreg.gather [hbm4b:s5+s3], $0x80, v3, vm0, $0xb8;
	[tilespmem:$0x18800] =	vst v63  }
0x359: {  	v3 =	vld [tilespmem:$0x130];
	_ =	sdelay $0x4  }
0x35a: {  	v59 =	vshrl.u32 v3, $0x3  }
0x35b: {  	v4 =	vmul.u32 $0x30, v59  }
0x35c: {  	v3 =	vand.u32 $0x7, v3  }
0x35d: {  	v3 =	vor.u32 v3, v4  }
0x35e: {  	v4 =	vperm.xlane v3, v0;
	_ =	sdelay $0x1  }
0x35f: {  	v4 =	vadd.s32 v1, v4;
	_ =	sdelay $0x3  }
0x360: {  	s13 =	simm.s32 $0x9800;
	v3 =	vperm.xlane v3, v2  }
0x361: {  	[tilespmem:s13], [sflag:$0x1] =	stream.indirect_vreg.gather [hbm4b:s0+s3], $0x80, v4, vm0, $0xb8;
	[tilespmem:$0x18800] =	vst v63  }
0x362: {  	s24 =	simm.s32 $0xA000;
	v3 =	vadd.s32 v1, v3  }
0x363: {  	[tilespmem:s24], [sflag:$0x1] =	stream.indirect_vreg.gather [hbm4b:s4+s3], $0x80, v4, vm0, $0xb8;
	[tilespmem:$0x18800] =	vst v63  }
0x364: {  	s25 =	simm.s32 $0xA800  }
0x365: {  	[tilespmem:s25], [sflag:$0x1] =	stream.indirect_vreg.gather [hbm4b:s5+s3], $0x80, v4, vm0, $0xb8;
	[tilespmem:$0x18800] =	vst v63  }
0x366: {  	s26 =	simm.s32 $0xB000  }
0x367: {  	[tilespmem:s26], [sflag:$0x1] =	stream.indirect_vreg.gather [hbm4b:s0+s3], $0x80, v3, vm0, $0xb8;
	[tilespmem:$0x18800] =	vst v63  }
0x368: {  	s28 =	simm.s32 $0xB800  }
0x369: {  	[tilespmem:s28], [sflag:$0x1] =	stream.indirect_vreg.gather [hbm4b:s4+s3], $0x80, v3, vm0, $0xb8;
	[tilespmem:$0x18800] =	vst v63  }
0x36a: {  	s13 =	simm.s32 $0xC000  }
0x36b: {  	[tilespmem:s13], [sflag:$0x1] =	stream.indirect_vreg.gather [hbm4b:s5+s3], $0x80, v3, vm0, $0xb8;
	[tilespmem:$0x18800] =	vst v63  }
0x36c: {  	_ =	swait.ge [sflag:s2], $0xC000  }
0x36d: {  	s12 =	rddreg [dreg:$0x1f];
	[sflag:s2] =	ssyncset.done $0x0  }
0x36e: {  	s13 =	sld [smem:$0x7DF];
	[sflag:s2] =	ssyncadd.s32 $0xFFFF4000  }
0x36f: {  	[hbm4b:s12+s3] =	stream.linear.scatter [tilespmem:s8], [sflag:$0x3], $0xC000, $0x38;
	[tilespmem:$0x18800] =	vst v63  }
0x370: {  	_ = 	snop  }
0x371: {  	[hbm4b:s13+s3] =	stream.linear.scatter [tilespmem:s8], [sflag:$0x3], $0xC000, $0x38;
	[tilespmem:$0x18800] =	vst v63  }
0x372: {  	_ =	swait.ge [sflag:s11], $0xC000  }
0x373: {  	[sflag:s11] =	ssyncset.done $0x0  }
0x374: {  	[sflag:s11] =	ssyncadd.s32 $0xFFFF4000  }
0x375: {  	_ =	swait.ge [sflag:s11], $0xC000  }
0x376: {  	[sflag:s11] =	ssyncset.done $0x0  }
0x377: {  	[sflag:s11] =	ssyncadd.s32 $0xFFFF4000  }
0x378: {  	v3 =	vld [tilespmem:$0x140];
	_ =	sdelay $0x4  }
0x379: {  	v60 =	vshrl.u32 v3, $0x3  }
0x37a: {  	v4 =	vmul.u32 $0x30, v60  }
0x37b: {  	v3 =	vand.u32 $0x7, v3  }
0x37c: {  	v3 =	vor.u32 v3, v4  }
0x37d: {  	v4 =	vperm.xlane v3, v0;
	_ =	sdelay $0x1  }
0x37e: {  	v4 =	vadd.s32 v1, v4;
	_ =	sdelay $0x3  }
0x37f: {  	v3 =	vperm.xlane v3, v2  }
0x380: {  	[tilespmem:s7], [sflag:$0x2] =	stream.indirect_vreg.gather [hbm4b:s0+s3], $0x80, v4, vm0, $0xb8;
	[tilespmem:$0x18800] =	vst v63  }
0x381: {  	s29 =	simm.s32 $0xD000;
	v3 =	vadd.s32 v1, v3  }
0x382: {  	[tilespmem:s29], [sflag:$0x2] =	stream.indirect_vreg.gather [hbm4b:s4+s3], $0x80, v4, vm0, $0xb8;
	[tilespmem:$0x18800] =	vst v63  }
0x383: {  	s6 =	simm.s32 $0xD800  }
0x384: {  	[tilespmem:s6], [sflag:$0x2] =	stream.indirect_vreg.gather [hbm4b:s5+s3], $0x80, v4, vm0, $0xb8;
	[tilespmem:$0x18800] =	vst v63  }
0x385: {  	s13 =	simm.s32 $0xE000  }
0x386: {  	[tilespmem:s13], [sflag:$0x2] =	stream.indirect_vreg.gather [hbm4b:s0+s3], $0x80, v3, vm0, $0xb8;
	[tilespmem:$0x18800] =	vst v63  }
0x387: {  	s13 =	simm.s32 $0xE800  }
0x388: {  	[tilespmem:s13], [sflag:$0x2] =	stream.indirect_vreg.gather [hbm4b:s4+s3], $0x80, v3, vm0, $0xb8;
	[tilespmem:$0x18800] =	vst v63  }
0x389: {  	s13 =	simm.s32 $0xF000  }
0x38a: {  	[tilespmem:s13], [sflag:$0x2] =	stream.indirect_vreg.gather [hbm4b:s5+s3], $0x80, v3, vm0, $0xb8;
	[tilespmem:$0x18800] =	vst v63  }
0x38b: {  	v3 =	vld [tilespmem:$0x150];
	_ =	sdelay $0x4  }
0x38c: {  	v61 =	vshrl.u32 v3, $0x3  }
0x38d: {  	v4 =	vmul.u32 $0x30, v61  }
0x38e: {  	v3 =	vand.u32 $0x7, v3  }
0x38f: {  	v3 =	vor.u32 v3, v4  }
0x390: {  	v4 =	vperm.xlane v3, v0;
	_ =	sdelay $0x1  }
0x391: {  	v4 =	vadd.s32 v1, v4;
	_ =	sdelay $0x3  }
0x392: {  	s13 =	simm.s32 $0xF800;
	v3 =	vperm.xlane v3, v2  }
0x393: {  	[tilespmem:s13], [sflag:$0x2] =	stream.indirect_vreg.gather [hbm4b:s0+s3], $0x80, v4, vm0, $0xb8;
	[tilespmem:$0x18800] =	vst v63  }
0x394: {  	v3 =	vadd.s32 v1, v3;
	s13 =	simm.s32 $0x10000  }
0x395: {  	[tilespmem:s13], [sflag:$0x2] =	stream.indirect_vreg.gather [hbm4b:s4+s3], $0x80, v4, vm0, $0xb8;
	[tilespmem:$0x18800] =	vst v63  }
0x396: {  	s13 =	simm.s32 $0x10800  }
0x397: {  	[tilespmem:s13], [sflag:$0x2] =	stream.indirect_vreg.gather [hbm4b:s5+s3], $0x80, v4, vm0, $0xb8;
	[tilespmem:$0x18800] =	vst v63  }
0x398: {  	s13 =	simm.s32 $0x11000  }
0x399: {  	[tilespmem:s13], [sflag:$0x2] =	stream.indirect_vreg.gather [hbm4b:s0+s3], $0x80, v3, vm0, $0xb8;
	[tilespmem:$0x18800] =	vst v63  }
0x39a: {  	s13 =	simm.s32 $0x11800  }
0x39b: {  	[tilespmem:s13], [sflag:$0x2] =	stream.indirect_vreg.gather [hbm4b:s4+s3], $0x80, v3, vm0, $0xb8;
	[tilespmem:$0x18800] =	vst v63  }
0x39c: {  	s13 =	simm.s32 $0x12000  }
0x39d: {  	[tilespmem:s13], [sflag:$0x2] =	stream.indirect_vreg.gather [hbm4b:s5+s3], $0x80, v3, vm0, $0xb8;
	[tilespmem:$0x18800] =	vst v63  }
0x39e: {  	v3 =	vld [tilespmem:$0x160];
	_ =	sdelay $0x4  }
0x39f: {  	v62 =	vshrl.u32 v3, $0x3  }
0x3a0: {  	v4 =	vmul.u32 $0x30, v62  }
0x3a1: {  	v3 =	vand.u32 $0x7, v3  }
0x3a2: {  	v3 =	vor.u32 v3, v4  }
0x3a3: {  	v4 =	vperm.xlane v3, v0;
	_ =	sdelay $0x1  }
0x3a4: {  	v4 =	vadd.s32 v1, v4;
	_ =	sdelay $0x3  }
0x3a5: {  	s13 =	simm.s32 $0x12800;
	v3 =	vperm.xlane v3, v2  }
0x3a6: {  	[tilespmem:s13], [sflag:$0x2] =	stream.indirect_vreg.gather [hbm4b:s0+s3], $0x80, v4, vm0, $0xb8;
	[tilespmem:$0x18800] =	vst v63  }
0x3a7: {  	s30 =	simm.s32 $0x13000;
	v3 =	vadd.s32 v1, v3  }
0x3a8: {  	[tilespmem:s30], [sflag:$0x2] =	stream.indirect_vreg.gather [hbm4b:s4+s3], $0x80, v4, vm0, $0xb8;
	[tilespmem:$0x18800] =	vst v63  }
0x3a9: {  	s13 =	simm.s32 $0x13800  }
0x3aa: {  	[tilespmem:s13], [sflag:$0x2] =	stream.indirect_vreg.gather [hbm4b:s5+s3], $0x80, v4, vm0, $0xb8;
	[tilespmem:$0x18800] =	vst v63  }
0x3ab: {  	s13 =	simm.s32 $0x14000  }
0x3ac: {  	[tilespmem:s13], [sflag:$0x2] =	stream.indirect_vreg.gather [hbm4b:s0+s3], $0x80, v3, vm0, $0xb8;
	[tilespmem:$0x18800] =	vst v63  }
0x3ad: {  	s13 =	simm.s32 $0x14800  }
0x3ae: {  	[tilespmem:s13], [sflag:$0x2] =	stream.indirect_vreg.gather [hbm4b:s4+s3], $0x80, v3, vm0, $0xb8;
	[tilespmem:$0x18800] =	vst v63  }
0x3af: {  	s13 =	simm.s32 $0x15000  }
0x3b0: {  	[tilespmem:s13], [sflag:$0x2] =	stream.indirect_vreg.gather [hbm4b:s5+s3], $0x80, v3, vm0, $0xb8;
	[tilespmem:$0x18800] =	vst v63  }
0x3b1: {  	v3 =	vld [tilespmem:$0x170];
	_ =	sdelay $0x4  }
0x3b2: {  	v63 =	vshrl.u32 v3, $0x3  }
0x3b3: {  	v4 =	vmul.u32 $0x30, v63  }
0x3b4: {  	v3 =	vand.u32 $0x7, v3  }
0x3b5: {  	v3 =	vor.u32 v3, v4  }
0x3b6: {  	v4 =	vperm.xlane v3, v0;
	_ =	sdelay $0x1  }
0x3b7: {  	v4 =	vadd.s32 v1, v4;
	_ =	sdelay $0x3  }
0x3b8: {  	s13 =	simm.s32 $0x15800;
	v3 =	vperm.xlane v3, v2  }
0x3b9: {  	[tilespmem:s13], [sflag:$0x2] =	stream.indirect_vreg.gather [hbm4b:s0+s3], $0x80, v4, vm0, $0xb8;
	[tilespmem:$0x18800] =	vst v63  }
0x3ba: {  	s31 =	simm.s32 $0x16000;
	v3 =	vadd.s32 v1, v3  }
0x3bb: {  	[tilespmem:s31], [sflag:$0x2] =	stream.indirect_vreg.gather [hbm4b:s4+s3], $0x80, v4, vm0, $0xb8;
	[tilespmem:$0x18800] =	vst v63  }
0x3bc: {  	s13 =	simm.s32 $0x16800  }
0x3bd: {  	[tilespmem:s13], [sflag:$0x2] =	stream.indirect_vreg.gather [hbm4b:s5+s3], $0x80, v4, vm0, $0xb8;
	[tilespmem:$0x18800] =	vst v63  }
0x3be: {  	s13 =	simm.s32 $0x17000  }
0x3bf: {  	[tilespmem:s13], [sflag:$0x2] =	stream.indirect_vreg.gather [hbm4b:s0+s3], $0x80, v3, vm0, $0xb8;
	[tilespmem:$0x18800] =	vst v63  }
0x3c0: {  	s13 =	simm.s32 $0x17800  }
0x3c1: {  	[tilespmem:s13], [sflag:$0x2] =	stream.indirect_vreg.gather [hbm4b:s4+s3], $0x80, v3, vm0, $0xb8;
	[tilespmem:$0x18800] =	vst v63  }
0x3c2: {  	s13 =	simm.s32 $0x18000  }
0x3c3: {  	[tilespmem:s13], [sflag:$0x2] =	stream.indirect_vreg.gather [hbm4b:s5+s3], $0x80, v3, vm0, $0xb8;
	[tilespmem:$0x18800] =	vst v63  }
0x3c4: {  	_ =	swait.ge [sflag:s9], $0xC000  }
0x3c5: {  	s12 =	sld [smem:$0x7E0]  }
0x3c6: {  	[sflag:s9] =	ssyncset.done $0x0  }
0x3c7: {  	s13 =	sld [smem:$0x7E1];
	[sflag:s9] =	ssyncadd.s32 $0xFFFF4000  }
0x3c8: {  	[hbm4b:s12+s3] =	stream.linear.scatter [tilespmem:s7], [sflag:$0x4], $0xC000, $0x38;
	[tilespmem:$0x18800] =	vst v63  }
0x3c9: {  	_ = 	snop  }
0x3ca: {  	[hbm4b:s13+s3] =	stream.linear.scatter [tilespmem:s7], [sflag:$0x4], $0xC000, $0x38;
	[tilespmem:$0x18800] =	vst v63  }
0x3cb: {  	_ =	swait.ge [sflag:s10], $0xC000  }
0x3cc: {  	[sflag:s10] =	ssyncset.done $0x0  }
0x3cd: {  	[sflag:s10] =	ssyncadd.s32 $0xFFFF4000  }
0x3ce: {  	_ =	swait.ge [sflag:s10], $0xC000  }
0x3cf: {  	[sflag:s10] =	ssyncset.done $0x0  }
0x3d0: {  	[sflag:s10] =	ssyncadd.s32 $0xFFFF4000  }
0x3d1: {  	v3 =	vld [tilespmem:$0x500];
	_ =	sdelay $0x4  }
0x3d2: {  	v8 =	vshrl.u32 v3, $0x3  }
0x3d3: {  	v4 =	vmul.u32 $0x30, v8  }
0x3d4: {  	v3 =	vand.u32 $0x7, v3  }
0x3d5: {  	v3 =	vor.u32 v3, v4  }
0x3d6: {  	v4 =	vperm.xlane v3, v0;
	_ =	sdelay $0x1  }
0x3d7: {  	v4 =	vadd.s32 v1, v4;
	_ =	sdelay $0x3  }
0x3d8: {  	v3 =	vperm.xlane v3, v2  }
0x3d9: {  	[tilespmem:s8], [sflag:$0x1] =	stream.indirect_vreg.gather [hbm4b:s0+s3], $0x80, v4, vm0, $0xb8;
	[tilespmem:$0x18800] =	vst v63  }
0x3da: {  	s13 =	simm.s32 $0x1000;
	v3 =	vadd.s32 v1, v3  }
0x3db: {  	[tilespmem:s13], [sflag:$0x1] =	stream.indirect_vreg.gather [hbm4b:s4+s3], $0x80, v4, vm0, $0xb8;
	[tilespmem:$0x18800] =	vst v63  }
0x3dc: {  	s1 =	simm.s32 $0x1800  }
0x3dd: {  	[tilespmem:s1], [sflag:$0x1] =	stream.indirect_vreg.gather [hbm4b:s5+s3], $0x80, v4, vm0, $0xb8;
	[tilespmem:$0x18800] =	vst v63  }
0x3de: {  	s14 =	simm.s32 $0x2000  }
0x3df: {  	[tilespmem:s14], [sflag:$0x1] =	stream.indirect_vreg.gather [hbm4b:s0+s3], $0x80, v3, vm0, $0xb8;
	[tilespmem:$0x18800] =	vst v63  }
0x3e0: {  	s15 =	simm.s32 $0x2800  }
0x3e1: {  	[tilespmem:s15], [sflag:$0x1] =	stream.indirect_vreg.gather [hbm4b:s4+s3], $0x80, v3, vm0, $0xb8;
	[tilespmem:$0x18800] =	vst v63  }
0x3e2: {  	s13 =	simm.s32 $0x3000  }
0x3e3: {  	[tilespmem:s13], [sflag:$0x1] =	stream.indirect_vreg.gather [hbm4b:s5+s3], $0x80, v3, vm0, $0xb8;
	[tilespmem:$0x18800] =	vst v63  }
0x3e4: {  	v3 =	vld [tilespmem:$0x510];
	_ =	sdelay $0x4  }
0x3e5: {  	v9 =	vshrl.u32 v3, $0x3  }
0x3e6: {  	v4 =	vmul.u32 $0x30, v9  }
0x3e7: {  	v3 =	vand.u32 $0x7, v3  }
0x3e8: {  	v3 =	vor.u32 v3, v4  }
0x3e9: {  	v4 =	vperm.xlane v3, v0;
	_ =	sdelay $0x1  }
0x3ea: {  	v4 =	vadd.s32 v1, v4;
	_ =	sdelay $0x3  }
0x3eb: {  	s13 =	simm.s32 $0x3800;
	v3 =	vperm.xlane v3, v2  }
0x3ec: {  	[tilespmem:s13], [sflag:$0x1] =	stream.indirect_vreg.gather [hbm4b:s0+s3], $0x80, v4, vm0, $0xb8;
	[tilespmem:$0x18800] =	vst v63  }
0x3ed: {  	s16 =	simm.s32 $0x4000;
	v3 =	vadd.s32 v1, v3  }
0x3ee: {  	[tilespmem:s16], [sflag:$0x1] =	stream.indirect_vreg.gather [hbm4b:s4+s3], $0x80, v4, vm0, $0xb8;
	[tilespmem:$0x18800] =	vst v63  }
0x3ef: {  	s17 =	simm.s32 $0x4800  }
0x3f0: {  	[tilespmem:s17], [sflag:$0x1] =	stream.indirect_vreg.gather [hbm4b:s5+s3], $0x80, v4, vm0, $0xb8;
	[tilespmem:$0x18800] =	vst v63  }
0x3f1: {  	s18 =	simm.s32 $0x5000  }
0x3f2: {  	[tilespmem:s18], [sflag:$0x1] =	stream.indirect_vreg.gather [hbm4b:s0+s3], $0x80, v3, vm0, $0xb8;
	[tilespmem:$0x18800] =	vst v63  }
0x3f3: {  	s19 =	simm.s32 $0x5800  }
0x3f4: {  	[tilespmem:s19], [sflag:$0x1] =	stream.indirect_vreg.gather [hbm4b:s4+s3], $0x80, v3, vm0, $0xb8;
	[tilespmem:$0x18800] =	vst v63  }
0x3f5: {  	s13 =	simm.s32 $0x6000  }
0x3f6: {  	[tilespmem:s13], [sflag:$0x1] =	stream.indirect_vreg.gather [hbm4b:s5+s3], $0x80, v3, vm0, $0xb8;
	[tilespmem:$0x18800] =	vst v63  }
0x3f7: {  	v3 =	vld [tilespmem:$0x520];
	_ =	sdelay $0x4  }
0x3f8: {  	v10 =	vshrl.u32 v3, $0x3  }
0x3f9: {  	v4 =	vmul.u32 $0x30, v10  }
0x3fa: {  	v3 =	vand.u32 $0x7, v3  }
0x3fb: {  	v3 =	vor.u32 v3, v4  }
0x3fc: {  	v4 =	vperm.xlane v3, v0;
	_ =	sdelay $0x1  }
0x3fd: {  	v4 =	vadd.s32 v1, v4;
	_ =	sdelay $0x3  }
0x3fe: {  	s13 =	simm.s32 $0x6800;
	v3 =	vperm.xlane v3, v2  }
0x3ff: {  	[tilespmem:s13], [sflag:$0x1] =	stream.indirect_vreg.gather [hbm4b:s0+s3], $0x80, v4, vm0, $0xb8;
	[tilespmem:$0x18800] =	vst v63  }
0x400: {  	s20 =	simm.s32 $0x7000;
	v3 =	vadd.s32 v1, v3  }
0x401: {  	[tilespmem:s20], [sflag:$0x1] =	stream.indirect_vreg.gather [hbm4b:s4+s3], $0x80, v4, vm0, $0xb8;
	[tilespmem:$0x18800] =	vst v63  }
0x402: {  	s21 =	simm.s32 $0x7800  }
0x403: {  	[tilespmem:s21], [sflag:$0x1] =	stream.indirect_vreg.gather [hbm4b:s5+s3], $0x80, v4, vm0, $0xb8;
	[tilespmem:$0x18800] =	vst v63  }
0x404: {  	s22 =	simm.s32 $0x8000  }
0x405: {  	[tilespmem:s22], [sflag:$0x1] =	stream.indirect_vreg.gather [hbm4b:s0+s3], $0x80, v3, vm0, $0xb8;
	[tilespmem:$0x18800] =	vst v63  }
0x406: {  	s23 =	simm.s32 $0x8800  }
0x407: {  	[tilespmem:s23], [sflag:$0x1] =	stream.indirect_vreg.gather [hbm4b:s4+s3], $0x80, v3, vm0, $0xb8;
	[tilespmem:$0x18800] =	vst v63  }
0x408: {  	s13 =	simm.s32 $0x9000  }
0x409: {  	[tilespmem:s13], [sflag:$0x1] =	stream.indirect_vreg.gather [hbm4b:s5+s3], $0x80, v3, vm0, $0xb8;
	[tilespmem:$0x18800] =	vst v63  }
0x40a: {  	v3 =	vld [tilespmem:$0x530];
	_ =	sdelay $0x4  }
0x40b: {  	v11 =	vshrl.u32 v3, $0x3  }
0x40c: {  	v4 =	vmul.u32 $0x30, v11  }
0x40d: {  	v3 =	vand.u32 $0x7, v3  }
0x40e: {  	v3 =	vor.u32 v3, v4  }
0x40f: {  	v4 =	vperm.xlane v3, v0;
	_ =	sdelay $0x1  }
0x410: {  	v4 =	vadd.s32 v1, v4;
	_ =	sdelay $0x3  }
0x411: {  	s13 =	simm.s32 $0x9800;
	v3 =	vperm.xlane v3, v2  }
0x412: {  	[tilespmem:s13], [sflag:$0x1] =	stream.indirect_vreg.gather [hbm4b:s0+s3], $0x80, v4, vm0, $0xb8;
	[tilespmem:$0x18800] =	vst v63  }
0x413: {  	s24 =	simm.s32 $0xA000;
	v3 =	vadd.s32 v1, v3  }
0x414: {  	[tilespmem:s24], [sflag:$0x1] =	stream.indirect_vreg.gather [hbm4b:s4+s3], $0x80, v4, vm0, $0xb8;
	[tilespmem:$0x18800] =	vst v63  }
0x415: {  	s25 =	simm.s32 $0xA800  }
0x416: {  	[tilespmem:s25], [sflag:$0x1] =	stream.indirect_vreg.gather [hbm4b:s5+s3], $0x80, v4, vm0, $0xb8;
	[tilespmem:$0x18800] =	vst v63  }
0x417: {  	s26 =	simm.s32 $0xB000  }
0x418: {  	[tilespmem:s26], [sflag:$0x1] =	stream.indirect_vreg.gather [hbm4b:s0+s3], $0x80, v3, vm0, $0xb8;
	[tilespmem:$0x18800] =	vst v63  }
0x419: {  	s28 =	simm.s32 $0xB800  }
0x41a: {  	[tilespmem:s28], [sflag:$0x1] =	stream.indirect_vreg.gather [hbm4b:s4+s3], $0x80, v3, vm0, $0xb8;
	[tilespmem:$0x18800] =	vst v63  }
0x41b: {  	s13 =	simm.s32 $0xC000  }
0x41c: {  	[tilespmem:s13], [sflag:$0x1] =	stream.indirect_vreg.gather [hbm4b:s5+s3], $0x80, v3, vm0, $0xb8;
	[tilespmem:$0x18800] =	vst v63  }
0x41d: {  	_ =	swait.ge [sflag:s2], $0xC000  }
0x41e: {  	s12 =	sld [smem:$0x7E2]  }
0x41f: {  	[sflag:s2] =	ssyncset.done $0x0  }
0x420: {  	s13 =	sld [smem:$0x7E3];
	[sflag:s2] =	ssyncadd.s32 $0xFFFF4000  }
0x421: {  	[hbm4b:s12+s3] =	stream.linear.scatter [tilespmem:s8], [sflag:$0x3], $0xC000, $0x38;
	[tilespmem:$0x18800] =	vst v63  }
0x422: {  	_ = 	snop  }
0x423: {  	[hbm4b:s13+s3] =	stream.linear.scatter [tilespmem:s8], [sflag:$0x3], $0xC000, $0x38;
	[tilespmem:$0x18800] =	vst v63  }
0x424: {  	_ =	swait.ge [sflag:s11], $0xC000  }
0x425: {  	[sflag:s11] =	ssyncset.done $0x0  }
0x426: {  	[sflag:s11] =	ssyncadd.s32 $0xFFFF4000  }
0x427: {  	_ =	swait.ge [sflag:s11], $0xC000  }
0x428: {  	[sflag:s11] =	ssyncset.done $0x0  }
0x429: {  	[sflag:s11] =	ssyncadd.s32 $0xFFFF4000  }
0x42a: {  	v3 =	vld [tilespmem:$0x540];
	_ =	sdelay $0x4  }
0x42b: {  	v12 =	vshrl.u32 v3, $0x3  }
0x42c: {  	v4 =	vmul.u32 $0x30, v12  }
0x42d: {  	v3 =	vand.u32 $0x7, v3  }
0x42e: {  	v3 =	vor.u32 v3, v4  }
0x42f: {  	v4 =	vperm.xlane v3, v0;
	_ =	sdelay $0x1  }
0x430: {  	v4 =	vadd.s32 v1, v4;
	_ =	sdelay $0x3  }
0x431: {  	v3 =	vperm.xlane v3, v2  }
0x432: {  	[tilespmem:s7], [sflag:$0x2] =	stream.indirect_vreg.gather [hbm4b:s0+s3], $0x80, v4, vm0, $0xb8;
	[tilespmem:$0x18800] =	vst v63  }
0x433: {  	s29 =	simm.s32 $0xD000;
	v3 =	vadd.s32 v1, v3  }
0x434: {  	[tilespmem:s29], [sflag:$0x2] =	stream.indirect_vreg.gather [hbm4b:s4+s3], $0x80, v4, vm0, $0xb8;
	[tilespmem:$0x18800] =	vst v63  }
0x435: {  	s6 =	simm.s32 $0xD800  }
0x436: {  	[tilespmem:s6], [sflag:$0x2] =	stream.indirect_vreg.gather [hbm4b:s5+s3], $0x80, v4, vm0, $0xb8;
	[tilespmem:$0x18800] =	vst v63  }
0x437: {  	s13 =	simm.s32 $0xE000  }
0x438: {  	[tilespmem:s13], [sflag:$0x2] =	stream.indirect_vreg.gather [hbm4b:s0+s3], $0x80, v3, vm0, $0xb8;
	[tilespmem:$0x18800] =	vst v63  }
0x439: {  	s13 =	simm.s32 $0xE800  }
0x43a: {  	[tilespmem:s13], [sflag:$0x2] =	stream.indirect_vreg.gather [hbm4b:s4+s3], $0x80, v3, vm0, $0xb8;
	[tilespmem:$0x18800] =	vst v63  }
0x43b: {  	s13 =	simm.s32 $0xF000  }
0x43c: {  	[tilespmem:s13], [sflag:$0x2] =	stream.indirect_vreg.gather [hbm4b:s5+s3], $0x80, v3, vm0, $0xb8;
	[tilespmem:$0x18800] =	vst v63  }
0x43d: {  	v3 =	vld [tilespmem:$0x550];
	_ =	sdelay $0x4  }
0x43e: {  	v13 =	vshrl.u32 v3, $0x3  }
0x43f: {  	v4 =	vmul.u32 $0x30, v13  }
0x440: {  	v3 =	vand.u32 $0x7, v3  }
0x441: {  	v3 =	vor.u32 v3, v4  }
0x442: {  	v4 =	vperm.xlane v3, v0;
	_ =	sdelay $0x1  }
0x443: {  	v4 =	vadd.s32 v1, v4;
	_ =	sdelay $0x3  }
0x444: {  	s13 =	simm.s32 $0xF800;
	v3 =	vperm.xlane v3, v2  }
0x445: {  	[tilespmem:s13], [sflag:$0x2] =	stream.indirect_vreg.gather [hbm4b:s0+s3], $0x80, v4, vm0, $0xb8;
	[tilespmem:$0x18800] =	vst v63  }
0x446: {  	v3 =	vadd.s32 v1, v3;
	s13 =	simm.s32 $0x10000  }
0x447: {  	[tilespmem:s13], [sflag:$0x2] =	stream.indirect_vreg.gather [hbm4b:s4+s3], $0x80, v4, vm0, $0xb8;
	[tilespmem:$0x18800] =	vst v63  }
0x448: {  	s13 =	simm.s32 $0x10800  }
0x449: {  	[tilespmem:s13], [sflag:$0x2] =	stream.indirect_vreg.gather [hbm4b:s5+s3], $0x80, v4, vm0, $0xb8;
	[tilespmem:$0x18800] =	vst v63  }
0x44a: {  	s13 =	simm.s32 $0x11000  }
0x44b: {  	[tilespmem:s13], [sflag:$0x2] =	stream.indirect_vreg.gather [hbm4b:s0+s3], $0x80, v3, vm0, $0xb8;
	[tilespmem:$0x18800] =	vst v63  }
0x44c: {  	s13 =	simm.s32 $0x11800  }
0x44d: {  	[tilespmem:s13], [sflag:$0x2] =	stream.indirect_vreg.gather [hbm4b:s4+s3], $0x80, v3, vm0, $0xb8;
	[tilespmem:$0x18800] =	vst v63  }
0x44e: {  	s13 =	simm.s32 $0x12000  }
0x44f: {  	[tilespmem:s13], [sflag:$0x2] =	stream.indirect_vreg.gather [hbm4b:s5+s3], $0x80, v3, vm0, $0xb8;
	[tilespmem:$0x18800] =	vst v63  }
0x450: {  	v3 =	vld [tilespmem:$0x560];
	_ =	sdelay $0x4  }
0x451: {  	v14 =	vshrl.u32 v3, $0x3  }
0x452: {  	v4 =	vmul.u32 $0x30, v14  }
0x453: {  	v3 =	vand.u32 $0x7, v3  }
0x454: {  	v3 =	vor.u32 v3, v4  }
0x455: {  	v4 =	vperm.xlane v3, v0;
	_ =	sdelay $0x1  }
0x456: {  	v4 =	vadd.s32 v1, v4;
	_ =	sdelay $0x3  }
0x457: {  	s13 =	simm.s32 $0x12800;
	v3 =	vperm.xlane v3, v2  }
0x458: {  	[tilespmem:s13], [sflag:$0x2] =	stream.indirect_vreg.gather [hbm4b:s0+s3], $0x80, v4, vm0, $0xb8;
	[tilespmem:$0x18800] =	vst v63  }
0x459: {  	s30 =	simm.s32 $0x13000;
	v3 =	vadd.s32 v1, v3  }
0x45a: {  	[tilespmem:s30], [sflag:$0x2] =	stream.indirect_vreg.gather [hbm4b:s4+s3], $0x80, v4, vm0, $0xb8;
	[tilespmem:$0x18800] =	vst v63  }
0x45b: {  	s13 =	simm.s32 $0x13800  }
0x45c: {  	[tilespmem:s13], [sflag:$0x2] =	stream.indirect_vreg.gather [hbm4b:s5+s3], $0x80, v4, vm0, $0xb8;
	[tilespmem:$0x18800] =	vst v63  }
0x45d: {  	s13 =	simm.s32 $0x14000  }
0x45e: {  	[tilespmem:s13], [sflag:$0x2] =	stream.indirect_vreg.gather [hbm4b:s0+s3], $0x80, v3, vm0, $0xb8;
	[tilespmem:$0x18800] =	vst v63  }
0x45f: {  	s13 =	simm.s32 $0x14800  }
0x460: {  	[tilespmem:s13], [sflag:$0x2] =	stream.indirect_vreg.gather [hbm4b:s4+s3], $0x80, v3, vm0, $0xb8;
	[tilespmem:$0x18800] =	vst v63  }
0x461: {  	s13 =	simm.s32 $0x15000  }
0x462: {  	[tilespmem:s13], [sflag:$0x2] =	stream.indirect_vreg.gather [hbm4b:s5+s3], $0x80, v3, vm0, $0xb8;
	[tilespmem:$0x18800] =	vst v63  }
0x463: {  	v3 =	vld [tilespmem:$0x570];
	_ =	sdelay $0x4  }
0x464: {  	v15 =	vshrl.u32 v3, $0x3  }
0x465: {  	v4 =	vmul.u32 $0x30, v15  }
0x466: {  	v3 =	vand.u32 $0x7, v3  }
0x467: {  	v3 =	vor.u32 v3, v4  }
0x468: {  	v4 =	vperm.xlane v3, v0;
	_ =	sdelay $0x1  }
0x469: {  	v4 =	vadd.s32 v1, v4;
	_ =	sdelay $0x3  }
0x46a: {  	s13 =	simm.s32 $0x15800;
	v3 =	vperm.xlane v3, v2  }
0x46b: {  	[tilespmem:s13], [sflag:$0x2] =	stream.indirect_vreg.gather [hbm4b:s0+s3], $0x80, v4, vm0, $0xb8;
	[tilespmem:$0x18800] =	vst v63  }
0x46c: {  	s31 =	simm.s32 $0x16000;
	v3 =	vadd.s32 v1, v3  }
0x46d: {  	[tilespmem:s31], [sflag:$0x2] =	stream.indirect_vreg.gather [hbm4b:s4+s3], $0x80, v4, vm0, $0xb8;
	[tilespmem:$0x18800] =	vst v63  }
0x46e: {  	s13 =	simm.s32 $0x16800  }
0x46f: {  	[tilespmem:s13], [sflag:$0x2] =	stream.indirect_vreg.gather [hbm4b:s5+s3], $0x80, v4, vm0, $0xb8;
	[tilespmem:$0x18800] =	vst v63  }
0x470: {  	s13 =	simm.s32 $0x17000  }
0x471: {  	[tilespmem:s13], [sflag:$0x2] =	stream.indirect_vreg.gather [hbm4b:s0+s3], $0x80, v3, vm0, $0xb8;
	[tilespmem:$0x18800] =	vst v63  }
0x472: {  	s13 =	simm.s32 $0x17800  }
0x473: {  	[tilespmem:s13], [sflag:$0x2] =	stream.indirect_vreg.gather [hbm4b:s4+s3], $0x80, v3, vm0, $0xb8;
	[tilespmem:$0x18800] =	vst v63  }
0x474: {  	s13 =	simm.s32 $0x18000  }
0x475: {  	[tilespmem:s13], [sflag:$0x2] =	stream.indirect_vreg.gather [hbm4b:s5+s3], $0x80, v3, vm0, $0xb8;
	[tilespmem:$0x18800] =	vst v63  }
0x476: {  	_ =	swait.ge [sflag:s9], $0xC000  }
0x477: {  	s12 =	sld [smem:$0x7E4]  }
0x478: {  	[sflag:s9] =	ssyncset.done $0x0  }
0x479: {  	s13 =	sld [smem:$0x7E5];
	[sflag:s9] =	ssyncadd.s32 $0xFFFF4000  }
0x47a: {  	[hbm4b:s12+s3] =	stream.linear.scatter [tilespmem:s7], [sflag:$0x4], $0xC000, $0x38;
	[tilespmem:$0x18800] =	vst v63  }
0x47b: {  	_ = 	snop  }
0x47c: {  	[hbm4b:s13+s3] =	stream.linear.scatter [tilespmem:s7], [sflag:$0x4], $0xC000, $0x38;
	[tilespmem:$0x18800] =	vst v63  }
0x47d: {  	_ =	swait.ge [sflag:s10], $0xC000  }
0x47e: {  	[sflag:s10] =	ssyncset.done $0x0  }
0x47f: {  	[sflag:s10] =	ssyncadd.s32 $0xFFFF4000  }
0x480: {  	_ =	swait.ge [sflag:s10], $0xC000  }
0x481: {  	[sflag:s10] =	ssyncset.done $0x0  }
0x482: {  	[sflag:s10] =	ssyncadd.s32 $0xFFFF4000  }
0x483: {  	v3 =	vld [tilespmem:$0x180];
	_ =	sdelay $0x4  }
0x484: {  	v16 =	vshrl.u32 v3, $0x3  }
0x485: {  	v4 =	vmul.u32 $0x30, v16  }
0x486: {  	v3 =	vand.u32 $0x7, v3  }
0x487: {  	v3 =	vor.u32 v3, v4  }
0x488: {  	v4 =	vperm.xlane v3, v0;
	_ =	sdelay $0x1  }
0x489: {  	v4 =	vadd.s32 v1, v4;
	_ =	sdelay $0x3  }
0x48a: {  	v3 =	vperm.xlane v3, v2  }
0x48b: {  	[tilespmem:s8], [sflag:$0x1] =	stream.indirect_vreg.gather [hbm4b:s0+s3], $0x80, v4, vm0, $0xb8;
	[tilespmem:$0x18800] =	vst v63  }
0x48c: {  	s13 =	simm.s32 $0x1000;
	v3 =	vadd.s32 v1, v3  }
0x48d: {  	[tilespmem:s13], [sflag:$0x1] =	stream.indirect_vreg.gather [hbm4b:s4+s3], $0x80, v4, vm0, $0xb8;
	[tilespmem:$0x18800] =	vst v63  }
0x48e: {  	s1 =	simm.s32 $0x1800  }
0x48f: {  	[tilespmem:s1], [sflag:$0x1] =	stream.indirect_vreg.gather [hbm4b:s5+s3], $0x80, v4, vm0, $0xb8;
	[tilespmem:$0x18800] =	vst v63  }
0x490: {  	s14 =	simm.s32 $0x2000  }
0x491: {  	[tilespmem:s14], [sflag:$0x1] =	stream.indirect_vreg.gather [hbm4b:s0+s3], $0x80, v3, vm0, $0xb8;
	[tilespmem:$0x18800] =	vst v63  }
0x492: {  	s15 =	simm.s32 $0x2800  }
0x493: {  	[tilespmem:s15], [sflag:$0x1] =	stream.indirect_vreg.gather [hbm4b:s4+s3], $0x80, v3, vm0, $0xb8;
	[tilespmem:$0x18800] =	vst v63  }
0x494: {  	s13 =	simm.s32 $0x3000  }
0x495: {  	[tilespmem:s13], [sflag:$0x1] =	stream.indirect_vreg.gather [hbm4b:s5+s3], $0x80, v3, vm0, $0xb8;
	[tilespmem:$0x18800] =	vst v63  }
0x496: {  	v3 =	vld [tilespmem:$0x190];
	_ =	sdelay $0x4  }
0x497: {  	v17 =	vshrl.u32 v3, $0x3  }
0x498: {  	v4 =	vmul.u32 $0x30, v17  }
0x499: {  	v3 =	vand.u32 $0x7, v3  }
0x49a: {  	v3 =	vor.u32 v3, v4  }
0x49b: {  	v4 =	vperm.xlane v3, v0;
	_ =	sdelay $0x1  }
0x49c: {  	v4 =	vadd.s32 v1, v4;
	_ =	sdelay $0x3  }
0x49d: {  	s13 =	simm.s32 $0x3800;
	v3 =	vperm.xlane v3, v2  }
0x49e: {  	[tilespmem:s13], [sflag:$0x1] =	stream.indirect_vreg.gather [hbm4b:s0+s3], $0x80, v4, vm0, $0xb8;
	[tilespmem:$0x18800] =	vst v63  }
0x49f: {  	s16 =	simm.s32 $0x4000;
	v3 =	vadd.s32 v1, v3  }
0x4a0: {  	[tilespmem:s16], [sflag:$0x1] =	stream.indirect_vreg.gather [hbm4b:s4+s3], $0x80, v4, vm0, $0xb8;
	[tilespmem:$0x18800] =	vst v63  }
0x4a1: {  	s17 =	simm.s32 $0x4800  }
0x4a2: {  	[tilespmem:s17], [sflag:$0x1] =	stream.indirect_vreg.gather [hbm4b:s5+s3], $0x80, v4, vm0, $0xb8;
	[tilespmem:$0x18800] =	vst v63  }
0x4a3: {  	s18 =	simm.s32 $0x5000  }
0x4a4: {  	[tilespmem:s18], [sflag:$0x1] =	stream.indirect_vreg.gather [hbm4b:s0+s3], $0x80, v3, vm0, $0xb8;
	[tilespmem:$0x18800] =	vst v63  }
0x4a5: {  	s19 =	simm.s32 $0x5800  }
0x4a6: {  	[tilespmem:s19], [sflag:$0x1] =	stream.indirect_vreg.gather [hbm4b:s4+s3], $0x80, v3, vm0, $0xb8;
	[tilespmem:$0x18800] =	vst v63  }
0x4a7: {  	s13 =	simm.s32 $0x6000  }
0x4a8: {  	[tilespmem:s13], [sflag:$0x1] =	stream.indirect_vreg.gather [hbm4b:s5+s3], $0x80, v3, vm0, $0xb8;
	[tilespmem:$0x18800] =	vst v63  }
0x4a9: {  	v3 =	vld [tilespmem:$0x1A0];
	_ =	sdelay $0x4  }
0x4aa: {  	v18 =	vshrl.u32 v3, $0x3  }
0x4ab: {  	v4 =	vmul.u32 $0x30, v18  }
0x4ac: {  	v3 =	vand.u32 $0x7, v3  }
0x4ad: {  	v3 =	vor.u32 v3, v4  }
0x4ae: {  	v4 =	vperm.xlane v3, v0;
	_ =	sdelay $0x1  }
0x4af: {  	v4 =	vadd.s32 v1, v4;
	_ =	sdelay $0x3  }
0x4b0: {  	s13 =	simm.s32 $0x6800;
	v3 =	vperm.xlane v3, v2  }
0x4b1: {  	[tilespmem:s13], [sflag:$0x1] =	stream.indirect_vreg.gather [hbm4b:s0+s3], $0x80, v4, vm0, $0xb8;
	[tilespmem:$0x18800] =	vst v63  }
0x4b2: {  	s20 =	simm.s32 $0x7000;
	v3 =	vadd.s32 v1, v3  }
0x4b3: {  	[tilespmem:s20], [sflag:$0x1] =	stream.indirect_vreg.gather [hbm4b:s4+s3], $0x80, v4, vm0, $0xb8;
	[tilespmem:$0x18800] =	vst v63  }
0x4b4: {  	s21 =	simm.s32 $0x7800  }
0x4b5: {  	[tilespmem:s21], [sflag:$0x1] =	stream.indirect_vreg.gather [hbm4b:s5+s3], $0x80, v4, vm0, $0xb8;
	[tilespmem:$0x18800] =	vst v63  }
0x4b6: {  	s22 =	simm.s32 $0x8000  }
0x4b7: {  	[tilespmem:s22], [sflag:$0x1] =	stream.indirect_vreg.gather [hbm4b:s0+s3], $0x80, v3, vm0, $0xb8;
	[tilespmem:$0x18800] =	vst v63  }
0x4b8: {  	s23 =	simm.s32 $0x8800  }
0x4b9: {  	[tilespmem:s23], [sflag:$0x1] =	stream.indirect_vreg.gather [hbm4b:s4+s3], $0x80, v3, vm0, $0xb8;
	[tilespmem:$0x18800] =	vst v63  }
0x4ba: {  	s13 =	simm.s32 $0x9000  }
0x4bb: {  	[tilespmem:s13], [sflag:$0x1] =	stream.indirect_vreg.gather [hbm4b:s5+s3], $0x80, v3, vm0, $0xb8;
	[tilespmem:$0x18800] =	vst v63  }
0x4bc: {  	v3 =	vld [tilespmem:$0x1B0];
	_ =	sdelay $0x4  }
0x4bd: {  	v19 =	vshrl.u32 v3, $0x3  }
0x4be: {  	v4 =	vmul.u32 $0x30, v19  }
0x4bf: {  	v3 =	vand.u32 $0x7, v3  }
0x4c0: {  	v3 =	vor.u32 v3, v4  }
0x4c1: {  	v4 =	vperm.xlane v3, v0;
	_ =	sdelay $0x1  }
0x4c2: {  	v4 =	vadd.s32 v1, v4;
	_ =	sdelay $0x3  }
0x4c3: {  	s13 =	simm.s32 $0x9800;
	v3 =	vperm.xlane v3, v2  }
0x4c4: {  	[tilespmem:s13], [sflag:$0x1] =	stream.indirect_vreg.gather [hbm4b:s0+s3], $0x80, v4, vm0, $0xb8;
	[tilespmem:$0x18800] =	vst v63  }
0x4c5: {  	s24 =	simm.s32 $0xA000;
	v3 =	vadd.s32 v1, v3  }
0x4c6: {  	[tilespmem:s24], [sflag:$0x1] =	stream.indirect_vreg.gather [hbm4b:s4+s3], $0x80, v4, vm0, $0xb8;
	[tilespmem:$0x18800] =	vst v63  }
0x4c7: {  	s25 =	simm.s32 $0xA800  }
0x4c8: {  	[tilespmem:s25], [sflag:$0x1] =	stream.indirect_vreg.gather [hbm4b:s5+s3], $0x80, v4, vm0, $0xb8;
	[tilespmem:$0x18800] =	vst v63  }
0x4c9: {  	s26 =	simm.s32 $0xB000  }
0x4ca: {  	[tilespmem:s26], [sflag:$0x1] =	stream.indirect_vreg.gather [hbm4b:s0+s3], $0x80, v3, vm0, $0xb8;
	[tilespmem:$0x18800] =	vst v63  }
0x4cb: {  	s28 =	simm.s32 $0xB800  }
0x4cc: {  	[tilespmem:s28], [sflag:$0x1] =	stream.indirect_vreg.gather [hbm4b:s4+s3], $0x80, v3, vm0, $0xb8;
	[tilespmem:$0x18800] =	vst v63  }
0x4cd: {  	s13 =	simm.s32 $0xC000  }
0x4ce: {  	[tilespmem:s13], [sflag:$0x1] =	stream.indirect_vreg.gather [hbm4b:s5+s3], $0x80, v3, vm0, $0xb8;
	[tilespmem:$0x18800] =	vst v63  }
0x4cf: {  	_ =	swait.ge [sflag:s2], $0xC000  }
0x4d0: {  	s12 =	sld [smem:$0x7E6]  }
0x4d1: {  	[sflag:s2] =	ssyncset.done $0x0  }
0x4d2: {  	s13 =	sld [smem:$0x7E7];
	[sflag:s2] =	ssyncadd.s32 $0xFFFF4000  }
0x4d3: {  	[hbm4b:s12+s3] =	stream.linear.scatter [tilespmem:s8], [sflag:$0x3], $0xC000, $0x38;
	[tilespmem:$0x18800] =	vst v63  }
0x4d4: {  	_ = 	snop  }
0x4d5: {  	[hbm4b:s13+s3] =	stream.linear.scatter [tilespmem:s8], [sflag:$0x3], $0xC000, $0x38;
	[tilespmem:$0x18800] =	vst v63  }
0x4d6: {  	_ =	swait.ge [sflag:s11], $0xC000  }
0x4d7: {  	[sflag:s11] =	ssyncset.done $0x0  }
0x4d8: {  	[sflag:s11] =	ssyncadd.s32 $0xFFFF4000  }
0x4d9: {  	_ =	swait.ge [sflag:s11], $0xC000  }
0x4da: {  	[sflag:s11] =	ssyncset.done $0x0  }
0x4db: {  	[sflag:s11] =	ssyncadd.s32 $0xFFFF4000  }
0x4dc: {  	v3 =	vld [tilespmem:$0x1C0];
	_ =	sdelay $0x4  }
0x4dd: {  	v20 =	vshrl.u32 v3, $0x3  }
0x4de: {  	v4 =	vmul.u32 $0x30, v20  }
0x4df: {  	v3 =	vand.u32 $0x7, v3  }
0x4e0: {  	v3 =	vor.u32 v3, v4  }
0x4e1: {  	v4 =	vperm.xlane v3, v0;
	_ =	sdelay $0x1  }
0x4e2: {  	v4 =	vadd.s32 v1, v4;
	_ =	sdelay $0x3  }
0x4e3: {  	v3 =	vperm.xlane v3, v2  }
0x4e4: {  	[tilespmem:s7], [sflag:$0x2] =	stream.indirect_vreg.gather [hbm4b:s0+s3], $0x80, v4, vm0, $0xb8;
	[tilespmem:$0x18800] =	vst v63  }
0x4e5: {  	s29 =	simm.s32 $0xD000;
	v3 =	vadd.s32 v1, v3  }
0x4e6: {  	[tilespmem:s29], [sflag:$0x2] =	stream.indirect_vreg.gather [hbm4b:s4+s3], $0x80, v4, vm0, $0xb8;
	[tilespmem:$0x18800] =	vst v63  }
0x4e7: {  	s6 =	simm.s32 $0xD800  }
0x4e8: {  	[tilespmem:s6], [sflag:$0x2] =	stream.indirect_vreg.gather [hbm4b:s5+s3], $0x80, v4, vm0, $0xb8;
	[tilespmem:$0x18800] =	vst v63  }
0x4e9: {  	s13 =	simm.s32 $0xE000  }
0x4ea: {  	[tilespmem:s13], [sflag:$0x2] =	stream.indirect_vreg.gather [hbm4b:s0+s3], $0x80, v3, vm0, $0xb8;
	[tilespmem:$0x18800] =	vst v63  }
0x4eb: {  	s13 =	simm.s32 $0xE800  }
0x4ec: {  	[tilespmem:s13], [sflag:$0x2] =	stream.indirect_vreg.gather [hbm4b:s4+s3], $0x80, v3, vm0, $0xb8;
	[tilespmem:$0x18800] =	vst v63  }
0x4ed: {  	s13 =	simm.s32 $0xF000  }
0x4ee: {  	[tilespmem:s13], [sflag:$0x2] =	stream.indirect_vreg.gather [hbm4b:s5+s3], $0x80, v3, vm0, $0xb8;
	[tilespmem:$0x18800] =	vst v63  }
0x4ef: {  	v3 =	vld [tilespmem:$0x1D0];
	_ =	sdelay $0x4  }
0x4f0: {  	v21 =	vshrl.u32 v3, $0x3  }
0x4f1: {  	v4 =	vmul.u32 $0x30, v21  }
0x4f2: {  	v3 =	vand.u32 $0x7, v3  }
0x4f3: {  	v3 =	vor.u32 v3, v4  }
0x4f4: {  	v4 =	vperm.xlane v3, v0;
	_ =	sdelay $0x1  }
0x4f5: {  	v4 =	vadd.s32 v1, v4;
	_ =	sdelay $0x3  }
0x4f6: {  	s13 =	simm.s32 $0xF800;
	v3 =	vperm.xlane v3, v2  }
0x4f7: {  	[tilespmem:s13], [sflag:$0x2] =	stream.indirect_vreg.gather [hbm4b:s0+s3], $0x80, v4, vm0, $0xb8;
	[tilespmem:$0x18800] =	vst v63  }
0x4f8: {  	v3 =	vadd.s32 v1, v3;
	s13 =	simm.s32 $0x10000  }
0x4f9: {  	[tilespmem:s13], [sflag:$0x2] =	stream.indirect_vreg.gather [hbm4b:s4+s3], $0x80, v4, vm0, $0xb8;
	[tilespmem:$0x18800] =	vst v63  }
0x4fa: {  	s13 =	simm.s32 $0x10800  }
0x4fb: {  	[tilespmem:s13], [sflag:$0x2] =	stream.indirect_vreg.gather [hbm4b:s5+s3], $0x80, v4, vm0, $0xb8;
	[tilespmem:$0x18800] =	vst v63  }
0x4fc: {  	s13 =	simm.s32 $0x11000  }
0x4fd: {  	[tilespmem:s13], [sflag:$0x2] =	stream.indirect_vreg.gather [hbm4b:s0+s3], $0x80, v3, vm0, $0xb8;
	[tilespmem:$0x18800] =	vst v63  }
0x4fe: {  	s13 =	simm.s32 $0x11800  }
0x4ff: {  	[tilespmem:s13], [sflag:$0x2] =	stream.indirect_vreg.gather [hbm4b:s4+s3], $0x80, v3, vm0, $0xb8;
	[tilespmem:$0x18800] =	vst v63  }
0x500: {  	s13 =	simm.s32 $0x12000  }
0x501: {  	[tilespmem:s13], [sflag:$0x2] =	stream.indirect_vreg.gather [hbm4b:s5+s3], $0x80, v3, vm0, $0xb8;
	[tilespmem:$0x18800] =	vst v63  }
0x502: {  	v3 =	vld [tilespmem:$0x1E0];
	_ =	sdelay $0x4  }
0x503: {  	v22 =	vshrl.u32 v3, $0x3  }
0x504: {  	v4 =	vmul.u32 $0x30, v22  }
0x505: {  	v3 =	vand.u32 $0x7, v3  }
0x506: {  	v3 =	vor.u32 v3, v4  }
0x507: {  	v4 =	vperm.xlane v3, v0;
	_ =	sdelay $0x1  }
0x508: {  	v4 =	vadd.s32 v1, v4;
	_ =	sdelay $0x3  }
0x509: {  	s13 =	simm.s32 $0x12800;
	v3 =	vperm.xlane v3, v2  }
0x50a: {  	[tilespmem:s13], [sflag:$0x2] =	stream.indirect_vreg.gather [hbm4b:s0+s3], $0x80, v4, vm0, $0xb8;
	[tilespmem:$0x18800] =	vst v63  }
0x50b: {  	s30 =	simm.s32 $0x13000;
	v3 =	vadd.s32 v1, v3  }
0x50c: {  	[tilespmem:s30], [sflag:$0x2] =	stream.indirect_vreg.gather [hbm4b:s4+s3], $0x80, v4, vm0, $0xb8;
	[tilespmem:$0x18800] =	vst v63  }
0x50d: {  	s13 =	simm.s32 $0x13800  }
0x50e: {  	[tilespmem:s13], [sflag:$0x2] =	stream.indirect_vreg.gather [hbm4b:s5+s3], $0x80, v4, vm0, $0xb8;
	[tilespmem:$0x18800] =	vst v63  }
0x50f: {  	s13 =	simm.s32 $0x14000  }
0x510: {  	[tilespmem:s13], [sflag:$0x2] =	stream.indirect_vreg.gather [hbm4b:s0+s3], $0x80, v3, vm0, $0xb8;
	[tilespmem:$0x18800] =	vst v63  }
0x511: {  	s13 =	simm.s32 $0x14800  }
0x512: {  	[tilespmem:s13], [sflag:$0x2] =	stream.indirect_vreg.gather [hbm4b:s4+s3], $0x80, v3, vm0, $0xb8;
	[tilespmem:$0x18800] =	vst v63  }
0x513: {  	s13 =	simm.s32 $0x15000  }
0x514: {  	[tilespmem:s13], [sflag:$0x2] =	stream.indirect_vreg.gather [hbm4b:s5+s3], $0x80, v3, vm0, $0xb8;
	[tilespmem:$0x18800] =	vst v63  }
0x515: {  	v3 =	vld [tilespmem:$0x1F0];
	_ =	sdelay $0x4  }
0x516: {  	v23 =	vshrl.u32 v3, $0x3  }
0x517: {  	v4 =	vmul.u32 $0x30, v23  }
0x518: {  	v3 =	vand.u32 $0x7, v3  }
0x519: {  	v3 =	vor.u32 v3, v4  }
0x51a: {  	v4 =	vperm.xlane v3, v0;
	_ =	sdelay $0x1  }
0x51b: {  	v4 =	vadd.s32 v1, v4;
	_ =	sdelay $0x3  }
0x51c: {  	s13 =	simm.s32 $0x15800;
	v3 =	vperm.xlane v3, v2  }
0x51d: {  	[tilespmem:s13], [sflag:$0x2] =	stream.indirect_vreg.gather [hbm4b:s0+s3], $0x80, v4, vm0, $0xb8;
	[tilespmem:$0x18800] =	vst v63  }
0x51e: {  	s31 =	simm.s32 $0x16000;
	v3 =	vadd.s32 v1, v3  }
0x51f: {  	[tilespmem:s31], [sflag:$0x2] =	stream.indirect_vreg.gather [hbm4b:s4+s3], $0x80, v4, vm0, $0xb8;
	[tilespmem:$0x18800] =	vst v63  }
0x520: {  	s13 =	simm.s32 $0x16800  }
0x521: {  	[tilespmem:s13], [sflag:$0x2] =	stream.indirect_vreg.gather [hbm4b:s5+s3], $0x80, v4, vm0, $0xb8;
	[tilespmem:$0x18800] =	vst v63  }
0x522: {  	s13 =	simm.s32 $0x17000  }
0x523: {  	[tilespmem:s13], [sflag:$0x2] =	stream.indirect_vreg.gather [hbm4b:s0+s3], $0x80, v3, vm0, $0xb8;
	[tilespmem:$0x18800] =	vst v63  }
0x524: {  	s13 =	simm.s32 $0x17800  }
0x525: {  	[tilespmem:s13], [sflag:$0x2] =	stream.indirect_vreg.gather [hbm4b:s4+s3], $0x80, v3, vm0, $0xb8;
	[tilespmem:$0x18800] =	vst v63  }
0x526: {  	s13 =	simm.s32 $0x18000  }
0x527: {  	[tilespmem:s13], [sflag:$0x2] =	stream.indirect_vreg.gather [hbm4b:s5+s3], $0x80, v3, vm0, $0xb8;
	[tilespmem:$0x18800] =	vst v63  }
0x528: {  	_ =	swait.ge [sflag:s9], $0xC000  }
0x529: {  	s12 =	sld [smem:$0x7E8]  }
0x52a: {  	[sflag:s9] =	ssyncset.done $0x0  }
0x52b: {  	s13 =	sld [smem:$0x7E9];
	[sflag:s9] =	ssyncadd.s32 $0xFFFF4000  }
0x52c: {  	[hbm4b:s12+s3] =	stream.linear.scatter [tilespmem:s7], [sflag:$0x4], $0xC000, $0x38;
	[tilespmem:$0x18800] =	vst v63  }
0x52d: {  	_ = 	snop  }
0x52e: {  	[hbm4b:s13+s3] =	stream.linear.scatter [tilespmem:s7], [sflag:$0x4], $0xC000, $0x38;
	[tilespmem:$0x18800] =	vst v63  }
0x52f: {  	_ =	swait.ge [sflag:s10], $0xC000  }
0x530: {  	[sflag:s10] =	ssyncset.done $0x0  }
0x531: {  	[sflag:s10] =	ssyncadd.s32 $0xFFFF4000  }
0x532: {  	_ =	swait.ge [sflag:s10], $0xC000  }
0x533: {  	[sflag:s10] =	ssyncset.done $0x0  }
0x534: {  	[sflag:s10] =	ssyncadd.s32 $0xFFFF4000  }
0x535: {  	v3 =	vld [tilespmem:$0x580];
	_ =	sdelay $0x4  }
0x536: {  	v24 =	vshrl.u32 v3, $0x3  }
0x537: {  	v4 =	vmul.u32 $0x30, v24  }
0x538: {  	v3 =	vand.u32 $0x7, v3  }
0x539: {  	v3 =	vor.u32 v3, v4  }
0x53a: {  	v4 =	vperm.xlane v3, v0;
	_ =	sdelay $0x1  }
0x53b: {  	v4 =	vadd.s32 v1, v4;
	_ =	sdelay $0x3  }
0x53c: {  	v3 =	vperm.xlane v3, v2  }
0x53d: {  	[tilespmem:s8], [sflag:$0x1] =	stream.indirect_vreg.gather [hbm4b:s0+s3], $0x80, v4, vm0, $0xb8;
	[tilespmem:$0x18800] =	vst v63  }
0x53e: {  	s13 =	simm.s32 $0x1000;
	v3 =	vadd.s32 v1, v3  }
0x53f: {  	[tilespmem:s13], [sflag:$0x1] =	stream.indirect_vreg.gather [hbm4b:s4+s3], $0x80, v4, vm0, $0xb8;
	[tilespmem:$0x18800] =	vst v63  }
0x540: {  	s1 =	simm.s32 $0x1800  }
0x541: {  	[tilespmem:s1], [sflag:$0x1] =	stream.indirect_vreg.gather [hbm4b:s5+s3], $0x80, v4, vm0, $0xb8;
	[tilespmem:$0x18800] =	vst v63  }
0x542: {  	s14 =	simm.s32 $0x2000  }
0x543: {  	[tilespmem:s14], [sflag:$0x1] =	stream.indirect_vreg.gather [hbm4b:s0+s3], $0x80, v3, vm0, $0xb8;
	[tilespmem:$0x18800] =	vst v63  }
0x544: {  	s15 =	simm.s32 $0x2800  }
0x545: {  	[tilespmem:s15], [sflag:$0x1] =	stream.indirect_vreg.gather [hbm4b:s4+s3], $0x80, v3, vm0, $0xb8;
	[tilespmem:$0x18800] =	vst v63  }
0x546: {  	s13 =	simm.s32 $0x3000  }
0x547: {  	[tilespmem:s13], [sflag:$0x1] =	stream.indirect_vreg.gather [hbm4b:s5+s3], $0x80, v3, vm0, $0xb8;
	[tilespmem:$0x18800] =	vst v63  }
0x548: {  	v3 =	vld [tilespmem:$0x590];
	_ =	sdelay $0x4  }
0x549: {  	v25 =	vshrl.u32 v3, $0x3  }
0x54a: {  	v4 =	vmul.u32 $0x30, v25  }
0x54b: {  	v3 =	vand.u32 $0x7, v3  }
0x54c: {  	v3 =	vor.u32 v3, v4  }
0x54d: {  	v4 =	vperm.xlane v3, v0;
	_ =	sdelay $0x1  }
0x54e: {  	v4 =	vadd.s32 v1, v4;
	_ =	sdelay $0x3  }
0x54f: {  	s13 =	simm.s32 $0x3800;
	v3 =	vperm.xlane v3, v2  }
0x550: {  	[tilespmem:s13], [sflag:$0x1] =	stream.indirect_vreg.gather [hbm4b:s0+s3], $0x80, v4, vm0, $0xb8;
	[tilespmem:$0x18800] =	vst v63  }
0x551: {  	s16 =	simm.s32 $0x4000;
	v3 =	vadd.s32 v1, v3  }
0x552: {  	[tilespmem:s16], [sflag:$0x1] =	stream.indirect_vreg.gather [hbm4b:s4+s3], $0x80, v4, vm0, $0xb8;
	[tilespmem:$0x18800] =	vst v63  }
0x553: {  	s17 =	simm.s32 $0x4800  }
0x554: {  	[tilespmem:s17], [sflag:$0x1] =	stream.indirect_vreg.gather [hbm4b:s5+s3], $0x80, v4, vm0, $0xb8;
	[tilespmem:$0x18800] =	vst v63  }
0x555: {  	s18 =	simm.s32 $0x5000  }
0x556: {  	[tilespmem:s18], [sflag:$0x1] =	stream.indirect_vreg.gather [hbm4b:s0+s3], $0x80, v3, vm0, $0xb8;
	[tilespmem:$0x18800] =	vst v63  }
0x557: {  	s19 =	simm.s32 $0x5800  }
0x558: {  	[tilespmem:s19], [sflag:$0x1] =	stream.indirect_vreg.gather [hbm4b:s4+s3], $0x80, v3, vm0, $0xb8;
	[tilespmem:$0x18800] =	vst v63  }
0x559: {  	s13 =	simm.s32 $0x6000  }
0x55a: {  	[tilespmem:s13], [sflag:$0x1] =	stream.indirect_vreg.gather [hbm4b:s5+s3], $0x80, v3, vm0, $0xb8;
	[tilespmem:$0x18800] =	vst v63  }
0x55b: {  	v3 =	vld [tilespmem:$0x5A0];
	_ =	sdelay $0x4  }
0x55c: {  	v26 =	vshrl.u32 v3, $0x3  }
0x55d: {  	v4 =	vmul.u32 $0x30, v26  }
0x55e: {  	v3 =	vand.u32 $0x7, v3  }
0x55f: {  	v3 =	vor.u32 v3, v4  }
0x560: {  	v4 =	vperm.xlane v3, v0;
	_ =	sdelay $0x1  }
0x561: {  	v4 =	vadd.s32 v1, v4;
	_ =	sdelay $0x3  }
0x562: {  	s13 =	simm.s32 $0x6800;
	v3 =	vperm.xlane v3, v2  }
0x563: {  	[tilespmem:s13], [sflag:$0x1] =	stream.indirect_vreg.gather [hbm4b:s0+s3], $0x80, v4, vm0, $0xb8;
	[tilespmem:$0x18800] =	vst v63  }
0x564: {  	s20 =	simm.s32 $0x7000;
	v3 =	vadd.s32 v1, v3  }
0x565: {  	[tilespmem:s20], [sflag:$0x1] =	stream.indirect_vreg.gather [hbm4b:s4+s3], $0x80, v4, vm0, $0xb8;
	[tilespmem:$0x18800] =	vst v63  }
0x566: {  	s21 =	simm.s32 $0x7800  }
0x567: {  	[tilespmem:s21], [sflag:$0x1] =	stream.indirect_vreg.gather [hbm4b:s5+s3], $0x80, v4, vm0, $0xb8;
	[tilespmem:$0x18800] =	vst v63  }
0x568: {  	s22 =	simm.s32 $0x8000  }
0x569: {  	[tilespmem:s22], [sflag:$0x1] =	stream.indirect_vreg.gather [hbm4b:s0+s3], $0x80, v3, vm0, $0xb8;
	[tilespmem:$0x18800] =	vst v63  }
0x56a: {  	s23 =	simm.s32 $0x8800  }
0x56b: {  	[tilespmem:s23], [sflag:$0x1] =	stream.indirect_vreg.gather [hbm4b:s4+s3], $0x80, v3, vm0, $0xb8;
	[tilespmem:$0x18800] =	vst v63  }
0x56c: {  	s13 =	simm.s32 $0x9000  }
0x56d: {  	[tilespmem:s13], [sflag:$0x1] =	stream.indirect_vreg.gather [hbm4b:s5+s3], $0x80, v3, vm0, $0xb8;
	[tilespmem:$0x18800] =	vst v63  }
0x56e: {  	v3 =	vld [tilespmem:$0x5B0];
	_ =	sdelay $0x4  }
0x56f: {  	v27 =	vshrl.u32 v3, $0x3  }
0x570: {  	v4 =	vmul.u32 $0x30, v27  }
0x571: {  	v3 =	vand.u32 $0x7, v3  }
0x572: {  	v3 =	vor.u32 v3, v4  }
0x573: {  	v4 =	vperm.xlane v3, v0;
	_ =	sdelay $0x1  }
0x574: {  	v4 =	vadd.s32 v1, v4;
	_ =	sdelay $0x3  }
0x575: {  	s13 =	simm.s32 $0x9800;
	v3 =	vperm.xlane v3, v2  }
0x576: {  	[tilespmem:s13], [sflag:$0x1] =	stream.indirect_vreg.gather [hbm4b:s0+s3], $0x80, v4, vm0, $0xb8;
	[tilespmem:$0x18800] =	vst v63  }
0x577: {  	s24 =	simm.s32 $0xA000;
	v3 =	vadd.s32 v1, v3  }
0x578: {  	[tilespmem:s24], [sflag:$0x1] =	stream.indirect_vreg.gather [hbm4b:s4+s3], $0x80, v4, vm0, $0xb8;
	[tilespmem:$0x18800] =	vst v63  }
0x579: {  	s25 =	simm.s32 $0xA800  }
0x57a: {  	[tilespmem:s25], [sflag:$0x1] =	stream.indirect_vreg.gather [hbm4b:s5+s3], $0x80, v4, vm0, $0xb8;
	[tilespmem:$0x18800] =	vst v63  }
0x57b: {  	s26 =	simm.s32 $0xB000  }
0x57c: {  	[tilespmem:s26], [sflag:$0x1] =	stream.indirect_vreg.gather [hbm4b:s0+s3], $0x80, v3, vm0, $0xb8;
	[tilespmem:$0x18800] =	vst v63  }
0x57d: {  	s28 =	simm.s32 $0xB800  }
0x57e: {  	[tilespmem:s28], [sflag:$0x1] =	stream.indirect_vreg.gather [hbm4b:s4+s3], $0x80, v3, vm0, $0xb8;
	[tilespmem:$0x18800] =	vst v63  }
0x57f: {  	s13 =	simm.s32 $0xC000  }
0x580: {  	[tilespmem:s13], [sflag:$0x1] =	stream.indirect_vreg.gather [hbm4b:s5+s3], $0x80, v3, vm0, $0xb8;
	[tilespmem:$0x18800] =	vst v63  }
0x581: {  	_ =	swait.ge [sflag:s2], $0xC000  }
0x582: {  	s12 =	sld [smem:$0x7EA]  }
0x583: {  	[sflag:s2] =	ssyncset.done $0x0  }
0x584: {  	s13 =	sld [smem:$0x7EB];
	[sflag:s2] =	ssyncadd.s32 $0xFFFF4000  }
0x585: {  	[hbm4b:s12+s3] =	stream.linear.scatter [tilespmem:s8], [sflag:$0x3], $0xC000, $0x38;
	[tilespmem:$0x18800] =	vst v63  }
0x586: {  	_ = 	snop  }
0x587: {  	[hbm4b:s13+s3] =	stream.linear.scatter [tilespmem:s8], [sflag:$0x3], $0xC000, $0x38;
	[tilespmem:$0x18800] =	vst v63  }
0x588: {  	_ =	swait.ge [sflag:s11], $0xC000  }
0x589: {  	[sflag:s11] =	ssyncset.done $0x0  }
0x58a: {  	[sflag:s11] =	ssyncadd.s32 $0xFFFF4000  }
0x58b: {  	_ =	swait.ge [sflag:s11], $0xC000  }
0x58c: {  	[sflag:s11] =	ssyncset.done $0x0  }
0x58d: {  	[sflag:s11] =	ssyncadd.s32 $0xFFFF4000  }
0x58e: {  	v3 =	vld [tilespmem:$0x5C0];
	_ =	sdelay $0x4  }
0x58f: {  	v28 =	vshrl.u32 v3, $0x3  }
0x590: {  	v4 =	vmul.u32 $0x30, v28  }
0x591: {  	v3 =	vand.u32 $0x7, v3  }
0x592: {  	v3 =	vor.u32 v3, v4  }
0x593: {  	v4 =	vperm.xlane v3, v0;
	_ =	sdelay $0x1  }
0x594: {  	v4 =	vadd.s32 v1, v4;
	_ =	sdelay $0x3  }
0x595: {  	v3 =	vperm.xlane v3, v2  }
0x596: {  	[tilespmem:s7], [sflag:$0x2] =	stream.indirect_vreg.gather [hbm4b:s0+s3], $0x80, v4, vm0, $0xb8;
	[tilespmem:$0x18800] =	vst v63  }
0x597: {  	s29 =	simm.s32 $0xD000;
	v3 =	vadd.s32 v1, v3  }
0x598: {  	[tilespmem:s29], [sflag:$0x2] =	stream.indirect_vreg.gather [hbm4b:s4+s3], $0x80, v4, vm0, $0xb8;
	[tilespmem:$0x18800] =	vst v63  }
0x599: {  	s6 =	simm.s32 $0xD800  }
0x59a: {  	[tilespmem:s6], [sflag:$0x2] =	stream.indirect_vreg.gather [hbm4b:s5+s3], $0x80, v4, vm0, $0xb8;
	[tilespmem:$0x18800] =	vst v63  }
0x59b: {  	s13 =	simm.s32 $0xE000  }
0x59c: {  	[tilespmem:s13], [sflag:$0x2] =	stream.indirect_vreg.gather [hbm4b:s0+s3], $0x80, v3, vm0, $0xb8;
	[tilespmem:$0x18800] =	vst v63  }
0x59d: {  	s13 =	simm.s32 $0xE800  }
0x59e: {  	[tilespmem:s13], [sflag:$0x2] =	stream.indirect_vreg.gather [hbm4b:s4+s3], $0x80, v3, vm0, $0xb8;
	[tilespmem:$0x18800] =	vst v63  }
0x59f: {  	s13 =	simm.s32 $0xF000  }
0x5a0: {  	[tilespmem:s13], [sflag:$0x2] =	stream.indirect_vreg.gather [hbm4b:s5+s3], $0x80, v3, vm0, $0xb8;
	[tilespmem:$0x18800] =	vst v63  }
0x5a1: {  	v3 =	vld [tilespmem:$0x5D0];
	_ =	sdelay $0x4  }
0x5a2: {  	v29 =	vshrl.u32 v3, $0x3  }
0x5a3: {  	v4 =	vmul.u32 $0x30, v29  }
0x5a4: {  	v3 =	vand.u32 $0x7, v3  }
0x5a5: {  	v3 =	vor.u32 v3, v4  }
0x5a6: {  	v4 =	vperm.xlane v3, v0;
	_ =	sdelay $0x1  }
0x5a7: {  	v4 =	vadd.s32 v1, v4;
	_ =	sdelay $0x3  }
0x5a8: {  	s13 =	simm.s32 $0xF800;
	v3 =	vperm.xlane v3, v2  }
0x5a9: {  	[tilespmem:s13], [sflag:$0x2] =	stream.indirect_vreg.gather [hbm4b:s0+s3], $0x80, v4, vm0, $0xb8;
	[tilespmem:$0x18800] =	vst v63  }
0x5aa: {  	v3 =	vadd.s32 v1, v3;
	s13 =	simm.s32 $0x10000  }
0x5ab: {  	[tilespmem:s13], [sflag:$0x2] =	stream.indirect_vreg.gather [hbm4b:s4+s3], $0x80, v4, vm0, $0xb8;
	[tilespmem:$0x18800] =	vst v63  }
0x5ac: {  	s13 =	simm.s32 $0x10800  }
0x5ad: {  	[tilespmem:s13], [sflag:$0x2] =	stream.indirect_vreg.gather [hbm4b:s5+s3], $0x80, v4, vm0, $0xb8;
	[tilespmem:$0x18800] =	vst v63  }
0x5ae: {  	s13 =	simm.s32 $0x11000  }
0x5af: {  	[tilespmem:s13], [sflag:$0x2] =	stream.indirect_vreg.gather [hbm4b:s0+s3], $0x80, v3, vm0, $0xb8;
	[tilespmem:$0x18800] =	vst v63  }
0x5b0: {  	s13 =	simm.s32 $0x11800  }
0x5b1: {  	[tilespmem:s13], [sflag:$0x2] =	stream.indirect_vreg.gather [hbm4b:s4+s3], $0x80, v3, vm0, $0xb8;
	[tilespmem:$0x18800] =	vst v63  }
0x5b2: {  	s13 =	simm.s32 $0x12000  }
0x5b3: {  	[tilespmem:s13], [sflag:$0x2] =	stream.indirect_vreg.gather [hbm4b:s5+s3], $0x80, v3, vm0, $0xb8;
	[tilespmem:$0x18800] =	vst v63  }
0x5b4: {  	v3 =	vld [tilespmem:$0x5E0];
	_ =	sdelay $0x4  }
0x5b5: {  	v30 =	vshrl.u32 v3, $0x3  }
0x5b6: {  	v4 =	vmul.u32 $0x30, v30  }
0x5b7: {  	v3 =	vand.u32 $0x7, v3  }
0x5b8: {  	v3 =	vor.u32 v3, v4  }
0x5b9: {  	v4 =	vperm.xlane v3, v0;
	_ =	sdelay $0x1  }
0x5ba: {  	v4 =	vadd.s32 v1, v4;
	_ =	sdelay $0x3  }
0x5bb: {  	s13 =	simm.s32 $0x12800;
	v3 =	vperm.xlane v3, v2  }
0x5bc: {  	[tilespmem:s13], [sflag:$0x2] =	stream.indirect_vreg.gather [hbm4b:s0+s3], $0x80, v4, vm0, $0xb8;
	[tilespmem:$0x18800] =	vst v63  }
0x5bd: {  	s30 =	simm.s32 $0x13000;
	v3 =	vadd.s32 v1, v3  }
0x5be: {  	[tilespmem:s30], [sflag:$0x2] =	stream.indirect_vreg.gather [hbm4b:s4+s3], $0x80, v4, vm0, $0xb8;
	[tilespmem:$0x18800] =	vst v63  }
0x5bf: {  	s13 =	simm.s32 $0x13800  }
0x5c0: {  	[tilespmem:s13], [sflag:$0x2] =	stream.indirect_vreg.gather [hbm4b:s5+s3], $0x80, v4, vm0, $0xb8;
	[tilespmem:$0x18800] =	vst v63  }
0x5c1: {  	s13 =	simm.s32 $0x14000  }
0x5c2: {  	[tilespmem:s13], [sflag:$0x2] =	stream.indirect_vreg.gather [hbm4b:s0+s3], $0x80, v3, vm0, $0xb8;
	[tilespmem:$0x18800] =	vst v63  }
0x5c3: {  	s13 =	simm.s32 $0x14800  }
0x5c4: {  	[tilespmem:s13], [sflag:$0x2] =	stream.indirect_vreg.gather [hbm4b:s4+s3], $0x80, v3, vm0, $0xb8;
	[tilespmem:$0x18800] =	vst v63  }
0x5c5: {  	s13 =	simm.s32 $0x15000  }
0x5c6: {  	[tilespmem:s13], [sflag:$0x2] =	stream.indirect_vreg.gather [hbm4b:s5+s3], $0x80, v3, vm0, $0xb8;
	[tilespmem:$0x18800] =	vst v63  }
0x5c7: {  	v3 =	vld [tilespmem:$0x5F0];
	_ =	sdelay $0x4  }
0x5c8: {  	v31 =	vshrl.u32 v3, $0x3  }
0x5c9: {  	v4 =	vmul.u32 $0x30, v31  }
0x5ca: {  	v3 =	vand.u32 $0x7, v3  }
0x5cb: {  	v3 =	vor.u32 v3, v4  }
0x5cc: {  	v4 =	vperm.xlane v3, v0;
	_ =	sdelay $0x1  }
0x5cd: {  	v4 =	vadd.s32 v1, v4;
	_ =	sdelay $0x3  }
0x5ce: {  	s13 =	simm.s32 $0x15800;
	v3 =	vperm.xlane v3, v2  }
0x5cf: {  	[tilespmem:s13], [sflag:$0x2] =	stream.indirect_vreg.gather [hbm4b:s0+s3], $0x80, v4, vm0, $0xb8;
	[tilespmem:$0x18800] =	vst v63  }
0x5d0: {  	s31 =	simm.s32 $0x16000;
	v3 =	vadd.s32 v1, v3  }
0x5d1: {  	[tilespmem:s31], [sflag:$0x2] =	stream.indirect_vreg.gather [hbm4b:s4+s3], $0x80, v4, vm0, $0xb8;
	[tilespmem:$0x18800] =	vst v63  }
0x5d2: {  	s13 =	simm.s32 $0x16800  }
0x5d3: {  	[tilespmem:s13], [sflag:$0x2] =	stream.indirect_vreg.gather [hbm4b:s5+s3], $0x80, v4, vm0, $0xb8;
	[tilespmem:$0x18800] =	vst v63  }
0x5d4: {  	s13 =	simm.s32 $0x17000  }
0x5d5: {  	[tilespmem:s13], [sflag:$0x2] =	stream.indirect_vreg.gather [hbm4b:s0+s3], $0x80, v3, vm0, $0xb8;
	[tilespmem:$0x18800] =	vst v63  }
0x5d6: {  	s13 =	simm.s32 $0x17800  }
0x5d7: {  	[tilespmem:s13], [sflag:$0x2] =	stream.indirect_vreg.gather [hbm4b:s4+s3], $0x80, v3, vm0, $0xb8;
	[tilespmem:$0x18800] =	vst v63  }
0x5d8: {  	s13 =	simm.s32 $0x18000  }
0x5d9: {  	[tilespmem:s13], [sflag:$0x2] =	stream.indirect_vreg.gather [hbm4b:s5+s3], $0x80, v3, vm0, $0xb8;
	[tilespmem:$0x18800] =	vst v63  }
0x5da: {  	_ =	swait.ge [sflag:s9], $0xC000  }
0x5db: {  	s12 =	sld [smem:$0x7EC]  }
0x5dc: {  	[sflag:s9] =	ssyncset.done $0x0  }
0x5dd: {  	s13 =	sld [smem:$0x7ED];
	[sflag:s9] =	ssyncadd.s32 $0xFFFF4000  }
0x5de: {  	[hbm4b:s12+s3] =	stream.linear.scatter [tilespmem:s7], [sflag:$0x4], $0xC000, $0x38;
	[tilespmem:$0x18800] =	vst v63  }
0x5df: {  	_ = 	snop  }
0x5e0: {  	[hbm4b:s13+s3] =	stream.linear.scatter [tilespmem:s7], [sflag:$0x4], $0xC000, $0x38;
	[tilespmem:$0x18800] =	vst v63  }
0x5e1: {  	_ =	swait.ge [sflag:s10], $0xC000  }
0x5e2: {  	[sflag:s10] =	ssyncset.done $0x0  }
0x5e3: {  	[sflag:s10] =	ssyncadd.s32 $0xFFFF4000  }
0x5e4: {  	_ =	swait.ge [sflag:s10], $0xC000  }
0x5e5: {  	[sflag:s10] =	ssyncset.done $0x0  }
0x5e6: {  	[sflag:s10] =	ssyncadd.s32 $0xFFFF4000  }
0x5e7: {  	v3 =	vld [tilespmem:$0x200];
	_ =	sdelay $0x4  }
0x5e8: {  	v32 =	vshrl.u32 v3, $0x3  }
0x5e9: {  	v4 =	vmul.u32 $0x30, v32  }
0x5ea: {  	v3 =	vand.u32 $0x7, v3  }
0x5eb: {  	v3 =	vor.u32 v3, v4  }
0x5ec: {  	v4 =	vperm.xlane v3, v0;
	_ =	sdelay $0x1  }
0x5ed: {  	v4 =	vadd.s32 v1, v4;
	_ =	sdelay $0x3  }
0x5ee: {  	v3 =	vperm.xlane v3, v2  }
0x5ef: {  	[tilespmem:s8], [sflag:$0x1] =	stream.indirect_vreg.gather [hbm4b:s0+s3], $0x80, v4, vm0, $0xb8;
	[tilespmem:$0x18800] =	vst v63  }
0x5f0: {  	s13 =	simm.s32 $0x1000;
	v3 =	vadd.s32 v1, v3  }
0x5f1: {  	[tilespmem:s13], [sflag:$0x1] =	stream.indirect_vreg.gather [hbm4b:s4+s3], $0x80, v4, vm0, $0xb8;
	[tilespmem:$0x18800] =	vst v63  }
0x5f2: {  	s1 =	simm.s32 $0x1800  }
0x5f3: {  	[tilespmem:s1], [sflag:$0x1] =	stream.indirect_vreg.gather [hbm4b:s5+s3], $0x80, v4, vm0, $0xb8;
	[tilespmem:$0x18800] =	vst v63  }
0x5f4: {  	s14 =	simm.s32 $0x2000  }
0x5f5: {  	[tilespmem:s14], [sflag:$0x1] =	stream.indirect_vreg.gather [hbm4b:s0+s3], $0x80, v3, vm0, $0xb8;
	[tilespmem:$0x18800] =	vst v63  }
0x5f6: {  	s15 =	simm.s32 $0x2800  }
0x5f7: {  	[tilespmem:s15], [sflag:$0x1] =	stream.indirect_vreg.gather [hbm4b:s4+s3], $0x80, v3, vm0, $0xb8;
	[tilespmem:$0x18800] =	vst v63  }
0x5f8: {  	s13 =	simm.s32 $0x3000  }
0x5f9: {  	[tilespmem:s13], [sflag:$0x1] =	stream.indirect_vreg.gather [hbm4b:s5+s3], $0x80, v3, vm0, $0xb8;
	[tilespmem:$0x18800] =	vst v63  }
0x5fa: {  	v3 =	vld [tilespmem:$0x210];
	_ =	sdelay $0x4  }
0x5fb: {  	v33 =	vshrl.u32 v3, $0x3  }
0x5fc: {  	v4 =	vmul.u32 $0x30, v33  }
0x5fd: {  	v3 =	vand.u32 $0x7, v3  }
0x5fe: {  	v3 =	vor.u32 v3, v4  }
0x5ff: {  	v4 =	vperm.xlane v3, v0;
	_ =	sdelay $0x1  }
0x600: {  	v4 =	vadd.s32 v1, v4;
	_ =	sdelay $0x3  }
0x601: {  	s13 =	simm.s32 $0x3800;
	v3 =	vperm.xlane v3, v2  }
0x602: {  	[tilespmem:s13], [sflag:$0x1] =	stream.indirect_vreg.gather [hbm4b:s0+s3], $0x80, v4, vm0, $0xb8;
	[tilespmem:$0x18800] =	vst v63  }
0x603: {  	s16 =	simm.s32 $0x4000;
	v3 =	vadd.s32 v1, v3  }
0x604: {  	[tilespmem:s16], [sflag:$0x1] =	stream.indirect_vreg.gather [hbm4b:s4+s3], $0x80, v4, vm0, $0xb8;
	[tilespmem:$0x18800] =	vst v63  }
0x605: {  	s17 =	simm.s32 $0x4800  }
0x606: {  	[tilespmem:s17], [sflag:$0x1] =	stream.indirect_vreg.gather [hbm4b:s5+s3], $0x80, v4, vm0, $0xb8;
	[tilespmem:$0x18800] =	vst v63  }
0x607: {  	s18 =	simm.s32 $0x5000  }
0x608: {  	[tilespmem:s18], [sflag:$0x1] =	stream.indirect_vreg.gather [hbm4b:s0+s3], $0x80, v3, vm0, $0xb8;
	[tilespmem:$0x18800] =	vst v63  }
0x609: {  	s19 =	simm.s32 $0x5800  }
0x60a: {  	[tilespmem:s19], [sflag:$0x1] =	stream.indirect_vreg.gather [hbm4b:s4+s3], $0x80, v3, vm0, $0xb8;
	[tilespmem:$0x18800] =	vst v63  }
0x60b: {  	s13 =	simm.s32 $0x6000  }
0x60c: {  	[tilespmem:s13], [sflag:$0x1] =	stream.indirect_vreg.gather [hbm4b:s5+s3], $0x80, v3, vm0, $0xb8;
	[tilespmem:$0x18800] =	vst v63  }
0x60d: {  	v3 =	vld [tilespmem:$0x220];
	_ =	sdelay $0x4  }
0x60e: {  	v34 =	vshrl.u32 v3, $0x3  }
0x60f: {  	v4 =	vmul.u32 $0x30, v34  }
0x610: {  	v3 =	vand.u32 $0x7, v3  }
0x611: {  	v3 =	vor.u32 v3, v4  }
0x612: {  	v4 =	vperm.xlane v3, v0;
	_ =	sdelay $0x1  }
0x613: {  	v4 =	vadd.s32 v1, v4;
	_ =	sdelay $0x3  }
0x614: {  	s13 =	simm.s32 $0x6800;
	v3 =	vperm.xlane v3, v2  }
0x615: {  	[tilespmem:s13], [sflag:$0x1] =	stream.indirect_vreg.gather [hbm4b:s0+s3], $0x80, v4, vm0, $0xb8;
	[tilespmem:$0x18800] =	vst v63  }
0x616: {  	s20 =	simm.s32 $0x7000;
	v3 =	vadd.s32 v1, v3  }
0x617: {  	[tilespmem:s20], [sflag:$0x1] =	stream.indirect_vreg.gather [hbm4b:s4+s3], $0x80, v4, vm0, $0xb8;
	[tilespmem:$0x18800] =	vst v63  }
0x618: {  	s21 =	simm.s32 $0x7800  }
0x619: {  	[tilespmem:s21], [sflag:$0x1] =	stream.indirect_vreg.gather [hbm4b:s5+s3], $0x80, v4, vm0, $0xb8;
	[tilespmem:$0x18800] =	vst v63  }
0x61a: {  	s22 =	simm.s32 $0x8000  }
0x61b: {  	[tilespmem:s22], [sflag:$0x1] =	stream.indirect_vreg.gather [hbm4b:s0+s3], $0x80, v3, vm0, $0xb8;
	[tilespmem:$0x18800] =	vst v63  }
0x61c: {  	s23 =	simm.s32 $0x8800  }
0x61d: {  	[tilespmem:s23], [sflag:$0x1] =	stream.indirect_vreg.gather [hbm4b:s4+s3], $0x80, v3, vm0, $0xb8;
	[tilespmem:$0x18800] =	vst v63  }
0x61e: {  	s13 =	simm.s32 $0x9000  }
0x61f: {  	[tilespmem:s13], [sflag:$0x1] =	stream.indirect_vreg.gather [hbm4b:s5+s3], $0x80, v3, vm0, $0xb8;
	[tilespmem:$0x18800] =	vst v63  }
0x620: {  	v3 =	vld [tilespmem:$0x230];
	_ =	sdelay $0x4  }
0x621: {  	v35 =	vshrl.u32 v3, $0x3  }
0x622: {  	v4 =	vmul.u32 $0x30, v35  }
0x623: {  	v3 =	vand.u32 $0x7, v3  }
0x624: {  	v3 =	vor.u32 v3, v4  }
0x625: {  	v4 =	vperm.xlane v3, v0;
	_ =	sdelay $0x1  }
0x626: {  	v4 =	vadd.s32 v1, v4;
	_ =	sdelay $0x3  }
0x627: {  	s13 =	simm.s32 $0x9800;
	v3 =	vperm.xlane v3, v2  }
0x628: {  	[tilespmem:s13], [sflag:$0x1] =	stream.indirect_vreg.gather [hbm4b:s0+s3], $0x80, v4, vm0, $0xb8;
	[tilespmem:$0x18800] =	vst v63  }
0x629: {  	s24 =	simm.s32 $0xA000;
	v3 =	vadd.s32 v1, v3  }
0x62a: {  	[tilespmem:s24], [sflag:$0x1] =	stream.indirect_vreg.gather [hbm4b:s4+s3], $0x80, v4, vm0, $0xb8;
	[tilespmem:$0x18800] =	vst v63  }
0x62b: {  	s25 =	simm.s32 $0xA800  }
0x62c: {  	[tilespmem:s25], [sflag:$0x1] =	stream.indirect_vreg.gather [hbm4b:s5+s3], $0x80, v4, vm0, $0xb8;
	[tilespmem:$0x18800] =	vst v63  }
0x62d: {  	s26 =	simm.s32 $0xB000  }
0x62e: {  	[tilespmem:s26], [sflag:$0x1] =	stream.indirect_vreg.gather [hbm4b:s0+s3], $0x80, v3, vm0, $0xb8;
	[tilespmem:$0x18800] =	vst v63  }
0x62f: {  	s28 =	simm.s32 $0xB800  }
0x630: {  	[tilespmem:s28], [sflag:$0x1] =	stream.indirect_vreg.gather [hbm4b:s4+s3], $0x80, v3, vm0, $0xb8;
	[tilespmem:$0x18800] =	vst v63  }
0x631: {  	s13 =	simm.s32 $0xC000  }
0x632: {  	[tilespmem:s13], [sflag:$0x1] =	stream.indirect_vreg.gather [hbm4b:s5+s3], $0x80, v3, vm0, $0xb8;
	[tilespmem:$0x18800] =	vst v63  }
0x633: {  	_ =	swait.ge [sflag:s2], $0xC000  }
0x634: {  	s12 =	sld [smem:$0x7EE]  }
0x635: {  	[sflag:s2] =	ssyncset.done $0x0  }
0x636: {  	s13 =	sld [smem:$0x7EF];
	[sflag:s2] =	ssyncadd.s32 $0xFFFF4000  }
0x637: {  	[hbm4b:s12+s3] =	stream.linear.scatter [tilespmem:s8], [sflag:$0x3], $0xC000, $0x38;
	[tilespmem:$0x18800] =	vst v63  }
0x638: {  	_ = 	snop  }
0x639: {  	[hbm4b:s13+s3] =	stream.linear.scatter [tilespmem:s8], [sflag:$0x3], $0xC000, $0x38;
	[tilespmem:$0x18800] =	vst v63  }
0x63a: {  	_ =	swait.ge [sflag:s11], $0xC000  }
0x63b: {  	[sflag:s11] =	ssyncset.done $0x0  }
0x63c: {  	[sflag:s11] =	ssyncadd.s32 $0xFFFF4000  }
0x63d: {  	_ =	swait.ge [sflag:s11], $0xC000  }
0x63e: {  	[sflag:s11] =	ssyncset.done $0x0  }
0x63f: {  	[sflag:s11] =	ssyncadd.s32 $0xFFFF4000  }
0x640: {  	v3 =	vld [tilespmem:$0x240];
	_ =	sdelay $0x4  }
0x641: {  	v36 =	vshrl.u32 v3, $0x3  }
0x642: {  	v4 =	vmul.u32 $0x30, v36  }
0x643: {  	v3 =	vand.u32 $0x7, v3  }
0x644: {  	v3 =	vor.u32 v3, v4  }
0x645: {  	v4 =	vperm.xlane v3, v0;
	_ =	sdelay $0x1  }
0x646: {  	v4 =	vadd.s32 v1, v4;
	_ =	sdelay $0x3  }
0x647: {  	v3 =	vperm.xlane v3, v2  }
0x648: {  	[tilespmem:s7], [sflag:$0x2] =	stream.indirect_vreg.gather [hbm4b:s0+s3], $0x80, v4, vm0, $0xb8;
	[tilespmem:$0x18800] =	vst v63  }
0x649: {  	s29 =	simm.s32 $0xD000;
	v3 =	vadd.s32 v1, v3  }
0x64a: {  	[tilespmem:s29], [sflag:$0x2] =	stream.indirect_vreg.gather [hbm4b:s4+s3], $0x80, v4, vm0, $0xb8;
	[tilespmem:$0x18800] =	vst v63  }
0x64b: {  	s6 =	simm.s32 $0xD800  }
0x64c: {  	[tilespmem:s6], [sflag:$0x2] =	stream.indirect_vreg.gather [hbm4b:s5+s3], $0x80, v4, vm0, $0xb8;
	[tilespmem:$0x18800] =	vst v63  }
0x64d: {  	s13 =	simm.s32 $0xE000  }
0x64e: {  	[tilespmem:s13], [sflag:$0x2] =	stream.indirect_vreg.gather [hbm4b:s0+s3], $0x80, v3, vm0, $0xb8;
	[tilespmem:$0x18800] =	vst v63  }
0x64f: {  	s13 =	simm.s32 $0xE800  }
0x650: {  	[tilespmem:s13], [sflag:$0x2] =	stream.indirect_vreg.gather [hbm4b:s4+s3], $0x80, v3, vm0, $0xb8;
	[tilespmem:$0x18800] =	vst v63  }
0x651: {  	s13 =	simm.s32 $0xF000  }
0x652: {  	[tilespmem:s13], [sflag:$0x2] =	stream.indirect_vreg.gather [hbm4b:s5+s3], $0x80, v3, vm0, $0xb8;
	[tilespmem:$0x18800] =	vst v63  }
0x653: {  	v3 =	vld [tilespmem:$0x250];
	_ =	sdelay $0x4  }
0x654: {  	v37 =	vshrl.u32 v3, $0x3  }
0x655: {  	v4 =	vmul.u32 $0x30, v37  }
0x656: {  	v3 =	vand.u32 $0x7, v3  }
0x657: {  	v3 =	vor.u32 v3, v4  }
0x658: {  	v4 =	vperm.xlane v3, v0;
	_ =	sdelay $0x1  }
0x659: {  	v4 =	vadd.s32 v1, v4;
	_ =	sdelay $0x3  }
0x65a: {  	s13 =	simm.s32 $0xF800;
	v3 =	vperm.xlane v3, v2  }
0x65b: {  	[tilespmem:s13], [sflag:$0x2] =	stream.indirect_vreg.gather [hbm4b:s0+s3], $0x80, v4, vm0, $0xb8;
	[tilespmem:$0x18800] =	vst v63  }
0x65c: {  	v3 =	vadd.s32 v1, v3;
	s13 =	simm.s32 $0x10000  }
0x65d: {  	[tilespmem:s13], [sflag:$0x2] =	stream.indirect_vreg.gather [hbm4b:s4+s3], $0x80, v4, vm0, $0xb8;
	[tilespmem:$0x18800] =	vst v63  }
0x65e: {  	s13 =	simm.s32 $0x10800  }
0x65f: {  	[tilespmem:s13], [sflag:$0x2] =	stream.indirect_vreg.gather [hbm4b:s5+s3], $0x80, v4, vm0, $0xb8;
	[tilespmem:$0x18800] =	vst v63  }
0x660: {  	s13 =	simm.s32 $0x11000  }
0x661: {  	[tilespmem:s13], [sflag:$0x2] =	stream.indirect_vreg.gather [hbm4b:s0+s3], $0x80, v3, vm0, $0xb8;
	[tilespmem:$0x18800] =	vst v63  }
0x662: {  	s13 =	simm.s32 $0x11800  }
0x663: {  	[tilespmem:s13], [sflag:$0x2] =	stream.indirect_vreg.gather [hbm4b:s4+s3], $0x80, v3, vm0, $0xb8;
	[tilespmem:$0x18800] =	vst v63  }
0x664: {  	s13 =	simm.s32 $0x12000  }
0x665: {  	[tilespmem:s13], [sflag:$0x2] =	stream.indirect_vreg.gather [hbm4b:s5+s3], $0x80, v3, vm0, $0xb8;
	[tilespmem:$0x18800] =	vst v63  }
0x666: {  	v3 =	vld [tilespmem:$0x260];
	_ =	sdelay $0x4  }
0x667: {  	v38 =	vshrl.u32 v3, $0x3  }
0x668: {  	v4 =	vmul.u32 $0x30, v38  }
0x669: {  	v3 =	vand.u32 $0x7, v3  }
0x66a: {  	v3 =	vor.u32 v3, v4  }
0x66b: {  	v4 =	vperm.xlane v3, v0;
	_ =	sdelay $0x1  }
0x66c: {  	v4 =	vadd.s32 v1, v4;
	_ =	sdelay $0x3  }
0x66d: {  	s13 =	simm.s32 $0x12800;
	v3 =	vperm.xlane v3, v2  }
0x66e: {  	[tilespmem:s13], [sflag:$0x2] =	stream.indirect_vreg.gather [hbm4b:s0+s3], $0x80, v4, vm0, $0xb8;
	[tilespmem:$0x18800] =	vst v63  }
0x66f: {  	s30 =	simm.s32 $0x13000;
	v3 =	vadd.s32 v1, v3  }
0x670: {  	[tilespmem:s30], [sflag:$0x2] =	stream.indirect_vreg.gather [hbm4b:s4+s3], $0x80, v4, vm0, $0xb8;
	[tilespmem:$0x18800] =	vst v63  }
0x671: {  	s13 =	simm.s32 $0x13800  }
0x672: {  	[tilespmem:s13], [sflag:$0x2] =	stream.indirect_vreg.gather [hbm4b:s5+s3], $0x80, v4, vm0, $0xb8;
	[tilespmem:$0x18800] =	vst v63  }
0x673: {  	s13 =	simm.s32 $0x14000  }
0x674: {  	[tilespmem:s13], [sflag:$0x2] =	stream.indirect_vreg.gather [hbm4b:s0+s3], $0x80, v3, vm0, $0xb8;
	[tilespmem:$0x18800] =	vst v63  }
0x675: {  	s13 =	simm.s32 $0x14800  }
0x676: {  	[tilespmem:s13], [sflag:$0x2] =	stream.indirect_vreg.gather [hbm4b:s4+s3], $0x80, v3, vm0, $0xb8;
	[tilespmem:$0x18800] =	vst v63  }
0x677: {  	s13 =	simm.s32 $0x15000  }
0x678: {  	[tilespmem:s13], [sflag:$0x2] =	stream.indirect_vreg.gather [hbm4b:s5+s3], $0x80, v3, vm0, $0xb8;
	[tilespmem:$0x18800] =	vst v63  }
0x679: {  	v3 =	vld [tilespmem:$0x270];
	_ =	sdelay $0x4  }
0x67a: {  	v39 =	vshrl.u32 v3, $0x3  }
0x67b: {  	v4 =	vmul.u32 $0x30, v39  }
0x67c: {  	v3 =	vand.u32 $0x7, v3  }
0x67d: {  	v3 =	vor.u32 v3, v4  }
0x67e: {  	v4 =	vperm.xlane v3, v0;
	_ =	sdelay $0x1  }
0x67f: {  	v4 =	vadd.s32 v1, v4;
	_ =	sdelay $0x3  }
0x680: {  	s13 =	simm.s32 $0x15800;
	v3 =	vperm.xlane v3, v2  }
0x681: {  	[tilespmem:s13], [sflag:$0x2] =	stream.indirect_vreg.gather [hbm4b:s0+s3], $0x80, v4, vm0, $0xb8;
	[tilespmem:$0x18800] =	vst v63  }
0x682: {  	s31 =	simm.s32 $0x16000;
	v3 =	vadd.s32 v1, v3  }
0x683: {  	[tilespmem:s31], [sflag:$0x2] =	stream.indirect_vreg.gather [hbm4b:s4+s3], $0x80, v4, vm0, $0xb8;
	[tilespmem:$0x18800] =	vst v63  }
0x684: {  	s13 =	simm.s32 $0x16800  }
0x685: {  	[tilespmem:s13], [sflag:$0x2] =	stream.indirect_vreg.gather [hbm4b:s5+s3], $0x80, v4, vm0, $0xb8;
	[tilespmem:$0x18800] =	vst v63  }
0x686: {  	s13 =	simm.s32 $0x17000  }
0x687: {  	[tilespmem:s13], [sflag:$0x2] =	stream.indirect_vreg.gather [hbm4b:s0+s3], $0x80, v3, vm0, $0xb8;
	[tilespmem:$0x18800] =	vst v63  }
0x688: {  	s13 =	simm.s32 $0x17800  }
0x689: {  	[tilespmem:s13], [sflag:$0x2] =	stream.indirect_vreg.gather [hbm4b:s4+s3], $0x80, v3, vm0, $0xb8;
	[tilespmem:$0x18800] =	vst v63  }
0x68a: {  	s13 =	simm.s32 $0x18000  }
0x68b: {  	[tilespmem:s13], [sflag:$0x2] =	stream.indirect_vreg.gather [hbm4b:s5+s3], $0x80, v3, vm0, $0xb8;
	[tilespmem:$0x18800] =	vst v63  }
0x68c: {  	_ =	swait.ge [sflag:s9], $0xC000  }
0x68d: {  	s12 =	sld [smem:$0x7F0]  }
0x68e: {  	[sflag:s9] =	ssyncset.done $0x0  }
0x68f: {  	s13 =	sld [smem:$0x7F1];
	[sflag:s9] =	ssyncadd.s32 $0xFFFF4000  }
0x690: {  	[hbm4b:s12+s3] =	stream.linear.scatter [tilespmem:s7], [sflag:$0x4], $0xC000, $0x38;
	[tilespmem:$0x18800] =	vst v63  }
0x691: {  	_ = 	snop  }
0x692: {  	[hbm4b:s13+s3] =	stream.linear.scatter [tilespmem:s7], [sflag:$0x4], $0xC000, $0x38;
	[tilespmem:$0x18800] =	vst v63  }
0x693: {  	_ =	swait.ge [sflag:s10], $0xC000  }
0x694: {  	[sflag:s10] =	ssyncset.done $0x0  }
0x695: {  	[sflag:s10] =	ssyncadd.s32 $0xFFFF4000  }
0x696: {  	_ =	swait.ge [sflag:s10], $0xC000  }
0x697: {  	[sflag:s10] =	ssyncset.done $0x0  }
0x698: {  	[sflag:s10] =	ssyncadd.s32 $0xFFFF4000  }
0x699: {  	v3 =	vld [tilespmem:$0x600];
	_ =	sdelay $0x4  }
0x69a: {  	v40 =	vshrl.u32 v3, $0x3  }
0x69b: {  	v4 =	vmul.u32 $0x30, v40  }
0x69c: {  	v3 =	vand.u32 $0x7, v3  }
0x69d: {  	v3 =	vor.u32 v3, v4  }
0x69e: {  	v4 =	vperm.xlane v3, v0;
	_ =	sdelay $0x1  }
0x69f: {  	v4 =	vadd.s32 v1, v4;
	_ =	sdelay $0x3  }
0x6a0: {  	v3 =	vperm.xlane v3, v2  }
0x6a1: {  	[tilespmem:s8], [sflag:$0x1] =	stream.indirect_vreg.gather [hbm4b:s0+s3], $0x80, v4, vm0, $0xb8;
	[tilespmem:$0x18800] =	vst v63  }
0x6a2: {  	s13 =	simm.s32 $0x1000;
	v3 =	vadd.s32 v1, v3  }
0x6a3: {  	[tilespmem:s13], [sflag:$0x1] =	stream.indirect_vreg.gather [hbm4b:s4+s3], $0x80, v4, vm0, $0xb8;
	[tilespmem:$0x18800] =	vst v63  }
0x6a4: {  	s1 =	simm.s32 $0x1800  }
0x6a5: {  	[tilespmem:s1], [sflag:$0x1] =	stream.indirect_vreg.gather [hbm4b:s5+s3], $0x80, v4, vm0, $0xb8;
	[tilespmem:$0x18800] =	vst v63  }
0x6a6: {  	s14 =	simm.s32 $0x2000  }
0x6a7: {  	[tilespmem:s14], [sflag:$0x1] =	stream.indirect_vreg.gather [hbm4b:s0+s3], $0x80, v3, vm0, $0xb8;
	[tilespmem:$0x18800] =	vst v63  }
0x6a8: {  	s15 =	simm.s32 $0x2800  }
0x6a9: {  	[tilespmem:s15], [sflag:$0x1] =	stream.indirect_vreg.gather [hbm4b:s4+s3], $0x80, v3, vm0, $0xb8;
	[tilespmem:$0x18800] =	vst v63  }
0x6aa: {  	s12 =	simm.s32 $0x3000  }
0x6ab: {  	[tilespmem:s12], [sflag:$0x1] =	stream.indirect_vreg.gather [hbm4b:s5+s3], $0x80, v3, vm0, $0xb8;
	[tilespmem:$0x18800] =	vst v63  }
0x6ac: {  	v3 =	vld [tilespmem:$0x610];
	_ =	sdelay $0x4  }
0x6ad: {  	v41 =	vshrl.u32 v3, $0x3  }
0x6ae: {  	v4 =	vmul.u32 $0x30, v41  }
0x6af: {  	v3 =	vand.u32 $0x7, v3  }
0x6b0: {  	v3 =	vor.u32 v3, v4  }
0x6b1: {  	v4 =	vperm.xlane v3, v0;
	_ =	sdelay $0x1  }
0x6b2: {  	v4 =	vadd.s32 v1, v4;
	_ =	sdelay $0x3  }
0x6b3: {  	s13 =	simm.s32 $0x3800;
	v3 =	vperm.xlane v3, v2  }
0x6b4: {  	[tilespmem:s13], [sflag:$0x1] =	stream.indirect_vreg.gather [hbm4b:s0+s3], $0x80, v4, vm0, $0xb8;
	[tilespmem:$0x18800] =	vst v63  }
0x6b5: {  	s16 =	simm.s32 $0x4000;
	v3 =	vadd.s32 v1, v3  }
0x6b6: {  	[tilespmem:s16], [sflag:$0x1] =	stream.indirect_vreg.gather [hbm4b:s4+s3], $0x80, v4, vm0, $0xb8;
	[tilespmem:$0x18800] =	vst v63  }
0x6b7: {  	s17 =	simm.s32 $0x4800  }
0x6b8: {  	[tilespmem:s17], [sflag:$0x1] =	stream.indirect_vreg.gather [hbm4b:s5+s3], $0x80, v4, vm0, $0xb8;
	[tilespmem:$0x18800] =	vst v63  }
0x6b9: {  	s18 =	simm.s32 $0x5000  }
0x6ba: {  	[tilespmem:s18], [sflag:$0x1] =	stream.indirect_vreg.gather [hbm4b:s0+s3], $0x80, v3, vm0, $0xb8;
	[tilespmem:$0x18800] =	vst v63  }
0x6bb: {  	s19 =	simm.s32 $0x5800  }
0x6bc: {  	[tilespmem:s19], [sflag:$0x1] =	stream.indirect_vreg.gather [hbm4b:s4+s3], $0x80, v3, vm0, $0xb8;
	[tilespmem:$0x18800] =	vst v63  }
0x6bd: {  	s12 =	simm.s32 $0x6000  }
0x6be: {  	[tilespmem:s12], [sflag:$0x1] =	stream.indirect_vreg.gather [hbm4b:s5+s3], $0x80, v3, vm0, $0xb8;
	[tilespmem:$0x18800] =	vst v63  }
0x6bf: {  	v3 =	vld [tilespmem:$0x620];
	_ =	sdelay $0x4  }
0x6c0: {  	v42 =	vshrl.u32 v3, $0x3  }
0x6c1: {  	v4 =	vmul.u32 $0x30, v42  }
0x6c2: {  	v3 =	vand.u32 $0x7, v3  }
0x6c3: {  	v3 =	vor.u32 v3, v4  }
0x6c4: {  	v4 =	vperm.xlane v3, v0;
	_ =	sdelay $0x1  }
0x6c5: {  	v4 =	vadd.s32 v1, v4;
	_ =	sdelay $0x3  }
0x6c6: {  	s13 =	simm.s32 $0x6800;
	v3 =	vperm.xlane v3, v2  }
0x6c7: {  	[tilespmem:s13], [sflag:$0x1] =	stream.indirect_vreg.gather [hbm4b:s0+s3], $0x80, v4, vm0, $0xb8;
	[tilespmem:$0x18800] =	vst v63  }
0x6c8: {  	s20 =	simm.s32 $0x7000;
	v3 =	vadd.s32 v1, v3  }
0x6c9: {  	[tilespmem:s20], [sflag:$0x1] =	stream.indirect_vreg.gather [hbm4b:s4+s3], $0x80, v4, vm0, $0xb8;
	[tilespmem:$0x18800] =	vst v63  }
0x6ca: {  	s21 =	simm.s32 $0x7800  }
0x6cb: {  	[tilespmem:s21], [sflag:$0x1] =	stream.indirect_vreg.gather [hbm4b:s5+s3], $0x80, v4, vm0, $0xb8;
	[tilespmem:$0x18800] =	vst v63  }
0x6cc: {  	s22 =	simm.s32 $0x8000  }
0x6cd: {  	[tilespmem:s22], [sflag:$0x1] =	stream.indirect_vreg.gather [hbm4b:s0+s3], $0x80, v3, vm0, $0xb8;
	[tilespmem:$0x18800] =	vst v63  }
0x6ce: {  	s23 =	simm.s32 $0x8800  }
0x6cf: {  	[tilespmem:s23], [sflag:$0x1] =	stream.indirect_vreg.gather [hbm4b:s4+s3], $0x80, v3, vm0, $0xb8;
	[tilespmem:$0x18800] =	vst v63  }
0x6d0: {  	s12 =	simm.s32 $0x9000  }
0x6d1: {  	[tilespmem:s12], [sflag:$0x1] =	stream.indirect_vreg.gather [hbm4b:s5+s3], $0x80, v3, vm0, $0xb8;
	[tilespmem:$0x18800] =	vst v63  }
0x6d2: {  	v3 =	vld [tilespmem:$0x630];
	_ =	sdelay $0x4  }
0x6d3: {  	v43 =	vshrl.u32 v3, $0x3  }
0x6d4: {  	v4 =	vmul.u32 $0x30, v43  }
0x6d5: {  	v3 =	vand.u32 $0x7, v3  }
0x6d6: {  	v3 =	vor.u32 v3, v4  }
0x6d7: {  	v4 =	vperm.xlane v3, v0;
	_ =	sdelay $0x1  }
0x6d8: {  	v4 =	vadd.s32 v1, v4;
	_ =	sdelay $0x3  }
0x6d9: {  	s13 =	simm.s32 $0x9800;
	v3 =	vperm.xlane v3, v2  }
0x6da: {  	[tilespmem:s13], [sflag:$0x1] =	stream.indirect_vreg.gather [hbm4b:s0+s3], $0x80, v4, vm0, $0xb8;
	[tilespmem:$0x18800] =	vst v63  }
0x6db: {  	s24 =	simm.s32 $0xA000;
	v3 =	vadd.s32 v1, v3  }
0x6dc: {  	[tilespmem:s24], [sflag:$0x1] =	stream.indirect_vreg.gather [hbm4b:s4+s3], $0x80, v4, vm0, $0xb8;
	[tilespmem:$0x18800] =	vst v63  }
0x6dd: {  	s25 =	simm.s32 $0xA800  }
0x6de: {  	[tilespmem:s25], [sflag:$0x1] =	stream.indirect_vreg.gather [hbm4b:s5+s3], $0x80, v4, vm0, $0xb8;
	[tilespmem:$0x18800] =	vst v63  }
0x6df: {  	s26 =	simm.s32 $0xB000  }
0x6e0: {  	[tilespmem:s26], [sflag:$0x1] =	stream.indirect_vreg.gather [hbm4b:s0+s3], $0x80, v3, vm0, $0xb8;
	[tilespmem:$0x18800] =	vst v63  }
0x6e1: {  	s28 =	simm.s32 $0xB800  }
0x6e2: {  	[tilespmem:s28], [sflag:$0x1] =	stream.indirect_vreg.gather [hbm4b:s4+s3], $0x80, v3, vm0, $0xb8;
	[tilespmem:$0x18800] =	vst v63  }
0x6e3: {  	s12 =	simm.s32 $0xC000  }
0x6e4: {  	[tilespmem:s12], [sflag:$0x1] =	stream.indirect_vreg.gather [hbm4b:s5+s3], $0x80, v3, vm0, $0xb8;
	[tilespmem:$0x18800] =	vst v63  }
0x6e5: {  	_ =	swait.ge [sflag:s2], $0xC000  }
0x6e6: {  	s13 =	sld [smem:$0x7F2]  }
0x6e7: {  	[sflag:s2] =	ssyncset.done $0x0  }
0x6e8: {  	s1 =	sld [smem:$0x7F3];
	[sflag:s2] =	ssyncadd.s32 $0xFFFF4000  }
0x6e9: {  	[hbm4b:s13+s3] =	stream.linear.scatter [tilespmem:s8], [sflag:$0x3], $0xC000, $0x38;
	[tilespmem:$0x18800] =	vst v63  }
0x6ea: {  	_ = 	snop  }
0x6eb: {  	[hbm4b:s1+s3] =	stream.linear.scatter [tilespmem:s8], [sflag:$0x3], $0xC000, $0x38;
	[tilespmem:$0x18800] =	vst v63  }
0x6ec: {  	_ =	swait.ge [sflag:s11], $0xC000  }
0x6ed: {  	[sflag:s11] =	ssyncset.done $0x0  }
0x6ee: {  	[sflag:s11] =	ssyncadd.s32 $0xFFFF4000  }
0x6ef: {  	_ =	swait.ge [sflag:s11], $0xC000  }
0x6f0: {  	[sflag:s11] =	ssyncset.done $0x0  }
0x6f1: {  	[sflag:s11] =	ssyncadd.s32 $0xFFFF4000  }
0x6f2: {  	v3 =	vld [tilespmem:$0x640];
	_ =	sdelay $0x4  }
0x6f3: {  	v44 =	vshrl.u32 v3, $0x3  }
0x6f4: {  	v4 =	vmul.u32 $0x30, v44  }
0x6f5: {  	v3 =	vand.u32 $0x7, v3  }
0x6f6: {  	v3 =	vor.u32 v3, v4  }
0x6f7: {  	v4 =	vperm.xlane v3, v0;
	_ =	sdelay $0x1  }
0x6f8: {  	v4 =	vadd.s32 v1, v4;
	_ =	sdelay $0x3  }
0x6f9: {  	v3 =	vperm.xlane v3, v2  }
0x6fa: {  	[tilespmem:s7], [sflag:$0x2] =	stream.indirect_vreg.gather [hbm4b:s0+s3], $0x80, v4, vm0, $0xb8;
	[tilespmem:$0x18800] =	vst v63  }
0x6fb: {  	s29 =	simm.s32 $0xD000;
	v3 =	vadd.s32 v1, v3  }
0x6fc: {  	[tilespmem:s29], [sflag:$0x2] =	stream.indirect_vreg.gather [hbm4b:s4+s3], $0x80, v4, vm0, $0xb8;
	[tilespmem:$0x18800] =	vst v63  }
0x6fd: {  	s6 =	simm.s32 $0xD800  }
0x6fe: {  	[tilespmem:s6], [sflag:$0x2] =	stream.indirect_vreg.gather [hbm4b:s5+s3], $0x80, v4, vm0, $0xb8;
	[tilespmem:$0x18800] =	vst v63  }
0x6ff: {  	s13 =	simm.s32 $0xE000  }
0x700: {  	[tilespmem:s13], [sflag:$0x2] =	stream.indirect_vreg.gather [hbm4b:s0+s3], $0x80, v3, vm0, $0xb8;
	[tilespmem:$0x18800] =	vst v63  }
0x701: {  	s6 =	simm.s32 $0xE800  }
0x702: {  	[tilespmem:s6], [sflag:$0x2] =	stream.indirect_vreg.gather [hbm4b:s4+s3], $0x80, v3, vm0, $0xb8;
	[tilespmem:$0x18800] =	vst v63  }
0x703: {  	s12 =	simm.s32 $0xF000  }
0x704: {  	[tilespmem:s12], [sflag:$0x2] =	stream.indirect_vreg.gather [hbm4b:s5+s3], $0x80, v3, vm0, $0xb8;
	[tilespmem:$0x18800] =	vst v63  }
0x705: {  	v3 =	vld [tilespmem:$0x650];
	_ =	sdelay $0x4  }
0x706: {  	v45 =	vshrl.u32 v3, $0x3  }
0x707: {  	v4 =	vmul.u32 $0x30, v45  }
0x708: {  	v3 =	vand.u32 $0x7, v3  }
0x709: {  	v3 =	vor.u32 v3, v4  }
0x70a: {  	v4 =	vperm.xlane v3, v0;
	_ =	sdelay $0x1  }
0x70b: {  	v4 =	vadd.s32 v1, v4;
	_ =	sdelay $0x3  }
0x70c: {  	s13 =	simm.s32 $0xF800;
	v3 =	vperm.xlane v3, v2  }
0x70d: {  	[tilespmem:s13], [sflag:$0x2] =	stream.indirect_vreg.gather [hbm4b:s0+s3], $0x80, v4, vm0, $0xb8;
	[tilespmem:$0x18800] =	vst v63  }
0x70e: {  	s6 =	simm.s32 $0x10000;
	v3 =	vadd.s32 v1, v3  }
0x70f: {  	[tilespmem:s6], [sflag:$0x2] =	stream.indirect_vreg.gather [hbm4b:s4+s3], $0x80, v4, vm0, $0xb8;
	[tilespmem:$0x18800] =	vst v63  }
0x710: {  	s12 =	simm.s32 $0x10800  }
0x711: {  	[tilespmem:s12], [sflag:$0x2] =	stream.indirect_vreg.gather [hbm4b:s5+s3], $0x80, v4, vm0, $0xb8;
	[tilespmem:$0x18800] =	vst v63  }
0x712: {  	s13 =	simm.s32 $0x11000  }
0x713: {  	[tilespmem:s13], [sflag:$0x2] =	stream.indirect_vreg.gather [hbm4b:s0+s3], $0x80, v3, vm0, $0xb8;
	[tilespmem:$0x18800] =	vst v63  }
0x714: {  	s6 =	simm.s32 $0x11800  }
0x715: {  	[tilespmem:s6], [sflag:$0x2] =	stream.indirect_vreg.gather [hbm4b:s4+s3], $0x80, v3, vm0, $0xb8;
	[tilespmem:$0x18800] =	vst v63  }
0x716: {  	s12 =	simm.s32 $0x12000  }
0x717: {  	[tilespmem:s12], [sflag:$0x2] =	stream.indirect_vreg.gather [hbm4b:s5+s3], $0x80, v3, vm0, $0xb8;
	[tilespmem:$0x18800] =	vst v63  }
0x718: {  	v3 =	vld [tilespmem:$0x660];
	_ =	sdelay $0x4  }
0x719: {  	v46 =	vshrl.u32 v3, $0x3  }
0x71a: {  	v4 =	vmul.u32 $0x30, v46  }
0x71b: {  	v3 =	vand.u32 $0x7, v3  }
0x71c: {  	v3 =	vor.u32 v3, v4  }
0x71d: {  	v4 =	vperm.xlane v3, v0;
	_ =	sdelay $0x1  }
0x71e: {  	v4 =	vadd.s32 v1, v4;
	_ =	sdelay $0x3  }
0x71f: {  	s13 =	simm.s32 $0x12800;
	v3 =	vperm.xlane v3, v2  }
0x720: {  	[tilespmem:s13], [sflag:$0x2] =	stream.indirect_vreg.gather [hbm4b:s0+s3], $0x80, v4, vm0, $0xb8;
	[tilespmem:$0x18800] =	vst v63  }
0x721: {  	s30 =	simm.s32 $0x13000;
	v3 =	vadd.s32 v1, v3  }
0x722: {  	[tilespmem:s30], [sflag:$0x2] =	stream.indirect_vreg.gather [hbm4b:s4+s3], $0x80, v4, vm0, $0xb8;
	[tilespmem:$0x18800] =	vst v63  }
0x723: {  	s30 =	simm.s32 $0x13800  }
0x724: {  	[tilespmem:s30], [sflag:$0x2] =	stream.indirect_vreg.gather [hbm4b:s5+s3], $0x80, v4, vm0, $0xb8;
	[tilespmem:$0x18800] =	vst v63  }
0x725: {  	s6 =	simm.s32 $0x14000  }
0x726: {  	[tilespmem:s6], [sflag:$0x2] =	stream.indirect_vreg.gather [hbm4b:s0+s3], $0x80, v3, vm0, $0xb8;
	[tilespmem:$0x18800] =	vst v63  }
0x727: {  	s12 =	simm.s32 $0x14800  }
0x728: {  	[tilespmem:s12], [sflag:$0x2] =	stream.indirect_vreg.gather [hbm4b:s4+s3], $0x80, v3, vm0, $0xb8;
	[tilespmem:$0x18800] =	vst v63  }
0x729: {  	s13 =	simm.s32 $0x15000  }
0x72a: {  	[tilespmem:s13], [sflag:$0x2] =	stream.indirect_vreg.gather [hbm4b:s5+s3], $0x80, v3, vm0, $0xb8;
	[tilespmem:$0x18800] =	vst v63  }
0x72b: {  	v3 =	vld [tilespmem:$0x670];
	_ =	sdelay $0x4  }
0x72c: {  	v47 =	vshrl.u32 v3, $0x3  }
0x72d: {  	v4 =	vmul.u32 $0x30, v47  }
0x72e: {  	v3 =	vand.u32 $0x7, v3  }
0x72f: {  	v3 =	vor.u32 v3, v4  }
0x730: {  	v4 =	vperm.xlane v3, v0;
	_ =	sdelay $0x1  }
0x731: {  	v4 =	vadd.s32 v1, v4;
	_ =	sdelay $0x3  }
0x732: {  	s30 =	simm.s32 $0x15800;
	v3 =	vperm.xlane v3, v2  }
0x733: {  	[tilespmem:s30], [sflag:$0x2] =	stream.indirect_vreg.gather [hbm4b:s0+s3], $0x80, v4, vm0, $0xb8;
	[tilespmem:$0x18800] =	vst v63  }
0x734: {  	s31 =	simm.s32 $0x16000;
	v3 =	vadd.s32 v1, v3  }
0x735: {  	[tilespmem:s31], [sflag:$0x2] =	stream.indirect_vreg.gather [hbm4b:s4+s3], $0x80, v4, vm0, $0xb8;
	[tilespmem:$0x18800] =	vst v63  }
0x736: {  	s6 =	simm.s32 $0x16800  }
0x737: {  	[tilespmem:s6], [sflag:$0x2] =	stream.indirect_vreg.gather [hbm4b:s5+s3], $0x80, v4, vm0, $0xb8;
	[tilespmem:$0x18800] =	vst v63  }
0x738: {  	s12 =	simm.s32 $0x17000  }
0x739: {  	[tilespmem:s12], [sflag:$0x2] =	stream.indirect_vreg.gather [hbm4b:s0+s3], $0x80, v3, vm0, $0xb8;
	[tilespmem:$0x18800] =	vst v63  }
0x73a: {  	s13 =	simm.s32 $0x17800  }
0x73b: {  	[tilespmem:s13], [sflag:$0x2] =	stream.indirect_vreg.gather [hbm4b:s4+s3], $0x80, v3, vm0, $0xb8;
	[tilespmem:$0x18800] =	vst v63  }
0x73c: {  	s30 =	simm.s32 $0x18000  }
0x73d: {  	[tilespmem:s30], [sflag:$0x2] =	stream.indirect_vreg.gather [hbm4b:s5+s3], $0x80, v3, vm0, $0xb8;
	[tilespmem:$0x18800] =	vst v63  }
0x73e: {  	_ =	swait.ge [sflag:s9], $0xC000  }
0x73f: {  	s31 =	sld [smem:$0x7F4]  }
0x740: {  	[sflag:s9] =	ssyncset.done $0x0  }
0x741: {  	s1 =	sld [smem:$0x7F5];
	[sflag:s9] =	ssyncadd.s32 $0xFFFF4000  }
0x742: {  	[hbm4b:s31+s3] =	stream.linear.scatter [tilespmem:s7], [sflag:$0x4], $0xC000, $0x38;
	[tilespmem:$0x18800] =	vst v63  }
0x743: {  	_ = 	snop  }
0x744: {  	[hbm4b:s1+s3] =	stream.linear.scatter [tilespmem:s7], [sflag:$0x4], $0xC000, $0x38;
	[tilespmem:$0x18800] =	vst v63  }
0x745: {  	_ =	swait.ge [sflag:s10], $0xC000  }
0x746: {  	[sflag:s10] =	ssyncset.done $0x0  }
0x747: {  	[sflag:s10] =	ssyncadd.s32 $0xFFFF4000  }
0x748: {  	_ =	swait.ge [sflag:s10], $0xC000  }
0x749: {  	[sflag:s10] =	ssyncset.done $0x0  }
0x74a: {  	[sflag:s10] =	ssyncadd.s32 $0xFFFF4000  }
0x74b: {  	v3 =	vld [tilespmem:$0x280];
	_ =	sdelay $0x4  }
0x74c: {  	v48 =	vshrl.u32 v3, $0x3  }
0x74d: {  	v4 =	vmul.u32 $0x30, v48  }
0x74e: {  	v3 =	vand.u32 $0x7, v3  }
0x74f: {  	v3 =	vor.u32 v3, v4  }
0x750: {  	v4 =	vperm.xlane v3, v0;
	_ =	sdelay $0x1  }
0x751: {  	v4 =	vadd.s32 v1, v4;
	_ =	sdelay $0x3  }
0x752: {  	v3 =	vperm.xlane v3, v2  }
0x753: {  	[tilespmem:s8], [sflag:$0x1] =	stream.indirect_vreg.gather [hbm4b:s0+s3], $0x80, v4, vm0, $0xb8;
	[tilespmem:$0x18800] =	vst v63  }
0x754: {  	s6 =	simm.s32 $0x1000;
	v3 =	vadd.s32 v1, v3  }
0x755: {  	[tilespmem:s6], [sflag:$0x1] =	stream.indirect_vreg.gather [hbm4b:s4+s3], $0x80, v4, vm0, $0xb8;
	[tilespmem:$0x18800] =	vst v63  }
0x756: {  	s12 =	simm.s32 $0x1800  }
0x757: {  	[tilespmem:s12], [sflag:$0x1] =	stream.indirect_vreg.gather [hbm4b:s5+s3], $0x80, v4, vm0, $0xb8;
	[tilespmem:$0x18800] =	vst v63  }
0x758: {  	s14 =	simm.s32 $0x2000  }
0x759: {  	[tilespmem:s14], [sflag:$0x1] =	stream.indirect_vreg.gather [hbm4b:s0+s3], $0x80, v3, vm0, $0xb8;
	[tilespmem:$0x18800] =	vst v63  }
0x75a: {  	s15 =	simm.s32 $0x2800  }
0x75b: {  	[tilespmem:s15], [sflag:$0x1] =	stream.indirect_vreg.gather [hbm4b:s4+s3], $0x80, v3, vm0, $0xb8;
	[tilespmem:$0x18800] =	vst v63  }
0x75c: {  	s13 =	simm.s32 $0x3000  }
0x75d: {  	[tilespmem:s13], [sflag:$0x1] =	stream.indirect_vreg.gather [hbm4b:s5+s3], $0x80, v3, vm0, $0xb8;
	[tilespmem:$0x18800] =	vst v63  }
0x75e: {  	v3 =	vld [tilespmem:$0x290];
	_ =	sdelay $0x4  }
0x75f: {  	v49 =	vshrl.u32 v3, $0x3  }
0x760: {  	v4 =	vmul.u32 $0x30, v49  }
0x761: {  	v3 =	vand.u32 $0x7, v3  }
0x762: {  	v3 =	vor.u32 v3, v4  }
0x763: {  	v4 =	vperm.xlane v3, v0;
	_ =	sdelay $0x1  }
0x764: {  	v4 =	vadd.s32 v1, v4;
	_ =	sdelay $0x3  }
0x765: {  	s30 =	simm.s32 $0x3800;
	v3 =	vperm.xlane v3, v2  }
0x766: {  	[tilespmem:s30], [sflag:$0x1] =	stream.indirect_vreg.gather [hbm4b:s0+s3], $0x80, v4, vm0, $0xb8;
	[tilespmem:$0x18800] =	vst v63  }
0x767: {  	s16 =	simm.s32 $0x4000;
	v3 =	vadd.s32 v1, v3  }
0x768: {  	[tilespmem:s16], [sflag:$0x1] =	stream.indirect_vreg.gather [hbm4b:s4+s3], $0x80, v4, vm0, $0xb8;
	[tilespmem:$0x18800] =	vst v63  }
0x769: {  	s17 =	simm.s32 $0x4800  }
0x76a: {  	[tilespmem:s17], [sflag:$0x1] =	stream.indirect_vreg.gather [hbm4b:s5+s3], $0x80, v4, vm0, $0xb8;
	[tilespmem:$0x18800] =	vst v63  }
0x76b: {  	s18 =	simm.s32 $0x5000  }
0x76c: {  	[tilespmem:s18], [sflag:$0x1] =	stream.indirect_vreg.gather [hbm4b:s0+s3], $0x80, v3, vm0, $0xb8;
	[tilespmem:$0x18800] =	vst v63  }
0x76d: {  	s19 =	simm.s32 $0x5800  }
0x76e: {  	[tilespmem:s19], [sflag:$0x1] =	stream.indirect_vreg.gather [hbm4b:s4+s3], $0x80, v3, vm0, $0xb8;
	[tilespmem:$0x18800] =	vst v63  }
0x76f: {  	s31 =	simm.s32 $0x6000  }
0x770: {  	[tilespmem:s31], [sflag:$0x1] =	stream.indirect_vreg.gather [hbm4b:s5+s3], $0x80, v3, vm0, $0xb8;
	[tilespmem:$0x18800] =	vst v63  }
0x771: {  	v3 =	vld [tilespmem:$0x2A0];
	_ =	sdelay $0x4  }
0x772: {  	v50 =	vshrl.u32 v3, $0x3  }
0x773: {  	v4 =	vmul.u32 $0x30, v50  }
0x774: {  	v3 =	vand.u32 $0x7, v3  }
0x775: {  	v3 =	vor.u32 v3, v4  }
0x776: {  	v4 =	vperm.xlane v3, v0;
	_ =	sdelay $0x1  }
0x777: {  	v4 =	vadd.s32 v1, v4;
	_ =	sdelay $0x3  }
0x778: {  	s13 =	simm.s32 $0x6800;
	v3 =	vperm.xlane v3, v2  }
0x779: {  	[tilespmem:s13], [sflag:$0x1] =	stream.indirect_vreg.gather [hbm4b:s0+s3], $0x80, v4, vm0, $0xb8;
	[tilespmem:$0x18800] =	vst v63  }
0x77a: {  	s20 =	simm.s32 $0x7000;
	v3 =	vadd.s32 v1, v3  }
0x77b: {  	[tilespmem:s20], [sflag:$0x1] =	stream.indirect_vreg.gather [hbm4b:s4+s3], $0x80, v4, vm0, $0xb8;
	[tilespmem:$0x18800] =	vst v63  }
0x77c: {  	s21 =	simm.s32 $0x7800  }
0x77d: {  	[tilespmem:s21], [sflag:$0x1] =	stream.indirect_vreg.gather [hbm4b:s5+s3], $0x80, v4, vm0, $0xb8;
	[tilespmem:$0x18800] =	vst v63  }
0x77e: {  	s22 =	simm.s32 $0x8000  }
0x77f: {  	[tilespmem:s22], [sflag:$0x1] =	stream.indirect_vreg.gather [hbm4b:s0+s3], $0x80, v3, vm0, $0xb8;
	[tilespmem:$0x18800] =	vst v63  }
0x780: {  	s23 =	simm.s32 $0x8800  }
0x781: {  	[tilespmem:s23], [sflag:$0x1] =	stream.indirect_vreg.gather [hbm4b:s4+s3], $0x80, v3, vm0, $0xb8;
	[tilespmem:$0x18800] =	vst v63  }
0x782: {  	s30 =	simm.s32 $0x9000  }
0x783: {  	[tilespmem:s30], [sflag:$0x1] =	stream.indirect_vreg.gather [hbm4b:s5+s3], $0x80, v3, vm0, $0xb8;
	[tilespmem:$0x18800] =	vst v63  }
0x784: {  	v3 =	vld [tilespmem:$0x2B0];
	_ =	sdelay $0x4  }
0x785: {  	v51 =	vshrl.u32 v3, $0x3  }
0x786: {  	v4 =	vmul.u32 $0x30, v51  }
0x787: {  	v3 =	vand.u32 $0x7, v3  }
0x788: {  	v3 =	vor.u32 v3, v4  }
0x789: {  	v4 =	vperm.xlane v3, v0;
	_ =	sdelay $0x1  }
0x78a: {  	v4 =	vadd.s32 v1, v4;
	_ =	sdelay $0x3  }
0x78b: {  	s31 =	simm.s32 $0x9800;
	v3 =	vperm.xlane v3, v2  }
0x78c: {  	[tilespmem:s31], [sflag:$0x1] =	stream.indirect_vreg.gather [hbm4b:s0+s3], $0x80, v4, vm0, $0xb8;
	[tilespmem:$0x18800] =	vst v63  }
0x78d: {  	s24 =	simm.s32 $0xA000;
	v3 =	vadd.s32 v1, v3  }
0x78e: {  	[tilespmem:s24], [sflag:$0x1] =	stream.indirect_vreg.gather [hbm4b:s4+s3], $0x80, v4, vm0, $0xb8;
	[tilespmem:$0x18800] =	vst v63  }
0x78f: {  	s25 =	simm.s32 $0xA800  }
0x790: {  	[tilespmem:s25], [sflag:$0x1] =	stream.indirect_vreg.gather [hbm4b:s5+s3], $0x80, v4, vm0, $0xb8;
	[tilespmem:$0x18800] =	vst v63  }
0x791: {  	s26 =	simm.s32 $0xB000  }
0x792: {  	[tilespmem:s26], [sflag:$0x1] =	stream.indirect_vreg.gather [hbm4b:s0+s3], $0x80, v3, vm0, $0xb8;
	[tilespmem:$0x18800] =	vst v63  }
0x793: {  	s28 =	simm.s32 $0xB800  }
0x794: {  	[tilespmem:s28], [sflag:$0x1] =	stream.indirect_vreg.gather [hbm4b:s4+s3], $0x80, v3, vm0, $0xb8;
	[tilespmem:$0x18800] =	vst v63  }
0x795: {  	s13 =	simm.s32 $0xC000  }
0x796: {  	[tilespmem:s13], [sflag:$0x1] =	stream.indirect_vreg.gather [hbm4b:s5+s3], $0x80, v3, vm0, $0xb8;
	[tilespmem:$0x18800] =	vst v63  }
0x797: {  	_ =	swait.ge [sflag:s2], $0xC000  }
0x798: {  	s30 =	sld [smem:$0x7F6]  }
0x799: {  	[sflag:s2] =	ssyncset.done $0x0  }
0x79a: {  	s31 =	sld [smem:$0x7F7];
	[sflag:s2] =	ssyncadd.s32 $0xFFFF4000  }
0x79b: {  	[hbm4b:s30+s3] =	stream.linear.scatter [tilespmem:s8], [sflag:$0x3], $0xC000, $0x38;
	[tilespmem:$0x18800] =	vst v63  }
0x79c: {  	_ = 	snop  }
0x79d: {  	[hbm4b:s31+s3] =	stream.linear.scatter [tilespmem:s8], [sflag:$0x3], $0xC000, $0x38;
	[tilespmem:$0x18800] =	vst v63  }
0x79e: {  	_ =	swait.ge [sflag:s11], $0xC000  }
0x79f: {  	[sflag:s11] =	ssyncset.done $0x0  }
0x7a0: {  	[sflag:s11] =	ssyncadd.s32 $0xFFFF4000  }
0x7a1: {  	_ =	swait.ge [sflag:s11], $0xC000  }
0x7a2: {  	[sflag:s11] =	ssyncset.done $0x0  }
0x7a3: {  	[sflag:s11] =	ssyncadd.s32 $0xFFFF4000  }
0x7a4: {  	v3 =	vld [tilespmem:$0x2C0];
	_ =	sdelay $0x4  }
0x7a5: {  	v52 =	vshrl.u32 v3, $0x3  }
0x7a6: {  	v4 =	vmul.u32 $0x30, v52  }
0x7a7: {  	v3 =	vand.u32 $0x7, v3  }
0x7a8: {  	v3 =	vor.u32 v3, v4  }
0x7a9: {  	v4 =	vperm.xlane v3, v0;
	_ =	sdelay $0x1  }
0x7aa: {  	v4 =	vadd.s32 v1, v4;
	_ =	sdelay $0x3  }
0x7ab: {  	v3 =	vperm.xlane v3, v2  }
0x7ac: {  	[tilespmem:s7], [sflag:$0x2] =	stream.indirect_vreg.gather [hbm4b:s0+s3], $0x80, v4, vm0, $0xb8;
	[tilespmem:$0x18800] =	vst v63  }
0x7ad: {  	s29 =	simm.s32 $0xD000;
	v3 =	vadd.s32 v1, v3  }
0x7ae: {  	[tilespmem:s29], [sflag:$0x2] =	stream.indirect_vreg.gather [hbm4b:s4+s3], $0x80, v4, vm0, $0xb8;
	[tilespmem:$0x18800] =	vst v63  }
0x7af: {  	s30 =	simm.s32 $0xD800  }
0x7b0: {  	[tilespmem:s30], [sflag:$0x2] =	stream.indirect_vreg.gather [hbm4b:s5+s3], $0x80, v4, vm0, $0xb8;
	[tilespmem:$0x18800] =	vst v63  }
0x7b1: {  	s31 =	simm.s32 $0xE000  }
0x7b2: {  	[tilespmem:s31], [sflag:$0x2] =	stream.indirect_vreg.gather [hbm4b:s0+s3], $0x80, v3, vm0, $0xb8;
	[tilespmem:$0x18800] =	vst v63  }
0x7b3: {  	s13 =	simm.s32 $0xE800  }
0x7b4: {  	[tilespmem:s13], [sflag:$0x2] =	stream.indirect_vreg.gather [hbm4b:s4+s3], $0x80, v3, vm0, $0xb8;
	[tilespmem:$0x18800] =	vst v63  }
0x7b5: {  	s13 =	simm.s32 $0xF000  }
0x7b6: {  	[tilespmem:s13], [sflag:$0x2] =	stream.indirect_vreg.gather [hbm4b:s5+s3], $0x80, v3, vm0, $0xb8;
	[tilespmem:$0x18800] =	vst v63  }
0x7b7: {  	v3 =	vld [tilespmem:$0x2D0];
	_ =	sdelay $0x4  }
0x7b8: {  	v53 =	vshrl.u32 v3, $0x3  }
0x7b9: {  	v4 =	vmul.u32 $0x30, v53  }
0x7ba: {  	v3 =	vand.u32 $0x7, v3  }
0x7bb: {  	v3 =	vor.u32 v3, v4  }
0x7bc: {  	v4 =	vperm.xlane v3, v0;
	_ =	sdelay $0x1  }
0x7bd: {  	v4 =	vadd.s32 v1, v4;
	_ =	sdelay $0x3  }
0x7be: {  	s13 =	simm.s32 $0xF800;
	v3 =	vperm.xlane v3, v2  }
0x7bf: {  	[tilespmem:s13], [sflag:$0x2] =	stream.indirect_vreg.gather [hbm4b:s0+s3], $0x80, v4, vm0, $0xb8;
	[tilespmem:$0x18800] =	vst v63  }
0x7c0: {  	v3 =	vadd.s32 v1, v3;
	s13 =	simm.s32 $0x10000  }
0x7c1: {  	[tilespmem:s13], [sflag:$0x2] =	stream.indirect_vreg.gather [hbm4b:s4+s3], $0x80, v4, vm0, $0xb8;
	[tilespmem:$0x18800] =	vst v63  }
0x7c2: {  	s13 =	simm.s32 $0x10800  }
0x7c3: {  	[tilespmem:s13], [sflag:$0x2] =	stream.indirect_vreg.gather [hbm4b:s5+s3], $0x80, v4, vm0, $0xb8;
	[tilespmem:$0x18800] =	vst v63  }
0x7c4: {  	s13 =	simm.s32 $0x11000  }
0x7c5: {  	[tilespmem:s13], [sflag:$0x2] =	stream.indirect_vreg.gather [hbm4b:s0+s3], $0x80, v3, vm0, $0xb8;
	[tilespmem:$0x18800] =	vst v63  }
0x7c6: {  	s13 =	simm.s32 $0x11800  }
0x7c7: {  	[tilespmem:s13], [sflag:$0x2] =	stream.indirect_vreg.gather [hbm4b:s4+s3], $0x80, v3, vm0, $0xb8;
	[tilespmem:$0x18800] =	vst v63  }
0x7c8: {  	s13 =	simm.s32 $0x12000  }
0x7c9: {  	[tilespmem:s13], [sflag:$0x2] =	stream.indirect_vreg.gather [hbm4b:s5+s3], $0x80, v3, vm0, $0xb8;
	[tilespmem:$0x18800] =	vst v63  }
0x7ca: {  	v3 =	vld [tilespmem:$0x2E0];
	_ =	sdelay $0x4  }
0x7cb: {  	v54 =	vshrl.u32 v3, $0x3  }
0x7cc: {  	v4 =	vmul.u32 $0x30, v54  }
0x7cd: {  	v3 =	vand.u32 $0x7, v3  }
0x7ce: {  	v3 =	vor.u32 v3, v4  }
0x7cf: {  	v4 =	vperm.xlane v3, v0;
	_ =	sdelay $0x1  }
0x7d0: {  	v4 =	vadd.s32 v1, v4;
	_ =	sdelay $0x3  }
0x7d1: {  	s13 =	simm.s32 $0x12800;
	v3 =	vperm.xlane v3, v2  }
0x7d2: {  	[tilespmem:s13], [sflag:$0x2] =	stream.indirect_vreg.gather [hbm4b:s0+s3], $0x80, v4, vm0, $0xb8;
	[tilespmem:$0x18800] =	vst v63  }
0x7d3: {  	v3 =	vadd.s32 v1, v3;
	s13 =	simm.s32 $0x13000  }
0x7d4: {  	[tilespmem:s13], [sflag:$0x2] =	stream.indirect_vreg.gather [hbm4b:s4+s3], $0x80, v4, vm0, $0xb8;
	[tilespmem:$0x18800] =	vst v63  }
0x7d5: {  	s13 =	simm.s32 $0x13800  }
0x7d6: {  	[tilespmem:s13], [sflag:$0x2] =	stream.indirect_vreg.gather [hbm4b:s5+s3], $0x80, v4, vm0, $0xb8;
	[tilespmem:$0x18800] =	vst v63  }
0x7d7: {  	s13 =	simm.s32 $0x14000  }
0x7d8: {  	[tilespmem:s13], [sflag:$0x2] =	stream.indirect_vreg.gather [hbm4b:s0+s3], $0x80, v3, vm0, $0xb8;
	[tilespmem:$0x18800] =	vst v63  }
0x7d9: {  	s13 =	simm.s32 $0x14800  }
0x7da: {  	[tilespmem:s13], [sflag:$0x2] =	stream.indirect_vreg.gather [hbm4b:s4+s3], $0x80, v3, vm0, $0xb8;
	[tilespmem:$0x18800] =	vst v63  }
0x7db: {  	s13 =	simm.s32 $0x15000  }
0x7dc: {  	[tilespmem:s13], [sflag:$0x2] =	stream.indirect_vreg.gather [hbm4b:s5+s3], $0x80, v3, vm0, $0xb8;
	[tilespmem:$0x18800] =	vst v63  }
0x7dd: {  	v3 =	vld [tilespmem:$0x2F0];
	_ =	sdelay $0x4  }
0x7de: {  	v55 =	vshrl.u32 v3, $0x3  }
0x7df: {  	v4 =	vmul.u32 $0x30, v55  }
0x7e0: {  	v3 =	vand.u32 $0x7, v3  }
0x7e1: {  	v3 =	vor.u32 v3, v4  }
0x7e2: {  	v4 =	vperm.xlane v3, v0;
	_ =	sdelay $0x1  }
0x7e3: {  	v4 =	vadd.s32 v1, v4;
	_ =	sdelay $0x3  }
0x7e4: {  	s13 =	simm.s32 $0x15800;
	v3 =	vperm.xlane v3, v2  }
0x7e5: {  	[tilespmem:s13], [sflag:$0x2] =	stream.indirect_vreg.gather [hbm4b:s0+s3], $0x80, v4, vm0, $0xb8;
	[tilespmem:$0x18800] =	vst v63  }
0x7e6: {  	v3 =	vadd.s32 v1, v3;
	s13 =	simm.s32 $0x16000  }
0x7e7: {  	[tilespmem:s13], [sflag:$0x2] =	stream.indirect_vreg.gather [hbm4b:s4+s3], $0x80, v4, vm0, $0xb8;
	[tilespmem:$0x18800] =	vst v63  }
0x7e8: {  	s13 =	simm.s32 $0x16800  }
0x7e9: {  	[tilespmem:s13], [sflag:$0x2] =	stream.indirect_vreg.gather [hbm4b:s5+s3], $0x80, v4, vm0, $0xb8;
	[tilespmem:$0x18800] =	vst v63  }
0x7ea: {  	s13 =	simm.s32 $0x17000  }
0x7eb: {  	[tilespmem:s13], [sflag:$0x2] =	stream.indirect_vreg.gather [hbm4b:s0+s3], $0x80, v3, vm0, $0xb8;
	[tilespmem:$0x18800] =	vst v63  }
0x7ec: {  	s13 =	simm.s32 $0x17800  }
0x7ed: {  	[tilespmem:s13], [sflag:$0x2] =	stream.indirect_vreg.gather [hbm4b:s4+s3], $0x80, v3, vm0, $0xb8;
	[tilespmem:$0x18800] =	vst v63  }
0x7ee: {  	s13 =	simm.s32 $0x18000  }
0x7ef: {  	[tilespmem:s13], [sflag:$0x2] =	stream.indirect_vreg.gather [hbm4b:s5+s3], $0x80, v3, vm0, $0xb8;
	[tilespmem:$0x18800] =	vst v63  }
0x7f0: {  	_ =	swait.ge [sflag:s9], $0xC000  }
0x7f1: {  	s12 =	sld [smem:$0x7F8]  }
0x7f2: {  	[sflag:s9] =	ssyncset.done $0x0  }
0x7f3: {  	s13 =	sld [smem:$0x7F9];
	[sflag:s9] =	ssyncadd.s32 $0xFFFF4000  }
0x7f4: {  	[hbm4b:s12+s3] =	stream.linear.scatter [tilespmem:s7], [sflag:$0x4], $0xC000, $0x38;
	[tilespmem:$0x18800] =	vst v63  }
0x7f5: {  	_ = 	snop  }
0x7f6: {  	[hbm4b:s13+s3] =	stream.linear.scatter [tilespmem:s7], [sflag:$0x4], $0xC000, $0x38;
	[tilespmem:$0x18800] =	vst v63  }
0x7f7: {  	_ =	swait.ge [sflag:s10], $0xC000  }
0x7f8: {  	[sflag:s10] =	ssyncset.done $0x0  }
0x7f9: {  	[sflag:s10] =	ssyncadd.s32 $0xFFFF4000  }
0x7fa: {  	_ =	swait.ge [sflag:s10], $0xC000  }
0x7fb: {  	[sflag:s10] =	ssyncset.done $0x0  }
0x7fc: {  	[sflag:s10] =	ssyncadd.s32 $0xFFFF4000  }
0x7fd: {  	v3 =	vld [tilespmem:$0x680];
	_ =	sdelay $0x4  }
0x7fe: {  	v56 =	vshrl.u32 v3, $0x3  }
0x7ff: {  	v4 =	vmul.u32 $0x30, v56  }
0x800: {  	v3 =	vand.u32 $0x7, v3  }
0x801: {  	v3 =	vor.u32 v3, v4  }
0x802: {  	v4 =	vperm.xlane v3, v0;
	_ =	sdelay $0x1  }
0x803: {  	v4 =	vadd.s32 v1, v4;
	_ =	sdelay $0x3  }
0x804: {  	v3 =	vperm.xlane v3, v2  }
0x805: {  	[tilespmem:s8], [sflag:$0x1] =	stream.indirect_vreg.gather [hbm4b:s0+s3], $0x80, v4, vm0, $0xb8;
	[tilespmem:$0x18800] =	vst v63  }
0x806: {  	s1 =	simm.s32 $0x1000;
	v3 =	vadd.s32 v1, v3  }
0x807: {  	[tilespmem:s1], [sflag:$0x1] =	stream.indirect_vreg.gather [hbm4b:s4+s3], $0x80, v4, vm0, $0xb8;
	[tilespmem:$0x18800] =	vst v63  }
0x808: {  	s6 =	simm.s32 $0x1800  }
0x809: {  	[tilespmem:s6], [sflag:$0x1] =	stream.indirect_vreg.gather [hbm4b:s5+s3], $0x80, v4, vm0, $0xb8;
	[tilespmem:$0x18800] =	vst v63  }
0x80a: {  	s14 =	simm.s32 $0x2000  }
0x80b: {  	[tilespmem:s14], [sflag:$0x1] =	stream.indirect_vreg.gather [hbm4b:s0+s3], $0x80, v3, vm0, $0xb8;
	[tilespmem:$0x18800] =	vst v63  }
0x80c: {  	s15 =	simm.s32 $0x2800  }
0x80d: {  	[tilespmem:s15], [sflag:$0x1] =	stream.indirect_vreg.gather [hbm4b:s4+s3], $0x80, v3, vm0, $0xb8;
	[tilespmem:$0x18800] =	vst v63  }
0x80e: {  	s14 =	simm.s32 $0x3000  }
0x80f: {  	[tilespmem:s14], [sflag:$0x1] =	stream.indirect_vreg.gather [hbm4b:s5+s3], $0x80, v3, vm0, $0xb8;
	[tilespmem:$0x18800] =	vst v63  }
0x810: {  	v3 =	vld [tilespmem:$0x690];
	_ =	sdelay $0x4  }
0x811: {  	v57 =	vshrl.u32 v3, $0x3  }
0x812: {  	v4 =	vmul.u32 $0x30, v57  }
0x813: {  	v3 =	vand.u32 $0x7, v3  }
0x814: {  	v3 =	vor.u32 v3, v4  }
0x815: {  	v4 =	vperm.xlane v3, v0;
	_ =	sdelay $0x1  }
0x816: {  	v4 =	vadd.s32 v1, v4;
	_ =	sdelay $0x3  }
0x817: {  	s15 =	simm.s32 $0x3800;
	v3 =	vperm.xlane v3, v2  }
0x818: {  	[tilespmem:s15], [sflag:$0x1] =	stream.indirect_vreg.gather [hbm4b:s0+s3], $0x80, v4, vm0, $0xb8;
	[tilespmem:$0x18800] =	vst v63  }
0x819: {  	s16 =	simm.s32 $0x4000;
	v3 =	vadd.s32 v1, v3  }
0x81a: {  	[tilespmem:s16], [sflag:$0x1] =	stream.indirect_vreg.gather [hbm4b:s4+s3], $0x80, v4, vm0, $0xb8;
	[tilespmem:$0x18800] =	vst v63  }
0x81b: {  	s17 =	simm.s32 $0x4800  }
0x81c: {  	[tilespmem:s17], [sflag:$0x1] =	stream.indirect_vreg.gather [hbm4b:s5+s3], $0x80, v4, vm0, $0xb8;
	[tilespmem:$0x18800] =	vst v63  }
0x81d: {  	s18 =	simm.s32 $0x5000  }
0x81e: {  	[tilespmem:s18], [sflag:$0x1] =	stream.indirect_vreg.gather [hbm4b:s0+s3], $0x80, v3, vm0, $0xb8;
	[tilespmem:$0x18800] =	vst v63  }
0x81f: {  	s19 =	simm.s32 $0x5800  }
0x820: {  	[tilespmem:s19], [sflag:$0x1] =	stream.indirect_vreg.gather [hbm4b:s4+s3], $0x80, v3, vm0, $0xb8;
	[tilespmem:$0x18800] =	vst v63  }
0x821: {  	s18 =	simm.s32 $0x6000  }
0x822: {  	[tilespmem:s18], [sflag:$0x1] =	stream.indirect_vreg.gather [hbm4b:s5+s3], $0x80, v3, vm0, $0xb8;
	[tilespmem:$0x18800] =	vst v63  }
0x823: {  	v3 =	vld [tilespmem:$0x6A0];
	_ =	sdelay $0x4  }
0x824: {  	v58 =	vshrl.u32 v3, $0x3  }
0x825: {  	v4 =	vmul.u32 $0x30, v58  }
0x826: {  	v3 =	vand.u32 $0x7, v3  }
0x827: {  	v3 =	vor.u32 v3, v4  }
0x828: {  	v4 =	vperm.xlane v3, v0;
	_ =	sdelay $0x1  }
0x829: {  	v4 =	vadd.s32 v1, v4;
	_ =	sdelay $0x3  }
0x82a: {  	s19 =	simm.s32 $0x6800;
	v3 =	vperm.xlane v3, v2  }
0x82b: {  	[tilespmem:s19], [sflag:$0x1] =	stream.indirect_vreg.gather [hbm4b:s0+s3], $0x80, v4, vm0, $0xb8;
	[tilespmem:$0x18800] =	vst v63  }
0x82c: {  	s20 =	simm.s32 $0x7000;
	v3 =	vadd.s32 v1, v3  }
0x82d: {  	[tilespmem:s20], [sflag:$0x1] =	stream.indirect_vreg.gather [hbm4b:s4+s3], $0x80, v4, vm0, $0xb8;
	[tilespmem:$0x18800] =	vst v63  }
0x82e: {  	s21 =	simm.s32 $0x7800  }
0x82f: {  	[tilespmem:s21], [sflag:$0x1] =	stream.indirect_vreg.gather [hbm4b:s5+s3], $0x80, v4, vm0, $0xb8;
	[tilespmem:$0x18800] =	vst v63  }
0x830: {  	s22 =	simm.s32 $0x8000  }
0x831: {  	[tilespmem:s22], [sflag:$0x1] =	stream.indirect_vreg.gather [hbm4b:s0+s3], $0x80, v3, vm0, $0xb8;
	[tilespmem:$0x18800] =	vst v63  }
0x832: {  	s23 =	simm.s32 $0x8800  }
0x833: {  	[tilespmem:s23], [sflag:$0x1] =	stream.indirect_vreg.gather [hbm4b:s4+s3], $0x80, v3, vm0, $0xb8;
	[tilespmem:$0x18800] =	vst v63  }
0x834: {  	s22 =	simm.s32 $0x9000  }
0x835: {  	[tilespmem:s22], [sflag:$0x1] =	stream.indirect_vreg.gather [hbm4b:s5+s3], $0x80, v3, vm0, $0xb8;
	[tilespmem:$0x18800] =	vst v63  }
0x836: {  	v3 =	vld [tilespmem:$0x6B0];
	_ =	sdelay $0x4  }
0x837: {  	v59 =	vshrl.u32 v3, $0x3  }
0x838: {  	v4 =	vmul.u32 $0x30, v59  }
0x839: {  	v3 =	vand.u32 $0x7, v3  }
0x83a: {  	v3 =	vor.u32 v3, v4  }
0x83b: {  	v4 =	vperm.xlane v3, v0;
	_ =	sdelay $0x1  }
0x83c: {  	v4 =	vadd.s32 v1, v4;
	_ =	sdelay $0x3  }
0x83d: {  	s23 =	simm.s32 $0x9800;
	v3 =	vperm.xlane v3, v2  }
0x83e: {  	[tilespmem:s23], [sflag:$0x1] =	stream.indirect_vreg.gather [hbm4b:s0+s3], $0x80, v4, vm0, $0xb8;
	[tilespmem:$0x18800] =	vst v63  }
0x83f: {  	s24 =	simm.s32 $0xA000;
	v3 =	vadd.s32 v1, v3  }
0x840: {  	[tilespmem:s24], [sflag:$0x1] =	stream.indirect_vreg.gather [hbm4b:s4+s3], $0x80, v4, vm0, $0xb8;
	[tilespmem:$0x18800] =	vst v63  }
0x841: {  	s25 =	simm.s32 $0xA800  }
0x842: {  	[tilespmem:s25], [sflag:$0x1] =	stream.indirect_vreg.gather [hbm4b:s5+s3], $0x80, v4, vm0, $0xb8;
	[tilespmem:$0x18800] =	vst v63  }
0x843: {  	s26 =	simm.s32 $0xB000  }
0x844: {  	[tilespmem:s26], [sflag:$0x1] =	stream.indirect_vreg.gather [hbm4b:s0+s3], $0x80, v3, vm0, $0xb8;
	[tilespmem:$0x18800] =	vst v63  }
0x845: {  	s28 =	simm.s32 $0xB800  }
0x846: {  	[tilespmem:s28], [sflag:$0x1] =	stream.indirect_vreg.gather [hbm4b:s4+s3], $0x80, v3, vm0, $0xb8;
	[tilespmem:$0x18800] =	vst v63  }
0x847: {  	s25 =	simm.s32 $0xC000  }
0x848: {  	[tilespmem:s25], [sflag:$0x1] =	stream.indirect_vreg.gather [hbm4b:s5+s3], $0x80, v3, vm0, $0xb8;
	[tilespmem:$0x18800] =	vst v63  }
0x849: {  	s1 =	sld [smem:$0x7DD];
	_ =	swait.ge [sflag:s2], $0xC000  }
0x84a: {  	s26 =	sld [smem:$0x7FA]  }
0x84b: {  	[sflag:s2] =	ssyncset.done $0x0  }
0x84c: {  	s28 =	sld [smem:$0x7FB];
	[sflag:s2] =	ssyncadd.s32 $0xFFFF4000  }
0x84d: {  	[hbm4b:s26+s3] =	stream.linear.scatter [tilespmem:s8], [sflag:$0x3], $0xC000, $0x38;
	[tilespmem:$0x18800] =	vst v63  }
0x84e: {  	_ = 	snop  }
0x84f: {  	[hbm4b:s28+s3] =	stream.linear.scatter [tilespmem:s8], [sflag:$0x3], $0xC000, $0x38;
	[tilespmem:$0x18800] =	vst v63  }
0x850: {  	_ =	swait.ge [sflag:s11], $0xC000  }
0x851: {  	[sflag:s11] =	ssyncset.done $0x0  }
0x852: {  	[sflag:s11] =	ssyncadd.s32 $0xFFFF4000  }
0x853: {  	_ =	swait.ge [sflag:s11], $0xC000  }
0x854: {  	[sflag:s11] =	ssyncset.done $0x0  }
0x855: {  	[sflag:s11] =	ssyncadd.s32 $0xFFFF4000  }
0x856: {  	v3 =	vld [tilespmem:$0x6C0];
	_ =	sdelay $0x4  }
0x857: {  	v60 =	vshrl.u32 v3, $0x3  }
0x858: {  	v4 =	vmul.u32 $0x30, v60  }
0x859: {  	v3 =	vand.u32 $0x7, v3  }
0x85a: {  	v3 =	vor.u32 v3, v4  }
0x85b: {  	v4 =	vperm.xlane v3, v0;
	_ =	sdelay $0x1  }
0x85c: {  	v4 =	vadd.s32 v1, v4;
	_ =	sdelay $0x3  }
0x85d: {  	v3 =	vperm.xlane v3, v2  }
0x85e: {  	[tilespmem:s7], [sflag:$0x2] =	stream.indirect_vreg.gather [hbm4b:s0+s3], $0x80, v4, vm0, $0xb8;
	[tilespmem:$0x18800] =	vst v63  }
0x85f: {  	s29 =	simm.s32 $0xD000;
	v3 =	vadd.s32 v1, v3  }
0x860: {  	[tilespmem:s29], [sflag:$0x2] =	stream.indirect_vreg.gather [hbm4b:s4+s3], $0x80, v4, vm0, $0xb8;
	[tilespmem:$0x18800] =	vst v63  }
0x861: {  	s30 =	simm.s32 $0xD800  }
0x862: {  	[tilespmem:s30], [sflag:$0x2] =	stream.indirect_vreg.gather [hbm4b:s5+s3], $0x80, v4, vm0, $0xb8;
	[tilespmem:$0x18800] =	vst v63  }
0x863: {  	s31 =	simm.s32 $0xE000  }
0x864: {  	[tilespmem:s31], [sflag:$0x2] =	stream.indirect_vreg.gather [hbm4b:s0+s3], $0x80, v3, vm0, $0xb8;
	[tilespmem:$0x18800] =	vst v63  }
0x865: {  	s29 =	simm.s32 $0xE800  }
0x866: {  	[tilespmem:s29], [sflag:$0x2] =	stream.indirect_vreg.gather [hbm4b:s4+s3], $0x80, v3, vm0, $0xb8;
	[tilespmem:$0x18800] =	vst v63  }
0x867: {  	s30 =	simm.s32 $0xF000  }
0x868: {  	[tilespmem:s30], [sflag:$0x2] =	stream.indirect_vreg.gather [hbm4b:s5+s3], $0x80, v3, vm0, $0xb8;
	[tilespmem:$0x18800] =	vst v63  }
0x869: {  	v3 =	vld [tilespmem:$0x6D0];
	_ =	sdelay $0x4  }
0x86a: {  	v61 =	vshrl.u32 v3, $0x3  }
0x86b: {  	v4 =	vmul.u32 $0x30, v61  }
0x86c: {  	v3 =	vand.u32 $0x7, v3  }
0x86d: {  	v3 =	vor.u32 v3, v4  }
0x86e: {  	v4 =	vperm.xlane v3, v0;
	_ =	sdelay $0x1  }
0x86f: {  	v4 =	vadd.s32 v1, v4;
	_ =	sdelay $0x3  }
0x870: {  	s31 =	simm.s32 $0xF800;
	v3 =	vperm.xlane v3, v2  }
0x871: {  	[tilespmem:s31], [sflag:$0x2] =	stream.indirect_vreg.gather [hbm4b:s0+s3], $0x80, v4, vm0, $0xb8;
	[tilespmem:$0x18800] =	vst v63  }
0x872: {  	s12 =	simm.s32 $0x10000;
	v3 =	vadd.s32 v1, v3  }
0x873: {  	[tilespmem:s12], [sflag:$0x2] =	stream.indirect_vreg.gather [hbm4b:s4+s3], $0x80, v4, vm0, $0xb8;
	[tilespmem:$0x18800] =	vst v63  }
0x874: {  	s13 =	simm.s32 $0x10800  }
0x875: {  	[tilespmem:s13], [sflag:$0x2] =	stream.indirect_vreg.gather [hbm4b:s5+s3], $0x80, v4, vm0, $0xb8;
	[tilespmem:$0x18800] =	vst v63  }
0x876: {  	s14 =	simm.s32 $0x11000  }
0x877: {  	[tilespmem:s14], [sflag:$0x2] =	stream.indirect_vreg.gather [hbm4b:s0+s3], $0x80, v3, vm0, $0xb8;
	[tilespmem:$0x18800] =	vst v63  }
0x878: {  	s15 =	simm.s32 $0x11800  }
0x879: {  	[tilespmem:s15], [sflag:$0x2] =	stream.indirect_vreg.gather [hbm4b:s4+s3], $0x80, v3, vm0, $0xb8;
	[tilespmem:$0x18800] =	vst v63  }
0x87a: {  	s16 =	simm.s32 $0x12000  }
0x87b: {  	[tilespmem:s16], [sflag:$0x2] =	stream.indirect_vreg.gather [hbm4b:s5+s3], $0x80, v3, vm0, $0xb8;
	[tilespmem:$0x18800] =	vst v63  }
0x87c: {  	v3 =	vld [tilespmem:$0x6E0];
	_ =	sdelay $0x4  }
0x87d: {  	v62 =	vshrl.u32 v3, $0x3  }
0x87e: {  	v4 =	vmul.u32 $0x30, v62  }
0x87f: {  	v3 =	vand.u32 $0x7, v3  }
0x880: {  	v3 =	vor.u32 v3, v4  }
0x881: {  	v4 =	vperm.xlane v3, v0;
	_ =	sdelay $0x1  }
0x882: {  	v4 =	vadd.s32 v1, v4;
	_ =	sdelay $0x3  }
0x883: {  	s17 =	simm.s32 $0x12800;
	v3 =	vperm.xlane v3, v2  }
0x884: {  	[tilespmem:s17], [sflag:$0x2] =	stream.indirect_vreg.gather [hbm4b:s0+s3], $0x80, v4, vm0, $0xb8;
	[tilespmem:$0x18800] =	vst v63  }
0x885: {  	s18 =	simm.s32 $0x13000;
	v3 =	vadd.s32 v1, v3  }
0x886: {  	[tilespmem:s18], [sflag:$0x2] =	stream.indirect_vreg.gather [hbm4b:s4+s3], $0x80, v4, vm0, $0xb8;
	[tilespmem:$0x18800] =	vst v63  }
0x887: {  	s19 =	simm.s32 $0x13800  }
0x888: {  	[tilespmem:s19], [sflag:$0x2] =	stream.indirect_vreg.gather [hbm4b:s5+s3], $0x80, v4, vm0, $0xb8;
	[tilespmem:$0x18800] =	vst v63  }
0x889: {  	s20 =	simm.s32 $0x14000  }
0x88a: {  	[tilespmem:s20], [sflag:$0x2] =	stream.indirect_vreg.gather [hbm4b:s0+s3], $0x80, v3, vm0, $0xb8;
	[tilespmem:$0x18800] =	vst v63  }
0x88b: {  	s21 =	simm.s32 $0x14800  }
0x88c: {  	[tilespmem:s21], [sflag:$0x2] =	stream.indirect_vreg.gather [hbm4b:s4+s3], $0x80, v3, vm0, $0xb8;
	[tilespmem:$0x18800] =	vst v63  }
0x88d: {  	s22 =	simm.s32 $0x15000  }
0x88e: {  	[tilespmem:s22], [sflag:$0x2] =	stream.indirect_vreg.gather [hbm4b:s5+s3], $0x80, v3, vm0, $0xb8;
	[tilespmem:$0x18800] =	vst v63  }
0x88f: {  	v3 =	vld [tilespmem:$0x6F0];
	_ =	sdelay $0x4  }
0x890: {  	v63 =	vshrl.u32 v3, $0x3  }
0x891: {  	v4 =	vmul.u32 $0x30, v63  }
0x892: {  	v3 =	vand.u32 $0x7, v3  }
0x893: {  	v3 =	vor.u32 v3, v4  }
0x894: {  	v4 =	vperm.xlane v3, v0;
	_ =	sdelay $0x1  }
0x895: {  	v4 =	vadd.s32 v1, v4;
	_ =	sdelay $0x3  }
0x896: {  	s23 =	simm.s32 $0x15800;
	v3 =	vperm.xlane v3, v2  }
0x897: {  	[tilespmem:s23], [sflag:$0x2] =	stream.indirect_vreg.gather [hbm4b:s0+s3], $0x80, v4, vm0, $0xb8;
	[tilespmem:$0x18800] =	vst v63  }
0x898: {  	s24 =	simm.s32 $0x16000;
	v3 =	vadd.s32 v1, v3  }
0x899: {  	[tilespmem:s24], [sflag:$0x2] =	stream.indirect_vreg.gather [hbm4b:s4+s3], $0x80, v4, vm0, $0xb8;
	[tilespmem:$0x18800] =	vst v63  }
0x89a: {  	s25 =	simm.s32 $0x16800  }
0x89b: {  	[tilespmem:s25], [sflag:$0x2] =	stream.indirect_vreg.gather [hbm4b:s5+s3], $0x80, v4, vm0, $0xb8;
	[tilespmem:$0x18800] =	vst v63  }
0x89c: {  	s26 =	simm.s32 $0x17000  }
0x89d: {  	[tilespmem:s26], [sflag:$0x2] =	stream.indirect_vreg.gather [hbm4b:s0+s3], $0x80, v3, vm0, $0xb8;
	[tilespmem:$0x18800] =	vst v63  }
0x89e: {  	s28 =	simm.s32 $0x17800  }
0x89f: {  	[tilespmem:s28], [sflag:$0x2] =	stream.indirect_vreg.gather [hbm4b:s4+s3], $0x80, v3, vm0, $0xb8;
	[tilespmem:$0x18800] =	vst v63  }
0x8a0: {  	s29 =	simm.s32 $0x18000  }
0x8a1: {  	[tilespmem:s29], [sflag:$0x2] =	stream.indirect_vreg.gather [hbm4b:s5+s3], $0x80, v3, vm0, $0xb8;
	[tilespmem:$0x18800] =	vst v63  }
0x8a2: {  	_ =	swait.ge [sflag:s9], $0xC000  }
0x8a3: {  	s30 =	sld [smem:$0x7FC]  }
0x8a4: {  	[sflag:s9] =	ssyncset.done $0x0  }
0x8a5: {  	s31 =	sld [smem:$0x7FD];
	[sflag:s9] =	ssyncadd.s32 $0xFFFF4000  }
0x8a6: {  	[hbm4b:s30+s3] =	stream.linear.scatter [tilespmem:s7], [sflag:$0x4], $0xC000, $0x38;
	[tilespmem:$0x18800] =	vst v63  }
0x8a7: {  	_ = 	snop  }
0x8a8: {  	[hbm4b:s31+s3] =	stream.linear.scatter [tilespmem:s7], [sflag:$0x4], $0xC000, $0x38;
	[tilespmem:$0x18800] =	vst v63  }
0x8a9: {  	_ =	swait.ge [sflag:s10], $0xC000  }
0x8aa: {  	[sflag:s10] =	ssyncset.done $0x0  }
0x8ab: {  	[sflag:s10] =	ssyncadd.s32 $0xFFFF4000  }
0x8ac: {  	_ =	swait.ge [sflag:s10], $0xC000  }
0x8ad: {  	[sflag:s10] =	ssyncset.done $0x0  }
0x8ae: {  	[sflag:s10] =	ssyncadd.s32 $0xFFFF4000  }
0x8af: {  	p0 =	sne.s32 s1, $0x1;
	_ =	swait.ge [sflag:s11], $0xC000  }
.Ltmp0:
0x8b0: {  	[sflag:s11] =	ssyncset.done $0x0;
	(pc) =	sbr.rel @p0 .LBB3_1-.Ltmp0, $4  }
0x8b1: {  	[sflag:s11] =	ssyncadd.s32 $0xFFFF4000  }
0x8b2: {  	_ =	swait.ge [sflag:s11], $0xC000  }
0x8b3: {  	[sflag:s11] =	ssyncset.done $0x0  }
0x8b4: {  	s1 =	sadd.s32 $0xFFFFFFFF, s1;
	[sflag:s11] =	ssyncadd.s32 $0xFFFF4000  }
0x8b5: {  	_ =	sfence.sel $0x180000  }
0x8b6: {  	[bflag:$0x0] =	sbarrier.arrive $0xFFFF  }
0x8b7: {  	_ =	strace $0x90000047  }
0x8b8: {  	s0 =	stileid.u32;
	[bflag:$0x2] =	sbarrier.arrive $0xFFFF  }
0x8b9: {  	p0 =	sne.s32 s0, $0x0;
	s0 =	sld [smem:$0x7DE];
	_ =	sdelay $0x2  }
0x8ba: {  	s0 =	sadd.s32 @!p0 $0x100000, s0  }
0x8bb: {  	[sflag:s0] =	ssyncadd.tile.s32 @!p0 $0x1;
	_ =	shalt  }
.Lfunc_end3:
_tile_overlayer_lowered:
.L_overlay_start_3:
0x8bc: {  	(tag) =	ssettag $0x3  }
0x8bd: {  	s0 =	rddreg [dreg:$0x0];
	s2 =	stileid.u32  }
0x8be: {  	s1 =	rddreg [dreg:$0x1];
	p0 =	sne.s32 s2, $0x0  }
0x8bf: {  	s3 =	rddreg [dreg:$0x2];
	[bflag:$0x3] =	sbarrier.arrive $0xFFFF;
	s2 =	simm.s32 @!p0 $0x1C05  }
0x8c0: {  	[timem:s3], [sflag:s2] =	dma.local @!p0 [hbm:s0], s1  }
0x8c1: {  	s0 =	simm.s32 @!p0 $0x5  }
0x8c2: {  	_ =	swait.ge @!p0 [sflag:s0], s1  }
0x8c3: {  	s1 =	ssub.s32 @!p0 $0x0, s1;
	[sflag:s0] =	ssyncset.done @!p0 $0x0  }
0x8c4: {  	[sflag:s0] =	ssyncadd.s32 @!p0 s1  }
0x8c5: {  	[bflag:$0x3] =	sbarrier.arrive $0xFFFF  }
0x8c6: {  	_ =	shalt  }

</sc_bundles>
